<compile_context>
chip_gen: v7x
topology: tpu7x:2x2x1
jax: 0.10.2.dev20260603
libtpu: 0.0.44.dev20260713+nightly
codegen_flags: <defaults>
</compile_context>

<pallas_src>
import functools

import jax
import jax.numpy as jnp
from jax import lax
from jax.experimental import pallas as pl
from jax.experimental.pallas import tpu as pltpu
from jax.experimental.pallas import tpu_sc as plsc

NC = 2
NS = 16
NW = NC * NS

CH = 80
MBLK = 2000


def _transform(x, weight):
    n, d_in = x.shape
    r, _, d_out = weight.shape
    bm = 1000
    nb = n // bm

    def body(x_ref, w_ref, o_ref):
        for rr in range(r):
            o_ref[rr] = jnp.dot(x_ref[...], w_ref[rr],
                                preferred_element_type=jnp.float32)

    xw = pl.pallas_call(
        body,
        grid=(nb,),
        in_specs=[
            pl.BlockSpec((bm, d_in), lambda i: (i, 0)),
            pl.BlockSpec((r, d_in, d_out), lambda i: (0, 0, 0)),
        ],
        out_specs=pl.BlockSpec((r, bm, d_out), lambda i: (0, i, 0)),
        out_shape=jax.ShapeDtypeStruct((r, n, d_out), jnp.float32),
    )(x, weight)
    return xw.reshape(r * n, d_out)


def _finish(partials, bias):
    _, n, d_out = partials.shape
    bm = 1000
    nb = n // bm

    def body(p_ref, b_ref, o_ref):
        o_ref[...] = p_ref[0] + p_ref[1] + b_ref[...]

    return pl.pallas_call(
        body,
        grid=(nb,),
        in_specs=[
            pl.BlockSpec((2, bm, d_out), lambda i: (0, i, 0)),
            pl.BlockSpec((1, d_out), lambda i: (0, 0)),
        ],
        out_specs=pl.BlockSpec((bm, d_out), lambda i: (i, 0)),
        out_shape=jax.ShapeDtypeStruct((n, d_out), jnp.float32),
    )(partials, bias.reshape(1, d_out))


def _sc_degree(dst, typ, n):
    e = dst.shape[0]
    kpad = 40960
    eps = e // NS
    krows = kpad // NS
    dzr = 1280

    mesh = plsc.VectorSubcoreMesh(
        core_axis_name="c", subcore_axis_name="s",
        num_cores=NC, num_subcores=NS)

    @functools.partial(
        pl.kernel,
        out_type=jax.ShapeDtypeStruct((kpad, 16), jnp.float32),
        mesh=mesh,
        compiler_params=pltpu.CompilerParams(use_tc_tiling_on_sc=False),
        scratch_types=[
            pltpu.VMEM_SHARED((kpad, 16), jnp.float32),
            pltpu.VMEM((MBLK,), jnp.int32),
            pltpu.VMEM((MBLK,), jnp.int32),
            pltpu.VMEM((8, CH), jnp.int32),
            pltpu.VMEM((CH, 16), jnp.float32),
            pltpu.VMEM((dzr, 16), jnp.float32),
            pltpu.SemaphoreType.DMA,
        ],
    )
    def count(dst_hbm, typ_hbm, invrow_hbm,
              deg_sh, m_dst, m_typ, kidx, ones_v, zd, dsem):
        c = lax.axis_index("c")
        s = lax.axis_index("s")
        zf = jnp.zeros((16,), jnp.float32)
        onef = jnp.full((16,), 1.0, jnp.float32)

        def z_zd(i, carry):
            zd[i, :] = zf
            return carry
        lax.fori_loop(0, dzr, z_zd, 0)

        def z_ones(i, carry):
            ones_v[i, :] = onef
            return carry
        lax.fori_loop(0, CH, z_ones, 0)

        for k in range(krows // dzr):
            pltpu.sync_copy(zd, deg_sh.at[pl.ds(s * krows + k * dzr, dzr)])
        plsc.subcore_barrier()

        nchb = MBLK // CH

        def drain_one():
            pltpu.make_async_copy(ones_v, deg_sh.at[kidx.at[0]],
                                  dsem).wait()

        def deg_block(b, carry):
            base = s * eps + b * MBLK
            pltpu.sync_copy(dst_hbm.at[pl.ds(base, MBLK)], m_dst)
            pltpu.sync_copy(typ_hbm.at[pl.ds(base, MBLK)], m_typ)

            def deg_chunk(k, carry2):
                g_ch = b * nchb + k
                j = lax.rem(g_ch, 8)

                @pl.when(g_ch >= 8)
                def _drain():
                    drain_one()
                off = k * CH
                for g in range(CH // 16):
                    o = off + g * 16
                    d16 = m_dst[pl.ds(o, 16)]
                    t16 = m_typ[pl.ds(o, 16)]
                    kidx[j, pl.ds(g * 16, 16)] = t16 * n + d16
                pltpu.async_copy(ones_v, deg_sh.at[kidx.at[j]], dsem,
                                 add=True)
                return carry2
            lax.fori_loop(0, nchb, deg_chunk, 0)
            return carry
        lax.fori_loop(0, eps // MBLK, deg_block, 0)
        for _ in range(8):
            drain_one()
        plsc.subcore_barrier()

        r0 = c * (kpad // NC) + s * dzr
        pltpu.sync_copy(deg_sh.at[pl.ds(r0, dzr)], zd)

        def inv_blk(i, carry):
            zd[i, :] = 1.0 / jnp.maximum(zd[i, :], 1.0)
            return carry
        lax.fori_loop(0, dzr, inv_blk, 0)
        pltpu.sync_copy(zd, invrow_hbm.at[pl.ds(r0, dzr)])

    return count(dst, typ)


def _sc_main(xw, src, dst, typ, invrow, n, d_out):
    e = src.shape[0]
    kpad = invrow.shape[0]
    epw = e // NW
    orows = 624
    otail = n - orows * NS
    zrows = 48

    mesh = plsc.VectorSubcoreMesh(
        core_axis_name="c", subcore_axis_name="s",
        num_cores=NC, num_subcores=NS)

    @functools.partial(
        pl.kernel,
        out_type=jax.ShapeDtypeStruct((NC, n, d_out), jnp.float32),
        mesh=mesh,
        compiler_params=pltpu.CompilerParams(use_tc_tiling_on_sc=False),
        scratch_types=[
            pltpu.VMEM_SHARED((n, d_out), jnp.float32),
            pltpu.VMEM((MBLK,), jnp.int32),
            pltpu.VMEM((MBLK,), jnp.int32),
            pltpu.VMEM((MBLK,), jnp.int32),
            [pltpu.VMEM((CH, 128), jnp.float32)] * 3,
            [pltpu.VMEM((CH, 16), jnp.float32)] * 3,
            [pltpu.VMEM((CH,), jnp.int32)] * 3,
            [pltpu.VMEM((CH,), jnp.int32)] * 3,
            [pltpu.VMEM((CH,), jnp.int32)] * 3,
            pltpu.VMEM((zrows, 128), jnp.float32),
            [pltpu.SemaphoreType.DMA] * 3,
            [pltpu.SemaphoreType.DMA] * 3,
            [pltpu.SemaphoreType.DMA] * 3,
        ],
    )
    def agg(xw_hbm, src_hbm, dst_hbm, typ_hbm, invrow_hbm, pout_hbm,
            out_sh, m_src, m_dst, m_typ,
            rows_v, rinv, gidx, didx, kidx, zb, sem0, sem1, sem2):
        c = lax.axis_index("c")
        s = lax.axis_index("s")
        wid = s * NC + c
        zf = jnp.zeros((16,), jnp.float32)

        def z_zb(i, carry):
            zb[i // 8, pl.ds((i % 8) * 16, 16)] = zf
            return carry
        lax.fori_loop(0, zrows * 8, z_zb, 0)

        for k in range(orows // zrows):
            pltpu.sync_copy(zb, out_sh.at[pl.ds(s * orows + k * zrows, zrows)])

        @pl.when(s == NS - 1)
        def _zero_tail():
            pltpu.sync_copy(zb.at[pl.ds(0, otail)],
                            out_sh.at[pl.ds(orows * NS, otail)])
        plsc.subcore_barrier()

        def make_idx(k, buf):
            off = k * CH
            for g in range(CH // 16):
                o = off + g * 16
                s16 = m_src[pl.ds(o, 16)]
                d16 = m_dst[pl.ds(o, 16)]
                t16 = m_typ[pl.ds(o, 16)]
                tn = t16 * n
                gidx[buf][pl.ds(g * 16, 16)] = tn + s16
                didx[buf][pl.ds(g * 16, 16)] = d16
                kidx[buf][pl.ds(g * 16, 16)] = tn + d16

        def start_gather(buf):
            cp0 = pltpu.async_copy(xw_hbm.at[gidx[buf]], rows_v[buf], sem0[buf])
            cp1 = pltpu.async_copy(invrow_hbm.at[kidx[buf]], rinv[buf],
                                   sem1[buf])
            return cp0, cp1

        def drain_gather(buf):
            pltpu.make_async_copy(xw_hbm.at[gidx[buf]], rows_v[buf],
                                  sem0[buf]).wait()
            pltpu.make_async_copy(invrow_hbm.at[kidx[buf]], rinv[buf],
                                  sem1[buf]).wait()

        def drain_scatter(buf):
            pltpu.make_async_copy(rows_v[buf], out_sh.at[didx[buf]],
                                  sem2[buf]).wait()

        def scale_scatter(buf):
            def scale(i, carry3):
                for u in range(4):
                    j = i * 4 + u
                    scv = rinv[buf][j, :]
                    for q in range(8):
                        rows_v[buf][j, pl.ds(q * 16, 16)] = (
                            rows_v[buf][j, pl.ds(q * 16, 16)] * scv)
                return carry3
            lax.fori_loop(0, CH // 4, scale, 0)
            pltpu.async_copy(rows_v[buf], out_sh.at[didx[buf]], sem2[buf],
                             add=True)

        nchb = MBLK // CH

        def main_block(b, carry):
            base = wid * epw + b * MBLK
            pltpu.sync_copy(src_hbm.at[pl.ds(base, MBLK)], m_src)
            pltpu.sync_copy(dst_hbm.at[pl.ds(base, MBLK)], m_dst)
            pltpu.sync_copy(typ_hbm.at[pl.ds(base, MBLK)], m_typ)

            for k0 in range(2):
                make_idx(k0, k0)
                start_gather(k0)

            def step(k, carry2):
                jk = lax.rem(k, 3)
                for buf in range(3):
                    @pl.when(jk == buf)
                    def _proc(buf=buf):
                        drain_gather(buf)
                        scale_scatter(buf)

                @pl.when(k <= nchb - 3)
                def _prefetch():
                    jp = lax.rem(k + 2, 3)
                    for buf in range(3):
                        @pl.when(jp == buf)
                        def _pref(buf=buf):
                            @pl.when(k >= 1)
                            def _drain_prev():
                                drain_scatter(buf)
                            make_idx(k + 2, buf)
                            start_gather(buf)
                return carry2
            lax.fori_loop(0, nchb, step, 0)
            for buf in range(3):
                drain_scatter(buf)
            return carry
        lax.fori_loop(0, epw // MBLK, main_block, 0)
        plsc.subcore_barrier()

        pltpu.sync_copy(out_sh.at[pl.ds(s * orows, orows)],
                        pout_hbm.at[c, pl.ds(s * orows, orows)])

        @pl.when(s == NS - 1)
        def _write_tail():
            pltpu.sync_copy(out_sh.at[pl.ds(orows * NS, otail)],
                            pout_hbm.at[c, pl.ds(orows * NS, otail)])

    return agg(xw, src, dst, typ, invrow)


def kernel(x, edge_index, edge_type, weight, bias):
    n, _ = x.shape
    d_out = weight.shape[2]
    src = edge_index[0]
    dst = edge_index[1]
    xw = _transform(x, weight)
    invrow = _sc_degree(dst, edge_type, n)
    partials = _sc_main(xw, src, dst, edge_type, invrow, n, d_out)
    return _finish(partials, bias)

# --- scband reference (transcript-rebuilt; emitter-appended) ---
"""Pipeline reference for scband-rel-graph-conv-layer-43800076485313 (READ-ONLY COPY).

The authoritative reference and input builder live on the scoring server;
editing this copy changes nothing except your own understanding.
"""

import jax, jax.numpy as jnp
import numpy as np

N = 10000
E = 320000
R = 4
D_IN = 128
D_OUT = 128


def setup_inputs(seed: int = 0) -> dict:
    key = jax.random.key(seed)
    k1, k2, k3, k4 = jax.random.split(key, 4)
    x = jax.random.normal(k1, (N, D_IN), dtype=jnp.float32)
    edge_index = jax.random.randint(k2, (2, E), 0, N, dtype=jnp.int32)
    edge_type = jax.random.randint(k3, (E,), 0, R, dtype=jnp.int32)
    # per-relation weights, xavier_uniform with relu gain (num_bases == num_rels -> no basis decomposition)
    gain = float(np.sqrt(2.0))
    a = gain * float(np.sqrt(6.0 / (D_IN + D_OUT)))
    weight = jax.random.uniform(k4, (R, D_IN, D_OUT), dtype=jnp.float32, minval=-a, maxval=a)
    bias = jnp.zeros((D_OUT,), dtype=jnp.float32)
    return {"x": x, "edge_index": edge_index, "edge_type": edge_type, "weight": weight, "bias": bias}


def reference(x, edge_index, edge_type, weight, bias):
    # RGCN layer (HeteroGraphConv of GraphConv(norm='right', weight per relation), sum-aggregated across relations)
    src = edge_index[0]
    dst = edge_index[1]
    n = x.shape[0]
    r = weight.shape[0]
    d_out = weight.shape[2]
    # transform source features per relation: [R, N, D_OUT]
    xw = jnp.einsum('nd,rdo->rno', x, weight)
    # gather per-edge transformed messages by (relation, src)
    msg = xw[edge_type, src]
    # norm='right': divide aggregated messages by per-relation in-degree of dst (clamped at 1)
    deg = jnp.zeros((r, n), dtype=x.dtype).at[edge_type, dst].add(1.0)
    deg = jnp.maximum(deg, 1.0)
    msg = msg / deg[edge_type, dst][:, None]
    # scatter-add to destination nodes (sum aggregation across relations)
    out = jnp.zeros((n, d_out), dtype=x.dtype).at[dst].add(msg)
    # bias; activation=None, dropout=None, self_loop=False
    out = out + bias
    return out

if __name__ == "__main__":
    import jax
    _d = setup_inputs()
    print(jax.jit(kernel)(*tuple(_d.values())))

</pallas_src>

<mosaic_0001>
#map = affine_map<(d0, d1) -> (0, 0)>
#map1 = affine_map<(d0, d1) -> (0)>
#map2 = affine_map<(d0, d1) -> (0, 0, 0)>
module attributes {stable_mosaic.version = 14 : i64} {
  func.func @agg(%arg0: i32, %arg1: i32, %arg2: memref<40000x128xf32, #tpu.memory_space<hbm>>, %arg3: memref<320000xi32, #tpu.memory_space<hbm>>, %arg4: memref<320000xi32, #tpu.memory_space<hbm>>, %arg5: memref<320000xi32, #tpu.memory_space<hbm>>, %arg6: memref<40960x16xf32, #tpu.memory_space<hbm>>, %arg7: memref<2x10000x128xf32, #tpu.memory_space<hbm>>, %arg8: memref<10000x128xf32, #tpu.memory_space<vmem_shared>>, %arg9: memref<2000xi32, #tpu.memory_space<vmem>>, %arg10: memref<2000xi32, #tpu.memory_space<vmem>>, %arg11: memref<2000xi32, #tpu.memory_space<vmem>>, %arg12: memref<80x128xf32, #tpu.memory_space<vmem>>, %arg13: memref<80x128xf32, #tpu.memory_space<vmem>>, %arg14: memref<80x128xf32, #tpu.memory_space<vmem>>, %arg15: memref<80x16xf32, #tpu.memory_space<vmem>>, %arg16: memref<80x16xf32, #tpu.memory_space<vmem>>, %arg17: memref<80x16xf32, #tpu.memory_space<vmem>>, %arg18: memref<80xi32, #tpu.memory_space<vmem>>, %arg19: memref<80xi32, #tpu.memory_space<vmem>>, %arg20: memref<80xi32, #tpu.memory_space<vmem>>, %arg21: memref<80xi32, #tpu.memory_space<vmem>>, %arg22: memref<80xi32, #tpu.memory_space<vmem>>, %arg23: memref<80xi32, #tpu.memory_space<vmem>>, %arg24: memref<80xi32, #tpu.memory_space<vmem>>, %arg25: memref<80xi32, #tpu.memory_space<vmem>>, %arg26: memref<80xi32, #tpu.memory_space<vmem>>, %arg27: memref<48x128xf32, #tpu.memory_space<vmem>>, %arg28: memref<!tpu.dma_semaphore, #tpu.memory_space<semaphore_mem>>, %arg29: memref<!tpu.dma_semaphore, #tpu.memory_space<semaphore_mem>>, %arg30: memref<!tpu.dma_semaphore, #tpu.memory_space<semaphore_mem>>, %arg31: memref<!tpu.dma_semaphore, #tpu.memory_space<semaphore_mem>>, %arg32: memref<!tpu.dma_semaphore, #tpu.memory_space<semaphore_mem>>, %arg33: memref<!tpu.dma_semaphore, #tpu.memory_space<semaphore_mem>>, %arg34: memref<!tpu.dma_semaphore, #tpu.memory_space<semaphore_mem>>, %arg35: memref<!tpu.dma_semaphore, #tpu.memory_space<semaphore_mem>>, %arg36: memref<!tpu.dma_semaphore, #tpu.memory_space<semaphore_mem>>) attributes {dimension_semantics = [#tpu.dimension_semantics<core_parallel>, #tpu.dimension_semantics<subcore_parallel>], iteration_bounds = array<i64: 2, 16>, scalar_prefetch = 0 : i64, scratch_operands = 29 : i64, tpu.core_type = #tpu.core_type<sc_vector_subcore>, window_params = [{transform_indices = #map}, {transform_indices = #map1}, {transform_indices = #map1}, {transform_indices = #map1}, {transform_indices = #map}, {transform_indices = #map2}]} {
    %mul3A = arith.constant 2 : i32
    %mul3A_0 = arith.muli %arg1, %mul3A : i32
    %add3A = arith.addi %mul3A_0, %arg0 : i32
    %broadcast_in_dim3A = arith.constant 0.000000e+00 : f32
    %broadcast_in_dim3A_1 = vector.broadcast %broadcast_in_dim3A : f32 to vector<16xf32>
    %scan3A = arith.constant 0 : i32
    %scan3A_2 = arith.constant 0 : i32
    %scan3A_3 = arith.constant 384 : i32
    %scan3A_4 = arith.addi %scan3A_2, %scan3A_3 : i32
    %scan3A_5 = arith.constant 1 : i32
    scf.for %scan3A_77 = %scan3A_2 to %scan3A_4 step %scan3A_5  : i32 {
      %jit3A = arith.constant 8 : i32
      %div3A = arith.divsi %scan3A_77, %jit3A : i32
      %sign3A = arith.constant 0 : i32
      %sign3A_78 = arith.cmpi sgt, %scan3A_77, %sign3A : i32
      %sign3A_79 = arith.extui %sign3A_78 : i1 to i32
      %sign3A_80 = arith.constant 0 : i32
      %sign3A_81 = arith.cmpi slt, %scan3A_77, %sign3A_80 : i32
      %sign3A_82 = arith.extui %sign3A_81 : i1 to i32
      %sign3A_83 = arith.subi %sign3A_79, %sign3A_82 : i32
      %sign3A_84 = arith.constant 0 : i32
      %sign3A_85 = arith.cmpi sgt, %jit3A, %sign3A_84 : i32
      %sign3A_86 = arith.extui %sign3A_85 : i1 to i32
      %sign3A_87 = arith.constant 0 : i32
      %sign3A_88 = arith.cmpi slt, %jit3A, %sign3A_87 : i32
      %sign3A_89 = arith.extui %sign3A_88 : i1 to i32
      %sign3A_90 = arith.subi %sign3A_86, %sign3A_89 : i32
      %ne3A = arith.cmpi ne, %sign3A_83, %sign3A_90 : i32
      %rem3A = arith.remsi %scan3A_77, %jit3A : i32
      %ne3A_91 = arith.constant 0 : i32
      %ne3A_92 = arith.cmpi ne, %rem3A, %ne3A_91 : i32
      %and3A = arith.andi %ne3A, %ne3A_92 : i1
      %sub3A = arith.constant 1 : i32
      %sub3A_93 = arith.subi %div3A, %sub3A : i32
      %select_n3A = arith.select %and3A, %sub3A_93, %div3A : i32
      %jit3A_94 = arith.constant 8 : i32
      %eq3A_95 = arith.constant 0 : i32
      %eq3A_96 = arith.cmpi eq, %jit3A_94, %eq3A_95 : i32
      %jit3A_97 = arith.constant 1 : i32
      %select_n3A_98 = arith.select %eq3A_96, %jit3A_97, %jit3A_94 : i32
      %rem3A_99 = arith.remsi %scan3A_77, %select_n3A_98 : i32
      %ne3A_100 = arith.constant 0 : i32
      %ne3A_101 = arith.cmpi ne, %rem3A_99, %ne3A_100 : i32
      %lt3A = arith.constant 0 : i32
      %lt3A_102 = arith.cmpi slt, %rem3A_99, %lt3A : i32
      %lt3A_103 = arith.constant 0 : i32
      %lt3A_104 = arith.cmpi slt, %select_n3A_98, %lt3A_103 : i32
      %ne3A_105 = arith.xori %lt3A_102, %lt3A_104 : i1
      %and3A_106 = arith.andi %ne3A_105, %ne3A_101 : i1
      %add3A_107 = arith.addi %rem3A_99, %select_n3A_98 : i32
      %select_n3A_108 = arith.select %and3A_106, %add3A_107, %rem3A_99 : i32
      %mul3A_109 = arith.constant 16 : i32
      %mul3A_110 = arith.muli %select_n3A_108, %mul3A_109 : i32
      %swap3A = arith.index_cast %select_n3A : i32 to index
      %swap3A_111 = arith.index_cast %mul3A_110 : i32 to index
      %swap3A_112 = tpu.vector_load %arg27[%swap3A, %swap3A_111] {strides = array<i32>} : memref<48x128xf32, #tpu.memory_space<vmem>>, vector<1x16xf32>,
      %swap3A_113 = vector.shape_cast %swap3A_112 : vector<1x16xf32> to vector<16xf32>
      %swap3A_114 = vector.shape_cast %broadcast_in_dim3A_1 : vector<16xf32> to vector<1x16xf32>
      tpu.vector_store %arg27[%swap3A, %swap3A_111], %swap3A_114 {strides = array<i32>} : memref<48x128xf32, #tpu.memory_space<vmem>>, vector<1x16xf32>,
    }
    %scan3A_6 = arith.constant 384 : i32
    %mul3A_7 = arith.constant 624 : i32
    %mul3A_8 = arith.muli %arg1, %mul3A_7 : i32
    %add3A_9 = arith.constant 0 : i32
    %add3A_10 = arith.addi %mul3A_8, %add3A_9 : i32
    "tpu.region"() ({
      %run_scoped3A = tpu.sem_alloc : memref<!tpu.dma_semaphore, #tpu.memory_space<semaphore_mem>>
      %dma_start3A = arith.constant 0 : i32
      %dma_start3A_77 = tpu.memref_slice %arg8[%add3A_10, %dma_start3A] : memref<10000x128xf32, #tpu.memory_space<vmem_shared>> -> memref<48x128xf32, #tpu.memory_space<vmem_shared>>
      %dma_start3A_78 = arith.constant 0 : i32
      %dma_start3A_79 = tpu.memref_slice %arg8[%add3A_10, %dma_start3A_78] : memref<10000x128xf32, #tpu.memory_space<vmem_shared>> -> memref<48x128xf32, #tpu.memory_space<vmem_shared>>
      tpu.enqueue_dma source(%arg27 : memref<48x128xf32, #tpu.memory_space<vmem>>) target(%dma_start3A_79 : memref<48x128xf32, #tpu.memory_space<vmem_shared>>) target_semaphore(%run_scoped3A : memref<!tpu.dma_semaphore, #tpu.memory_space<semaphore_mem>>)
      %dma_wait3A = arith.constant 0 : i32
      %dma_wait3A_80 = tpu.memref_slice %arg8[%add3A_10, %dma_wait3A] : memref<10000x128xf32, #tpu.memory_space<vmem_shared>> -> memref<48x128xf32, #tpu.memory_space<vmem_shared>>
      %dma_wait3A_81 = arith.constant 0 : i32
      %dma_wait3A_82 = tpu.memref_slice %arg8[%add3A_10, %dma_wait3A_81] : memref<10000x128xf32, #tpu.memory_space<vmem_shared>> -> memref<48x128xf32, #tpu.memory_space<vmem_shared>>
      tpu.wait_dma2 semaphore(%run_scoped3A : memref<!tpu.dma_semaphore, #tpu.memory_space<semaphore_mem>>) src(%arg27 : memref<48x128xf32, #tpu.memory_space<vmem>>) dst(%dma_wait3A_82 : memref<48x128xf32, #tpu.memory_space<vmem_shared>>)
      tpu.yield
    }) : () -> ()
    %mul3A_11 = arith.constant 624 : i32
    %mul3A_12 = arith.muli %arg1, %mul3A_11 : i32
    %add3A_13 = arith.constant 48 : i32
    %add3A_14 = arith.addi %mul3A_12, %add3A_13 : i32
    "tpu.region"() ({
      %run_scoped3A = tpu.sem_alloc : memref<!tpu.dma_semaphore, #tpu.memory_space<semaphore_mem>>
      %dma_start3A = arith.constant 0 : i32
      %dma_start3A_77 = tpu.memref_slice %arg8[%add3A_14, %dma_start3A] : memref<10000x128xf32, #tpu.memory_space<vmem_shared>> -> memref<48x128xf32, #tpu.memory_space<vmem_shared>>
      %dma_start3A_78 = arith.constant 0 : i32
      %dma_start3A_79 = tpu.memref_slice %arg8[%add3A_14, %dma_start3A_78] : memref<10000x128xf32, #tpu.memory_space<vmem_shared>> -> memref<48x128xf32, #tpu.memory_space<vmem_shared>>
      tpu.enqueue_dma source(%arg27 : memref<48x128xf32, #tpu.memory_space<vmem>>) target(%dma_start3A_79 : memref<48x128xf32, #tpu.memory_space<vmem_shared>>) target_semaphore(%run_scoped3A : memref<!tpu.dma_semaphore, #tpu.memory_space<semaphore_mem>>)
      %dma_wait3A = arith.constant 0 : i32
      %dma_wait3A_80 = tpu.memref_slice %arg8[%add3A_14, %dma_wait3A] : memref<10000x128xf32, #tpu.memory_space<vmem_shared>> -> memref<48x128xf32, #tpu.memory_space<vmem_shared>>
      %dma_wait3A_81 = arith.constant 0 : i32
      %dma_wait3A_82 = tpu.memref_slice %arg8[%add3A_14, %dma_wait3A_81] : memref<10000x128xf32, #tpu.memory_space<vmem_shared>> -> memref<48x128xf32, #tpu.memory_space<vmem_shared>>
      tpu.wait_dma2 semaphore(%run_scoped3A : memref<!tpu.dma_semaphore, #tpu.memory_space<semaphore_mem>>) src(%arg27 : memref<48x128xf32, #tpu.memory_space<vmem>>) dst(%dma_wait3A_82 : memref<48x128xf32, #tpu.memory_space<vmem_shared>>)
      tpu.yield
    }) : () -> ()
    %mul3A_15 = arith.constant 624 : i32
    %mul3A_16 = arith.muli %arg1, %mul3A_15 : i32
    %add3A_17 = arith.constant 96 : i32
    %add3A_18 = arith.addi %mul3A_16, %add3A_17 : i32
    "tpu.region"() ({
      %run_scoped3A = tpu.sem_alloc : memref<!tpu.dma_semaphore, #tpu.memory_space<semaphore_mem>>
      %dma_start3A = arith.constant 0 : i32
      %dma_start3A_77 = tpu.memref_slice %arg8[%add3A_18, %dma_start3A] : memref<10000x128xf32, #tpu.memory_space<vmem_shared>> -> memref<48x128xf32, #tpu.memory_space<vmem_shared>>
      %dma_start3A_78 = arith.constant 0 : i32
      %dma_start3A_79 = tpu.memref_slice %arg8[%add3A_18, %dma_start3A_78] : memref<10000x128xf32, #tpu.memory_space<vmem_shared>> -> memref<48x128xf32, #tpu.memory_space<vmem_shared>>
      tpu.enqueue_dma source(%arg27 : memref<48x128xf32, #tpu.memory_space<vmem>>) target(%dma_start3A_79 : memref<48x128xf32, #tpu.memory_space<vmem_shared>>) target_semaphore(%run_scoped3A : memref<!tpu.dma_semaphore, #tpu.memory_space<semaphore_mem>>)
      %dma_wait3A = arith.constant 0 : i32
      %dma_wait3A_80 = tpu.memref_slice %arg8[%add3A_18, %dma_wait3A] : memref<10000x128xf32, #tpu.memory_space<vmem_shared>> -> memref<48x128xf32, #tpu.memory_space<vmem_shared>>
      %dma_wait3A_81 = arith.constant 0 : i32
      %dma_wait3A_82 = tpu.memref_slice %arg8[%add3A_18, %dma_wait3A_81] : memref<10000x128xf32, #tpu.memory_space<vmem_shared>> -> memref<48x128xf32, #tpu.memory_space<vmem_shared>>
      tpu.wait_dma2 semaphore(%run_scoped3A : memref<!tpu.dma_semaphore, #tpu.memory_space<semaphore_mem>>) src(%arg27 : memref<48x128xf32, #tpu.memory_space<vmem>>) dst(%dma_wait3A_82 : memref<48x128xf32, #tpu.memory_space<vmem_shared>>)
      tpu.yield
    }) : () -> ()
    %mul3A_19 = arith.constant 624 : i32
    %mul3A_20 = arith.muli %arg1, %mul3A_19 : i32
    %add3A_21 = arith.constant 144 : i32
    %add3A_22 = arith.addi %mul3A_20, %add3A_21 : i32
    "tpu.region"() ({
      %run_scoped3A = tpu.sem_alloc : memref<!tpu.dma_semaphore, #tpu.memory_space<semaphore_mem>>
      %dma_start3A = arith.constant 0 : i32
      %dma_start3A_77 = tpu.memref_slice %arg8[%add3A_22, %dma_start3A] : memref<10000x128xf32, #tpu.memory_space<vmem_shared>> -> memref<48x128xf32, #tpu.memory_space<vmem_shared>>
      %dma_start3A_78 = arith.constant 0 : i32
      %dma_start3A_79 = tpu.memref_slice %arg8[%add3A_22, %dma_start3A_78] : memref<10000x128xf32, #tpu.memory_space<vmem_shared>> -> memref<48x128xf32, #tpu.memory_space<vmem_shared>>
      tpu.enqueue_dma source(%arg27 : memref<48x128xf32, #tpu.memory_space<vmem>>) target(%dma_start3A_79 : memref<48x128xf32, #tpu.memory_space<vmem_shared>>) target_semaphore(%run_scoped3A : memref<!tpu.dma_semaphore, #tpu.memory_space<semaphore_mem>>)
      %dma_wait3A = arith.constant 0 : i32
      %dma_wait3A_80 = tpu.memref_slice %arg8[%add3A_22, %dma_wait3A] : memref<10000x128xf32, #tpu.memory_space<vmem_shared>> -> memref<48x128xf32, #tpu.memory_space<vmem_shared>>
      %dma_wait3A_81 = arith.constant 0 : i32
      %dma_wait3A_82 = tpu.memref_slice %arg8[%add3A_22, %dma_wait3A_81] : memref<10000x128xf32, #tpu.memory_space<vmem_shared>> -> memref<48x128xf32, #tpu.memory_space<vmem_shared>>
      tpu.wait_dma2 semaphore(%run_scoped3A : memref<!tpu.dma_semaphore, #tpu.memory_space<semaphore_mem>>) src(%arg27 : memref<48x128xf32, #tpu.memory_space<vmem>>) dst(%dma_wait3A_82 : memref<48x128xf32, #tpu.memory_space<vmem_shared>>)
      tpu.yield
    }) : () -> ()
    %mul3A_23 = arith.constant 624 : i32
    %mul3A_24 = arith.muli %arg1, %mul3A_23 : i32
    %add3A_25 = arith.constant 192 : i32
    %add3A_26 = arith.addi %mul3A_24, %add3A_25 : i32
    "tpu.region"() ({
      %run_scoped3A = tpu.sem_alloc : memref<!tpu.dma_semaphore, #tpu.memory_space<semaphore_mem>>
      %dma_start3A = arith.constant 0 : i32
      %dma_start3A_77 = tpu.memref_slice %arg8[%add3A_26, %dma_start3A] : memref<10000x128xf32, #tpu.memory_space<vmem_shared>> -> memref<48x128xf32, #tpu.memory_space<vmem_shared>>
      %dma_start3A_78 = arith.constant 0 : i32
      %dma_start3A_79 = tpu.memref_slice %arg8[%add3A_26, %dma_start3A_78] : memref<10000x128xf32, #tpu.memory_space<vmem_shared>> -> memref<48x128xf32, #tpu.memory_space<vmem_shared>>
      tpu.enqueue_dma source(%arg27 : memref<48x128xf32, #tpu.memory_space<vmem>>) target(%dma_start3A_79 : memref<48x128xf32, #tpu.memory_space<vmem_shared>>) target_semaphore(%run_scoped3A : memref<!tpu.dma_semaphore, #tpu.memory_space<semaphore_mem>>)
      %dma_wait3A = arith.constant 0 : i32
      %dma_wait3A_80 = tpu.memref_slice %arg8[%add3A_26, %dma_wait3A] : memref<10000x128xf32, #tpu.memory_space<vmem_shared>> -> memref<48x128xf32, #tpu.memory_space<vmem_shared>>
      %dma_wait3A_81 = arith.constant 0 : i32
      %dma_wait3A_82 = tpu.memref_slice %arg8[%add3A_26, %dma_wait3A_81] : memref<10000x128xf32, #tpu.memory_space<vmem_shared>> -> memref<48x128xf32, #tpu.memory_space<vmem_shared>>
      tpu.wait_dma2 semaphore(%run_scoped3A : memref<!tpu.dma_semaphore, #tpu.memory_space<semaphore_mem>>) src(%arg27 : memref<48x128xf32, #tpu.memory_space<vmem>>) dst(%dma_wait3A_82 : memref<48x128xf32, #tpu.memory_space<vmem_shared>>)
      tpu.yield
    }) : () -> ()
    %mul3A_27 = arith.constant 624 : i32
    %mul3A_28 = arith.muli %arg1, %mul3A_27 : i32
    %add3A_29 = arith.constant 240 : i32
    %add3A_30 = arith.addi %mul3A_28, %add3A_29 : i32
    "tpu.region"() ({
      %run_scoped3A = tpu.sem_alloc : memref<!tpu.dma_semaphore, #tpu.memory_space<semaphore_mem>>
      %dma_start3A = arith.constant 0 : i32
      %dma_start3A_77 = tpu.memref_slice %arg8[%add3A_30, %dma_start3A] : memref<10000x128xf32, #tpu.memory_space<vmem_shared>> -> memref<48x128xf32, #tpu.memory_space<vmem_shared>>
      %dma_start3A_78 = arith.constant 0 : i32
      %dma_start3A_79 = tpu.memref_slice %arg8[%add3A_30, %dma_start3A_78] : memref<10000x128xf32, #tpu.memory_space<vmem_shared>> -> memref<48x128xf32, #tpu.memory_space<vmem_shared>>
      tpu.enqueue_dma source(%arg27 : memref<48x128xf32, #tpu.memory_space<vmem>>) target(%dma_start3A_79 : memref<48x128xf32, #tpu.memory_space<vmem_shared>>) target_semaphore(%run_scoped3A : memref<!tpu.dma_semaphore, #tpu.memory_space<semaphore_mem>>)
      %dma_wait3A = arith.constant 0 : i32
      %dma_wait3A_80 = tpu.memref_slice %arg8[%add3A_30, %dma_wait3A] : memref<10000x128xf32, #tpu.memory_space<vmem_shared>> -> memref<48x128xf32, #tpu.memory_space<vmem_shared>>
      %dma_wait3A_81 = arith.constant 0 : i32
      %dma_wait3A_82 = tpu.memref_slice %arg8[%add3A_30, %dma_wait3A_81] : memref<10000x128xf32, #tpu.memory_space<vmem_shared>> -> memref<48x128xf32, #tpu.memory_space<vmem_shared>>
      tpu.wait_dma2 semaphore(%run_scoped3A : memref<!tpu.dma_semaphore, #tpu.memory_space<semaphore_mem>>) src(%arg27 : memref<48x128xf32, #tpu.memory_space<vmem>>) dst(%dma_wait3A_82 : memref<48x128xf32, #tpu.memory_space<vmem_shared>>)
      tpu.yield
    }) : () -> ()
    %mul3A_31 = arith.constant 624 : i32
    %mul3A_32 = arith.muli %arg1, %mul3A_31 : i32
    %add3A_33 = arith.constant 288 : i32
    %add3A_34 = arith.addi %mul3A_32, %add3A_33 : i32
    "tpu.region"() ({
      %run_scoped3A = tpu.sem_alloc : memref<!tpu.dma_semaphore, #tpu.memory_space<semaphore_mem>>
      %dma_start3A = arith.constant 0 : i32
      %dma_start3A_77 = tpu.memref_slice %arg8[%add3A_34, %dma_start3A] : memref<10000x128xf32, #tpu.memory_space<vmem_shared>> -> memref<48x128xf32, #tpu.memory_space<vmem_shared>>
      %dma_start3A_78 = arith.constant 0 : i32
      %dma_start3A_79 = tpu.memref_slice %arg8[%add3A_34, %dma_start3A_78] : memref<10000x128xf32, #tpu.memory_space<vmem_shared>> -> memref<48x128xf32, #tpu.memory_space<vmem_shared>>
      tpu.enqueue_dma source(%arg27 : memref<48x128xf32, #tpu.memory_space<vmem>>) target(%dma_start3A_79 : memref<48x128xf32, #tpu.memory_space<vmem_shared>>) target_semaphore(%run_scoped3A : memref<!tpu.dma_semaphore, #tpu.memory_space<semaphore_mem>>)
      %dma_wait3A = arith.constant 0 : i32
      %dma_wait3A_80 = tpu.memref_slice %arg8[%add3A_34, %dma_wait3A] : memref<10000x128xf32, #tpu.memory_space<vmem_shared>> -> memref<48x128xf32, #tpu.memory_space<vmem_shared>>
      %dma_wait3A_81 = arith.constant 0 : i32
      %dma_wait3A_82 = tpu.memref_slice %arg8[%add3A_34, %dma_wait3A_81] : memref<10000x128xf32, #tpu.memory_space<vmem_shared>> -> memref<48x128xf32, #tpu.memory_space<vmem_shared>>
      tpu.wait_dma2 semaphore(%run_scoped3A : memref<!tpu.dma_semaphore, #tpu.memory_space<semaphore_mem>>) src(%arg27 : memref<48x128xf32, #tpu.memory_space<vmem>>) dst(%dma_wait3A_82 : memref<48x128xf32, #tpu.memory_space<vmem_shared>>)
      tpu.yield
    }) : () -> ()
    %mul3A_35 = arith.constant 624 : i32
    %mul3A_36 = arith.muli %arg1, %mul3A_35 : i32
    %add3A_37 = arith.constant 336 : i32
    %add3A_38 = arith.addi %mul3A_36, %add3A_37 : i32
    "tpu.region"() ({
      %run_scoped3A = tpu.sem_alloc : memref<!tpu.dma_semaphore, #tpu.memory_space<semaphore_mem>>
      %dma_start3A = arith.constant 0 : i32
      %dma_start3A_77 = tpu.memref_slice %arg8[%add3A_38, %dma_start3A] : memref<10000x128xf32, #tpu.memory_space<vmem_shared>> -> memref<48x128xf32, #tpu.memory_space<vmem_shared>>
      %dma_start3A_78 = arith.constant 0 : i32
      %dma_start3A_79 = tpu.memref_slice %arg8[%add3A_38, %dma_start3A_78] : memref<10000x128xf32, #tpu.memory_space<vmem_shared>> -> memref<48x128xf32, #tpu.memory_space<vmem_shared>>
      tpu.enqueue_dma source(%arg27 : memref<48x128xf32, #tpu.memory_space<vmem>>) target(%dma_start3A_79 : memref<48x128xf32, #tpu.memory_space<vmem_shared>>) target_semaphore(%run_scoped3A : memref<!tpu.dma_semaphore, #tpu.memory_space<semaphore_mem>>)
      %dma_wait3A = arith.constant 0 : i32
      %dma_wait3A_80 = tpu.memref_slice %arg8[%add3A_38, %dma_wait3A] : memref<10000x128xf32, #tpu.memory_space<vmem_shared>> -> memref<48x128xf32, #tpu.memory_space<vmem_shared>>
      %dma_wait3A_81 = arith.constant 0 : i32
      %dma_wait3A_82 = tpu.memref_slice %arg8[%add3A_38, %dma_wait3A_81] : memref<10000x128xf32, #tpu.memory_space<vmem_shared>> -> memref<48x128xf32, #tpu.memory_space<vmem_shared>>
      tpu.wait_dma2 semaphore(%run_scoped3A : memref<!tpu.dma_semaphore, #tpu.memory_space<semaphore_mem>>) src(%arg27 : memref<48x128xf32, #tpu.memory_space<vmem>>) dst(%dma_wait3A_82 : memref<48x128xf32, #tpu.memory_space<vmem_shared>>)
      tpu.yield
    }) : () -> ()
    %mul3A_39 = arith.constant 624 : i32
    %mul3A_40 = arith.muli %arg1, %mul3A_39 : i32
    %add3A_41 = arith.constant 384 : i32
    %add3A_42 = arith.addi %mul3A_40, %add3A_41 : i32
    "tpu.region"() ({
      %run_scoped3A = tpu.sem_alloc : memref<!tpu.dma_semaphore, #tpu.memory_space<semaphore_mem>>
      %dma_start3A = arith.constant 0 : i32
      %dma_start3A_77 = tpu.memref_slice %arg8[%add3A_42, %dma_start3A] : memref<10000x128xf32, #tpu.memory_space<vmem_shared>> -> memref<48x128xf32, #tpu.memory_space<vmem_shared>>
      %dma_start3A_78 = arith.constant 0 : i32
      %dma_start3A_79 = tpu.memref_slice %arg8[%add3A_42, %dma_start3A_78] : memref<10000x128xf32, #tpu.memory_space<vmem_shared>> -> memref<48x128xf32, #tpu.memory_space<vmem_shared>>
      tpu.enqueue_dma source(%arg27 : memref<48x128xf32, #tpu.memory_space<vmem>>) target(%dma_start3A_79 : memref<48x128xf32, #tpu.memory_space<vmem_shared>>) target_semaphore(%run_scoped3A : memref<!tpu.dma_semaphore, #tpu.memory_space<semaphore_mem>>)
      %dma_wait3A = arith.constant 0 : i32
      %dma_wait3A_80 = tpu.memref_slice %arg8[%add3A_42, %dma_wait3A] : memref<10000x128xf32, #tpu.memory_space<vmem_shared>> -> memref<48x128xf32, #tpu.memory_space<vmem_shared>>
      %dma_wait3A_81 = arith.constant 0 : i32
      %dma_wait3A_82 = tpu.memref_slice %arg8[%add3A_42, %dma_wait3A_81] : memref<10000x128xf32, #tpu.memory_space<vmem_shared>> -> memref<48x128xf32, #tpu.memory_space<vmem_shared>>
      tpu.wait_dma2 semaphore(%run_scoped3A : memref<!tpu.dma_semaphore, #tpu.memory_space<semaphore_mem>>) src(%arg27 : memref<48x128xf32, #tpu.memory_space<vmem>>) dst(%dma_wait3A_82 : memref<48x128xf32, #tpu.memory_space<vmem_shared>>)
      tpu.yield
    }) : () -> ()
    %mul3A_43 = arith.constant 624 : i32
    %mul3A_44 = arith.muli %arg1, %mul3A_43 : i32
    %add3A_45 = arith.constant 432 : i32
    %add3A_46 = arith.addi %mul3A_44, %add3A_45 : i32
    "tpu.region"() ({
      %run_scoped3A = tpu.sem_alloc : memref<!tpu.dma_semaphore, #tpu.memory_space<semaphore_mem>>
      %dma_start3A = arith.constant 0 : i32
      %dma_start3A_77 = tpu.memref_slice %arg8[%add3A_46, %dma_start3A] : memref<10000x128xf32, #tpu.memory_space<vmem_shared>> -> memref<48x128xf32, #tpu.memory_space<vmem_shared>>
      %dma_start3A_78 = arith.constant 0 : i32
      %dma_start3A_79 = tpu.memref_slice %arg8[%add3A_46, %dma_start3A_78] : memref<10000x128xf32, #tpu.memory_space<vmem_shared>> -> memref<48x128xf32, #tpu.memory_space<vmem_shared>>
      tpu.enqueue_dma source(%arg27 : memref<48x128xf32, #tpu.memory_space<vmem>>) target(%dma_start3A_79 : memref<48x128xf32, #tpu.memory_space<vmem_shared>>) target_semaphore(%run_scoped3A : memref<!tpu.dma_semaphore, #tpu.memory_space<semaphore_mem>>)
      %dma_wait3A = arith.constant 0 : i32
      %dma_wait3A_80 = tpu.memref_slice %arg8[%add3A_46, %dma_wait3A] : memref<10000x128xf32, #tpu.memory_space<vmem_shared>> -> memref<48x128xf32, #tpu.memory_space<vmem_shared>>
      %dma_wait3A_81 = arith.constant 0 : i32
      %dma_wait3A_82 = tpu.memref_slice %arg8[%add3A_46, %dma_wait3A_81] : memref<10000x128xf32, #tpu.memory_space<vmem_shared>> -> memref<48x128xf32, #tpu.memory_space<vmem_shared>>
      tpu.wait_dma2 semaphore(%run_scoped3A : memref<!tpu.dma_semaphore, #tpu.memory_space<semaphore_mem>>) src(%arg27 : memref<48x128xf32, #tpu.memory_space<vmem>>) dst(%dma_wait3A_82 : memref<48x128xf32, #tpu.memory_space<vmem_shared>>)
      tpu.yield
    }) : () -> ()
    %mul3A_47 = arith.constant 624 : i32
    %mul3A_48 = arith.muli %arg1, %mul3A_47 : i32
    %add3A_49 = arith.constant 480 : i32
    %add3A_50 = arith.addi %mul3A_48, %add3A_49 : i32
    "tpu.region"() ({
      %run_scoped3A = tpu.sem_alloc : memref<!tpu.dma_semaphore, #tpu.memory_space<semaphore_mem>>
      %dma_start3A = arith.constant 0 : i32
      %dma_start3A_77 = tpu.memref_slice %arg8[%add3A_50, %dma_start3A] : memref<10000x128xf32, #tpu.memory_space<vmem_shared>> -> memref<48x128xf32, #tpu.memory_space<vmem_shared>>
      %dma_start3A_78 = arith.constant 0 : i32
      %dma_start3A_79 = tpu.memref_slice %arg8[%add3A_50, %dma_start3A_78] : memref<10000x128xf32, #tpu.memory_space<vmem_shared>> -> memref<48x128xf32, #tpu.memory_space<vmem_shared>>
      tpu.enqueue_dma source(%arg27 : memref<48x128xf32, #tpu.memory_space<vmem>>) target(%dma_start3A_79 : memref<48x128xf32, #tpu.memory_space<vmem_shared>>) target_semaphore(%run_scoped3A : memref<!tpu.dma_semaphore, #tpu.memory_space<semaphore_mem>>)
      %dma_wait3A = arith.constant 0 : i32
      %dma_wait3A_80 = tpu.memref_slice %arg8[%add3A_50, %dma_wait3A] : memref<10000x128xf32, #tpu.memory_space<vmem_shared>> -> memref<48x128xf32, #tpu.memory_space<vmem_shared>>
      %dma_wait3A_81 = arith.constant 0 : i32
      %dma_wait3A_82 = tpu.memref_slice %arg8[%add3A_50, %dma_wait3A_81] : memref<10000x128xf32, #tpu.memory_space<vmem_shared>> -> memref<48x128xf32, #tpu.memory_space<vmem_shared>>
      tpu.wait_dma2 semaphore(%run_scoped3A : memref<!tpu.dma_semaphore, #tpu.memory_space<semaphore_mem>>) src(%arg27 : memref<48x128xf32, #tpu.memory_space<vmem>>) dst(%dma_wait3A_82 : memref<48x128xf32, #tpu.memory_space<vmem_shared>>)
      tpu.yield
    }) : () -> ()
    %mul3A_51 = arith.constant 624 : i32
    %mul3A_52 = arith.muli %arg1, %mul3A_51 : i32
    %add3A_53 = arith.constant 528 : i32
    %add3A_54 = arith.addi %mul3A_52, %add3A_53 : i32
    "tpu.region"() ({
      %run_scoped3A = tpu.sem_alloc : memref<!tpu.dma_semaphore, #tpu.memory_space<semaphore_mem>>
      %dma_start3A = arith.constant 0 : i32
      %dma_start3A_77 = tpu.memref_slice %arg8[%add3A_54, %dma_start3A] : memref<10000x128xf32, #tpu.memory_space<vmem_shared>> -> memref<48x128xf32, #tpu.memory_space<vmem_shared>>
      %dma_start3A_78 = arith.constant 0 : i32
      %dma_start3A_79 = tpu.memref_slice %arg8[%add3A_54, %dma_start3A_78] : memref<10000x128xf32, #tpu.memory_space<vmem_shared>> -> memref<48x128xf32, #tpu.memory_space<vmem_shared>>
      tpu.enqueue_dma source(%arg27 : memref<48x128xf32, #tpu.memory_space<vmem>>) target(%dma_start3A_79 : memref<48x128xf32, #tpu.memory_space<vmem_shared>>) target_semaphore(%run_scoped3A : memref<!tpu.dma_semaphore, #tpu.memory_space<semaphore_mem>>)
      %dma_wait3A = arith.constant 0 : i32
      %dma_wait3A_80 = tpu.memref_slice %arg8[%add3A_54, %dma_wait3A] : memref<10000x128xf32, #tpu.memory_space<vmem_shared>> -> memref<48x128xf32, #tpu.memory_space<vmem_shared>>
      %dma_wait3A_81 = arith.constant 0 : i32
      %dma_wait3A_82 = tpu.memref_slice %arg8[%add3A_54, %dma_wait3A_81] : memref<10000x128xf32, #tpu.memory_space<vmem_shared>> -> memref<48x128xf32, #tpu.memory_space<vmem_shared>>
      tpu.wait_dma2 semaphore(%run_scoped3A : memref<!tpu.dma_semaphore, #tpu.memory_space<semaphore_mem>>) src(%arg27 : memref<48x128xf32, #tpu.memory_space<vmem>>) dst(%dma_wait3A_82 : memref<48x128xf32, #tpu.memory_space<vmem_shared>>)
      tpu.yield
    }) : () -> ()
    %mul3A_55 = arith.constant 624 : i32
    %mul3A_56 = arith.muli %arg1, %mul3A_55 : i32
    %add3A_57 = arith.constant 576 : i32
    %add3A_58 = arith.addi %mul3A_56, %add3A_57 : i32
    "tpu.region"() ({
      %run_scoped3A = tpu.sem_alloc : memref<!tpu.dma_semaphore, #tpu.memory_space<semaphore_mem>>
      %dma_start3A = arith.constant 0 : i32
      %dma_start3A_77 = tpu.memref_slice %arg8[%add3A_58, %dma_start3A] : memref<10000x128xf32, #tpu.memory_space<vmem_shared>> -> memref<48x128xf32, #tpu.memory_space<vmem_shared>>
      %dma_start3A_78 = arith.constant 0 : i32
      %dma_start3A_79 = tpu.memref_slice %arg8[%add3A_58, %dma_start3A_78] : memref<10000x128xf32, #tpu.memory_space<vmem_shared>> -> memref<48x128xf32, #tpu.memory_space<vmem_shared>>
      tpu.enqueue_dma source(%arg27 : memref<48x128xf32, #tpu.memory_space<vmem>>) target(%dma_start3A_79 : memref<48x128xf32, #tpu.memory_space<vmem_shared>>) target_semaphore(%run_scoped3A : memref<!tpu.dma_semaphore, #tpu.memory_space<semaphore_mem>>)
      %dma_wait3A = arith.constant 0 : i32
      %dma_wait3A_80 = tpu.memref_slice %arg8[%add3A_58, %dma_wait3A] : memref<10000x128xf32, #tpu.memory_space<vmem_shared>> -> memref<48x128xf32, #tpu.memory_space<vmem_shared>>
      %dma_wait3A_81 = arith.constant 0 : i32
      %dma_wait3A_82 = tpu.memref_slice %arg8[%add3A_58, %dma_wait3A_81] : memref<10000x128xf32, #tpu.memory_space<vmem_shared>> -> memref<48x128xf32, #tpu.memory_space<vmem_shared>>
      tpu.wait_dma2 semaphore(%run_scoped3A : memref<!tpu.dma_semaphore, #tpu.memory_space<semaphore_mem>>) src(%arg27 : memref<48x128xf32, #tpu.memory_space<vmem>>) dst(%dma_wait3A_82 : memref<48x128xf32, #tpu.memory_space<vmem_shared>>)
      tpu.yield
    }) : () -> ()
    %eq3A = arith.constant 15 : i32
    %eq3A_59 = arith.cmpi eq, %arg1, %eq3A : i32
    %convert_element_type3A = arith.extui %eq3A_59 : i1 to i32
    %cond3A = arith.constant 0 : i32
    %cond3A_60 = arith.cmpi ne, %convert_element_type3A, %cond3A : i32
    scf.if %cond3A_60 {
      "tpu.region"() ({
        %run_scoped3A = tpu.sem_alloc : memref<!tpu.dma_semaphore, #tpu.memory_space<semaphore_mem>>
        %dma_start3A = arith.constant 0 : i32
        %dma_start3A_77 = arith.constant 0 : i32
        %dma_start3A_78 = tpu.memref_slice %arg27[%dma_start3A, %dma_start3A_77] : memref<48x128xf32, #tpu.memory_space<vmem>> -> memref<16x128xf32, #tpu.memory_space<vmem>>
        %dma_start3A_79 = arith.constant 9984 : i32
        %dma_start3A_80 = arith.constant 0 : i32
        %dma_start3A_81 = tpu.memref_slice %arg8[%dma_start3A_79, %dma_start3A_80] : memref<10000x128xf32, #tpu.memory_space<vmem_shared>> -> memref<16x128xf32, #tpu.memory_space<vmem_shared>>
        %dma_start3A_82 = arith.constant 9984 : i32
        %dma_start3A_83 = arith.constant 0 : i32
        %dma_start3A_84 = tpu.memref_slice %arg8[%dma_start3A_82, %dma_start3A_83] : memref<10000x128xf32, #tpu.memory_space<vmem_shared>> -> memref<16x128xf32, #tpu.memory_space<vmem_shared>>
        %dma_start3A_85 = arith.constant 0 : i32
        %dma_start3A_86 = arith.constant 0 : i32
        %dma_start3A_87 = tpu.memref_slice %arg27[%dma_start3A_85, %dma_start3A_86] : memref<48x128xf32, #tpu.memory_space<vmem>> -> memref<16x128xf32, #tpu.memory_space<vmem>>
        tpu.enqueue_dma source(%dma_start3A_87 : memref<16x128xf32, #tpu.memory_space<vmem>>) target(%dma_start3A_84 : memref<16x128xf32, #tpu.memory_space<vmem_shared>>) target_semaphore(%run_scoped3A : memref<!tpu.dma_semaphore, #tpu.memory_space<semaphore_mem>>)
        %dma_wait3A = arith.constant 0 : i32
        %dma_wait3A_88 = arith.constant 0 : i32
        %dma_wait3A_89 = tpu.memref_slice %arg27[%dma_wait3A, %dma_wait3A_88] : memref<48x128xf32, #tpu.memory_space<vmem>> -> memref<16x128xf32, #tpu.memory_space<vmem>>
        %dma_wait3A_90 = arith.constant 9984 : i32
        %dma_wait3A_91 = arith.constant 0 : i32
        %dma_wait3A_92 = tpu.memref_slice %arg8[%dma_wait3A_90, %dma_wait3A_91] : memref<10000x128xf32, #tpu.memory_space<vmem_shared>> -> memref<16x128xf32, #tpu.memory_space<vmem_shared>>
        %dma_wait3A_93 = arith.constant 9984 : i32
        %dma_wait3A_94 = arith.constant 0 : i32
        %dma_wait3A_95 = tpu.memref_slice %arg8[%dma_wait3A_93, %dma_wait3A_94] : memref<10000x128xf32, #tpu.memory_space<vmem_shared>> -> memref<16x128xf32, #tpu.memory_space<vmem_shared>>
        %dma_wait3A_96 = arith.constant 0 : i32
        %dma_wait3A_97 = arith.constant 0 : i32
        %dma_wait3A_98 = tpu.memref_slice %arg27[%dma_wait3A_96, %dma_wait3A_97] : memref<48x128xf32, #tpu.memory_space<vmem>> -> memref<16x128xf32, #tpu.memory_space<vmem>>
        tpu.wait_dma2 semaphore(%run_scoped3A : memref<!tpu.dma_semaphore, #tpu.memory_space<semaphore_mem>>) src(%dma_wait3A_98 : memref<16x128xf32, #tpu.memory_space<vmem>>) dst(%dma_wait3A_95 : memref<16x128xf32, #tpu.memory_space<vmem_shared>>)
        tpu.yield
      }) : () -> ()
    } else {
    }
    %barrier3A = arith.constant 0 : index
    tpu.barrier barrier_id(%barrier3A)
    %scan3A_61 = arith.constant 0 : i32
    %scan3A_62 = arith.constant 0 : i32
    %scan3A_63 = arith.constant 5 : i32
    %scan3A_64 = arith.addi %scan3A_62, %scan3A_63 : i32
    %scan3A_65 = arith.constant 1 : i32
    scf.for %scan3A_77 = %scan3A_62 to %scan3A_64 step %scan3A_65  : i32 {
      %mul3A_78 = arith.constant 10000 : i32
      %mul3A_79 = arith.muli %add3A, %mul3A_78 : i32
      %mul3A_80 = arith.constant 2000 : i32
      %mul3A_81 = arith.muli %scan3A_77, %mul3A_80 : i32
      %add3A_82 = arith.addi %mul3A_79, %mul3A_81 : i32
      "tpu.region"() ({
        %run_scoped3A = tpu.sem_alloc : memref<!tpu.dma_semaphore, #tpu.memory_space<semaphore_mem>>
        %dma_start3A_366 = tpu.memref_slice %arg3[%add3A_82] : memref<320000xi32, #tpu.memory_space<hbm>> -> memref<2000xi32, #tpu.memory_space<hbm>>
        %dma_start3A_367 = tpu.memref_slice %arg3[%add3A_82] : memref<320000xi32, #tpu.memory_space<hbm>> -> memref<2000xi32, #tpu.memory_space<hbm>>
        tpu.enqueue_dma source(%dma_start3A_367 : memref<2000xi32, #tpu.memory_space<hbm>>) target(%arg9 : memref<2000xi32, #tpu.memory_space<vmem>>) target_semaphore(%run_scoped3A : memref<!tpu.dma_semaphore, #tpu.memory_space<semaphore_mem>>)
        %dma_wait3A_368 = tpu.memref_slice %arg3[%add3A_82] : memref<320000xi32, #tpu.memory_space<hbm>> -> memref<2000xi32, #tpu.memory_space<hbm>>
        %dma_wait3A_369 = tpu.memref_slice %arg3[%add3A_82] : memref<320000xi32, #tpu.memory_space<hbm>> -> memref<2000xi32, #tpu.memory_space<hbm>>
        tpu.wait_dma2 semaphore(%run_scoped3A : memref<!tpu.dma_semaphore, #tpu.memory_space<semaphore_mem>>) src(%dma_wait3A_369 : memref<2000xi32, #tpu.memory_space<hbm>>) dst(%arg9 : memref<2000xi32, #tpu.memory_space<vmem>>)
        tpu.yield
      }) : () -> ()
      "tpu.region"() ({
        %run_scoped3A = tpu.sem_alloc : memref<!tpu.dma_semaphore, #tpu.memory_space<semaphore_mem>>
        %dma_start3A_366 = tpu.memref_slice %arg4[%add3A_82] : memref<320000xi32, #tpu.memory_space<hbm>> -> memref<2000xi32, #tpu.memory_space<hbm>>
        %dma_start3A_367 = tpu.memref_slice %arg4[%add3A_82] : memref<320000xi32, #tpu.memory_space<hbm>> -> memref<2000xi32, #tpu.memory_space<hbm>>
        tpu.enqueue_dma source(%dma_start3A_367 : memref<2000xi32, #tpu.memory_space<hbm>>) target(%arg10 : memref<2000xi32, #tpu.memory_space<vmem>>) target_semaphore(%run_scoped3A : memref<!tpu.dma_semaphore, #tpu.memory_space<semaphore_mem>>)
        %dma_wait3A_368 = tpu.memref_slice %arg4[%add3A_82] : memref<320000xi32, #tpu.memory_space<hbm>> -> memref<2000xi32, #tpu.memory_space<hbm>>
        %dma_wait3A_369 = tpu.memref_slice %arg4[%add3A_82] : memref<320000xi32, #tpu.memory_space<hbm>> -> memref<2000xi32, #tpu.memory_space<hbm>>
        tpu.wait_dma2 semaphore(%run_scoped3A : memref<!tpu.dma_semaphore, #tpu.memory_space<semaphore_mem>>) src(%dma_wait3A_369 : memref<2000xi32, #tpu.memory_space<hbm>>) dst(%arg10 : memref<2000xi32, #tpu.memory_space<vmem>>)
        tpu.yield
      }) : () -> ()
      "tpu.region"() ({
        %run_scoped3A = tpu.sem_alloc : memref<!tpu.dma_semaphore, #tpu.memory_space<semaphore_mem>>
        %dma_start3A_366 = tpu.memref_slice %arg5[%add3A_82] : memref<320000xi32, #tpu.memory_space<hbm>> -> memref<2000xi32, #tpu.memory_space<hbm>>
        %dma_start3A_367 = tpu.memref_slice %arg5[%add3A_82] : memref<320000xi32, #tpu.memory_space<hbm>> -> memref<2000xi32, #tpu.memory_space<hbm>>
        tpu.enqueue_dma source(%dma_start3A_367 : memref<2000xi32, #tpu.memory_space<hbm>>) target(%arg11 : memref<2000xi32, #tpu.memory_space<vmem>>) target_semaphore(%run_scoped3A : memref<!tpu.dma_semaphore, #tpu.memory_space<semaphore_mem>>)
        %dma_wait3A_368 = tpu.memref_slice %arg5[%add3A_82] : memref<320000xi32, #tpu.memory_space<hbm>> -> memref<2000xi32, #tpu.memory_space<hbm>>
        %dma_wait3A_369 = tpu.memref_slice %arg5[%add3A_82] : memref<320000xi32, #tpu.memory_space<hbm>> -> memref<2000xi32, #tpu.memory_space<hbm>>
        tpu.wait_dma2 semaphore(%run_scoped3A : memref<!tpu.dma_semaphore, #tpu.memory_space<semaphore_mem>>) src(%dma_wait3A_369 : memref<2000xi32, #tpu.memory_space<hbm>>) dst(%arg11 : memref<2000xi32, #tpu.memory_space<vmem>>)
        tpu.yield
      }) : () -> ()
      %get3A = arith.constant 0 : index
      %get3A_83 = tpu.vector_load %arg9[%get3A] {strides = array<i32>} : memref<2000xi32, #tpu.memory_space<vmem>>, vector<16xi32>,
      %get3A_84 = vector.shape_cast %get3A_83 : vector<16xi32> to vector<16xi32>
      %get3A_85 = arith.constant 0 : index
      %get3A_86 = tpu.vector_load %arg10[%get3A_85] {strides = array<i32>} : memref<2000xi32, #tpu.memory_space<vmem>>, vector<16xi32>,
      %get3A_87 = vector.shape_cast %get3A_86 : vector<16xi32> to vector<16xi32>
      %get3A_88 = arith.constant 0 : index
      %get3A_89 = tpu.vector_load %arg11[%get3A_88] {strides = array<i32>} : memref<2000xi32, #tpu.memory_space<vmem>>, vector<16xi32>,
      %get3A_90 = vector.shape_cast %get3A_89 : vector<16xi32> to vector<16xi32>
      %mul3A_91 = arith.constant 10000 : i32
      %mul3A_92 = vector.broadcast %mul3A_91 : i32 to vector<16xi32>
      %mul3A_93 = arith.muli %get3A_90, %mul3A_92 : vector<16xi32>
      %add3A_94 = arith.addi %mul3A_93, %get3A_84 : vector<16xi32>
      %swap3A = arith.constant 0 : index
      %swap3A_95 = tpu.vector_load %arg18[%swap3A] {strides = array<i32>} : memref<80xi32, #tpu.memory_space<vmem>>, vector<16xi32>,
      %swap3A_96 = vector.shape_cast %swap3A_95 : vector<16xi32> to vector<16xi32>
      %swap3A_97 = vector.shape_cast %add3A_94 : vector<16xi32> to vector<16xi32>
      tpu.vector_store %arg18[%swap3A], %swap3A_97 {strides = array<i32>} : memref<80xi32, #tpu.memory_space<vmem>>, vector<16xi32>,
      %swap3A_98 = arith.constant 0 : index
      %swap3A_99 = tpu.vector_load %arg21[%swap3A_98] {strides = array<i32>} : memref<80xi32, #tpu.memory_space<vmem>>, vector<16xi32>,
      %swap3A_100 = vector.shape_cast %swap3A_99 : vector<16xi32> to vector<16xi32>
      %swap3A_101 = vector.shape_cast %get3A_87 : vector<16xi32> to vector<16xi32>
      tpu.vector_store %arg21[%swap3A_98], %swap3A_101 {strides = array<i32>} : memref<80xi32, #tpu.memory_space<vmem>>, vector<16xi32>,
      %add3A_102 = arith.addi %mul3A_93, %get3A_87 : vector<16xi32>
      %swap3A_103 = arith.constant 0 : index
      %swap3A_104 = tpu.vector_load %arg24[%swap3A_103] {strides = array<i32>} : memref<80xi32, #tpu.memory_space<vmem>>, vector<16xi32>,
      %swap3A_105 = vector.shape_cast %swap3A_104 : vector<16xi32> to vector<16xi32>
      %swap3A_106 = vector.shape_cast %add3A_102 : vector<16xi32> to vector<16xi32>
      tpu.vector_store %arg24[%swap3A_103], %swap3A_106 {strides = array<i32>} : memref<80xi32, #tpu.memory_space<vmem>>, vector<16xi32>,
      %get3A_107 = arith.constant 16 : index
      %get3A_108 = tpu.vector_load %arg9[%get3A_107] {strides = array<i32>} : memref<2000xi32, #tpu.memory_space<vmem>>, vector<16xi32>,
      %get3A_109 = vector.shape_cast %get3A_108 : vector<16xi32> to vector<16xi32>
      %get3A_110 = arith.constant 16 : index
      %get3A_111 = tpu.vector_load %arg10[%get3A_110] {strides = array<i32>} : memref<2000xi32, #tpu.memory_space<vmem>>, vector<16xi32>,
      %get3A_112 = vector.shape_cast %get3A_111 : vector<16xi32> to vector<16xi32>
      %get3A_113 = arith.constant 16 : index
      %get3A_114 = tpu.vector_load %arg11[%get3A_113] {strides = array<i32>} : memref<2000xi32, #tpu.memory_space<vmem>>, vector<16xi32>,
      %get3A_115 = vector.shape_cast %get3A_114 : vector<16xi32> to vector<16xi32>
      %mul3A_116 = arith.constant 10000 : i32
      %mul3A_117 = vector.broadcast %mul3A_116 : i32 to vector<16xi32>
      %mul3A_118 = arith.muli %get3A_115, %mul3A_117 : vector<16xi32>
      %add3A_119 = arith.addi %mul3A_118, %get3A_109 : vector<16xi32>
      %swap3A_120 = arith.constant 16 : index
      %swap3A_121 = tpu.vector_load %arg18[%swap3A_120] {strides = array<i32>} : memref<80xi32, #tpu.memory_space<vmem>>, vector<16xi32>,
      %swap3A_122 = vector.shape_cast %swap3A_121 : vector<16xi32> to vector<16xi32>
      %swap3A_123 = vector.shape_cast %add3A_119 : vector<16xi32> to vector<16xi32>
      tpu.vector_store %arg18[%swap3A_120], %swap3A_123 {strides = array<i32>} : memref<80xi32, #tpu.memory_space<vmem>>, vector<16xi32>,
      %swap3A_124 = arith.constant 16 : index
      %swap3A_125 = tpu.vector_load %arg21[%swap3A_124] {strides = array<i32>} : memref<80xi32, #tpu.memory_space<vmem>>, vector<16xi32>,
      %swap3A_126 = vector.shape_cast %swap3A_125 : vector<16xi32> to vector<16xi32>
      %swap3A_127 = vector.shape_cast %get3A_112 : vector<16xi32> to vector<16xi32>
      tpu.vector_store %arg21[%swap3A_124], %swap3A_127 {strides = array<i32>} : memref<80xi32, #tpu.memory_space<vmem>>, vector<16xi32>,
      %add3A_128 = arith.addi %mul3A_118, %get3A_112 : vector<16xi32>
      %swap3A_129 = arith.constant 16 : index
      %swap3A_130 = tpu.vector_load %arg24[%swap3A_129] {strides = array<i32>} : memref<80xi32, #tpu.memory_space<vmem>>, vector<16xi32>,
      %swap3A_131 = vector.shape_cast %swap3A_130 : vector<16xi32> to vector<16xi32>
      %swap3A_132 = vector.shape_cast %add3A_128 : vector<16xi32> to vector<16xi32>
      tpu.vector_store %arg24[%swap3A_129], %swap3A_132 {strides = array<i32>} : memref<80xi32, #tpu.memory_space<vmem>>, vector<16xi32>,
      %get3A_133 = arith.constant 32 : index
      %get3A_134 = tpu.vector_load %arg9[%get3A_133] {strides = array<i32>} : memref<2000xi32, #tpu.memory_space<vmem>>, vector<16xi32>,
      %get3A_135 = vector.shape_cast %get3A_134 : vector<16xi32> to vector<16xi32>
      %get3A_136 = arith.constant 32 : index
      %get3A_137 = tpu.vector_load %arg10[%get3A_136] {strides = array<i32>} : memref<2000xi32, #tpu.memory_space<vmem>>, vector<16xi32>,
      %get3A_138 = vector.shape_cast %get3A_137 : vector<16xi32> to vector<16xi32>
      %get3A_139 = arith.constant 32 : index
      %get3A_140 = tpu.vector_load %arg11[%get3A_139] {strides = array<i32>} : memref<2000xi32, #tpu.memory_space<vmem>>, vector<16xi32>,
      %get3A_141 = vector.shape_cast %get3A_140 : vector<16xi32> to vector<16xi32>
      %mul3A_142 = arith.constant 10000 : i32
      %mul3A_143 = vector.broadcast %mul3A_142 : i32 to vector<16xi32>
      %mul3A_144 = arith.muli %get3A_141, %mul3A_143 : vector<16xi32>
      %add3A_145 = arith.addi %mul3A_144, %get3A_135 : vector<16xi32>
      %swap3A_146 = arith.constant 32 : index
      %swap3A_147 = tpu.vector_load %arg18[%swap3A_146] {strides = array<i32>} : memref<80xi32, #tpu.memory_space<vmem>>, vector<16xi32>,
      %swap3A_148 = vector.shape_cast %swap3A_147 : vector<16xi32> to vector<16xi32>
      %swap3A_149 = vector.shape_cast %add3A_145 : vector<16xi32> to vector<16xi32>
      tpu.vector_store %arg18[%swap3A_146], %swap3A_149 {strides = array<i32>} : memref<80xi32, #tpu.memory_space<vmem>>, vector<16xi32>,
      %swap3A_150 = arith.constant 32 : index
      %swap3A_151 = tpu.vector_load %arg21[%swap3A_150] {strides = array<i32>} : memref<80xi32, #tpu.memory_space<vmem>>, vector<16xi32>,
      %swap3A_152 = vector.shape_cast %swap3A_151 : vector<16xi32> to vector<16xi32>
      %swap3A_153 = vector.shape_cast %get3A_138 : vector<16xi32> to vector<16xi32>
      tpu.vector_store %arg21[%swap3A_150], %swap3A_153 {strides = array<i32>} : memref<80xi32, #tpu.memory_space<vmem>>, vector<16xi32>,
      %add3A_154 = arith.addi %mul3A_144, %get3A_138 : vector<16xi32>
      %swap3A_155 = arith.constant 32 : index
      %swap3A_156 = tpu.vector_load %arg24[%swap3A_155] {strides = array<i32>} : memref<80xi32, #tpu.memory_space<vmem>>, vector<16xi32>,
      %swap3A_157 = vector.shape_cast %swap3A_156 : vector<16xi32> to vector<16xi32>
      %swap3A_158 = vector.shape_cast %add3A_154 : vector<16xi32> to vector<16xi32>
      tpu.vector_store %arg24[%swap3A_155], %swap3A_158 {strides = array<i32>} : memref<80xi32, #tpu.memory_space<vmem>>, vector<16xi32>,
      %get3A_159 = arith.constant 48 : index
      %get3A_160 = tpu.vector_load %arg9[%get3A_159] {strides = array<i32>} : memref<2000xi32, #tpu.memory_space<vmem>>, vector<16xi32>,
      %get3A_161 = vector.shape_cast %get3A_160 : vector<16xi32> to vector<16xi32>
      %get3A_162 = arith.constant 48 : index
      %get3A_163 = tpu.vector_load %arg10[%get3A_162] {strides = array<i32>} : memref<2000xi32, #tpu.memory_space<vmem>>, vector<16xi32>,
      %get3A_164 = vector.shape_cast %get3A_163 : vector<16xi32> to vector<16xi32>
      %get3A_165 = arith.constant 48 : index
      %get3A_166 = tpu.vector_load %arg11[%get3A_165] {strides = array<i32>} : memref<2000xi32, #tpu.memory_space<vmem>>, vector<16xi32>,
      %get3A_167 = vector.shape_cast %get3A_166 : vector<16xi32> to vector<16xi32>
      %mul3A_168 = arith.constant 10000 : i32
      %mul3A_169 = vector.broadcast %mul3A_168 : i32 to vector<16xi32>
      %mul3A_170 = arith.muli %get3A_167, %mul3A_169 : vector<16xi32>
      %add3A_171 = arith.addi %mul3A_170, %get3A_161 : vector<16xi32>
      %swap3A_172 = arith.constant 48 : index
      %swap3A_173 = tpu.vector_load %arg18[%swap3A_172] {strides = array<i32>} : memref<80xi32, #tpu.memory_space<vmem>>, vector<16xi32>,
      %swap3A_174 = vector.shape_cast %swap3A_173 : vector<16xi32> to vector<16xi32>
      %swap3A_175 = vector.shape_cast %add3A_171 : vector<16xi32> to vector<16xi32>
      tpu.vector_store %arg18[%swap3A_172], %swap3A_175 {strides = array<i32>} : memref<80xi32, #tpu.memory_space<vmem>>, vector<16xi32>,
      %swap3A_176 = arith.constant 48 : index
      %swap3A_177 = tpu.vector_load %arg21[%swap3A_176] {strides = array<i32>} : memref<80xi32, #tpu.memory_space<vmem>>, vector<16xi32>,
      %swap3A_178 = vector.shape_cast %swap3A_177 : vector<16xi32> to vector<16xi32>
      %swap3A_179 = vector.shape_cast %get3A_164 : vector<16xi32> to vector<16xi32>
      tpu.vector_store %arg21[%swap3A_176], %swap3A_179 {strides = array<i32>} : memref<80xi32, #tpu.memory_space<vmem>>, vector<16xi32>,
      %add3A_180 = arith.addi %mul3A_170, %get3A_164 : vector<16xi32>
      %swap3A_181 = arith.constant 48 : index
      %swap3A_182 = tpu.vector_load %arg24[%swap3A_181] {strides = array<i32>} : memref<80xi32, #tpu.memory_space<vmem>>, vector<16xi32>,
      %swap3A_183 = vector.shape_cast %swap3A_182 : vector<16xi32> to vector<16xi32>
      %swap3A_184 = vector.shape_cast %add3A_180 : vector<16xi32> to vector<16xi32>
      tpu.vector_store %arg24[%swap3A_181], %swap3A_184 {strides = array<i32>} : memref<80xi32, #tpu.memory_space<vmem>>, vector<16xi32>,
      %get3A_185 = arith.constant 64 : index
      %get3A_186 = tpu.vector_load %arg9[%get3A_185] {strides = array<i32>} : memref<2000xi32, #tpu.memory_space<vmem>>, vector<16xi32>,
      %get3A_187 = vector.shape_cast %get3A_186 : vector<16xi32> to vector<16xi32>
      %get3A_188 = arith.constant 64 : index
      %get3A_189 = tpu.vector_load %arg10[%get3A_188] {strides = array<i32>} : memref<2000xi32, #tpu.memory_space<vmem>>, vector<16xi32>,
      %get3A_190 = vector.shape_cast %get3A_189 : vector<16xi32> to vector<16xi32>
      %get3A_191 = arith.constant 64 : index
      %get3A_192 = tpu.vector_load %arg11[%get3A_191] {strides = array<i32>} : memref<2000xi32, #tpu.memory_space<vmem>>, vector<16xi32>,
      %get3A_193 = vector.shape_cast %get3A_192 : vector<16xi32> to vector<16xi32>
      %mul3A_194 = arith.constant 10000 : i32
      %mul3A_195 = vector.broadcast %mul3A_194 : i32 to vector<16xi32>
      %mul3A_196 = arith.muli %get3A_193, %mul3A_195 : vector<16xi32>
      %add3A_197 = arith.addi %mul3A_196, %get3A_187 : vector<16xi32>
      %swap3A_198 = arith.constant 64 : index
      %swap3A_199 = tpu.vector_load %arg18[%swap3A_198] {strides = array<i32>} : memref<80xi32, #tpu.memory_space<vmem>>, vector<16xi32>,
      %swap3A_200 = vector.shape_cast %swap3A_199 : vector<16xi32> to vector<16xi32>
      %swap3A_201 = vector.shape_cast %add3A_197 : vector<16xi32> to vector<16xi32>
      tpu.vector_store %arg18[%swap3A_198], %swap3A_201 {strides = array<i32>} : memref<80xi32, #tpu.memory_space<vmem>>, vector<16xi32>,
      %swap3A_202 = arith.constant 64 : index
      %swap3A_203 = tpu.vector_load %arg21[%swap3A_202] {strides = array<i32>} : memref<80xi32, #tpu.memory_space<vmem>>, vector<16xi32>,
      %swap3A_204 = vector.shape_cast %swap3A_203 : vector<16xi32> to vector<16xi32>
      %swap3A_205 = vector.shape_cast %get3A_190 : vector<16xi32> to vector<16xi32>
      tpu.vector_store %arg21[%swap3A_202], %swap3A_205 {strides = array<i32>} : memref<80xi32, #tpu.memory_space<vmem>>, vector<16xi32>,
      %add3A_206 = arith.addi %mul3A_196, %get3A_190 : vector<16xi32>
      %swap3A_207 = arith.constant 64 : index
      %swap3A_208 = tpu.vector_load %arg24[%swap3A_207] {strides = array<i32>} : memref<80xi32, #tpu.memory_space<vmem>>, vector<16xi32>,
      %swap3A_209 = vector.shape_cast %swap3A_208 : vector<16xi32> to vector<16xi32>
      %swap3A_210 = vector.shape_cast %add3A_206 : vector<16xi32> to vector<16xi32>
      tpu.vector_store %arg24[%swap3A_207], %swap3A_210 {strides = array<i32>} : memref<80xi32, #tpu.memory_space<vmem>>, vector<16xi32>,
      %dma_start3A = arith.constant 0 : i32
      %dma_start3A_211 = arith.constant 0 : i32
      %dma_start3A_212 = tpu.memref_slice %arg2[%dma_start3A, %dma_start3A_211] : memref<40000x128xf32, #tpu.memory_space<hbm>> -> memref<40000x128xf32, #tpu.memory_space<hbm>>
      tpu.enqueue_indirect_dma source(%dma_start3A_212 : memref<40000x128xf32, #tpu.memory_space<hbm>>) target(%arg12 : memref<80x128xf32, #tpu.memory_space<vmem>>) offsets(%arg18 : memref<80xi32, #tpu.memory_space<vmem>>) semaphore(%arg28 : memref<!tpu.dma_semaphore, #tpu.memory_space<semaphore_mem>>)
      %dma_start3A_213 = arith.constant 0 : i32
      %dma_start3A_214 = arith.constant 0 : i32
      %dma_start3A_215 = tpu.memref_slice %arg6[%dma_start3A_213, %dma_start3A_214] : memref<40960x16xf32, #tpu.memory_space<hbm>> -> memref<40960x16xf32, #tpu.memory_space<hbm>>
      tpu.enqueue_indirect_dma source(%dma_start3A_215 : memref<40960x16xf32, #tpu.memory_space<hbm>>) target(%arg15 : memref<80x16xf32, #tpu.memory_space<vmem>>) offsets(%arg24 : memref<80xi32, #tpu.memory_space<vmem>>) semaphore(%arg31 : memref<!tpu.dma_semaphore, #tpu.memory_space<semaphore_mem>>)
      %get3A_216 = arith.constant 80 : index
      %get3A_217 = tpu.vector_load %arg9[%get3A_216] {strides = array<i32>} : memref<2000xi32, #tpu.memory_space<vmem>>, vector<16xi32>,
      %get3A_218 = vector.shape_cast %get3A_217 : vector<16xi32> to vector<16xi32>
      %get3A_219 = arith.constant 80 : index
      %get3A_220 = tpu.vector_load %arg10[%get3A_219] {strides = array<i32>} : memref<2000xi32, #tpu.memory_space<vmem>>, vector<16xi32>,
      %get3A_221 = vector.shape_cast %get3A_220 : vector<16xi32> to vector<16xi32>
      %get3A_222 = arith.constant 80 : index
      %get3A_223 = tpu.vector_load %arg11[%get3A_222] {strides = array<i32>} : memref<2000xi32, #tpu.memory_space<vmem>>, vector<16xi32>,
      %get3A_224 = vector.shape_cast %get3A_223 : vector<16xi32> to vector<16xi32>
      %mul3A_225 = arith.constant 10000 : i32
      %mul3A_226 = vector.broadcast %mul3A_225 : i32 to vector<16xi32>
      %mul3A_227 = arith.muli %get3A_224, %mul3A_226 : vector<16xi32>
      %add3A_228 = arith.addi %mul3A_227, %get3A_218 : vector<16xi32>
      %swap3A_229 = arith.constant 0 : index
      %swap3A_230 = tpu.vector_load %arg19[%swap3A_229] {strides = array<i32>} : memref<80xi32, #tpu.memory_space<vmem>>, vector<16xi32>,
      %swap3A_231 = vector.shape_cast %swap3A_230 : vector<16xi32> to vector<16xi32>
      %swap3A_232 = vector.shape_cast %add3A_228 : vector<16xi32> to vector<16xi32>
      tpu.vector_store %arg19[%swap3A_229], %swap3A_232 {strides = array<i32>} : memref<80xi32, #tpu.memory_space<vmem>>, vector<16xi32>,
      %swap3A_233 = arith.constant 0 : index
      %swap3A_234 = tpu.vector_load %arg22[%swap3A_233] {strides = array<i32>} : memref<80xi32, #tpu.memory_space<vmem>>, vector<16xi32>,
      %swap3A_235 = vector.shape_cast %swap3A_234 : vector<16xi32> to vector<16xi32>
      %swap3A_236 = vector.shape_cast %get3A_221 : vector<16xi32> to vector<16xi32>
      tpu.vector_store %arg22[%swap3A_233], %swap3A_236 {strides = array<i32>} : memref<80xi32, #tpu.memory_space<vmem>>, vector<16xi32>,
      %add3A_237 = arith.addi %mul3A_227, %get3A_221 : vector<16xi32>
      %swap3A_238 = arith.constant 0 : index
      %swap3A_239 = tpu.vector_load %arg25[%swap3A_238] {strides = array<i32>} : memref<80xi32, #tpu.memory_space<vmem>>, vector<16xi32>,
      %swap3A_240 = vector.shape_cast %swap3A_239 : vector<16xi32> to vector<16xi32>
      %swap3A_241 = vector.shape_cast %add3A_237 : vector<16xi32> to vector<16xi32>
      tpu.vector_store %arg25[%swap3A_238], %swap3A_241 {strides = array<i32>} : memref<80xi32, #tpu.memory_space<vmem>>, vector<16xi32>,
      %get3A_242 = arith.constant 96 : index
      %get3A_243 = tpu.vector_load %arg9[%get3A_242] {strides = array<i32>} : memref<2000xi32, #tpu.memory_space<vmem>>, vector<16xi32>,
      %get3A_244 = vector.shape_cast %get3A_243 : vector<16xi32> to vector<16xi32>
      %get3A_245 = arith.constant 96 : index
      %get3A_246 = tpu.vector_load %arg10[%get3A_245] {strides = array<i32>} : memref<2000xi32, #tpu.memory_space<vmem>>, vector<16xi32>,
      %get3A_247 = vector.shape_cast %get3A_246 : vector<16xi32> to vector<16xi32>
      %get3A_248 = arith.constant 96 : index
      %get3A_249 = tpu.vector_load %arg11[%get3A_248] {strides = array<i32>} : memref<2000xi32, #tpu.memory_space<vmem>>, vector<16xi32>,
      %get3A_250 = vector.shape_cast %get3A_249 : vector<16xi32> to vector<16xi32>
      %mul3A_251 = arith.constant 10000 : i32
      %mul3A_252 = vector.broadcast %mul3A_251 : i32 to vector<16xi32>
      %mul3A_253 = arith.muli %get3A_250, %mul3A_252 : vector<16xi32>
      %add3A_254 = arith.addi %mul3A_253, %get3A_244 : vector<16xi32>
      %swap3A_255 = arith.constant 16 : index
      %swap3A_256 = tpu.vector_load %arg19[%swap3A_255] {strides = array<i32>} : memref<80xi32, #tpu.memory_space<vmem>>, vector<16xi32>,
      %swap3A_257 = vector.shape_cast %swap3A_256 : vector<16xi32> to vector<16xi32>
      %swap3A_258 = vector.shape_cast %add3A_254 : vector<16xi32> to vector<16xi32>
      tpu.vector_store %arg19[%swap3A_255], %swap3A_258 {strides = array<i32>} : memref<80xi32, #tpu.memory_space<vmem>>, vector<16xi32>,
      %swap3A_259 = arith.constant 16 : index
      %swap3A_260 = tpu.vector_load %arg22[%swap3A_259] {strides = array<i32>} : memref<80xi32, #tpu.memory_space<vmem>>, vector<16xi32>,
      %swap3A_261 = vector.shape_cast %swap3A_260 : vector<16xi32> to vector<16xi32>
      %swap3A_262 = vector.shape_cast %get3A_247 : vector<16xi32> to vector<16xi32>
      tpu.vector_store %arg22[%swap3A_259], %swap3A_262 {strides = array<i32>} : memref<80xi32, #tpu.memory_space<vmem>>, vector<16xi32>,
      %add3A_263 = arith.addi %mul3A_253, %get3A_247 : vector<16xi32>
      %swap3A_264 = arith.constant 16 : index
      %swap3A_265 = tpu.vector_load %arg25[%swap3A_264] {strides = array<i32>} : memref<80xi32, #tpu.memory_space<vmem>>, vector<16xi32>,
      %swap3A_266 = vector.shape_cast %swap3A_265 : vector<16xi32> to vector<16xi32>
      %swap3A_267 = vector.shape_cast %add3A_263 : vector<16xi32> to vector<16xi32>
      tpu.vector_store %arg25[%swap3A_264], %swap3A_267 {strides = array<i32>} : memref<80xi32, #tpu.memory_space<vmem>>, vector<16xi32>,
      %get3A_268 = arith.constant 112 : index
      %get3A_269 = tpu.vector_load %arg9[%get3A_268] {strides = array<i32>} : memref<2000xi32, #tpu.memory_space<vmem>>, vector<16xi32>,
      %get3A_270 = vector.shape_cast %get3A_269 : vector<16xi32> to vector<16xi32>
      %get3A_271 = arith.constant 112 : index
      %get3A_272 = tpu.vector_load %arg10[%get3A_271] {strides = array<i32>} : memref<2000xi32, #tpu.memory_space<vmem>>, vector<16xi32>,
      %get3A_273 = vector.shape_cast %get3A_272 : vector<16xi32> to vector<16xi32>
      %get3A_274 = arith.constant 112 : index
      %get3A_275 = tpu.vector_load %arg11[%get3A_274] {strides = array<i32>} : memref<2000xi32, #tpu.memory_space<vmem>>, vector<16xi32>,
      %get3A_276 = vector.shape_cast %get3A_275 : vector<16xi32> to vector<16xi32>
      %mul3A_277 = arith.constant 10000 : i32
      %mul3A_278 = vector.broadcast %mul3A_277 : i32 to vector<16xi32>
      %mul3A_279 = arith.muli %get3A_276, %mul3A_278 : vector<16xi32>
      %add3A_280 = arith.addi %mul3A_279, %get3A_270 : vector<16xi32>
      %swap3A_281 = arith.constant 32 : index
      %swap3A_282 = tpu.vector_load %arg19[%swap3A_281] {strides = array<i32>} : memref<80xi32, #tpu.memory_space<vmem>>, vector<16xi32>,
      %swap3A_283 = vector.shape_cast %swap3A_282 : vector<16xi32> to vector<16xi32>
      %swap3A_284 = vector.shape_cast %add3A_280 : vector<16xi32> to vector<16xi32>
      tpu.vector_store %arg19[%swap3A_281], %swap3A_284 {strides = array<i32>} : memref<80xi32, #tpu.memory_space<vmem>>, vector<16xi32>,
      %swap3A_285 = arith.constant 32 : index
      %swap3A_286 = tpu.vector_load %arg22[%swap3A_285] {strides = array<i32>} : memref<80xi32, #tpu.memory_space<vmem>>, vector<16xi32>,
      %swap3A_287 = vector.shape_cast %swap3A_286 : vector<16xi32> to vector<16xi32>
      %swap3A_288 = vector.shape_cast %get3A_273 : vector<16xi32> to vector<16xi32>
      tpu.vector_store %arg22[%swap3A_285], %swap3A_288 {strides = array<i32>} : memref<80xi32, #tpu.memory_space<vmem>>, vector<16xi32>,
      %add3A_289 = arith.addi %mul3A_279, %get3A_273 : vector<16xi32>
      %swap3A_290 = arith.constant 32 : index
      %swap3A_291 = tpu.vector_load %arg25[%swap3A_290] {strides = array<i32>} : memref<80xi32, #tpu.memory_space<vmem>>, vector<16xi32>,
      %swap3A_292 = vector.shape_cast %swap3A_291 : vector<16xi32> to vector<16xi32>
      %swap3A_293 = vector.shape_cast %add3A_289 : vector<16xi32> to vector<16xi32>
      tpu.vector_store %arg25[%swap3A_290], %swap3A_293 {strides = array<i32>} : memref<80xi32, #tpu.memory_space<vmem>>, vector<16xi32>,
      %get3A_294 = arith.constant 128 : index
      %get3A_295 = tpu.vector_load %arg9[%get3A_294] {strides = array<i32>} : memref<2000xi32, #tpu.memory_space<vmem>>, vector<16xi32>,
      %get3A_296 = vector.shape_cast %get3A_295 : vector<16xi32> to vector<16xi32>
      %get3A_297 = arith.constant 128 : index
      %get3A_298 = tpu.vector_load %arg10[%get3A_297] {strides = array<i32>} : memref<2000xi32, #tpu.memory_space<vmem>>, vector<16xi32>,
      %get3A_299 = vector.shape_cast %get3A_298 : vector<16xi32> to vector<16xi32>
      %get3A_300 = arith.constant 128 : index
      %get3A_301 = tpu.vector_load %arg11[%get3A_300] {strides = array<i32>} : memref<2000xi32, #tpu.memory_space<vmem>>, vector<16xi32>,
      %get3A_302 = vector.shape_cast %get3A_301 : vector<16xi32> to vector<16xi32>
      %mul3A_303 = arith.constant 10000 : i32
      %mul3A_304 = vector.broadcast %mul3A_303 : i32 to vector<16xi32>
      %mul3A_305 = arith.muli %get3A_302, %mul3A_304 : vector<16xi32>
      %add3A_306 = arith.addi %mul3A_305, %get3A_296 : vector<16xi32>
      %swap3A_307 = arith.constant 48 : index
      %swap3A_308 = tpu.vector_load %arg19[%swap3A_307] {strides = array<i32>} : memref<80xi32, #tpu.memory_space<vmem>>, vector<16xi32>,
      %swap3A_309 = vector.shape_cast %swap3A_308 : vector<16xi32> to vector<16xi32>
      %swap3A_310 = vector.shape_cast %add3A_306 : vector<16xi32> to vector<16xi32>
      tpu.vector_store %arg19[%swap3A_307], %swap3A_310 {strides = array<i32>} : memref<80xi32, #tpu.memory_space<vmem>>, vector<16xi32>,
      %swap3A_311 = arith.constant 48 : index
      %swap3A_312 = tpu.vector_load %arg22[%swap3A_311] {strides = array<i32>} : memref<80xi32, #tpu.memory_space<vmem>>, vector<16xi32>,
      %swap3A_313 = vector.shape_cast %swap3A_312 : vector<16xi32> to vector<16xi32>
      %swap3A_314 = vector.shape_cast %get3A_299 : vector<16xi32> to vector<16xi32>
      tpu.vector_store %arg22[%swap3A_311], %swap3A_314 {strides = array<i32>} : memref<80xi32, #tpu.memory_space<vmem>>, vector<16xi32>,
      %add3A_315 = arith.addi %mul3A_305, %get3A_299 : vector<16xi32>
      %swap3A_316 = arith.constant 48 : index
      %swap3A_317 = tpu.vector_load %arg25[%swap3A_316] {strides = array<i32>} : memref<80xi32, #tpu.memory_space<vmem>>, vector<16xi32>,
      %swap3A_318 = vector.shape_cast %swap3A_317 : vector<16xi32> to vector<16xi32>
      %swap3A_319 = vector.shape_cast %add3A_315 : vector<16xi32> to vector<16xi32>
      tpu.vector_store %arg25[%swap3A_316], %swap3A_319 {strides = array<i32>} : memref<80xi32, #tpu.memory_space<vmem>>, vector<16xi32>,
      %get3A_320 = arith.constant 144 : index
      %get3A_321 = tpu.vector_load %arg9[%get3A_320] {strides = array<i32>} : memref<2000xi32, #tpu.memory_space<vmem>>, vector<16xi32>,
      %get3A_322 = vector.shape_cast %get3A_321 : vector<16xi32> to vector<16xi32>
      %get3A_323 = arith.constant 144 : index
      %get3A_324 = tpu.vector_load %arg10[%get3A_323] {strides = array<i32>} : memref<2000xi32, #tpu.memory_space<vmem>>, vector<16xi32>,
      %get3A_325 = vector.shape_cast %get3A_324 : vector<16xi32> to vector<16xi32>
      %get3A_326 = arith.constant 144 : index
      %get3A_327 = tpu.vector_load %arg11[%get3A_326] {strides = array<i32>} : memref<2000xi32, #tpu.memory_space<vmem>>, vector<16xi32>,
      %get3A_328 = vector.shape_cast %get3A_327 : vector<16xi32> to vector<16xi32>
      %mul3A_329 = arith.constant 10000 : i32
      %mul3A_330 = vector.broadcast %mul3A_329 : i32 to vector<16xi32>
      %mul3A_331 = arith.muli %get3A_328, %mul3A_330 : vector<16xi32>
      %add3A_332 = arith.addi %mul3A_331, %get3A_322 : vector<16xi32>
      %swap3A_333 = arith.constant 64 : index
      %swap3A_334 = tpu.vector_load %arg19[%swap3A_333] {strides = array<i32>} : memref<80xi32, #tpu.memory_space<vmem>>, vector<16xi32>,
      %swap3A_335 = vector.shape_cast %swap3A_334 : vector<16xi32> to vector<16xi32>
      %swap3A_336 = vector.shape_cast %add3A_332 : vector<16xi32> to vector<16xi32>
      tpu.vector_store %arg19[%swap3A_333], %swap3A_336 {strides = array<i32>} : memref<80xi32, #tpu.memory_space<vmem>>, vector<16xi32>,
      %swap3A_337 = arith.constant 64 : index
      %swap3A_338 = tpu.vector_load %arg22[%swap3A_337] {strides = array<i32>} : memref<80xi32, #tpu.memory_space<vmem>>, vector<16xi32>,
      %swap3A_339 = vector.shape_cast %swap3A_338 : vector<16xi32> to vector<16xi32>
      %swap3A_340 = vector.shape_cast %get3A_325 : vector<16xi32> to vector<16xi32>
      tpu.vector_store %arg22[%swap3A_337], %swap3A_340 {strides = array<i32>} : memref<80xi32, #tpu.memory_space<vmem>>, vector<16xi32>,
      %add3A_341 = arith.addi %mul3A_331, %get3A_325 : vector<16xi32>
      %swap3A_342 = arith.constant 64 : index
      %swap3A_343 = tpu.vector_load %arg25[%swap3A_342] {strides = array<i32>} : memref<80xi32, #tpu.memory_space<vmem>>, vector<16xi32>,
      %swap3A_344 = vector.shape_cast %swap3A_343 : vector<16xi32> to vector<16xi32>
      %swap3A_345 = vector.shape_cast %add3A_341 : vector<16xi32> to vector<16xi32>
      tpu.vector_store %arg25[%swap3A_342], %swap3A_345 {strides = array<i32>} : memref<80xi32, #tpu.memory_space<vmem>>, vector<16xi32>,
      %dma_start3A_346 = arith.constant 0 : i32
      %dma_start3A_347 = arith.constant 0 : i32
      %dma_start3A_348 = tpu.memref_slice %arg2[%dma_start3A_346, %dma_start3A_347] : memref<40000x128xf32, #tpu.memory_space<hbm>> -> memref<40000x128xf32, #tpu.memory_space<hbm>>
      tpu.enqueue_indirect_dma source(%dma_start3A_348 : memref<40000x128xf32, #tpu.memory_space<hbm>>) target(%arg13 : memref<80x128xf32, #tpu.memory_space<vmem>>) offsets(%arg19 : memref<80xi32, #tpu.memory_space<vmem>>) semaphore(%arg29 : memref<!tpu.dma_semaphore, #tpu.memory_space<semaphore_mem>>)
      %dma_start3A_349 = arith.constant 0 : i32
      %dma_start3A_350 = arith.constant 0 : i32
      %dma_start3A_351 = tpu.memref_slice %arg6[%dma_start3A_349, %dma_start3A_350] : memref<40960x16xf32, #tpu.memory_space<hbm>> -> memref<40960x16xf32, #tpu.memory_space<hbm>>
      tpu.enqueue_indirect_dma source(%dma_start3A_351 : memref<40960x16xf32, #tpu.memory_space<hbm>>) target(%arg16 : memref<80x16xf32, #tpu.memory_space<vmem>>) offsets(%arg25 : memref<80xi32, #tpu.memory_space<vmem>>) semaphore(%arg32 : memref<!tpu.dma_semaphore, #tpu.memory_space<semaphore_mem>>)
      %scan3A_352 = arith.constant 0 : i32
      %scan3A_353 = arith.constant 0 : i32
      %scan3A_354 = arith.constant 25 : i32
      %scan3A_355 = arith.addi %scan3A_353, %scan3A_354 : i32
      %scan3A_356 = arith.constant 1 : i32
      scf.for %scan3A_366 = %scan3A_353 to %scan3A_355 step %scan3A_356  : i32 {
        %rem3A = arith.constant 3 : i32
        %rem3A_367 = arith.remsi %scan3A_366, %rem3A : i32
        %eq3A_368 = arith.constant 0 : i32
        %eq3A_369 = arith.cmpi eq, %rem3A_367, %eq3A_368 : i32
        %convert_element_type3A_370 = arith.extui %eq3A_369 : i1 to i32
        %cond3A_371 = arith.constant 0 : i32
        %cond3A_372 = arith.cmpi ne, %convert_element_type3A_370, %cond3A_371 : i32
        scf.if %cond3A_372 {
          %dma_wait3A_387 = arith.constant 0 : i32
          %dma_wait3A_388 = arith.constant 0 : i32
          %dma_wait3A_389 = tpu.memref_slice %arg2[%dma_wait3A_387, %dma_wait3A_388] : memref<40000x128xf32, #tpu.memory_space<hbm>> -> memref<40000x128xf32, #tpu.memory_space<hbm>>
          tpu.wait_indirect_dma semaphore(%arg28 : memref<!tpu.dma_semaphore, #tpu.memory_space<semaphore_mem>>) src(%dma_wait3A_389 : memref<40000x128xf32, #tpu.memory_space<hbm>>) dst(%arg12 : memref<80x128xf32, #tpu.memory_space<vmem>>)
          %dma_wait3A_390 = arith.constant 0 : i32
          %dma_wait3A_391 = arith.constant 0 : i32
          %dma_wait3A_392 = tpu.memref_slice %arg6[%dma_wait3A_390, %dma_wait3A_391] : memref<40960x16xf32, #tpu.memory_space<hbm>> -> memref<40960x16xf32, #tpu.memory_space<hbm>>
          tpu.wait_indirect_dma semaphore(%arg31 : memref<!tpu.dma_semaphore, #tpu.memory_space<semaphore_mem>>) src(%dma_wait3A_392 : memref<40960x16xf32, #tpu.memory_space<hbm>>) dst(%arg15 : memref<80x16xf32, #tpu.memory_space<vmem>>)
          %scan3A_393 = arith.constant 0 : i32
          %scan3A_394 = arith.constant 0 : i32
          %scan3A_395 = arith.constant 20 : i32
          %scan3A_396 = arith.addi %scan3A_394, %scan3A_395 : i32
          %scan3A_397 = arith.constant 1 : i32
          scf.for %scan3A_402 = %scan3A_394 to %scan3A_396 step %scan3A_397  : i32 {
            %mul3A_403 = arith.constant 4 : i32
            %mul3A_404 = arith.muli %scan3A_402, %mul3A_403 : i32
            %add3A_405 = arith.constant 0 : i32
            %add3A_406 = arith.addi %mul3A_404, %add3A_405 : i32
            %get3A_407 = arith.index_cast %add3A_406 : i32 to index
            %get3A_408 = arith.constant 0 : index
            %get3A_409 = tpu.vector_load %arg15[%get3A_407, %get3A_408] {strides = array<i32>} : memref<80x16xf32, #tpu.memory_space<vmem>>, vector<1x16xf32>,
            %get3A_410 = vector.shape_cast %get3A_409 : vector<1x16xf32> to vector<16xf32>
            %get3A_411 = arith.index_cast %add3A_406 : i32 to index
            %get3A_412 = arith.constant 0 : index
            %get3A_413 = tpu.vector_load %arg12[%get3A_411, %get3A_412] {strides = array<i32>} : memref<80x128xf32, #tpu.memory_space<vmem>>, vector<1x16xf32>,
            %get3A_414 = vector.shape_cast %get3A_413 : vector<1x16xf32> to vector<16xf32>
            %mul3A_415 = arith.mulf %get3A_414, %get3A_410 : vector<16xf32>
            %swap3A_416 = arith.index_cast %add3A_406 : i32 to index
            %swap3A_417 = arith.constant 0 : index
            %swap3A_418 = tpu.vector_load %arg12[%swap3A_416, %swap3A_417] {strides = array<i32>} : memref<80x128xf32, #tpu.memory_space<vmem>>, vector<1x16xf32>,
            %swap3A_419 = vector.shape_cast %swap3A_418 : vector<1x16xf32> to vector<16xf32>
            %swap3A_420 = vector.shape_cast %mul3A_415 : vector<16xf32> to vector<1x16xf32>
            tpu.vector_store %arg12[%swap3A_416, %swap3A_417], %swap3A_420 {strides = array<i32>} : memref<80x128xf32, #tpu.memory_space<vmem>>, vector<1x16xf32>,
            %get3A_421 = arith.index_cast %add3A_406 : i32 to index
            %get3A_422 = arith.constant 16 : index
            %get3A_423 = tpu.vector_load %arg12[%get3A_421, %get3A_422] {strides = array<i32>} : memref<80x128xf32, #tpu.memory_space<vmem>>, vector<1x16xf32>,
            %get3A_424 = vector.shape_cast %get3A_423 : vector<1x16xf32> to vector<16xf32>
            %mul3A_425 = arith.mulf %get3A_424, %get3A_410 : vector<16xf32>
            %swap3A_426 = arith.index_cast %add3A_406 : i32 to index
            %swap3A_427 = arith.constant 16 : index
            %swap3A_428 = tpu.vector_load %arg12[%swap3A_426, %swap3A_427] {strides = array<i32>} : memref<80x128xf32, #tpu.memory_space<vmem>>, vector<1x16xf32>,
            %swap3A_429 = vector.shape_cast %swap3A_428 : vector<1x16xf32> to vector<16xf32>
            %swap3A_430 = vector.shape_cast %mul3A_425 : vector<16xf32> to vector<1x16xf32>
            tpu.vector_store %arg12[%swap3A_426, %swap3A_427], %swap3A_430 {strides = array<i32>} : memref<80x128xf32, #tpu.memory_space<vmem>>, vector<1x16xf32>,
            %get3A_431 = arith.index_cast %add3A_406 : i32 to index
            %get3A_432 = arith.constant 32 : index
            %get3A_433 = tpu.vector_load %arg12[%get3A_431, %get3A_432] {strides = array<i32>} : memref<80x128xf32, #tpu.memory_space<vmem>>, vector<1x16xf32>,
            %get3A_434 = vector.shape_cast %get3A_433 : vector<1x16xf32> to vector<16xf32>
            %mul3A_435 = arith.mulf %get3A_434, %get3A_410 : vector<16xf32>
            %swap3A_436 = arith.index_cast %add3A_406 : i32 to index
            %swap3A_437 = arith.constant 32 : index
            %swap3A_438 = tpu.vector_load %arg12[%swap3A_436, %swap3A_437] {strides = array<i32>} : memref<80x128xf32, #tpu.memory_space<vmem>>, vector<1x16xf32>,
            %swap3A_439 = vector.shape_cast %swap3A_438 : vector<1x16xf32> to vector<16xf32>
            %swap3A_440 = vector.shape_cast %mul3A_435 : vector<16xf32> to vector<1x16xf32>
            tpu.vector_store %arg12[%swap3A_436, %swap3A_437], %swap3A_440 {strides = array<i32>} : memref<80x128xf32, #tpu.memory_space<vmem>>, vector<1x16xf32>,
            %get3A_441 = arith.index_cast %add3A_406 : i32 to index
            %get3A_442 = arith.constant 48 : index
            %get3A_443 = tpu.vector_load %arg12[%get3A_441, %get3A_442] {strides = array<i32>} : memref<80x128xf32, #tpu.memory_space<vmem>>, vector<1x16xf32>,
            %get3A_444 = vector.shape_cast %get3A_443 : vector<1x16xf32> to vector<16xf32>
            %mul3A_445 = arith.mulf %get3A_444, %get3A_410 : vector<16xf32>
            %swap3A_446 = arith.index_cast %add3A_406 : i32 to index
            %swap3A_447 = arith.constant 48 : index
            %swap3A_448 = tpu.vector_load %arg12[%swap3A_446, %swap3A_447] {strides = array<i32>} : memref<80x128xf32, #tpu.memory_space<vmem>>, vector<1x16xf32>,
            %swap3A_449 = vector.shape_cast %swap3A_448 : vector<1x16xf32> to vector<16xf32>
            %swap3A_450 = vector.shape_cast %mul3A_445 : vector<16xf32> to vector<1x16xf32>
            tpu.vector_store %arg12[%swap3A_446, %swap3A_447], %swap3A_450 {strides = array<i32>} : memref<80x128xf32, #tpu.memory_space<vmem>>, vector<1x16xf32>,
            %get3A_451 = arith.index_cast %add3A_406 : i32 to index
            %get3A_452 = arith.constant 64 : index
            %get3A_453 = tpu.vector_load %arg12[%get3A_451, %get3A_452] {strides = array<i32>} : memref<80x128xf32, #tpu.memory_space<vmem>>, vector<1x16xf32>,
            %get3A_454 = vector.shape_cast %get3A_453 : vector<1x16xf32> to vector<16xf32>
            %mul3A_455 = arith.mulf %get3A_454, %get3A_410 : vector<16xf32>
            %swap3A_456 = arith.index_cast %add3A_406 : i32 to index
            %swap3A_457 = arith.constant 64 : index
            %swap3A_458 = tpu.vector_load %arg12[%swap3A_456, %swap3A_457] {strides = array<i32>} : memref<80x128xf32, #tpu.memory_space<vmem>>, vector<1x16xf32>,
            %swap3A_459 = vector.shape_cast %swap3A_458 : vector<1x16xf32> to vector<16xf32>
            %swap3A_460 = vector.shape_cast %mul3A_455 : vector<16xf32> to vector<1x16xf32>
            tpu.vector_store %arg12[%swap3A_456, %swap3A_457], %swap3A_460 {strides = array<i32>} : memref<80x128xf32, #tpu.memory_space<vmem>>, vector<1x16xf32>,
            %get3A_461 = arith.index_cast %add3A_406 : i32 to index
            %get3A_462 = arith.constant 80 : index
            %get3A_463 = tpu.vector_load %arg12[%get3A_461, %get3A_462] {strides = array<i32>} : memref<80x128xf32, #tpu.memory_space<vmem>>, vector<1x16xf32>,
            %get3A_464 = vector.shape_cast %get3A_463 : vector<1x16xf32> to vector<16xf32>
            %mul3A_465 = arith.mulf %get3A_464, %get3A_410 : vector<16xf32>
            %swap3A_466 = arith.index_cast %add3A_406 : i32 to index
            %swap3A_467 = arith.constant 80 : index
            %swap3A_468 = tpu.vector_load %arg12[%swap3A_466, %swap3A_467] {strides = array<i32>} : memref<80x128xf32, #tpu.memory_space<vmem>>, vector<1x16xf32>,
            %swap3A_469 = vector.shape_cast %swap3A_468 : vector<1x16xf32> to vector<16xf32>
            %swap3A_470 = vector.shape_cast %mul3A_465 : vector<16xf32> to vector<1x16xf32>
            tpu.vector_store %arg12[%swap3A_466, %swap3A_467], %swap3A_470 {strides = array<i32>} : memref<80x128xf32, #tpu.memory_space<vmem>>, vector<1x16xf32>,
            %get3A_471 = arith.index_cast %add3A_406 : i32 to index
            %get3A_472 = arith.constant 96 : index
            %get3A_473 = tpu.vector_load %arg12[%get3A_471, %get3A_472] {strides = array<i32>} : memref<80x128xf32, #tpu.memory_space<vmem>>, vector<1x16xf32>,
            %get3A_474 = vector.shape_cast %get3A_473 : vector<1x16xf32> to vector<16xf32>
            %mul3A_475 = arith.mulf %get3A_474, %get3A_410 : vector<16xf32>
            %swap3A_476 = arith.index_cast %add3A_406 : i32 to index
            %swap3A_477 = arith.constant 96 : index
            %swap3A_478 = tpu.vector_load %arg12[%swap3A_476, %swap3A_477] {strides = array<i32>} : memref<80x128xf32, #tpu.memory_space<vmem>>, vector<1x16xf32>,
            %swap3A_479 = vector.shape_cast %swap3A_478 : vector<1x16xf32> to vector<16xf32>
            %swap3A_480 = vector.shape_cast %mul3A_475 : vector<16xf32> to vector<1x16xf32>
            tpu.vector_store %arg12[%swap3A_476, %swap3A_477], %swap3A_480 {strides = array<i32>} : memref<80x128xf32, #tpu.memory_space<vmem>>, vector<1x16xf32>,
            %get3A_481 = arith.index_cast %add3A_406 : i32 to index
            %get3A_482 = arith.constant 112 : index
            %get3A_483 = tpu.vector_load %arg12[%get3A_481, %get3A_482] {strides = array<i32>} : memref<80x128xf32, #tpu.memory_space<vmem>>, vector<1x16xf32>,
            %get3A_484 = vector.shape_cast %get3A_483 : vector<1x16xf32> to vector<16xf32>
            %mul3A_485 = arith.mulf %get3A_484, %get3A_410 : vector<16xf32>
            %swap3A_486 = arith.index_cast %add3A_406 : i32 to index
            %swap3A_487 = arith.constant 112 : index
            %swap3A_488 = tpu.vector_load %arg12[%swap3A_486, %swap3A_487] {strides = array<i32>} : memref<80x128xf32, #tpu.memory_space<vmem>>, vector<1x16xf32>,
            %swap3A_489 = vector.shape_cast %swap3A_488 : vector<1x16xf32> to vector<16xf32>
            %swap3A_490 = vector.shape_cast %mul3A_485 : vector<16xf32> to vector<1x16xf32>
            tpu.vector_store %arg12[%swap3A_486, %swap3A_487], %swap3A_490 {strides = array<i32>} : memref<80x128xf32, #tpu.memory_space<vmem>>, vector<1x16xf32>,
            %mul3A_491 = arith.constant 4 : i32
            %mul3A_492 = arith.muli %scan3A_402, %mul3A_491 : i32
            %add3A_493 = arith.constant 1 : i32
            %add3A_494 = arith.addi %mul3A_492, %add3A_493 : i32
            %get3A_495 = arith.index_cast %add3A_494 : i32 to index
            %get3A_496 = arith.constant 0 : index
            %get3A_497 = tpu.vector_load %arg15[%get3A_495, %get3A_496] {strides = array<i32>} : memref<80x16xf32, #tpu.memory_space<vmem>>, vector<1x16xf32>,
            %get3A_498 = vector.shape_cast %get3A_497 : vector<1x16xf32> to vector<16xf32>
            %get3A_499 = arith.index_cast %add3A_494 : i32 to index
            %get3A_500 = arith.constant 0 : index
            %get3A_501 = tpu.vector_load %arg12[%get3A_499, %get3A_500] {strides = array<i32>} : memref<80x128xf32, #tpu.memory_space<vmem>>, vector<1x16xf32>,
            %get3A_502 = vector.shape_cast %get3A_501 : vector<1x16xf32> to vector<16xf32>
            %mul3A_503 = arith.mulf %get3A_502, %get3A_498 : vector<16xf32>
            %swap3A_504 = arith.index_cast %add3A_494 : i32 to index
            %swap3A_505 = arith.constant 0 : index
            %swap3A_506 = tpu.vector_load %arg12[%swap3A_504, %swap3A_505] {strides = array<i32>} : memref<80x128xf32, #tpu.memory_space<vmem>>, vector<1x16xf32>,
            %swap3A_507 = vector.shape_cast %swap3A_506 : vector<1x16xf32> to vector<16xf32>
            %swap3A_508 = vector.shape_cast %mul3A_503 : vector<16xf32> to vector<1x16xf32>
            tpu.vector_store %arg12[%swap3A_504, %swap3A_505], %swap3A_508 {strides = array<i32>} : memref<80x128xf32, #tpu.memory_space<vmem>>, vector<1x16xf32>,
            %get3A_509 = arith.index_cast %add3A_494 : i32 to index
            %get3A_510 = arith.constant 16 : index
            %get3A_511 = tpu.vector_load %arg12[%get3A_509, %get3A_510] {strides = array<i32>} : memref<80x128xf32, #tpu.memory_space<vmem>>, vector<1x16xf32>,
            %get3A_512 = vector.shape_cast %get3A_511 : vector<1x16xf32> to vector<16xf32>
            %mul3A_513 = arith.mulf %get3A_512, %get3A_498 : vector<16xf32>
            %swap3A_514 = arith.index_cast %add3A_494 : i32 to index
            %swap3A_515 = arith.constant 16 : index
            %swap3A_516 = tpu.vector_load %arg12[%swap3A_514, %swap3A_515] {strides = array<i32>} : memref<80x128xf32, #tpu.memory_space<vmem>>, vector<1x16xf32>,
            %swap3A_517 = vector.shape_cast %swap3A_516 : vector<1x16xf32> to vector<16xf32>
            %swap3A_518 = vector.shape_cast %mul3A_513 : vector<16xf32> to vector<1x16xf32>
            tpu.vector_store %arg12[%swap3A_514, %swap3A_515], %swap3A_518 {strides = array<i32>} : memref<80x128xf32, #tpu.memory_space<vmem>>, vector<1x16xf32>,
            %get3A_519 = arith.index_cast %add3A_494 : i32 to index
            %get3A_520 = arith.constant 32 : index
            %get3A_521 = tpu.vector_load %arg12[%get3A_519, %get3A_520] {strides = array<i32>} : memref<80x128xf32, #tpu.memory_space<vmem>>, vector<1x16xf32>,
            %get3A_522 = vector.shape_cast %get3A_521 : vector<1x16xf32> to vector<16xf32>
            %mul3A_523 = arith.mulf %get3A_522, %get3A_498 : vector<16xf32>
            %swap3A_524 = arith.index_cast %add3A_494 : i32 to index
            %swap3A_525 = arith.constant 32 : index
            %swap3A_526 = tpu.vector_load %arg12[%swap3A_524, %swap3A_525] {strides = array<i32>} : memref<80x128xf32, #tpu.memory_space<vmem>>, vector<1x16xf32>,
            %swap3A_527 = vector.shape_cast %swap3A_526 : vector<1x16xf32> to vector<16xf32>
            %swap3A_528 = vector.shape_cast %mul3A_523 : vector<16xf32> to vector<1x16xf32>
            tpu.vector_store %arg12[%swap3A_524, %swap3A_525], %swap3A_528 {strides = array<i32>} : memref<80x128xf32, #tpu.memory_space<vmem>>, vector<1x16xf32>,
            %get3A_529 = arith.index_cast %add3A_494 : i32 to index
            %get3A_530 = arith.constant 48 : index
            %get3A_531 = tpu.vector_load %arg12[%get3A_529, %get3A_530] {strides = array<i32>} : memref<80x128xf32, #tpu.memory_space<vmem>>, vector<1x16xf32>,
            %get3A_532 = vector.shape_cast %get3A_531 : vector<1x16xf32> to vector<16xf32>
            %mul3A_533 = arith.mulf %get3A_532, %get3A_498 : vector<16xf32>
            %swap3A_534 = arith.index_cast %add3A_494 : i32 to index
            %swap3A_535 = arith.constant 48 : index
            %swap3A_536 = tpu.vector_load %arg12[%swap3A_534, %swap3A_535] {strides = array<i32>} : memref<80x128xf32, #tpu.memory_space<vmem>>, vector<1x16xf32>,
            %swap3A_537 = vector.shape_cast %swap3A_536 : vector<1x16xf32> to vector<16xf32>
            %swap3A_538 = vector.shape_cast %mul3A_533 : vector<16xf32> to vector<1x16xf32>
            tpu.vector_store %arg12[%swap3A_534, %swap3A_535], %swap3A_538 {strides = array<i32>} : memref<80x128xf32, #tpu.memory_space<vmem>>, vector<1x16xf32>,
            %get3A_539 = arith.index_cast %add3A_494 : i32 to index
            %get3A_540 = arith.constant 64 : index
            %get3A_541 = tpu.vector_load %arg12[%get3A_539, %get3A_540] {strides = array<i32>} : memref<80x128xf32, #tpu.memory_space<vmem>>, vector<1x16xf32>,
            %get3A_542 = vector.shape_cast %get3A_541 : vector<1x16xf32> to vector<16xf32>
            %mul3A_543 = arith.mulf %get3A_542, %get3A_498 : vector<16xf32>
            %swap3A_544 = arith.index_cast %add3A_494 : i32 to index
            %swap3A_545 = arith.constant 64 : index
            %swap3A_546 = tpu.vector_load %arg12[%swap3A_544, %swap3A_545] {strides = array<i32>} : memref<80x128xf32, #tpu.memory_space<vmem>>, vector<1x16xf32>,
            %swap3A_547 = vector.shape_cast %swap3A_546 : vector<1x16xf32> to vector<16xf32>
            %swap3A_548 = vector.shape_cast %mul3A_543 : vector<16xf32> to vector<1x16xf32>
            tpu.vector_store %arg12[%swap3A_544, %swap3A_545], %swap3A_548 {strides = array<i32>} : memref<80x128xf32, #tpu.memory_space<vmem>>, vector<1x16xf32>,
            %get3A_549 = arith.index_cast %add3A_494 : i32 to index
            %get3A_550 = arith.constant 80 : index
            %get3A_551 = tpu.vector_load %arg12[%get3A_549, %get3A_550] {strides = array<i32>} : memref<80x128xf32, #tpu.memory_space<vmem>>, vector<1x16xf32>,
            %get3A_552 = vector.shape_cast %get3A_551 : vector<1x16xf32> to vector<16xf32>
            %mul3A_553 = arith.mulf %get3A_552, %get3A_498 : vector<16xf32>
            %swap3A_554 = arith.index_cast %add3A_494 : i32 to index
            %swap3A_555 = arith.constant 80 : index
            %swap3A_556 = tpu.vector_load %arg12[%swap3A_554, %swap3A_555] {strides = array<i32>} : memref<80x128xf32, #tpu.memory_space<vmem>>, vector<1x16xf32>,
            %swap3A_557 = vector.shape_cast %swap3A_556 : vector<1x16xf32> to vector<16xf32>
            %swap3A_558 = vector.shape_cast %mul3A_553 : vector<16xf32> to vector<1x16xf32>
            tpu.vector_store %arg12[%swap3A_554, %swap3A_555], %swap3A_558 {strides = array<i32>} : memref<80x128xf32, #tpu.memory_space<vmem>>, vector<1x16xf32>,
            %get3A_559 = arith.index_cast %add3A_494 : i32 to index
            %get3A_560 = arith.constant 96 : index
            %get3A_561 = tpu.vector_load %arg12[%get3A_559, %get3A_560] {strides = array<i32>} : memref<80x128xf32, #tpu.memory_space<vmem>>, vector<1x16xf32>,
            %get3A_562 = vector.shape_cast %get3A_561 : vector<1x16xf32> to vector<16xf32>
            %mul3A_563 = arith.mulf %get3A_562, %get3A_498 : vector<16xf32>
            %swap3A_564 = arith.index_cast %add3A_494 : i32 to index
            %swap3A_565 = arith.constant 96 : index
            %swap3A_566 = tpu.vector_load %arg12[%swap3A_564, %swap3A_565] {strides = array<i32>} : memref<80x128xf32, #tpu.memory_space<vmem>>, vector<1x16xf32>,
            %swap3A_567 = vector.shape_cast %swap3A_566 : vector<1x16xf32> to vector<16xf32>
            %swap3A_568 = vector.shape_cast %mul3A_563 : vector<16xf32> to vector<1x16xf32>
            tpu.vector_store %arg12[%swap3A_564, %swap3A_565], %swap3A_568 {strides = array<i32>} : memref<80x128xf32, #tpu.memory_space<vmem>>, vector<1x16xf32>,
            %get3A_569 = arith.index_cast %add3A_494 : i32 to index
            %get3A_570 = arith.constant 112 : index
            %get3A_571 = tpu.vector_load %arg12[%get3A_569, %get3A_570] {strides = array<i32>} : memref<80x128xf32, #tpu.memory_space<vmem>>, vector<1x16xf32>,
            %get3A_572 = vector.shape_cast %get3A_571 : vector<1x16xf32> to vector<16xf32>
            %mul3A_573 = arith.mulf %get3A_572, %get3A_498 : vector<16xf32>
            %swap3A_574 = arith.index_cast %add3A_494 : i32 to index
            %swap3A_575 = arith.constant 112 : index
            %swap3A_576 = tpu.vector_load %arg12[%swap3A_574, %swap3A_575] {strides = array<i32>} : memref<80x128xf32, #tpu.memory_space<vmem>>, vector<1x16xf32>,
            %swap3A_577 = vector.shape_cast %swap3A_576 : vector<1x16xf32> to vector<16xf32>
            %swap3A_578 = vector.shape_cast %mul3A_573 : vector<16xf32> to vector<1x16xf32>
            tpu.vector_store %arg12[%swap3A_574, %swap3A_575], %swap3A_578 {strides = array<i32>} : memref<80x128xf32, #tpu.memory_space<vmem>>, vector<1x16xf32>,
            %mul3A_579 = arith.constant 4 : i32
            %mul3A_580 = arith.muli %scan3A_402, %mul3A_579 : i32
            %add3A_581 = arith.constant 2 : i32
            %add3A_582 = arith.addi %mul3A_580, %add3A_581 : i32
            %get3A_583 = arith.index_cast %add3A_582 : i32 to index
            %get3A_584 = arith.constant 0 : index
            %get3A_585 = tpu.vector_load %arg15[%get3A_583, %get3A_584] {strides = array<i32>} : memref<80x16xf32, #tpu.memory_space<vmem>>, vector<1x16xf32>,
            %get3A_586 = vector.shape_cast %get3A_585 : vector<1x16xf32> to vector<16xf32>
            %get3A_587 = arith.index_cast %add3A_582 : i32 to index
            %get3A_588 = arith.constant 0 : index
            %get3A_589 = tpu.vector_load %arg12[%get3A_587, %get3A_588] {strides = array<i32>} : memref<80x128xf32, #tpu.memory_space<vmem>>, vector<1x16xf32>,
            %get3A_590 = vector.shape_cast %get3A_589 : vector<1x16xf32> to vector<16xf32>
            %mul3A_591 = arith.mulf %get3A_590, %get3A_586 : vector<16xf32>
            %swap3A_592 = arith.index_cast %add3A_582 : i32 to index
            %swap3A_593 = arith.constant 0 : index
            %swap3A_594 = tpu.vector_load %arg12[%swap3A_592, %swap3A_593] {strides = array<i32>} : memref<80x128xf32, #tpu.memory_space<vmem>>, vector<1x16xf32>,
            %swap3A_595 = vector.shape_cast %swap3A_594 : vector<1x16xf32> to vector<16xf32>
            %swap3A_596 = vector.shape_cast %mul3A_591 : vector<16xf32> to vector<1x16xf32>
            tpu.vector_store %arg12[%swap3A_592, %swap3A_593], %swap3A_596 {strides = array<i32>} : memref<80x128xf32, #tpu.memory_space<vmem>>, vector<1x16xf32>,
            %get3A_597 = arith.index_cast %add3A_582 : i32 to index
            %get3A_598 = arith.constant 16 : index
            %get3A_599 = tpu.vector_load %arg12[%get3A_597, %get3A_598] {strides = array<i32>} : memref<80x128xf32, #tpu.memory_space<vmem>>, vector<1x16xf32>,
            %get3A_600 = vector.shape_cast %get3A_599 : vector<1x16xf32> to vector<16xf32>
            %mul3A_601 = arith.mulf %get3A_600, %get3A_586 : vector<16xf32>
            %swap3A_602 = arith.index_cast %add3A_582 : i32 to index
            %swap3A_603 = arith.constant 16 : index
            %swap3A_604 = tpu.vector_load %arg12[%swap3A_602, %swap3A_603] {strides = array<i32>} : memref<80x128xf32, #tpu.memory_space<vmem>>, vector<1x16xf32>,
            %swap3A_605 = vector.shape_cast %swap3A_604 : vector<1x16xf32> to vector<16xf32>
            %swap3A_606 = vector.shape_cast %mul3A_601 : vector<16xf32> to vector<1x16xf32>
            tpu.vector_store %arg12[%swap3A_602, %swap3A_603], %swap3A_606 {strides = array<i32>} : memref<80x128xf32, #tpu.memory_space<vmem>>, vector<1x16xf32>,
            %get3A_607 = arith.index_cast %add3A_582 : i32 to index
            %get3A_608 = arith.constant 32 : index
            %get3A_609 = tpu.vector_load %arg12[%get3A_607, %get3A_608] {strides = array<i32>} : memref<80x128xf32, #tpu.memory_space<vmem>>, vector<1x16xf32>,
            %get3A_610 = vector.shape_cast %get3A_609 : vector<1x16xf32> to vector<16xf32>
            %mul3A_611 = arith.mulf %get3A_610, %get3A_586 : vector<16xf32>
            %swap3A_612 = arith.index_cast %add3A_582 : i32 to index
            %swap3A_613 = arith.constant 32 : index
            %swap3A_614 = tpu.vector_load %arg12[%swap3A_612, %swap3A_613] {strides = array<i32>} : memref<80x128xf32, #tpu.memory_space<vmem>>, vector<1x16xf32>,
            %swap3A_615 = vector.shape_cast %swap3A_614 : vector<1x16xf32> to vector<16xf32>
            %swap3A_616 = vector.shape_cast %mul3A_611 : vector<16xf32> to vector<1x16xf32>
            tpu.vector_store %arg12[%swap3A_612, %swap3A_613], %swap3A_616 {strides = array<i32>} : memref<80x128xf32, #tpu.memory_space<vmem>>, vector<1x16xf32>,
            %get3A_617 = arith.index_cast %add3A_582 : i32 to index
            %get3A_618 = arith.constant 48 : index
            %get3A_619 = tpu.vector_load %arg12[%get3A_617, %get3A_618] {strides = array<i32>} : memref<80x128xf32, #tpu.memory_space<vmem>>, vector<1x16xf32>,
            %get3A_620 = vector.shape_cast %get3A_619 : vector<1x16xf32> to vector<16xf32>
            %mul3A_621 = arith.mulf %get3A_620, %get3A_586 : vector<16xf32>
            %swap3A_622 = arith.index_cast %add3A_582 : i32 to index
            %swap3A_623 = arith.constant 48 : index
            %swap3A_624 = tpu.vector_load %arg12[%swap3A_622, %swap3A_623] {strides = array<i32>} : memref<80x128xf32, #tpu.memory_space<vmem>>, vector<1x16xf32>,
            %swap3A_625 = vector.shape_cast %swap3A_624 : vector<1x16xf32> to vector<16xf32>
            %swap3A_626 = vector.shape_cast %mul3A_621 : vector<16xf32> to vector<1x16xf32>
            tpu.vector_store %arg12[%swap3A_622, %swap3A_623], %swap3A_626 {strides = array<i32>} : memref<80x128xf32, #tpu.memory_space<vmem>>, vector<1x16xf32>,
            %get3A_627 = arith.index_cast %add3A_582 : i32 to index
            %get3A_628 = arith.constant 64 : index
            %get3A_629 = tpu.vector_load %arg12[%get3A_627, %get3A_628] {strides = array<i32>} : memref<80x128xf32, #tpu.memory_space<vmem>>, vector<1x16xf32>,
            %get3A_630 = vector.shape_cast %get3A_629 : vector<1x16xf32> to vector<16xf32>
            %mul3A_631 = arith.mulf %get3A_630, %get3A_586 : vector<16xf32>
            %swap3A_632 = arith.index_cast %add3A_582 : i32 to index
            %swap3A_633 = arith.constant 64 : index
            %swap3A_634 = tpu.vector_load %arg12[%swap3A_632, %swap3A_633] {strides = array<i32>} : memref<80x128xf32, #tpu.memory_space<vmem>>, vector<1x16xf32>,
            %swap3A_635 = vector.shape_cast %swap3A_634 : vector<1x16xf32> to vector<16xf32>
            %swap3A_636 = vector.shape_cast %mul3A_631 : vector<16xf32> to vector<1x16xf32>
            tpu.vector_store %arg12[%swap3A_632, %swap3A_633], %swap3A_636 {strides = array<i32>} : memref<80x128xf32, #tpu.memory_space<vmem>>, vector<1x16xf32>,
            %get3A_637 = arith.index_cast %add3A_582 : i32 to index
            %get3A_638 = arith.constant 80 : index
            %get3A_639 = tpu.vector_load %arg12[%get3A_637, %get3A_638] {strides = array<i32>} : memref<80x128xf32, #tpu.memory_space<vmem>>, vector<1x16xf32>,
            %get3A_640 = vector.shape_cast %get3A_639 : vector<1x16xf32> to vector<16xf32>
            %mul3A_641 = arith.mulf %get3A_640, %get3A_586 : vector<16xf32>
            %swap3A_642 = arith.index_cast %add3A_582 : i32 to index
            %swap3A_643 = arith.constant 80 : index
            %swap3A_644 = tpu.vector_load %arg12[%swap3A_642, %swap3A_643] {strides = array<i32>} : memref<80x128xf32, #tpu.memory_space<vmem>>, vector<1x16xf32>,
            %swap3A_645 = vector.shape_cast %swap3A_644 : vector<1x16xf32> to vector<16xf32>
            %swap3A_646 = vector.shape_cast %mul3A_641 : vector<16xf32> to vector<1x16xf32>
            tpu.vector_store %arg12[%swap3A_642, %swap3A_643], %swap3A_646 {strides = array<i32>} : memref<80x128xf32, #tpu.memory_space<vmem>>, vector<1x16xf32>,
            %get3A_647 = arith.index_cast %add3A_582 : i32 to index
            %get3A_648 = arith.constant 96 : index
            %get3A_649 = tpu.vector_load %arg12[%get3A_647, %get3A_648] {strides = array<i32>} : memref<80x128xf32, #tpu.memory_space<vmem>>, vector<1x16xf32>,
            %get3A_650 = vector.shape_cast %get3A_649 : vector<1x16xf32> to vector<16xf32>
            %mul3A_651 = arith.mulf %get3A_650, %get3A_586 : vector<16xf32>
            %swap3A_652 = arith.index_cast %add3A_582 : i32 to index
            %swap3A_653 = arith.constant 96 : index
            %swap3A_654 = tpu.vector_load %arg12[%swap3A_652, %swap3A_653] {strides = array<i32>} : memref<80x128xf32, #tpu.memory_space<vmem>>, vector<1x16xf32>,
            %swap3A_655 = vector.shape_cast %swap3A_654 : vector<1x16xf32> to vector<16xf32>
            %swap3A_656 = vector.shape_cast %mul3A_651 : vector<16xf32> to vector<1x16xf32>
            tpu.vector_store %arg12[%swap3A_652, %swap3A_653], %swap3A_656 {strides = array<i32>} : memref<80x128xf32, #tpu.memory_space<vmem>>, vector<1x16xf32>,
            %get3A_657 = arith.index_cast %add3A_582 : i32 to index
            %get3A_658 = arith.constant 112 : index
            %get3A_659 = tpu.vector_load %arg12[%get3A_657, %get3A_658] {strides = array<i32>} : memref<80x128xf32, #tpu.memory_space<vmem>>, vector<1x16xf32>,
            %get3A_660 = vector.shape_cast %get3A_659 : vector<1x16xf32> to vector<16xf32>
            %mul3A_661 = arith.mulf %get3A_660, %get3A_586 : vector<16xf32>
            %swap3A_662 = arith.index_cast %add3A_582 : i32 to index
            %swap3A_663 = arith.constant 112 : index
            %swap3A_664 = tpu.vector_load %arg12[%swap3A_662, %swap3A_663] {strides = array<i32>} : memref<80x128xf32, #tpu.memory_space<vmem>>, vector<1x16xf32>,
            %swap3A_665 = vector.shape_cast %swap3A_664 : vector<1x16xf32> to vector<16xf32>
            %swap3A_666 = vector.shape_cast %mul3A_661 : vector<16xf32> to vector<1x16xf32>
            tpu.vector_store %arg12[%swap3A_662, %swap3A_663], %swap3A_666 {strides = array<i32>} : memref<80x128xf32, #tpu.memory_space<vmem>>, vector<1x16xf32>,
            %mul3A_667 = arith.constant 4 : i32
            %mul3A_668 = arith.muli %scan3A_402, %mul3A_667 : i32
            %add3A_669 = arith.constant 3 : i32
            %add3A_670 = arith.addi %mul3A_668, %add3A_669 : i32
            %get3A_671 = arith.index_cast %add3A_670 : i32 to index
            %get3A_672 = arith.constant 0 : index
            %get3A_673 = tpu.vector_load %arg15[%get3A_671, %get3A_672] {strides = array<i32>} : memref<80x16xf32, #tpu.memory_space<vmem>>, vector<1x16xf32>,
            %get3A_674 = vector.shape_cast %get3A_673 : vector<1x16xf32> to vector<16xf32>
            %get3A_675 = arith.index_cast %add3A_670 : i32 to index
            %get3A_676 = arith.constant 0 : index
            %get3A_677 = tpu.vector_load %arg12[%get3A_675, %get3A_676] {strides = array<i32>} : memref<80x128xf32, #tpu.memory_space<vmem>>, vector<1x16xf32>,
            %get3A_678 = vector.shape_cast %get3A_677 : vector<1x16xf32> to vector<16xf32>
            %mul3A_679 = arith.mulf %get3A_678, %get3A_674 : vector<16xf32>
            %swap3A_680 = arith.index_cast %add3A_670 : i32 to index
            %swap3A_681 = arith.constant 0 : index
            %swap3A_682 = tpu.vector_load %arg12[%swap3A_680, %swap3A_681] {strides = array<i32>} : memref<80x128xf32, #tpu.memory_space<vmem>>, vector<1x16xf32>,
            %swap3A_683 = vector.shape_cast %swap3A_682 : vector<1x16xf32> to vector<16xf32>
            %swap3A_684 = vector.shape_cast %mul3A_679 : vector<16xf32> to vector<1x16xf32>
            tpu.vector_store %arg12[%swap3A_680, %swap3A_681], %swap3A_684 {strides = array<i32>} : memref<80x128xf32, #tpu.memory_space<vmem>>, vector<1x16xf32>,
            %get3A_685 = arith.index_cast %add3A_670 : i32 to index
            %get3A_686 = arith.constant 16 : index
            %get3A_687 = tpu.vector_load %arg12[%get3A_685, %get3A_686] {strides = array<i32>} : memref<80x128xf32, #tpu.memory_space<vmem>>, vector<1x16xf32>,
            %get3A_688 = vector.shape_cast %get3A_687 : vector<1x16xf32> to vector<16xf32>
            %mul3A_689 = arith.mulf %get3A_688, %get3A_674 : vector<16xf32>
            %swap3A_690 = arith.index_cast %add3A_670 : i32 to index
            %swap3A_691 = arith.constant 16 : index
            %swap3A_692 = tpu.vector_load %arg12[%swap3A_690, %swap3A_691] {strides = array<i32>} : memref<80x128xf32, #tpu.memory_space<vmem>>, vector<1x16xf32>,
            %swap3A_693 = vector.shape_cast %swap3A_692 : vector<1x16xf32> to vector<16xf32>
            %swap3A_694 = vector.shape_cast %mul3A_689 : vector<16xf32> to vector<1x16xf32>
            tpu.vector_store %arg12[%swap3A_690, %swap3A_691], %swap3A_694 {strides = array<i32>} : memref<80x128xf32, #tpu.memory_space<vmem>>, vector<1x16xf32>,
            %get3A_695 = arith.index_cast %add3A_670 : i32 to index
            %get3A_696 = arith.constant 32 : index
            %get3A_697 = tpu.vector_load %arg12[%get3A_695, %get3A_696] {strides = array<i32>} : memref<80x128xf32, #tpu.memory_space<vmem>>, vector<1x16xf32>,
            %get3A_698 = vector.shape_cast %get3A_697 : vector<1x16xf32> to vector<16xf32>
            %mul3A_699 = arith.mulf %get3A_698, %get3A_674 : vector<16xf32>
            %swap3A_700 = arith.index_cast %add3A_670 : i32 to index
            %swap3A_701 = arith.constant 32 : index
            %swap3A_702 = tpu.vector_load %arg12[%swap3A_700, %swap3A_701] {strides = array<i32>} : memref<80x128xf32, #tpu.memory_space<vmem>>, vector<1x16xf32>,
            %swap3A_703 = vector.shape_cast %swap3A_702 : vector<1x16xf32> to vector<16xf32>
            %swap3A_704 = vector.shape_cast %mul3A_699 : vector<16xf32> to vector<1x16xf32>
            tpu.vector_store %arg12[%swap3A_700, %swap3A_701], %swap3A_704 {strides = array<i32>} : memref<80x128xf32, #tpu.memory_space<vmem>>, vector<1x16xf32>,
            %get3A_705 = arith.index_cast %add3A_670 : i32 to index
            %get3A_706 = arith.constant 48 : index
            %get3A_707 = tpu.vector_load %arg12[%get3A_705, %get3A_706] {strides = array<i32>} : memref<80x128xf32, #tpu.memory_space<vmem>>, vector<1x16xf32>,
            %get3A_708 = vector.shape_cast %get3A_707 : vector<1x16xf32> to vector<16xf32>
            %mul3A_709 = arith.mulf %get3A_708, %get3A_674 : vector<16xf32>
            %swap3A_710 = arith.index_cast %add3A_670 : i32 to index
            %swap3A_711 = arith.constant 48 : index
            %swap3A_712 = tpu.vector_load %arg12[%swap3A_710, %swap3A_711] {strides = array<i32>} : memref<80x128xf32, #tpu.memory_space<vmem>>, vector<1x16xf32>,
            %swap3A_713 = vector.shape_cast %swap3A_712 : vector<1x16xf32> to vector<16xf32>
            %swap3A_714 = vector.shape_cast %mul3A_709 : vector<16xf32> to vector<1x16xf32>
            tpu.vector_store %arg12[%swap3A_710, %swap3A_711], %swap3A_714 {strides = array<i32>} : memref<80x128xf32, #tpu.memory_space<vmem>>, vector<1x16xf32>,
            %get3A_715 = arith.index_cast %add3A_670 : i32 to index
            %get3A_716 = arith.constant 64 : index
            %get3A_717 = tpu.vector_load %arg12[%get3A_715, %get3A_716] {strides = array<i32>} : memref<80x128xf32, #tpu.memory_space<vmem>>, vector<1x16xf32>,
            %get3A_718 = vector.shape_cast %get3A_717 : vector<1x16xf32> to vector<16xf32>
            %mul3A_719 = arith.mulf %get3A_718, %get3A_674 : vector<16xf32>
            %swap3A_720 = arith.index_cast %add3A_670 : i32 to index
            %swap3A_721 = arith.constant 64 : index
            %swap3A_722 = tpu.vector_load %arg12[%swap3A_720, %swap3A_721] {strides = array<i32>} : memref<80x128xf32, #tpu.memory_space<vmem>>, vector<1x16xf32>,
            %swap3A_723 = vector.shape_cast %swap3A_722 : vector<1x16xf32> to vector<16xf32>
            %swap3A_724 = vector.shape_cast %mul3A_719 : vector<16xf32> to vector<1x16xf32>
            tpu.vector_store %arg12[%swap3A_720, %swap3A_721], %swap3A_724 {strides = array<i32>} : memref<80x128xf32, #tpu.memory_space<vmem>>, vector<1x16xf32>,
            %get3A_725 = arith.index_cast %add3A_670 : i32 to index
            %get3A_726 = arith.constant 80 : index
            %get3A_727 = tpu.vector_load %arg12[%get3A_725, %get3A_726] {strides = array<i32>} : memref<80x128xf32, #tpu.memory_space<vmem>>, vector<1x16xf32>,
            %get3A_728 = vector.shape_cast %get3A_727 : vector<1x16xf32> to vector<16xf32>
            %mul3A_729 = arith.mulf %get3A_728, %get3A_674 : vector<16xf32>
            %swap3A_730 = arith.index_cast %add3A_670 : i32 to index
            %swap3A_731 = arith.constant 80 : index
            %swap3A_732 = tpu.vector_load %arg12[%swap3A_730, %swap3A_731] {strides = array<i32>} : memref<80x128xf32, #tpu.memory_space<vmem>>, vector<1x16xf32>,
            %swap3A_733 = vector.shape_cast %swap3A_732 : vector<1x16xf32> to vector<16xf32>
            %swap3A_734 = vector.shape_cast %mul3A_729 : vector<16xf32> to vector<1x16xf32>
            tpu.vector_store %arg12[%swap3A_730, %swap3A_731], %swap3A_734 {strides = array<i32>} : memref<80x128xf32, #tpu.memory_space<vmem>>, vector<1x16xf32>,
            %get3A_735 = arith.index_cast %add3A_670 : i32 to index
            %get3A_736 = arith.constant 96 : index
            %get3A_737 = tpu.vector_load %arg12[%get3A_735, %get3A_736] {strides = array<i32>} : memref<80x128xf32, #tpu.memory_space<vmem>>, vector<1x16xf32>,
            %get3A_738 = vector.shape_cast %get3A_737 : vector<1x16xf32> to vector<16xf32>
            %mul3A_739 = arith.mulf %get3A_738, %get3A_674 : vector<16xf32>
            %swap3A_740 = arith.index_cast %add3A_670 : i32 to index
            %swap3A_741 = arith.constant 96 : index
            %swap3A_742 = tpu.vector_load %arg12[%swap3A_740, %swap3A_741] {strides = array<i32>} : memref<80x128xf32, #tpu.memory_space<vmem>>, vector<1x16xf32>,
            %swap3A_743 = vector.shape_cast %swap3A_742 : vector<1x16xf32> to vector<16xf32>
            %swap3A_744 = vector.shape_cast %mul3A_739 : vector<16xf32> to vector<1x16xf32>
            tpu.vector_store %arg12[%swap3A_740, %swap3A_741], %swap3A_744 {strides = array<i32>} : memref<80x128xf32, #tpu.memory_space<vmem>>, vector<1x16xf32>,
            %get3A_745 = arith.index_cast %add3A_670 : i32 to index
            %get3A_746 = arith.constant 112 : index
            %get3A_747 = tpu.vector_load %arg12[%get3A_745, %get3A_746] {strides = array<i32>} : memref<80x128xf32, #tpu.memory_space<vmem>>, vector<1x16xf32>,
            %get3A_748 = vector.shape_cast %get3A_747 : vector<1x16xf32> to vector<16xf32>
            %mul3A_749 = arith.mulf %get3A_748, %get3A_674 : vector<16xf32>
            %swap3A_750 = arith.index_cast %add3A_670 : i32 to index
            %swap3A_751 = arith.constant 112 : index
            %swap3A_752 = tpu.vector_load %arg12[%swap3A_750, %swap3A_751] {strides = array<i32>} : memref<80x128xf32, #tpu.memory_space<vmem>>, vector<1x16xf32>,
            %swap3A_753 = vector.shape_cast %swap3A_752 : vector<1x16xf32> to vector<16xf32>
            %swap3A_754 = vector.shape_cast %mul3A_749 : vector<16xf32> to vector<1x16xf32>
            tpu.vector_store %arg12[%swap3A_750, %swap3A_751], %swap3A_754 {strides = array<i32>} : memref<80x128xf32, #tpu.memory_space<vmem>>, vector<1x16xf32>,
          }
          %scan3A_398 = arith.constant 20 : i32
          %dma_start3A_399 = arith.constant 0 : i32
          %dma_start3A_400 = arith.constant 0 : i32
          %dma_start3A_401 = tpu.memref_slice %arg8[%dma_start3A_399, %dma_start3A_400] : memref<10000x128xf32, #tpu.memory_space<vmem_shared>> -> memref<10000x128xf32, #tpu.memory_space<vmem_shared>>
          tpu.enqueue_indirect_dma source(%arg12 : memref<80x128xf32, #tpu.memory_space<vmem>>) target(%dma_start3A_401 : memref<10000x128xf32, #tpu.memory_space<vmem_shared>>) offsets(%arg21 : memref<80xi32, #tpu.memory_space<vmem>>) semaphore(%arg34 : memref<!tpu.dma_semaphore, #tpu.memory_space<semaphore_mem>>) {add = true}
        } else {
        }
        %eq3A_373 = arith.constant 1 : i32
        %eq3A_374 = arith.cmpi eq, %rem3A_367, %eq3A_373 : i32
        %convert_element_type3A_375 = arith.extui %eq3A_374 : i1 to i32
        %cond3A_376 = arith.constant 0 : i32
        %cond3A_377 = arith.cmpi ne, %convert_element_type3A_375, %cond3A_376 : i32
        scf.if %cond3A_377 {
          %dma_wait3A_387 = arith.constant 0 : i32
          %dma_wait3A_388 = arith.constant 0 : i32
          %dma_wait3A_389 = tpu.memref_slice %arg2[%dma_wait3A_387, %dma_wait3A_388] : memref<40000x128xf32, #tpu.memory_space<hbm>> -> memref<40000x128xf32, #tpu.memory_space<hbm>>
          tpu.wait_indirect_dma semaphore(%arg29 : memref<!tpu.dma_semaphore, #tpu.memory_space<semaphore_mem>>) src(%dma_wait3A_389 : memref<40000x128xf32, #tpu.memory_space<hbm>>) dst(%arg13 : memref<80x128xf32, #tpu.memory_space<vmem>>)
          %dma_wait3A_390 = arith.constant 0 : i32
          %dma_wait3A_391 = arith.constant 0 : i32
          %dma_wait3A_392 = tpu.memref_slice %arg6[%dma_wait3A_390, %dma_wait3A_391] : memref<40960x16xf32, #tpu.memory_space<hbm>> -> memref<40960x16xf32, #tpu.memory_space<hbm>>
          tpu.wait_indirect_dma semaphore(%arg32 : memref<!tpu.dma_semaphore, #tpu.memory_space<semaphore_mem>>) src(%dma_wait3A_392 : memref<40960x16xf32, #tpu.memory_space<hbm>>) dst(%arg16 : memref<80x16xf32, #tpu.memory_space<vmem>>)
          %scan3A_393 = arith.constant 0 : i32
          %scan3A_394 = arith.constant 0 : i32
          %scan3A_395 = arith.constant 20 : i32
          %scan3A_396 = arith.addi %scan3A_394, %scan3A_395 : i32
          %scan3A_397 = arith.constant 1 : i32
          scf.for %scan3A_402 = %scan3A_394 to %scan3A_396 step %scan3A_397  : i32 {
            %mul3A_403 = arith.constant 4 : i32
            %mul3A_404 = arith.muli %scan3A_402, %mul3A_403 : i32
            %add3A_405 = arith.constant 0 : i32
            %add3A_406 = arith.addi %mul3A_404, %add3A_405 : i32
            %get3A_407 = arith.index_cast %add3A_406 : i32 to index
            %get3A_408 = arith.constant 0 : index
            %get3A_409 = tpu.vector_load %arg16[%get3A_407, %get3A_408] {strides = array<i32>} : memref<80x16xf32, #tpu.memory_space<vmem>>, vector<1x16xf32>,
            %get3A_410 = vector.shape_cast %get3A_409 : vector<1x16xf32> to vector<16xf32>
            %get3A_411 = arith.index_cast %add3A_406 : i32 to index
            %get3A_412 = arith.constant 0 : index
            %get3A_413 = tpu.vector_load %arg13[%get3A_411, %get3A_412] {strides = array<i32>} : memref<80x128xf32, #tpu.memory_space<vmem>>, vector<1x16xf32>,
            %get3A_414 = vector.shape_cast %get3A_413 : vector<1x16xf32> to vector<16xf32>
            %mul3A_415 = arith.mulf %get3A_414, %get3A_410 : vector<16xf32>
            %swap3A_416 = arith.index_cast %add3A_406 : i32 to index
            %swap3A_417 = arith.constant 0 : index
            %swap3A_418 = tpu.vector_load %arg13[%swap3A_416, %swap3A_417] {strides = array<i32>} : memref<80x128xf32, #tpu.memory_space<vmem>>, vector<1x16xf32>,
            %swap3A_419 = vector.shape_cast %swap3A_418 : vector<1x16xf32> to vector<16xf32>
            %swap3A_420 = vector.shape_cast %mul3A_415 : vector<16xf32> to vector<1x16xf32>
            tpu.vector_store %arg13[%swap3A_416, %swap3A_417], %swap3A_420 {strides = array<i32>} : memref<80x128xf32, #tpu.memory_space<vmem>>, vector<1x16xf32>,
            %get3A_421 = arith.index_cast %add3A_406 : i32 to index
            %get3A_422 = arith.constant 16 : index
            %get3A_423 = tpu.vector_load %arg13[%get3A_421, %get3A_422] {strides = array<i32>} : memref<80x128xf32, #tpu.memory_space<vmem>>, vector<1x16xf32>,
            %get3A_424 = vector.shape_cast %get3A_423 : vector<1x16xf32> to vector<16xf32>
            %mul3A_425 = arith.mulf %get3A_424, %get3A_410 : vector<16xf32>
            %swap3A_426 = arith.index_cast %add3A_406 : i32 to index
            %swap3A_427 = arith.constant 16 : index
            %swap3A_428 = tpu.vector_load %arg13[%swap3A_426, %swap3A_427] {strides = array<i32>} : memref<80x128xf32, #tpu.memory_space<vmem>>, vector<1x16xf32>,
            %swap3A_429 = vector.shape_cast %swap3A_428 : vector<1x16xf32> to vector<16xf32>
            %swap3A_430 = vector.shape_cast %mul3A_425 : vector<16xf32> to vector<1x16xf32>
            tpu.vector_store %arg13[%swap3A_426, %swap3A_427], %swap3A_430 {strides = array<i32>} : memref<80x128xf32, #tpu.memory_space<vmem>>, vector<1x16xf32>,
            %get3A_431 = arith.index_cast %add3A_406 : i32 to index
            %get3A_432 = arith.constant 32 : index
            %get3A_433 = tpu.vector_load %arg13[%get3A_431, %get3A_432] {strides = array<i32>} : memref<80x128xf32, #tpu.memory_space<vmem>>, vector<1x16xf32>,
            %get3A_434 = vector.shape_cast %get3A_433 : vector<1x16xf32> to vector<16xf32>
            %mul3A_435 = arith.mulf %get3A_434, %get3A_410 : vector<16xf32>
            %swap3A_436 = arith.index_cast %add3A_406 : i32 to index
            %swap3A_437 = arith.constant 32 : index
            %swap3A_438 = tpu.vector_load %arg13[%swap3A_436, %swap3A_437] {strides = array<i32>} : memref<80x128xf32, #tpu.memory_space<vmem>>, vector<1x16xf32>,
            %swap3A_439 = vector.shape_cast %swap3A_438 : vector<1x16xf32> to vector<16xf32>
            %swap3A_440 = vector.shape_cast %mul3A_435 : vector<16xf32> to vector<1x16xf32>
            tpu.vector_store %arg13[%swap3A_436, %swap3A_437], %swap3A_440 {strides = array<i32>} : memref<80x128xf32, #tpu.memory_space<vmem>>, vector<1x16xf32>,
            %get3A_441 = arith.index_cast %add3A_406 : i32 to index
            %get3A_442 = arith.constant 48 : index
            %get3A_443 = tpu.vector_load %arg13[%get3A_441, %get3A_442] {strides = array<i32>} : memref<80x128xf32, #tpu.memory_space<vmem>>, vector<1x16xf32>,
            %get3A_444 = vector.shape_cast %get3A_443 : vector<1x16xf32> to vector<16xf32>
            %mul3A_445 = arith.mulf %get3A_444, %get3A_410 : vector<16xf32>
            %swap3A_446 = arith.index_cast %add3A_406 : i32 to index
            %swap3A_447 = arith.constant 48 : index
            %swap3A_448 = tpu.vector_load %arg13[%swap3A_446, %swap3A_447] {strides = array<i32>} : memref<80x128xf32, #tpu.memory_space<vmem>>, vector<1x16xf32>,
            %swap3A_449 = vector.shape_cast %swap3A_448 : vector<1x16xf32> to vector<16xf32>
            %swap3A_450 = vector.shape_cast %mul3A_445 : vector<16xf32> to vector<1x16xf32>
            tpu.vector_store %arg13[%swap3A_446, %swap3A_447], %swap3A_450 {strides = array<i32>} : memref<80x128xf32, #tpu.memory_space<vmem>>, vector<1x16xf32>,
            %get3A_451 = arith.index_cast %add3A_406 : i32 to index
            %get3A_452 = arith.constant 64 : index
            %get3A_453 = tpu.vector_load %arg13[%get3A_451, %get3A_452] {strides = array<i32>} : memref<80x128xf32, #tpu.memory_space<vmem>>, vector<1x16xf32>,
            %get3A_454 = vector.shape_cast %get3A_453 : vector<1x16xf32> to vector<16xf32>
            %mul3A_455 = arith.mulf %get3A_454, %get3A_410 : vector<16xf32>
            %swap3A_456 = arith.index_cast %add3A_406 : i32 to index
            %swap3A_457 = arith.constant 64 : index
            %swap3A_458 = tpu.vector_load %arg13[%swap3A_456, %swap3A_457] {strides = array<i32>} : memref<80x128xf32, #tpu.memory_space<vmem>>, vector<1x16xf32>,
            %swap3A_459 = vector.shape_cast %swap3A_458 : vector<1x16xf32> to vector<16xf32>
            %swap3A_460 = vector.shape_cast %mul3A_455 : vector<16xf32> to vector<1x16xf32>
            tpu.vector_store %arg13[%swap3A_456, %swap3A_457], %swap3A_460 {strides = array<i32>} : memref<80x128xf32, #tpu.memory_space<vmem>>, vector<1x16xf32>,
            %get3A_461 = arith.index_cast %add3A_406 : i32 to index
            %get3A_462 = arith.constant 80 : index
            %get3A_463 = tpu.vector_load %arg13[%get3A_461, %get3A_462] {strides = array<i32>} : memref<80x128xf32, #tpu.memory_space<vmem>>, vector<1x16xf32>,
            %get3A_464 = vector.shape_cast %get3A_463 : vector<1x16xf32> to vector<16xf32>
            %mul3A_465 = arith.mulf %get3A_464, %get3A_410 : vector<16xf32>
            %swap3A_466 = arith.index_cast %add3A_406 : i32 to index
            %swap3A_467 = arith.constant 80 : index
            %swap3A_468 = tpu.vector_load %arg13[%swap3A_466, %swap3A_467] {strides = array<i32>} : memref<80x128xf32, #tpu.memory_space<vmem>>, vector<1x16xf32>,
            %swap3A_469 = vector.shape_cast %swap3A_468 : vector<1x16xf32> to vector<16xf32>
            %swap3A_470 = vector.shape_cast %mul3A_465 : vector<16xf32> to vector<1x16xf32>
            tpu.vector_store %arg13[%swap3A_466, %swap3A_467], %swap3A_470 {strides = array<i32>} : memref<80x128xf32, #tpu.memory_space<vmem>>, vector<1x16xf32>,
            %get3A_471 = arith.index_cast %add3A_406 : i32 to index
            %get3A_472 = arith.constant 96 : index
            %get3A_473 = tpu.vector_load %arg13[%get3A_471, %get3A_472] {strides = array<i32>} : memref<80x128xf32, #tpu.memory_space<vmem>>, vector<1x16xf32>,
            %get3A_474 = vector.shape_cast %get3A_473 : vector<1x16xf32> to vector<16xf32>
            %mul3A_475 = arith.mulf %get3A_474, %get3A_410 : vector<16xf32>
            %swap3A_476 = arith.index_cast %add3A_406 : i32 to index
            %swap3A_477 = arith.constant 96 : index
            %swap3A_478 = tpu.vector_load %arg13[%swap3A_476, %swap3A_477] {strides = array<i32>} : memref<80x128xf32, #tpu.memory_space<vmem>>, vector<1x16xf32>,
            %swap3A_479 = vector.shape_cast %swap3A_478 : vector<1x16xf32> to vector<16xf32>
            %swap3A_480 = vector.shape_cast %mul3A_475 : vector<16xf32> to vector<1x16xf32>
            tpu.vector_store %arg13[%swap3A_476, %swap3A_477], %swap3A_480 {strides = array<i32>} : memref<80x128xf32, #tpu.memory_space<vmem>>, vector<1x16xf32>,
            %get3A_481 = arith.index_cast %add3A_406 : i32 to index
            %get3A_482 = arith.constant 112 : index
            %get3A_483 = tpu.vector_load %arg13[%get3A_481, %get3A_482] {strides = array<i32>} : memref<80x128xf32, #tpu.memory_space<vmem>>, vector<1x16xf32>,
            %get3A_484 = vector.shape_cast %get3A_483 : vector<1x16xf32> to vector<16xf32>
            %mul3A_485 = arith.mulf %get3A_484, %get3A_410 : vector<16xf32>
            %swap3A_486 = arith.index_cast %add3A_406 : i32 to index
            %swap3A_487 = arith.constant 112 : index
            %swap3A_488 = tpu.vector_load %arg13[%swap3A_486, %swap3A_487] {strides = array<i32>} : memref<80x128xf32, #tpu.memory_space<vmem>>, vector<1x16xf32>,
            %swap3A_489 = vector.shape_cast %swap3A_488 : vector<1x16xf32> to vector<16xf32>
            %swap3A_490 = vector.shape_cast %mul3A_485 : vector<16xf32> to vector<1x16xf32>
            tpu.vector_store %arg13[%swap3A_486, %swap3A_487], %swap3A_490 {strides = array<i32>} : memref<80x128xf32, #tpu.memory_space<vmem>>, vector<1x16xf32>,
            %mul3A_491 = arith.constant 4 : i32
            %mul3A_492 = arith.muli %scan3A_402, %mul3A_491 : i32
            %add3A_493 = arith.constant 1 : i32
            %add3A_494 = arith.addi %mul3A_492, %add3A_493 : i32
            %get3A_495 = arith.index_cast %add3A_494 : i32 to index
            %get3A_496 = arith.constant 0 : index
            %get3A_497 = tpu.vector_load %arg16[%get3A_495, %get3A_496] {strides = array<i32>} : memref<80x16xf32, #tpu.memory_space<vmem>>, vector<1x16xf32>,
            %get3A_498 = vector.shape_cast %get3A_497 : vector<1x16xf32> to vector<16xf32>
            %get3A_499 = arith.index_cast %add3A_494 : i32 to index
            %get3A_500 = arith.constant 0 : index
            %get3A_501 = tpu.vector_load %arg13[%get3A_499, %get3A_500] {strides = array<i32>} : memref<80x128xf32, #tpu.memory_space<vmem>>, vector<1x16xf32>,
            %get3A_502 = vector.shape_cast %get3A_501 : vector<1x16xf32> to vector<16xf32>
            %mul3A_503 = arith.mulf %get3A_502, %get3A_498 : vector<16xf32>
            %swap3A_504 = arith.index_cast %add3A_494 : i32 to index
            %swap3A_505 = arith.constant 0 : index
            %swap3A_506 = tpu.vector_load %arg13[%swap3A_504, %swap3A_505] {strides = array<i32>} : memref<80x128xf32, #tpu.memory_space<vmem>>, vector<1x16xf32>,
            %swap3A_507 = vector.shape_cast %swap3A_506 : vector<1x16xf32> to vector<16xf32>
            %swap3A_508 = vector.shape_cast %mul3A_503 : vector<16xf32> to vector<1x16xf32>
            tpu.vector_store %arg13[%swap3A_504, %swap3A_505], %swap3A_508 {strides = array<i32>} : memref<80x128xf32, #tpu.memory_space<vmem>>, vector<1x16xf32>,
            %get3A_509 = arith.index_cast %add3A_494 : i32 to index
            %get3A_510 = arith.constant 16 : index
            %get3A_511 = tpu.vector_load %arg13[%get3A_509, %get3A_510] {strides = array<i32>} : memref<80x128xf32, #tpu.memory_space<vmem>>, vector<1x16xf32>,
            %get3A_512 = vector.shape_cast %get3A_511 : vector<1x16xf32> to vector<16xf32>
            %mul3A_513 = arith.mulf %get3A_512, %get3A_498 : vector<16xf32>
            %swap3A_514 = arith.index_cast %add3A_494 : i32 to index
            %swap3A_515 = arith.constant 16 : index
            %swap3A_516 = tpu.vector_load %arg13[%swap3A_514, %swap3A_515] {strides = array<i32>} : memref<80x128xf32, #tpu.memory_space<vmem>>, vector<1x16xf32>,
            %swap3A_517 = vector.shape_cast %swap3A_516 : vector<1x16xf32> to vector<16xf32>
            %swap3A_518 = vector.shape_cast %mul3A_513 : vector<16xf32> to vector<1x16xf32>
            tpu.vector_store %arg13[%swap3A_514, %swap3A_515], %swap3A_518 {strides = array<i32>} : memref<80x128xf32, #tpu.memory_space<vmem>>, vector<1x16xf32>,
            %get3A_519 = arith.index_cast %add3A_494 : i32 to index
            %get3A_520 = arith.constant 32 : index
            %get3A_521 = tpu.vector_load %arg13[%get3A_519, %get3A_520] {strides = array<i32>} : memref<80x128xf32, #tpu.memory_space<vmem>>, vector<1x16xf32>,
            %get3A_522 = vector.shape_cast %get3A_521 : vector<1x16xf32> to vector<16xf32>
            %mul3A_523 = arith.mulf %get3A_522, %get3A_498 : vector<16xf32>
            %swap3A_524 = arith.index_cast %add3A_494 : i32 to index
            %swap3A_525 = arith.constant 32 : index
            %swap3A_526 = tpu.vector_load %arg13[%swap3A_524, %swap3A_525] {strides = array<i32>} : memref<80x128xf32, #tpu.memory_space<vmem>>, vector<1x16xf32>,
            %swap3A_527 = vector.shape_cast %swap3A_526 : vector<1x16xf32> to vector<16xf32>
            %swap3A_528 = vector.shape_cast %mul3A_523 : vector<16xf32> to vector<1x16xf32>
            tpu.vector_store %arg13[%swap3A_524, %swap3A_525], %swap3A_528 {strides = array<i32>} : memref<80x128xf32, #tpu.memory_space<vmem>>, vector<1x16xf32>,
            %get3A_529 = arith.index_cast %add3A_494 : i32 to index
            %get3A_530 = arith.constant 48 : index
            %get3A_531 = tpu.vector_load %arg13[%get3A_529, %get3A_530] {strides = array<i32>} : memref<80x128xf32, #tpu.memory_space<vmem>>, vector<1x16xf32>,
            %get3A_532 = vector.shape_cast %get3A_531 : vector<1x16xf32> to vector<16xf32>
            %mul3A_533 = arith.mulf %get3A_532, %get3A_498 : vector<16xf32>
            %swap3A_534 = arith.index_cast %add3A_494 : i32 to index
            %swap3A_535 = arith.constant 48 : index
            %swap3A_536 = tpu.vector_load %arg13[%swap3A_534, %swap3A_535] {strides = array<i32>} : memref<80x128xf32, #tpu.memory_space<vmem>>, vector<1x16xf32>,
            %swap3A_537 = vector.shape_cast %swap3A_536 : vector<1x16xf32> to vector<16xf32>
            %swap3A_538 = vector.shape_cast %mul3A_533 : vector<16xf32> to vector<1x16xf32>
            tpu.vector_store %arg13[%swap3A_534, %swap3A_535], %swap3A_538 {strides = array<i32>} : memref<80x128xf32, #tpu.memory_space<vmem>>, vector<1x16xf32>,
            %get3A_539 = arith.index_cast %add3A_494 : i32 to index
            %get3A_540 = arith.constant 64 : index
            %get3A_541 = tpu.vector_load %arg13[%get3A_539, %get3A_540] {strides = array<i32>} : memref<80x128xf32, #tpu.memory_space<vmem>>, vector<1x16xf32>,
            %get3A_542 = vector.shape_cast %get3A_541 : vector<1x16xf32> to vector<16xf32>
            %mul3A_543 = arith.mulf %get3A_542, %get3A_498 : vector<16xf32>
            %swap3A_544 = arith.index_cast %add3A_494 : i32 to index
            %swap3A_545 = arith.constant 64 : index
            %swap3A_546 = tpu.vector_load %arg13[%swap3A_544, %swap3A_545] {strides = array<i32>} : memref<80x128xf32, #tpu.memory_space<vmem>>, vector<1x16xf32>,
            %swap3A_547 = vector.shape_cast %swap3A_546 : vector<1x16xf32> to vector<16xf32>
            %swap3A_548 = vector.shape_cast %mul3A_543 : vector<16xf32> to vector<1x16xf32>
            tpu.vector_store %arg13[%swap3A_544, %swap3A_545], %swap3A_548 {strides = array<i32>} : memref<80x128xf32, #tpu.memory_space<vmem>>, vector<1x16xf32>,
            %get3A_549 = arith.index_cast %add3A_494 : i32 to index
            %get3A_550 = arith.constant 80 : index
            %get3A_551 = tpu.vector_load %arg13[%get3A_549, %get3A_550] {strides = array<i32>} : memref<80x128xf32, #tpu.memory_space<vmem>>, vector<1x16xf32>,
            %get3A_552 = vector.shape_cast %get3A_551 : vector<1x16xf32> to vector<16xf32>
            %mul3A_553 = arith.mulf %get3A_552, %get3A_498 : vector<16xf32>
            %swap3A_554 = arith.index_cast %add3A_494 : i32 to index
            %swap3A_555 = arith.constant 80 : index
            %swap3A_556 = tpu.vector_load %arg13[%swap3A_554, %swap3A_555] {strides = array<i32>} : memref<80x128xf32, #tpu.memory_space<vmem>>, vector<1x16xf32>,
            %swap3A_557 = vector.shape_cast %swap3A_556 : vector<1x16xf32> to vector<16xf32>
            %swap3A_558 = vector.shape_cast %mul3A_553 : vector<16xf32> to vector<1x16xf32>
            tpu.vector_store %arg13[%swap3A_554, %swap3A_555], %swap3A_558 {strides = array<i32>} : memref<80x128xf32, #tpu.memory_space<vmem>>, vector<1x16xf32>,
            %get3A_559 = arith.index_cast %add3A_494 : i32 to index
            %get3A_560 = arith.constant 96 : index
            %get3A_561 = tpu.vector_load %arg13[%get3A_559, %get3A_560] {strides = array<i32>} : memref<80x128xf32, #tpu.memory_space<vmem>>, vector<1x16xf32>,
            %get3A_562 = vector.shape_cast %get3A_561 : vector<1x16xf32> to vector<16xf32>
            %mul3A_563 = arith.mulf %get3A_562, %get3A_498 : vector<16xf32>
            %swap3A_564 = arith.index_cast %add3A_494 : i32 to index
            %swap3A_565 = arith.constant 96 : index
            %swap3A_566 = tpu.vector_load %arg13[%swap3A_564, %swap3A_565] {strides = array<i32>} : memref<80x128xf32, #tpu.memory_space<vmem>>, vector<1x16xf32>,
            %swap3A_567 = vector.shape_cast %swap3A_566 : vector<1x16xf32> to vector<16xf32>
            %swap3A_568 = vector.shape_cast %mul3A_563 : vector<16xf32> to vector<1x16xf32>
            tpu.vector_store %arg13[%swap3A_564, %swap3A_565], %swap3A_568 {strides = array<i32>} : memref<80x128xf32, #tpu.memory_space<vmem>>, vector<1x16xf32>,
            %get3A_569 = arith.index_cast %add3A_494 : i32 to index
            %get3A_570 = arith.constant 112 : index
            %get3A_571 = tpu.vector_load %arg13[%get3A_569, %get3A_570] {strides = array<i32>} : memref<80x128xf32, #tpu.memory_space<vmem>>, vector<1x16xf32>,
            %get3A_572 = vector.shape_cast %get3A_571 : vector<1x16xf32> to vector<16xf32>
            %mul3A_573 = arith.mulf %get3A_572, %get3A_498 : vector<16xf32>
            %swap3A_574 = arith.index_cast %add3A_494 : i32 to index
            %swap3A_575 = arith.constant 112 : index
            %swap3A_576 = tpu.vector_load %arg13[%swap3A_574, %swap3A_575] {strides = array<i32>} : memref<80x128xf32, #tpu.memory_space<vmem>>, vector<1x16xf32>,
            %swap3A_577 = vector.shape_cast %swap3A_576 : vector<1x16xf32> to vector<16xf32>
            %swap3A_578 = vector.shape_cast %mul3A_573 : vector<16xf32> to vector<1x16xf32>
            tpu.vector_store %arg13[%swap3A_574, %swap3A_575], %swap3A_578 {strides = array<i32>} : memref<80x128xf32, #tpu.memory_space<vmem>>, vector<1x16xf32>,
            %mul3A_579 = arith.constant 4 : i32
            %mul3A_580 = arith.muli %scan3A_402, %mul3A_579 : i32
            %add3A_581 = arith.constant 2 : i32
            %add3A_582 = arith.addi %mul3A_580, %add3A_581 : i32
            %get3A_583 = arith.index_cast %add3A_582 : i32 to index
            %get3A_584 = arith.constant 0 : index
            %get3A_585 = tpu.vector_load %arg16[%get3A_583, %get3A_584] {strides = array<i32>} : memref<80x16xf32, #tpu.memory_space<vmem>>, vector<1x16xf32>,
            %get3A_586 = vector.shape_cast %get3A_585 : vector<1x16xf32> to vector<16xf32>
            %get3A_587 = arith.index_cast %add3A_582 : i32 to index
            %get3A_588 = arith.constant 0 : index
            %get3A_589 = tpu.vector_load %arg13[%get3A_587, %get3A_588] {strides = array<i32>} : memref<80x128xf32, #tpu.memory_space<vmem>>, vector<1x16xf32>,
            %get3A_590 = vector.shape_cast %get3A_589 : vector<1x16xf32> to vector<16xf32>
            %mul3A_591 = arith.mulf %get3A_590, %get3A_586 : vector<16xf32>
            %swap3A_592 = arith.index_cast %add3A_582 : i32 to index
            %swap3A_593 = arith.constant 0 : index
            %swap3A_594 = tpu.vector_load %arg13[%swap3A_592, %swap3A_593] {strides = array<i32>} : memref<80x128xf32, #tpu.memory_space<vmem>>, vector<1x16xf32>,
            %swap3A_595 = vector.shape_cast %swap3A_594 : vector<1x16xf32> to vector<16xf32>
            %swap3A_596 = vector.shape_cast %mul3A_591 : vector<16xf32> to vector<1x16xf32>
            tpu.vector_store %arg13[%swap3A_592, %swap3A_593], %swap3A_596 {strides = array<i32>} : memref<80x128xf32, #tpu.memory_space<vmem>>, vector<1x16xf32>,
            %get3A_597 = arith.index_cast %add3A_582 : i32 to index
            %get3A_598 = arith.constant 16 : index
            %get3A_599 = tpu.vector_load %arg13[%get3A_597, %get3A_598] {strides = array<i32>} : memref<80x128xf32, #tpu.memory_space<vmem>>, vector<1x16xf32>,
            %get3A_600 = vector.shape_cast %get3A_599 : vector<1x16xf32> to vector<16xf32>
            %mul3A_601 = arith.mulf %get3A_600, %get3A_586 : vector<16xf32>
            %swap3A_602 = arith.index_cast %add3A_582 : i32 to index
            %swap3A_603 = arith.constant 16 : index
            %swap3A_604 = tpu.vector_load %arg13[%swap3A_602, %swap3A_603] {strides = array<i32>} : memref<80x128xf32, #tpu.memory_space<vmem>>, vector<1x16xf32>,
            %swap3A_605 = vector.shape_cast %swap3A_604 : vector<1x16xf32> to vector<16xf32>
            %swap3A_606 = vector.shape_cast %mul3A_601 : vector<16xf32> to vector<1x16xf32>
            tpu.vector_store %arg13[%swap3A_602, %swap3A_603], %swap3A_606 {strides = array<i32>} : memref<80x128xf32, #tpu.memory_space<vmem>>, vector<1x16xf32>,
            %get3A_607 = arith.index_cast %add3A_582 : i32 to index
            %get3A_608 = arith.constant 32 : index
            %get3A_609 = tpu.vector_load %arg13[%get3A_607, %get3A_608] {strides = array<i32>} : memref<80x128xf32, #tpu.memory_space<vmem>>, vector<1x16xf32>,
            %get3A_610 = vector.shape_cast %get3A_609 : vector<1x16xf32> to vector<16xf32>
            %mul3A_611 = arith.mulf %get3A_610, %get3A_586 : vector<16xf32>
            %swap3A_612 = arith.index_cast %add3A_582 : i32 to index
            %swap3A_613 = arith.constant 32 : index
            %swap3A_614 = tpu.vector_load %arg13[%swap3A_612, %swap3A_613] {strides = array<i32>} : memref<80x128xf32, #tpu.memory_space<vmem>>, vector<1x16xf32>,
            %swap3A_615 = vector.shape_cast %swap3A_614 : vector<1x16xf32> to vector<16xf32>
            %swap3A_616 = vector.shape_cast %mul3A_611 : vector<16xf32> to vector<1x16xf32>
            tpu.vector_store %arg13[%swap3A_612, %swap3A_613], %swap3A_616 {strides = array<i32>} : memref<80x128xf32, #tpu.memory_space<vmem>>, vector<1x16xf32>,
            %get3A_617 = arith.index_cast %add3A_582 : i32 to index
            %get3A_618 = arith.constant 48 : index
            %get3A_619 = tpu.vector_load %arg13[%get3A_617, %get3A_618] {strides = array<i32>} : memref<80x128xf32, #tpu.memory_space<vmem>>, vector<1x16xf32>,
            %get3A_620 = vector.shape_cast %get3A_619 : vector<1x16xf32> to vector<16xf32>
            %mul3A_621 = arith.mulf %get3A_620, %get3A_586 : vector<16xf32>
            %swap3A_622 = arith.index_cast %add3A_582 : i32 to index
            %swap3A_623 = arith.constant 48 : index
            %swap3A_624 = tpu.vector_load %arg13[%swap3A_622, %swap3A_623] {strides = array<i32>} : memref<80x128xf32, #tpu.memory_space<vmem>>, vector<1x16xf32>,
            %swap3A_625 = vector.shape_cast %swap3A_624 : vector<1x16xf32> to vector<16xf32>
            %swap3A_626 = vector.shape_cast %mul3A_621 : vector<16xf32> to vector<1x16xf32>
            tpu.vector_store %arg13[%swap3A_622, %swap3A_623], %swap3A_626 {strides = array<i32>} : memref<80x128xf32, #tpu.memory_space<vmem>>, vector<1x16xf32>,
            %get3A_627 = arith.index_cast %add3A_582 : i32 to index
            %get3A_628 = arith.constant 64 : index
            %get3A_629 = tpu.vector_load %arg13[%get3A_627, %get3A_628] {strides = array<i32>} : memref<80x128xf32, #tpu.memory_space<vmem>>, vector<1x16xf32>,
            %get3A_630 = vector.shape_cast %get3A_629 : vector<1x16xf32> to vector<16xf32>
            %mul3A_631 = arith.mulf %get3A_630, %get3A_586 : vector<16xf32>
            %swap3A_632 = arith.index_cast %add3A_582 : i32 to index
            %swap3A_633 = arith.constant 64 : index
            %swap3A_634 = tpu.vector_load %arg13[%swap3A_632, %swap3A_633] {strides = array<i32>} : memref<80x128xf32, #tpu.memory_space<vmem>>, vector<1x16xf32>,
            %swap3A_635 = vector.shape_cast %swap3A_634 : vector<1x16xf32> to vector<16xf32>
            %swap3A_636 = vector.shape_cast %mul3A_631 : vector<16xf32> to vector<1x16xf32>
            tpu.vector_store %arg13[%swap3A_632, %swap3A_633], %swap3A_636 {strides = array<i32>} : memref<80x128xf32, #tpu.memory_space<vmem>>, vector<1x16xf32>,
            %get3A_637 = arith.index_cast %add3A_582 : i32 to index
            %get3A_638 = arith.constant 80 : index
            %get3A_639 = tpu.vector_load %arg13[%get3A_637, %get3A_638] {strides = array<i32>} : memref<80x128xf32, #tpu.memory_space<vmem>>, vector<1x16xf32>,
            %get3A_640 = vector.shape_cast %get3A_639 : vector<1x16xf32> to vector<16xf32>
            %mul3A_641 = arith.mulf %get3A_640, %get3A_586 : vector<16xf32>
            %swap3A_642 = arith.index_cast %add3A_582 : i32 to index
            %swap3A_643 = arith.constant 80 : index
            %swap3A_644 = tpu.vector_load %arg13[%swap3A_642, %swap3A_643] {strides = array<i32>} : memref<80x128xf32, #tpu.memory_space<vmem>>, vector<1x16xf32>,
            %swap3A_645 = vector.shape_cast %swap3A_644 : vector<1x16xf32> to vector<16xf32>
            %swap3A_646 = vector.shape_cast %mul3A_641 : vector<16xf32> to vector<1x16xf32>
            tpu.vector_store %arg13[%swap3A_642, %swap3A_643], %swap3A_646 {strides = array<i32>} : memref<80x128xf32, #tpu.memory_space<vmem>>, vector<1x16xf32>,
            %get3A_647 = arith.index_cast %add3A_582 : i32 to index
            %get3A_648 = arith.constant 96 : index
            %get3A_649 = tpu.vector_load %arg13[%get3A_647, %get3A_648] {strides = array<i32>} : memref<80x128xf32, #tpu.memory_space<vmem>>, vector<1x16xf32>,
            %get3A_650 = vector.shape_cast %get3A_649 : vector<1x16xf32> to vector<16xf32>
            %mul3A_651 = arith.mulf %get3A_650, %get3A_586 : vector<16xf32>
            %swap3A_652 = arith.index_cast %add3A_582 : i32 to index
            %swap3A_653 = arith.constant 96 : index
            %swap3A_654 = tpu.vector_load %arg13[%swap3A_652, %swap3A_653] {strides = array<i32>} : memref<80x128xf32, #tpu.memory_space<vmem>>, vector<1x16xf32>,
            %swap3A_655 = vector.shape_cast %swap3A_654 : vector<1x16xf32> to vector<16xf32>
            %swap3A_656 = vector.shape_cast %mul3A_651 : vector<16xf32> to vector<1x16xf32>
            tpu.vector_store %arg13[%swap3A_652, %swap3A_653], %swap3A_656 {strides = array<i32>} : memref<80x128xf32, #tpu.memory_space<vmem>>, vector<1x16xf32>,
            %get3A_657 = arith.index_cast %add3A_582 : i32 to index
            %get3A_658 = arith.constant 112 : index
            %get3A_659 = tpu.vector_load %arg13[%get3A_657, %get3A_658] {strides = array<i32>} : memref<80x128xf32, #tpu.memory_space<vmem>>, vector<1x16xf32>,
            %get3A_660 = vector.shape_cast %get3A_659 : vector<1x16xf32> to vector<16xf32>
            %mul3A_661 = arith.mulf %get3A_660, %get3A_586 : vector<16xf32>
            %swap3A_662 = arith.index_cast %add3A_582 : i32 to index
            %swap3A_663 = arith.constant 112 : index
            %swap3A_664 = tpu.vector_load %arg13[%swap3A_662, %swap3A_663] {strides = array<i32>} : memref<80x128xf32, #tpu.memory_space<vmem>>, vector<1x16xf32>,
            %swap3A_665 = vector.shape_cast %swap3A_664 : vector<1x16xf32> to vector<16xf32>
            %swap3A_666 = vector.shape_cast %mul3A_661 : vector<16xf32> to vector<1x16xf32>
            tpu.vector_store %arg13[%swap3A_662, %swap3A_663], %swap3A_666 {strides = array<i32>} : memref<80x128xf32, #tpu.memory_space<vmem>>, vector<1x16xf32>,
            %mul3A_667 = arith.constant 4 : i32
            %mul3A_668 = arith.muli %scan3A_402, %mul3A_667 : i32
            %add3A_669 = arith.constant 3 : i32
            %add3A_670 = arith.addi %mul3A_668, %add3A_669 : i32
            %get3A_671 = arith.index_cast %add3A_670 : i32 to index
            %get3A_672 = arith.constant 0 : index
            %get3A_673 = tpu.vector_load %arg16[%get3A_671, %get3A_672] {strides = array<i32>} : memref<80x16xf32, #tpu.memory_space<vmem>>, vector<1x16xf32>,
            %get3A_674 = vector.shape_cast %get3A_673 : vector<1x16xf32> to vector<16xf32>
            %get3A_675 = arith.index_cast %add3A_670 : i32 to index
            %get3A_676 = arith.constant 0 : index
            %get3A_677 = tpu.vector_load %arg13[%get3A_675, %get3A_676] {strides = array<i32>} : memref<80x128xf32, #tpu.memory_space<vmem>>, vector<1x16xf32>,
            %get3A_678 = vector.shape_cast %get3A_677 : vector<1x16xf32> to vector<16xf32>
            %mul3A_679 = arith.mulf %get3A_678, %get3A_674 : vector<16xf32>
            %swap3A_680 = arith.index_cast %add3A_670 : i32 to index
            %swap3A_681 = arith.constant 0 : index
            %swap3A_682 = tpu.vector_load %arg13[%swap3A_680, %swap3A_681] {strides = array<i32>} : memref<80x128xf32, #tpu.memory_space<vmem>>, vector<1x16xf32>,
            %swap3A_683 = vector.shape_cast %swap3A_682 : vector<1x16xf32> to vector<16xf32>
            %swap3A_684 = vector.shape_cast %mul3A_679 : vector<16xf32> to vector<1x16xf32>
            tpu.vector_store %arg13[%swap3A_680, %swap3A_681], %swap3A_684 {strides = array<i32>} : memref<80x128xf32, #tpu.memory_space<vmem>>, vector<1x16xf32>,
            %get3A_685 = arith.index_cast %add3A_670 : i32 to index
            %get3A_686 = arith.constant 16 : index
            %get3A_687 = tpu.vector_load %arg13[%get3A_685, %get3A_686] {strides = array<i32>} : memref<80x128xf32, #tpu.memory_space<vmem>>, vector<1x16xf32>,
            %get3A_688 = vector.shape_cast %get3A_687 : vector<1x16xf32> to vector<16xf32>
            %mul3A_689 = arith.mulf %get3A_688, %get3A_674 : vector<16xf32>
            %swap3A_690 = arith.index_cast %add3A_670 : i32 to index
            %swap3A_691 = arith.constant 16 : index
            %swap3A_692 = tpu.vector_load %arg13[%swap3A_690, %swap3A_691] {strides = array<i32>} : memref<80x128xf32, #tpu.memory_space<vmem>>, vector<1x16xf32>,
            %swap3A_693 = vector.shape_cast %swap3A_692 : vector<1x16xf32> to vector<16xf32>
            %swap3A_694 = vector.shape_cast %mul3A_689 : vector<16xf32> to vector<1x16xf32>
            tpu.vector_store %arg13[%swap3A_690, %swap3A_691], %swap3A_694 {strides = array<i32>} : memref<80x128xf32, #tpu.memory_space<vmem>>, vector<1x16xf32>,
            %get3A_695 = arith.index_cast %add3A_670 : i32 to index
            %get3A_696 = arith.constant 32 : index
            %get3A_697 = tpu.vector_load %arg13[%get3A_695, %get3A_696] {strides = array<i32>} : memref<80x128xf32, #tpu.memory_space<vmem>>, vector<1x16xf32>,
            %get3A_698 = vector.shape_cast %get3A_697 : vector<1x16xf32> to vector<16xf32>
            %mul3A_699 = arith.mulf %get3A_698, %get3A_674 : vector<16xf32>
            %swap3A_700 = arith.index_cast %add3A_670 : i32 to index
            %swap3A_701 = arith.constant 32 : index
            %swap3A_702 = tpu.vector_load %arg13[%swap3A_700, %swap3A_701] {strides = array<i32>} : memref<80x128xf32, #tpu.memory_space<vmem>>, vector<1x16xf32>,
            %swap3A_703 = vector.shape_cast %swap3A_702 : vector<1x16xf32> to vector<16xf32>
            %swap3A_704 = vector.shape_cast %mul3A_699 : vector<16xf32> to vector<1x16xf32>
            tpu.vector_store %arg13[%swap3A_700, %swap3A_701], %swap3A_704 {strides = array<i32>} : memref<80x128xf32, #tpu.memory_space<vmem>>, vector<1x16xf32>,
            %get3A_705 = arith.index_cast %add3A_670 : i32 to index
            %get3A_706 = arith.constant 48 : index
            %get3A_707 = tpu.vector_load %arg13[%get3A_705, %get3A_706] {strides = array<i32>} : memref<80x128xf32, #tpu.memory_space<vmem>>, vector<1x16xf32>,
            %get3A_708 = vector.shape_cast %get3A_707 : vector<1x16xf32> to vector<16xf32>
            %mul3A_709 = arith.mulf %get3A_708, %get3A_674 : vector<16xf32>
            %swap3A_710 = arith.index_cast %add3A_670 : i32 to index
            %swap3A_711 = arith.constant 48 : index
            %swap3A_712 = tpu.vector_load %arg13[%swap3A_710, %swap3A_711] {strides = array<i32>} : memref<80x128xf32, #tpu.memory_space<vmem>>, vector<1x16xf32>,
            %swap3A_713 = vector.shape_cast %swap3A_712 : vector<1x16xf32> to vector<16xf32>
            %swap3A_714 = vector.shape_cast %mul3A_709 : vector<16xf32> to vector<1x16xf32>
            tpu.vector_store %arg13[%swap3A_710, %swap3A_711], %swap3A_714 {strides = array<i32>} : memref<80x128xf32, #tpu.memory_space<vmem>>, vector<1x16xf32>,
            %get3A_715 = arith.index_cast %add3A_670 : i32 to index
            %get3A_716 = arith.constant 64 : index
            %get3A_717 = tpu.vector_load %arg13[%get3A_715, %get3A_716] {strides = array<i32>} : memref<80x128xf32, #tpu.memory_space<vmem>>, vector<1x16xf32>,
            %get3A_718 = vector.shape_cast %get3A_717 : vector<1x16xf32> to vector<16xf32>
            %mul3A_719 = arith.mulf %get3A_718, %get3A_674 : vector<16xf32>
            %swap3A_720 = arith.index_cast %add3A_670 : i32 to index
            %swap3A_721 = arith.constant 64 : index
            %swap3A_722 = tpu.vector_load %arg13[%swap3A_720, %swap3A_721] {strides = array<i32>} : memref<80x128xf32, #tpu.memory_space<vmem>>, vector<1x16xf32>,
            %swap3A_723 = vector.shape_cast %swap3A_722 : vector<1x16xf32> to vector<16xf32>
            %swap3A_724 = vector.shape_cast %mul3A_719 : vector<16xf32> to vector<1x16xf32>
            tpu.vector_store %arg13[%swap3A_720, %swap3A_721], %swap3A_724 {strides = array<i32>} : memref<80x128xf32, #tpu.memory_space<vmem>>, vector<1x16xf32>,
            %get3A_725 = arith.index_cast %add3A_670 : i32 to index
            %get3A_726 = arith.constant 80 : index
            %get3A_727 = tpu.vector_load %arg13[%get3A_725, %get3A_726] {strides = array<i32>} : memref<80x128xf32, #tpu.memory_space<vmem>>, vector<1x16xf32>,
            %get3A_728 = vector.shape_cast %get3A_727 : vector<1x16xf32> to vector<16xf32>
            %mul3A_729 = arith.mulf %get3A_728, %get3A_674 : vector<16xf32>
            %swap3A_730 = arith.index_cast %add3A_670 : i32 to index
            %swap3A_731 = arith.constant 80 : index
            %swap3A_732 = tpu.vector_load %arg13[%swap3A_730, %swap3A_731] {strides = array<i32>} : memref<80x128xf32, #tpu.memory_space<vmem>>, vector<1x16xf32>,
            %swap3A_733 = vector.shape_cast %swap3A_732 : vector<1x16xf32> to vector<16xf32>
            %swap3A_734 = vector.shape_cast %mul3A_729 : vector<16xf32> to vector<1x16xf32>
            tpu.vector_store %arg13[%swap3A_730, %swap3A_731], %swap3A_734 {strides = array<i32>} : memref<80x128xf32, #tpu.memory_space<vmem>>, vector<1x16xf32>,
            %get3A_735 = arith.index_cast %add3A_670 : i32 to index
            %get3A_736 = arith.constant 96 : index
            %get3A_737 = tpu.vector_load %arg13[%get3A_735, %get3A_736] {strides = array<i32>} : memref<80x128xf32, #tpu.memory_space<vmem>>, vector<1x16xf32>,
            %get3A_738 = vector.shape_cast %get3A_737 : vector<1x16xf32> to vector<16xf32>
            %mul3A_739 = arith.mulf %get3A_738, %get3A_674 : vector<16xf32>
            %swap3A_740 = arith.index_cast %add3A_670 : i32 to index
            %swap3A_741 = arith.constant 96 : index
            %swap3A_742 = tpu.vector_load %arg13[%swap3A_740, %swap3A_741] {strides = array<i32>} : memref<80x128xf32, #tpu.memory_space<vmem>>, vector<1x16xf32>,
            %swap3A_743 = vector.shape_cast %swap3A_742 : vector<1x16xf32> to vector<16xf32>
            %swap3A_744 = vector.shape_cast %mul3A_739 : vector<16xf32> to vector<1x16xf32>
            tpu.vector_store %arg13[%swap3A_740, %swap3A_741], %swap3A_744 {strides = array<i32>} : memref<80x128xf32, #tpu.memory_space<vmem>>, vector<1x16xf32>,
            %get3A_745 = arith.index_cast %add3A_670 : i32 to index
            %get3A_746 = arith.constant 112 : index
            %get3A_747 = tpu.vector_load %arg13[%get3A_745, %get3A_746] {strides = array<i32>} : memref<80x128xf32, #tpu.memory_space<vmem>>, vector<1x16xf32>,
            %get3A_748 = vector.shape_cast %get3A_747 : vector<1x16xf32> to vector<16xf32>
            %mul3A_749 = arith.mulf %get3A_748, %get3A_674 : vector<16xf32>
            %swap3A_750 = arith.index_cast %add3A_670 : i32 to index
            %swap3A_751 = arith.constant 112 : index
            %swap3A_752 = tpu.vector_load %arg13[%swap3A_750, %swap3A_751] {strides = array<i32>} : memref<80x128xf32, #tpu.memory_space<vmem>>, vector<1x16xf32>,
            %swap3A_753 = vector.shape_cast %swap3A_752 : vector<1x16xf32> to vector<16xf32>
            %swap3A_754 = vector.shape_cast %mul3A_749 : vector<16xf32> to vector<1x16xf32>
            tpu.vector_store %arg13[%swap3A_750, %swap3A_751], %swap3A_754 {strides = array<i32>} : memref<80x128xf32, #tpu.memory_space<vmem>>, vector<1x16xf32>,
          }
          %scan3A_398 = arith.constant 20 : i32
          %dma_start3A_399 = arith.constant 0 : i32
          %dma_start3A_400 = arith.constant 0 : i32
          %dma_start3A_401 = tpu.memref_slice %arg8[%dma_start3A_399, %dma_start3A_400] : memref<10000x128xf32, #tpu.memory_space<vmem_shared>> -> memref<10000x128xf32, #tpu.memory_space<vmem_shared>>
          tpu.enqueue_indirect_dma source(%arg13 : memref<80x128xf32, #tpu.memory_space<vmem>>) target(%dma_start3A_401 : memref<10000x128xf32, #tpu.memory_space<vmem_shared>>) offsets(%arg22 : memref<80xi32, #tpu.memory_space<vmem>>) semaphore(%arg35 : memref<!tpu.dma_semaphore, #tpu.memory_space<semaphore_mem>>) {add = true}
        } else {
        }
        %eq3A_378 = arith.constant 2 : i32
        %eq3A_379 = arith.cmpi eq, %rem3A_367, %eq3A_378 : i32
        %convert_element_type3A_380 = arith.extui %eq3A_379 : i1 to i32
        %cond3A_381 = arith.constant 0 : i32
        %cond3A_382 = arith.cmpi ne, %convert_element_type3A_380, %cond3A_381 : i32
        scf.if %cond3A_382 {
          %dma_wait3A_387 = arith.constant 0 : i32
          %dma_wait3A_388 = arith.constant 0 : i32
          %dma_wait3A_389 = tpu.memref_slice %arg2[%dma_wait3A_387, %dma_wait3A_388] : memref<40000x128xf32, #tpu.memory_space<hbm>> -> memref<40000x128xf32, #tpu.memory_space<hbm>>
          tpu.wait_indirect_dma semaphore(%arg30 : memref<!tpu.dma_semaphore, #tpu.memory_space<semaphore_mem>>) src(%dma_wait3A_389 : memref<40000x128xf32, #tpu.memory_space<hbm>>) dst(%arg14 : memref<80x128xf32, #tpu.memory_space<vmem>>)
          %dma_wait3A_390 = arith.constant 0 : i32
          %dma_wait3A_391 = arith.constant 0 : i32
          %dma_wait3A_392 = tpu.memref_slice %arg6[%dma_wait3A_390, %dma_wait3A_391] : memref<40960x16xf32, #tpu.memory_space<hbm>> -> memref<40960x16xf32, #tpu.memory_space<hbm>>
          tpu.wait_indirect_dma semaphore(%arg33 : memref<!tpu.dma_semaphore, #tpu.memory_space<semaphore_mem>>) src(%dma_wait3A_392 : memref<40960x16xf32, #tpu.memory_space<hbm>>) dst(%arg17 : memref<80x16xf32, #tpu.memory_space<vmem>>)
          %scan3A_393 = arith.constant 0 : i32
          %scan3A_394 = arith.constant 0 : i32
          %scan3A_395 = arith.constant 20 : i32
          %scan3A_396 = arith.addi %scan3A_394, %scan3A_395 : i32
          %scan3A_397 = arith.constant 1 : i32
          scf.for %scan3A_402 = %scan3A_394 to %scan3A_396 step %scan3A_397  : i32 {
            %mul3A_403 = arith.constant 4 : i32
            %mul3A_404 = arith.muli %scan3A_402, %mul3A_403 : i32
            %add3A_405 = arith.constant 0 : i32
            %add3A_406 = arith.addi %mul3A_404, %add3A_405 : i32
            %get3A_407 = arith.index_cast %add3A_406 : i32 to index
            %get3A_408 = arith.constant 0 : index
            %get3A_409 = tpu.vector_load %arg17[%get3A_407, %get3A_408] {strides = array<i32>} : memref<80x16xf32, #tpu.memory_space<vmem>>, vector<1x16xf32>,
            %get3A_410 = vector.shape_cast %get3A_409 : vector<1x16xf32> to vector<16xf32>
            %get3A_411 = arith.index_cast %add3A_406 : i32 to index
            %get3A_412 = arith.constant 0 : index
            %get3A_413 = tpu.vector_load %arg14[%get3A_411, %get3A_412] {strides = array<i32>} : memref<80x128xf32, #tpu.memory_space<vmem>>, vector<1x16xf32>,
            %get3A_414 = vector.shape_cast %get3A_413 : vector<1x16xf32> to vector<16xf32>
            %mul3A_415 = arith.mulf %get3A_414, %get3A_410 : vector<16xf32>
            %swap3A_416 = arith.index_cast %add3A_406 : i32 to index
            %swap3A_417 = arith.constant 0 : index
            %swap3A_418 = tpu.vector_load %arg14[%swap3A_416, %swap3A_417] {strides = array<i32>} : memref<80x128xf32, #tpu.memory_space<vmem>>, vector<1x16xf32>,
            %swap3A_419 = vector.shape_cast %swap3A_418 : vector<1x16xf32> to vector<16xf32>
            %swap3A_420 = vector.shape_cast %mul3A_415 : vector<16xf32> to vector<1x16xf32>
            tpu.vector_store %arg14[%swap3A_416, %swap3A_417], %swap3A_420 {strides = array<i32>} : memref<80x128xf32, #tpu.memory_space<vmem>>, vector<1x16xf32>,
            %get3A_421 = arith.index_cast %add3A_406 : i32 to index
            %get3A_422 = arith.constant 16 : index
            %get3A_423 = tpu.vector_load %arg14[%get3A_421, %get3A_422] {strides = array<i32>} : memref<80x128xf32, #tpu.memory_space<vmem>>, vector<1x16xf32>,
            %get3A_424 = vector.shape_cast %get3A_423 : vector<1x16xf32> to vector<16xf32>
            %mul3A_425 = arith.mulf %get3A_424, %get3A_410 : vector<16xf32>
            %swap3A_426 = arith.index_cast %add3A_406 : i32 to index
            %swap3A_427 = arith.constant 16 : index
            %swap3A_428 = tpu.vector_load %arg14[%swap3A_426, %swap3A_427] {strides = array<i32>} : memref<80x128xf32, #tpu.memory_space<vmem>>, vector<1x16xf32>,
            %swap3A_429 = vector.shape_cast %swap3A_428 : vector<1x16xf32> to vector<16xf32>
            %swap3A_430 = vector.shape_cast %mul3A_425 : vector<16xf32> to vector<1x16xf32>
            tpu.vector_store %arg14[%swap3A_426, %swap3A_427], %swap3A_430 {strides = array<i32>} : memref<80x128xf32, #tpu.memory_space<vmem>>, vector<1x16xf32>,
            %get3A_431 = arith.index_cast %add3A_406 : i32 to index
            %get3A_432 = arith.constant 32 : index
            %get3A_433 = tpu.vector_load %arg14[%get3A_431, %get3A_432] {strides = array<i32>} : memref<80x128xf32, #tpu.memory_space<vmem>>, vector<1x16xf32>,
            %get3A_434 = vector.shape_cast %get3A_433 : vector<1x16xf32> to vector<16xf32>
            %mul3A_435 = arith.mulf %get3A_434, %get3A_410 : vector<16xf32>
            %swap3A_436 = arith.index_cast %add3A_406 : i32 to index
            %swap3A_437 = arith.constant 32 : index
            %swap3A_438 = tpu.vector_load %arg14[%swap3A_436, %swap3A_437] {strides = array<i32>} : memref<80x128xf32, #tpu.memory_space<vmem>>, vector<1x16xf32>,
            %swap3A_439 = vector.shape_cast %swap3A_438 : vector<1x16xf32> to vector<16xf32>
            %swap3A_440 = vector.shape_cast %mul3A_435 : vector<16xf32> to vector<1x16xf32>
            tpu.vector_store %arg14[%swap3A_436, %swap3A_437], %swap3A_440 {strides = array<i32>} : memref<80x128xf32, #tpu.memory_space<vmem>>, vector<1x16xf32>,
            %get3A_441 = arith.index_cast %add3A_406 : i32 to index
            %get3A_442 = arith.constant 48 : index
            %get3A_443 = tpu.vector_load %arg14[%get3A_441, %get3A_442] {strides = array<i32>} : memref<80x128xf32, #tpu.memory_space<vmem>>, vector<1x16xf32>,
            %get3A_444 = vector.shape_cast %get3A_443 : vector<1x16xf32> to vector<16xf32>
            %mul3A_445 = arith.mulf %get3A_444, %get3A_410 : vector<16xf32>
            %swap3A_446 = arith.index_cast %add3A_406 : i32 to index
            %swap3A_447 = arith.constant 48 : index
            %swap3A_448 = tpu.vector_load %arg14[%swap3A_446, %swap3A_447] {strides = array<i32>} : memref<80x128xf32, #tpu.memory_space<vmem>>, vector<1x16xf32>,
            %swap3A_449 = vector.shape_cast %swap3A_448 : vector<1x16xf32> to vector<16xf32>
            %swap3A_450 = vector.shape_cast %mul3A_445 : vector<16xf32> to vector<1x16xf32>
            tpu.vector_store %arg14[%swap3A_446, %swap3A_447], %swap3A_450 {strides = array<i32>} : memref<80x128xf32, #tpu.memory_space<vmem>>, vector<1x16xf32>,
            %get3A_451 = arith.index_cast %add3A_406 : i32 to index
            %get3A_452 = arith.constant 64 : index
            %get3A_453 = tpu.vector_load %arg14[%get3A_451, %get3A_452] {strides = array<i32>} : memref<80x128xf32, #tpu.memory_space<vmem>>, vector<1x16xf32>,
            %get3A_454 = vector.shape_cast %get3A_453 : vector<1x16xf32> to vector<16xf32>
            %mul3A_455 = arith.mulf %get3A_454, %get3A_410 : vector<16xf32>
            %swap3A_456 = arith.index_cast %add3A_406 : i32 to index
            %swap3A_457 = arith.constant 64 : index
            %swap3A_458 = tpu.vector_load %arg14[%swap3A_456, %swap3A_457] {strides = array<i32>} : memref<80x128xf32, #tpu.memory_space<vmem>>, vector<1x16xf32>,
            %swap3A_459 = vector.shape_cast %swap3A_458 : vector<1x16xf32> to vector<16xf32>
            %swap3A_460 = vector.shape_cast %mul3A_455 : vector<16xf32> to vector<1x16xf32>
            tpu.vector_store %arg14[%swap3A_456, %swap3A_457], %swap3A_460 {strides = array<i32>} : memref<80x128xf32, #tpu.memory_space<vmem>>, vector<1x16xf32>,
            %get3A_461 = arith.index_cast %add3A_406 : i32 to index
            %get3A_462 = arith.constant 80 : index
            %get3A_463 = tpu.vector_load %arg14[%get3A_461, %get3A_462] {strides = array<i32>} : memref<80x128xf32, #tpu.memory_space<vmem>>, vector<1x16xf32>,
            %get3A_464 = vector.shape_cast %get3A_463 : vector<1x16xf32> to vector<16xf32>
            %mul3A_465 = arith.mulf %get3A_464, %get3A_410 : vector<16xf32>
            %swap3A_466 = arith.index_cast %add3A_406 : i32 to index
            %swap3A_467 = arith.constant 80 : index
            %swap3A_468 = tpu.vector_load %arg14[%swap3A_466, %swap3A_467] {strides = array<i32>} : memref<80x128xf32, #tpu.memory_space<vmem>>, vector<1x16xf32>,
            %swap3A_469 = vector.shape_cast %swap3A_468 : vector<1x16xf32> to vector<16xf32>
            %swap3A_470 = vector.shape_cast %mul3A_465 : vector<16xf32> to vector<1x16xf32>
            tpu.vector_store %arg14[%swap3A_466, %swap3A_467], %swap3A_470 {strides = array<i32>} : memref<80x128xf32, #tpu.memory_space<vmem>>, vector<1x16xf32>,
            %get3A_471 = arith.index_cast %add3A_406 : i32 to index
            %get3A_472 = arith.constant 96 : index
            %get3A_473 = tpu.vector_load %arg14[%get3A_471, %get3A_472] {strides = array<i32>} : memref<80x128xf32, #tpu.memory_space<vmem>>, vector<1x16xf32>,
            %get3A_474 = vector.shape_cast %get3A_473 : vector<1x16xf32> to vector<16xf32>
            %mul3A_475 = arith.mulf %get3A_474, %get3A_410 : vector<16xf32>
            %swap3A_476 = arith.index_cast %add3A_406 : i32 to index
            %swap3A_477 = arith.constant 96 : index
            %swap3A_478 = tpu.vector_load %arg14[%swap3A_476, %swap3A_477] {strides = array<i32>} : memref<80x128xf32, #tpu.memory_space<vmem>>, vector<1x16xf32>,
            %swap3A_479 = vector.shape_cast %swap3A_478 : vector<1x16xf32> to vector<16xf32>
            %swap3A_480 = vector.shape_cast %mul3A_475 : vector<16xf32> to vector<1x16xf32>
            tpu.vector_store %arg14[%swap3A_476, %swap3A_477], %swap3A_480 {strides = array<i32>} : memref<80x128xf32, #tpu.memory_space<vmem>>, vector<1x16xf32>,
            %get3A_481 = arith.index_cast %add3A_406 : i32 to index
            %get3A_482 = arith.constant 112 : index
            %get3A_483 = tpu.vector_load %arg14[%get3A_481, %get3A_482] {strides = array<i32>} : memref<80x128xf32, #tpu.memory_space<vmem>>, vector<1x16xf32>,
            %get3A_484 = vector.shape_cast %get3A_483 : vector<1x16xf32> to vector<16xf32>
            %mul3A_485 = arith.mulf %get3A_484, %get3A_410 : vector<16xf32>
            %swap3A_486 = arith.index_cast %add3A_406 : i32 to index
            %swap3A_487 = arith.constant 112 : index
            %swap3A_488 = tpu.vector_load %arg14[%swap3A_486, %swap3A_487] {strides = array<i32>} : memref<80x128xf32, #tpu.memory_space<vmem>>, vector<1x16xf32>,
            %swap3A_489 = vector.shape_cast %swap3A_488 : vector<1x16xf32> to vector<16xf32>
            %swap3A_490 = vector.shape_cast %mul3A_485 : vector<16xf32> to vector<1x16xf32>
            tpu.vector_store %arg14[%swap3A_486, %swap3A_487], %swap3A_490 {strides = array<i32>} : memref<80x128xf32, #tpu.memory_space<vmem>>, vector<1x16xf32>,
            %mul3A_491 = arith.constant 4 : i32
            %mul3A_492 = arith.muli %scan3A_402, %mul3A_491 : i32
            %add3A_493 = arith.constant 1 : i32
            %add3A_494 = arith.addi %mul3A_492, %add3A_493 : i32
            %get3A_495 = arith.index_cast %add3A_494 : i32 to index
            %get3A_496 = arith.constant 0 : index
            %get3A_497 = tpu.vector_load %arg17[%get3A_495, %get3A_496] {strides = array<i32>} : memref<80x16xf32, #tpu.memory_space<vmem>>, vector<1x16xf32>,
            %get3A_498 = vector.shape_cast %get3A_497 : vector<1x16xf32> to vector<16xf32>
            %get3A_499 = arith.index_cast %add3A_494 : i32 to index
            %get3A_500 = arith.constant 0 : index
            %get3A_501 = tpu.vector_load %arg14[%get3A_499, %get3A_500] {strides = array<i32>} : memref<80x128xf32, #tpu.memory_space<vmem>>, vector<1x16xf32>,
            %get3A_502 = vector.shape_cast %get3A_501 : vector<1x16xf32> to vector<16xf32>
            %mul3A_503 = arith.mulf %get3A_502, %get3A_498 : vector<16xf32>
            %swap3A_504 = arith.index_cast %add3A_494 : i32 to index
            %swap3A_505 = arith.constant 0 : index
            %swap3A_506 = tpu.vector_load %arg14[%swap3A_504, %swap3A_505] {strides = array<i32>} : memref<80x128xf32, #tpu.memory_space<vmem>>, vector<1x16xf32>,
            %swap3A_507 = vector.shape_cast %swap3A_506 : vector<1x16xf32> to vector<16xf32>
            %swap3A_508 = vector.shape_cast %mul3A_503 : vector<16xf32> to vector<1x16xf32>
            tpu.vector_store %arg14[%swap3A_504, %swap3A_505], %swap3A_508 {strides = array<i32>} : memref<80x128xf32, #tpu.memory_space<vmem>>, vector<1x16xf32>,
            %get3A_509 = arith.index_cast %add3A_494 : i32 to index
            %get3A_510 = arith.constant 16 : index
            %get3A_511 = tpu.vector_load %arg14[%get3A_509, %get3A_510] {strides = array<i32>} : memref<80x128xf32, #tpu.memory_space<vmem>>, vector<1x16xf32>,
            %get3A_512 = vector.shape_cast %get3A_511 : vector<1x16xf32> to vector<16xf32>
            %mul3A_513 = arith.mulf %get3A_512, %get3A_498 : vector<16xf32>
            %swap3A_514 = arith.index_cast %add3A_494 : i32 to index
            %swap3A_515 = arith.constant 16 : index
            %swap3A_516 = tpu.vector_load %arg14[%swap3A_514, %swap3A_515] {strides = array<i32>} : memref<80x128xf32, #tpu.memory_space<vmem>>, vector<1x16xf32>,
            %swap3A_517 = vector.shape_cast %swap3A_516 : vector<1x16xf32> to vector<16xf32>
            %swap3A_518 = vector.shape_cast %mul3A_513 : vector<16xf32> to vector<1x16xf32>
            tpu.vector_store %arg14[%swap3A_514, %swap3A_515], %swap3A_518 {strides = array<i32>} : memref<80x128xf32, #tpu.memory_space<vmem>>, vector<1x16xf32>,
            %get3A_519 = arith.index_cast %add3A_494 : i32 to index
            %get3A_520 = arith.constant 32 : index
            %get3A_521 = tpu.vector_load %arg14[%get3A_519, %get3A_520] {strides = array<i32>} : memref<80x128xf32, #tpu.memory_space<vmem>>, vector<1x16xf32>,
            %get3A_522 = vector.shape_cast %get3A_521 : vector<1x16xf32> to vector<16xf32>
            %mul3A_523 = arith.mulf %get3A_522, %get3A_498 : vector<16xf32>
            %swap3A_524 = arith.index_cast %add3A_494 : i32 to index
            %swap3A_525 = arith.constant 32 : index
            %swap3A_526 = tpu.vector_load %arg14[%swap3A_524, %swap3A_525] {strides = array<i32>} : memref<80x128xf32, #tpu.memory_space<vmem>>, vector<1x16xf32>,
            %swap3A_527 = vector.shape_cast %swap3A_526 : vector<1x16xf32> to vector<16xf32>
            %swap3A_528 = vector.shape_cast %mul3A_523 : vector<16xf32> to vector<1x16xf32>
            tpu.vector_store %arg14[%swap3A_524, %swap3A_525], %swap3A_528 {strides = array<i32>} : memref<80x128xf32, #tpu.memory_space<vmem>>, vector<1x16xf32>,
            %get3A_529 = arith.index_cast %add3A_494 : i32 to index
            %get3A_530 = arith.constant 48 : index
            %get3A_531 = tpu.vector_load %arg14[%get3A_529, %get3A_530] {strides = array<i32>} : memref<80x128xf32, #tpu.memory_space<vmem>>, vector<1x16xf32>,
            %get3A_532 = vector.shape_cast %get3A_531 : vector<1x16xf32> to vector<16xf32>
            %mul3A_533 = arith.mulf %get3A_532, %get3A_498 : vector<16xf32>
            %swap3A_534 = arith.index_cast %add3A_494 : i32 to index
            %swap3A_535 = arith.constant 48 : index
            %swap3A_536 = tpu.vector_load %arg14[%swap3A_534, %swap3A_535] {strides = array<i32>} : memref<80x128xf32, #tpu.memory_space<vmem>>, vector<1x16xf32>,
            %swap3A_537 = vector.shape_cast %swap3A_536 : vector<1x16xf32> to vector<16xf32>
            %swap3A_538 = vector.shape_cast %mul3A_533 : vector<16xf32> to vector<1x16xf32>
            tpu.vector_store %arg14[%swap3A_534, %swap3A_535], %swap3A_538 {strides = array<i32>} : memref<80x128xf32, #tpu.memory_space<vmem>>, vector<1x16xf32>,
            %get3A_539 = arith.index_cast %add3A_494 : i32 to index
            %get3A_540 = arith.constant 64 : index
            %get3A_541 = tpu.vector_load %arg14[%get3A_539, %get3A_540] {strides = array<i32>} : memref<80x128xf32, #tpu.memory_space<vmem>>, vector<1x16xf32>,
            %get3A_542 = vector.shape_cast %get3A_541 : vector<1x16xf32> to vector<16xf32>
            %mul3A_543 = arith.mulf %get3A_542, %get3A_498 : vector<16xf32>
            %swap3A_544 = arith.index_cast %add3A_494 : i32 to index
            %swap3A_545 = arith.constant 64 : index
            %swap3A_546 = tpu.vector_load %arg14[%swap3A_544, %swap3A_545] {strides = array<i32>} : memref<80x128xf32, #tpu.memory_space<vmem>>, vector<1x16xf32>,
            %swap3A_547 = vector.shape_cast %swap3A_546 : vector<1x16xf32> to vector<16xf32>
            %swap3A_548 = vector.shape_cast %mul3A_543 : vector<16xf32> to vector<1x16xf32>
            tpu.vector_store %arg14[%swap3A_544, %swap3A_545], %swap3A_548 {strides = array<i32>} : memref<80x128xf32, #tpu.memory_space<vmem>>, vector<1x16xf32>,
            %get3A_549 = arith.index_cast %add3A_494 : i32 to index
            %get3A_550 = arith.constant 80 : index
            %get3A_551 = tpu.vector_load %arg14[%get3A_549, %get3A_550] {strides = array<i32>} : memref<80x128xf32, #tpu.memory_space<vmem>>, vector<1x16xf32>,
            %get3A_552 = vector.shape_cast %get3A_551 : vector<1x16xf32> to vector<16xf32>
            %mul3A_553 = arith.mulf %get3A_552, %get3A_498 : vector<16xf32>
            %swap3A_554 = arith.index_cast %add3A_494 : i32 to index
            %swap3A_555 = arith.constant 80 : index
            %swap3A_556 = tpu.vector_load %arg14[%swap3A_554, %swap3A_555] {strides = array<i32>} : memref<80x128xf32, #tpu.memory_space<vmem>>, vector<1x16xf32>,
            %swap3A_557 = vector.shape_cast %swap3A_556 : vector<1x16xf32> to vector<16xf32>
            %swap3A_558 = vector.shape_cast %mul3A_553 : vector<16xf32> to vector<1x16xf32>
            tpu.vector_store %arg14[%swap3A_554, %swap3A_555], %swap3A_558 {strides = array<i32>} : memref<80x128xf32, #tpu.memory_space<vmem>>, vector<1x16xf32>,
            %get3A_559 = arith.index_cast %add3A_494 : i32 to index
            %get3A_560 = arith.constant 96 : index
            %get3A_561 = tpu.vector_load %arg14[%get3A_559, %get3A_560] {strides = array<i32>} : memref<80x128xf32, #tpu.memory_space<vmem>>, vector<1x16xf32>,
            %get3A_562 = vector.shape_cast %get3A_561 : vector<1x16xf32> to vector<16xf32>
            %mul3A_563 = arith.mulf %get3A_562, %get3A_498 : vector<16xf32>
            %swap3A_564 = arith.index_cast %add3A_494 : i32 to index
            %swap3A_565 = arith.constant 96 : index
            %swap3A_566 = tpu.vector_load %arg14[%swap3A_564, %swap3A_565] {strides = array<i32>} : memref<80x128xf32, #tpu.memory_space<vmem>>, vector<1x16xf32>,
            %swap3A_567 = vector.shape_cast %swap3A_566 : vector<1x16xf32> to vector<16xf32>
            %swap3A_568 = vector.shape_cast %mul3A_563 : vector<16xf32> to vector<1x16xf32>
            tpu.vector_store %arg14[%swap3A_564, %swap3A_565], %swap3A_568 {strides = array<i32>} : memref<80x128xf32, #tpu.memory_space<vmem>>, vector<1x16xf32>,
            %get3A_569 = arith.index_cast %add3A_494 : i32 to index
            %get3A_570 = arith.constant 112 : index
            %get3A_571 = tpu.vector_load %arg14[%get3A_569, %get3A_570] {strides = array<i32>} : memref<80x128xf32, #tpu.memory_space<vmem>>, vector<1x16xf32>,
            %get3A_572 = vector.shape_cast %get3A_571 : vector<1x16xf32> to vector<16xf32>
            %mul3A_573 = arith.mulf %get3A_572, %get3A_498 : vector<16xf32>
            %swap3A_574 = arith.index_cast %add3A_494 : i32 to index
            %swap3A_575 = arith.constant 112 : index
            %swap3A_576 = tpu.vector_load %arg14[%swap3A_574, %swap3A_575] {strides = array<i32>} : memref<80x128xf32, #tpu.memory_space<vmem>>, vector<1x16xf32>,
            %swap3A_577 = vector.shape_cast %swap3A_576 : vector<1x16xf32> to vector<16xf32>
            %swap3A_578 = vector.shape_cast %mul3A_573 : vector<16xf32> to vector<1x16xf32>
            tpu.vector_store %arg14[%swap3A_574, %swap3A_575], %swap3A_578 {strides = array<i32>} : memref<80x128xf32, #tpu.memory_space<vmem>>, vector<1x16xf32>,
            %mul3A_579 = arith.constant 4 : i32
            %mul3A_580 = arith.muli %scan3A_402, %mul3A_579 : i32
            %add3A_581 = arith.constant 2 : i32
            %add3A_582 = arith.addi %mul3A_580, %add3A_581 : i32
            %get3A_583 = arith.index_cast %add3A_582 : i32 to index
            %get3A_584 = arith.constant 0 : index
            %get3A_585 = tpu.vector_load %arg17[%get3A_583, %get3A_584] {strides = array<i32>} : memref<80x16xf32, #tpu.memory_space<vmem>>, vector<1x16xf32>,
            %get3A_586 = vector.shape_cast %get3A_585 : vector<1x16xf32> to vector<16xf32>
            %get3A_587 = arith.index_cast %add3A_582 : i32 to index
            %get3A_588 = arith.constant 0 : index
            %get3A_589 = tpu.vector_load %arg14[%get3A_587, %get3A_588] {strides = array<i32>} : memref<80x128xf32, #tpu.memory_space<vmem>>, vector<1x16xf32>,
            %get3A_590 = vector.shape_cast %get3A_589 : vector<1x16xf32> to vector<16xf32>
            %mul3A_591 = arith.mulf %get3A_590, %get3A_586 : vector<16xf32>
            %swap3A_592 = arith.index_cast %add3A_582 : i32 to index
            %swap3A_593 = arith.constant 0 : index
            %swap3A_594 = tpu.vector_load %arg14[%swap3A_592, %swap3A_593] {strides = array<i32>} : memref<80x128xf32, #tpu.memory_space<vmem>>, vector<1x16xf32>,
            %swap3A_595 = vector.shape_cast %swap3A_594 : vector<1x16xf32> to vector<16xf32>
            %swap3A_596 = vector.shape_cast %mul3A_591 : vector<16xf32> to vector<1x16xf32>
            tpu.vector_store %arg14[%swap3A_592, %swap3A_593], %swap3A_596 {strides = array<i32>} : memref<80x128xf32, #tpu.memory_space<vmem>>, vector<1x16xf32>,
            %get3A_597 = arith.index_cast %add3A_582 : i32 to index
            %get3A_598 = arith.constant 16 : index
            %get3A_599 = tpu.vector_load %arg14[%get3A_597, %get3A_598] {strides = array<i32>} : memref<80x128xf32, #tpu.memory_space<vmem>>, vector<1x16xf32>,
            %get3A_600 = vector.shape_cast %get3A_599 : vector<1x16xf32> to vector<16xf32>
            %mul3A_601 = arith.mulf %get3A_600, %get3A_586 : vector<16xf32>
            %swap3A_602 = arith.index_cast %add3A_582 : i32 to index
            %swap3A_603 = arith.constant 16 : index
            %swap3A_604 = tpu.vector_load %arg14[%swap3A_602, %swap3A_603] {strides = array<i32>} : memref<80x128xf32, #tpu.memory_space<vmem>>, vector<1x16xf32>,
            %swap3A_605 = vector.shape_cast %swap3A_604 : vector<1x16xf32> to vector<16xf32>
            %swap3A_606 = vector.shape_cast %mul3A_601 : vector<16xf32> to vector<1x16xf32>
            tpu.vector_store %arg14[%swap3A_602, %swap3A_603], %swap3A_606 {strides = array<i32>} : memref<80x128xf32, #tpu.memory_space<vmem>>, vector<1x16xf32>,
            %get3A_607 = arith.index_cast %add3A_582 : i32 to index
            %get3A_608 = arith.constant 32 : index
            %get3A_609 = tpu.vector_load %arg14[%get3A_607, %get3A_608] {strides = array<i32>} : memref<80x128xf32, #tpu.memory_space<vmem>>, vector<1x16xf32>,
            %get3A_610 = vector.shape_cast %get3A_609 : vector<1x16xf32> to vector<16xf32>
            %mul3A_611 = arith.mulf %get3A_610, %get3A_586 : vector<16xf32>
            %swap3A_612 = arith.index_cast %add3A_582 : i32 to index
            %swap3A_613 = arith.constant 32 : index
            %swap3A_614 = tpu.vector_load %arg14[%swap3A_612, %swap3A_613] {strides = array<i32>} : memref<80x128xf32, #tpu.memory_space<vmem>>, vector<1x16xf32>,
            %swap3A_615 = vector.shape_cast %swap3A_614 : vector<1x16xf32> to vector<16xf32>
            %swap3A_616 = vector.shape_cast %mul3A_611 : vector<16xf32> to vector<1x16xf32>
            tpu.vector_store %arg14[%swap3A_612, %swap3A_613], %swap3A_616 {strides = array<i32>} : memref<80x128xf32, #tpu.memory_space<vmem>>, vector<1x16xf32>,
            %get3A_617 = arith.index_cast %add3A_582 : i32 to index
            %get3A_618 = arith.constant 48 : index
            %get3A_619 = tpu.vector_load %arg14[%get3A_617, %get3A_618] {strides = array<i32>} : memref<80x128xf32, #tpu.memory_space<vmem>>, vector<1x16xf32>,
            %get3A_620 = vector.shape_cast %get3A_619 : vector<1x16xf32> to vector<16xf32>
            %mul3A_621 = arith.mulf %get3A_620, %get3A_586 : vector<16xf32>
            %swap3A_622 = arith.index_cast %add3A_582 : i32 to index
            %swap3A_623 = arith.constant 48 : index
            %swap3A_624 = tpu.vector_load %arg14[%swap3A_622, %swap3A_623] {strides = array<i32>} : memref<80x128xf32, #tpu.memory_space<vmem>>, vector<1x16xf32>,
            %swap3A_625 = vector.shape_cast %swap3A_624 : vector<1x16xf32> to vector<16xf32>
            %swap3A_626 = vector.shape_cast %mul3A_621 : vector<16xf32> to vector<1x16xf32>
            tpu.vector_store %arg14[%swap3A_622, %swap3A_623], %swap3A_626 {strides = array<i32>} : memref<80x128xf32, #tpu.memory_space<vmem>>, vector<1x16xf32>,
            %get3A_627 = arith.index_cast %add3A_582 : i32 to index
            %get3A_628 = arith.constant 64 : index
            %get3A_629 = tpu.vector_load %arg14[%get3A_627, %get3A_628] {strides = array<i32>} : memref<80x128xf32, #tpu.memory_space<vmem>>, vector<1x16xf32>,
            %get3A_630 = vector.shape_cast %get3A_629 : vector<1x16xf32> to vector<16xf32>
            %mul3A_631 = arith.mulf %get3A_630, %get3A_586 : vector<16xf32>
            %swap3A_632 = arith.index_cast %add3A_582 : i32 to index
            %swap3A_633 = arith.constant 64 : index
            %swap3A_634 = tpu.vector_load %arg14[%swap3A_632, %swap3A_633] {strides = array<i32>} : memref<80x128xf32, #tpu.memory_space<vmem>>, vector<1x16xf32>,
            %swap3A_635 = vector.shape_cast %swap3A_634 : vector<1x16xf32> to vector<16xf32>
            %swap3A_636 = vector.shape_cast %mul3A_631 : vector<16xf32> to vector<1x16xf32>
            tpu.vector_store %arg14[%swap3A_632, %swap3A_633], %swap3A_636 {strides = array<i32>} : memref<80x128xf32, #tpu.memory_space<vmem>>, vector<1x16xf32>,
            %get3A_637 = arith.index_cast %add3A_582 : i32 to index
            %get3A_638 = arith.constant 80 : index
            %get3A_639 = tpu.vector_load %arg14[%get3A_637, %get3A_638] {strides = array<i32>} : memref<80x128xf32, #tpu.memory_space<vmem>>, vector<1x16xf32>,
            %get3A_640 = vector.shape_cast %get3A_639 : vector<1x16xf32> to vector<16xf32>
            %mul3A_641 = arith.mulf %get3A_640, %get3A_586 : vector<16xf32>
            %swap3A_642 = arith.index_cast %add3A_582 : i32 to index
            %swap3A_643 = arith.constant 80 : index
            %swap3A_644 = tpu.vector_load %arg14[%swap3A_642, %swap3A_643] {strides = array<i32>} : memref<80x128xf32, #tpu.memory_space<vmem>>, vector<1x16xf32>,
            %swap3A_645 = vector.shape_cast %swap3A_644 : vector<1x16xf32> to vector<16xf32>
            %swap3A_646 = vector.shape_cast %mul3A_641 : vector<16xf32> to vector<1x16xf32>
            tpu.vector_store %arg14[%swap3A_642, %swap3A_643], %swap3A_646 {strides = array<i32>} : memref<80x128xf32, #tpu.memory_space<vmem>>, vector<1x16xf32>,
            %get3A_647 = arith.index_cast %add3A_582 : i32 to index
            %get3A_648 = arith.constant 96 : index
            %get3A_649 = tpu.vector_load %arg14[%get3A_647, %get3A_648] {strides = array<i32>} : memref<80x128xf32, #tpu.memory_space<vmem>>, vector<1x16xf32>,
            %get3A_650 = vector.shape_cast %get3A_649 : vector<1x16xf32> to vector<16xf32>
            %mul3A_651 = arith.mulf %get3A_650, %get3A_586 : vector<16xf32>
            %swap3A_652 = arith.index_cast %add3A_582 : i32 to index
            %swap3A_653 = arith.constant 96 : index
            %swap3A_654 = tpu.vector_load %arg14[%swap3A_652, %swap3A_653] {strides = array<i32>} : memref<80x128xf32, #tpu.memory_space<vmem>>, vector<1x16xf32>,
            %swap3A_655 = vector.shape_cast %swap3A_654 : vector<1x16xf32> to vector<16xf32>
            %swap3A_656 = vector.shape_cast %mul3A_651 : vector<16xf32> to vector<1x16xf32>
            tpu.vector_store %arg14[%swap3A_652, %swap3A_653], %swap3A_656 {strides = array<i32>} : memref<80x128xf32, #tpu.memory_space<vmem>>, vector<1x16xf32>,
            %get3A_657 = arith.index_cast %add3A_582 : i32 to index
            %get3A_658 = arith.constant 112 : index
            %get3A_659 = tpu.vector_load %arg14[%get3A_657, %get3A_658] {strides = array<i32>} : memref<80x128xf32, #tpu.memory_space<vmem>>, vector<1x16xf32>,
            %get3A_660 = vector.shape_cast %get3A_659 : vector<1x16xf32> to vector<16xf32>
            %mul3A_661 = arith.mulf %get3A_660, %get3A_586 : vector<16xf32>
            %swap3A_662 = arith.index_cast %add3A_582 : i32 to index
            %swap3A_663 = arith.constant 112 : index
            %swap3A_664 = tpu.vector_load %arg14[%swap3A_662, %swap3A_663] {strides = array<i32>} : memref<80x128xf32, #tpu.memory_space<vmem>>, vector<1x16xf32>,
            %swap3A_665 = vector.shape_cast %swap3A_664 : vector<1x16xf32> to vector<16xf32>
            %swap3A_666 = vector.shape_cast %mul3A_661 : vector<16xf32> to vector<1x16xf32>
            tpu.vector_store %arg14[%swap3A_662, %swap3A_663], %swap3A_666 {strides = array<i32>} : memref<80x128xf32, #tpu.memory_space<vmem>>, vector<1x16xf32>,
            %mul3A_667 = arith.constant 4 : i32
            %mul3A_668 = arith.muli %scan3A_402, %mul3A_667 : i32
            %add3A_669 = arith.constant 3 : i32
            %add3A_670 = arith.addi %mul3A_668, %add3A_669 : i32
            %get3A_671 = arith.index_cast %add3A_670 : i32 to index
            %get3A_672 = arith.constant 0 : index
            %get3A_673 = tpu.vector_load %arg17[%get3A_671, %get3A_672] {strides = array<i32>} : memref<80x16xf32, #tpu.memory_space<vmem>>, vector<1x16xf32>,
            %get3A_674 = vector.shape_cast %get3A_673 : vector<1x16xf32> to vector<16xf32>
            %get3A_675 = arith.index_cast %add3A_670 : i32 to index
            %get3A_676 = arith.constant 0 : index
            %get3A_677 = tpu.vector_load %arg14[%get3A_675, %get3A_676] {strides = array<i32>} : memref<80x128xf32, #tpu.memory_space<vmem>>, vector<1x16xf32>,
            %get3A_678 = vector.shape_cast %get3A_677 : vector<1x16xf32> to vector<16xf32>
            %mul3A_679 = arith.mulf %get3A_678, %get3A_674 : vector<16xf32>
            %swap3A_680 = arith.index_cast %add3A_670 : i32 to index
            %swap3A_681 = arith.constant 0 : index
            %swap3A_682 = tpu.vector_load %arg14[%swap3A_680, %swap3A_681] {strides = array<i32>} : memref<80x128xf32, #tpu.memory_space<vmem>>, vector<1x16xf32>,
            %swap3A_683 = vector.shape_cast %swap3A_682 : vector<1x16xf32> to vector<16xf32>
            %swap3A_684 = vector.shape_cast %mul3A_679 : vector<16xf32> to vector<1x16xf32>
            tpu.vector_store %arg14[%swap3A_680, %swap3A_681], %swap3A_684 {strides = array<i32>} : memref<80x128xf32, #tpu.memory_space<vmem>>, vector<1x16xf32>,
            %get3A_685 = arith.index_cast %add3A_670 : i32 to index
            %get3A_686 = arith.constant 16 : index
            %get3A_687 = tpu.vector_load %arg14[%get3A_685, %get3A_686] {strides = array<i32>} : memref<80x128xf32, #tpu.memory_space<vmem>>, vector<1x16xf32>,
            %get3A_688 = vector.shape_cast %get3A_687 : vector<1x16xf32> to vector<16xf32>
            %mul3A_689 = arith.mulf %get3A_688, %get3A_674 : vector<16xf32>
            %swap3A_690 = arith.index_cast %add3A_670 : i32 to index
            %swap3A_691 = arith.constant 16 : index
            %swap3A_692 = tpu.vector_load %arg14[%swap3A_690, %swap3A_691] {strides = array<i32>} : memref<80x128xf32, #tpu.memory_space<vmem>>, vector<1x16xf32>,
            %swap3A_693 = vector.shape_cast %swap3A_692 : vector<1x16xf32> to vector<16xf32>
            %swap3A_694 = vector.shape_cast %mul3A_689 : vector<16xf32> to vector<1x16xf32>
            tpu.vector_store %arg14[%swap3A_690, %swap3A_691], %swap3A_694 {strides = array<i32>} : memref<80x128xf32, #tpu.memory_space<vmem>>, vector<1x16xf32>,
            %get3A_695 = arith.index_cast %add3A_670 : i32 to index
            %get3A_696 = arith.constant 32 : index
            %get3A_697 = tpu.vector_load %arg14[%get3A_695, %get3A_696] {strides = array<i32>} : memref<80x128xf32, #tpu.memory_space<vmem>>, vector<1x16xf32>,
            %get3A_698 = vector.shape_cast %get3A_697 : vector<1x16xf32> to vector<16xf32>
            %mul3A_699 = arith.mulf %get3A_698, %get3A_674 : vector<16xf32>
            %swap3A_700 = arith.index_cast %add3A_670 : i32 to index
            %swap3A_701 = arith.constant 32 : index
            %swap3A_702 = tpu.vector_load %arg14[%swap3A_700, %swap3A_701] {strides = array<i32>} : memref<80x128xf32, #tpu.memory_space<vmem>>, vector<1x16xf32>,
            %swap3A_703 = vector.shape_cast %swap3A_702 : vector<1x16xf32> to vector<16xf32>
            %swap3A_704 = vector.shape_cast %mul3A_699 : vector<16xf32> to vector<1x16xf32>
            tpu.vector_store %arg14[%swap3A_700, %swap3A_701], %swap3A_704 {strides = array<i32>} : memref<80x128xf32, #tpu.memory_space<vmem>>, vector<1x16xf32>,
            %get3A_705 = arith.index_cast %add3A_670 : i32 to index
            %get3A_706 = arith.constant 48 : index
            %get3A_707 = tpu.vector_load %arg14[%get3A_705, %get3A_706] {strides = array<i32>} : memref<80x128xf32, #tpu.memory_space<vmem>>, vector<1x16xf32>,
            %get3A_708 = vector.shape_cast %get3A_707 : vector<1x16xf32> to vector<16xf32>
            %mul3A_709 = arith.mulf %get3A_708, %get3A_674 : vector<16xf32>
            %swap3A_710 = arith.index_cast %add3A_670 : i32 to index
            %swap3A_711 = arith.constant 48 : index
            %swap3A_712 = tpu.vector_load %arg14[%swap3A_710, %swap3A_711] {strides = array<i32>} : memref<80x128xf32, #tpu.memory_space<vmem>>, vector<1x16xf32>,
            %swap3A_713 = vector.shape_cast %swap3A_712 : vector<1x16xf32> to vector<16xf32>
            %swap3A_714 = vector.shape_cast %mul3A_709 : vector<16xf32> to vector<1x16xf32>
            tpu.vector_store %arg14[%swap3A_710, %swap3A_711], %swap3A_714 {strides = array<i32>} : memref<80x128xf32, #tpu.memory_space<vmem>>, vector<1x16xf32>,
            %get3A_715 = arith.index_cast %add3A_670 : i32 to index
            %get3A_716 = arith.constant 64 : index
            %get3A_717 = tpu.vector_load %arg14[%get3A_715, %get3A_716] {strides = array<i32>} : memref<80x128xf32, #tpu.memory_space<vmem>>, vector<1x16xf32>,
            %get3A_718 = vector.shape_cast %get3A_717 : vector<1x16xf32> to vector<16xf32>
            %mul3A_719 = arith.mulf %get3A_718, %get3A_674 : vector<16xf32>
            %swap3A_720 = arith.index_cast %add3A_670 : i32 to index
            %swap3A_721 = arith.constant 64 : index
            %swap3A_722 = tpu.vector_load %arg14[%swap3A_720, %swap3A_721] {strides = array<i32>} : memref<80x128xf32, #tpu.memory_space<vmem>>, vector<1x16xf32>,
            %swap3A_723 = vector.shape_cast %swap3A_722 : vector<1x16xf32> to vector<16xf32>
            %swap3A_724 = vector.shape_cast %mul3A_719 : vector<16xf32> to vector<1x16xf32>
            tpu.vector_store %arg14[%swap3A_720, %swap3A_721], %swap3A_724 {strides = array<i32>} : memref<80x128xf32, #tpu.memory_space<vmem>>, vector<1x16xf32>,
            %get3A_725 = arith.index_cast %add3A_670 : i32 to index
            %get3A_726 = arith.constant 80 : index
            %get3A_727 = tpu.vector_load %arg14[%get3A_725, %get3A_726] {strides = array<i32>} : memref<80x128xf32, #tpu.memory_space<vmem>>, vector<1x16xf32>,
            %get3A_728 = vector.shape_cast %get3A_727 : vector<1x16xf32> to vector<16xf32>
            %mul3A_729 = arith.mulf %get3A_728, %get3A_674 : vector<16xf32>
            %swap3A_730 = arith.index_cast %add3A_670 : i32 to index
            %swap3A_731 = arith.constant 80 : index
            %swap3A_732 = tpu.vector_load %arg14[%swap3A_730, %swap3A_731] {strides = array<i32>} : memref<80x128xf32, #tpu.memory_space<vmem>>, vector<1x16xf32>,
            %swap3A_733 = vector.shape_cast %swap3A_732 : vector<1x16xf32> to vector<16xf32>
            %swap3A_734 = vector.shape_cast %mul3A_729 : vector<16xf32> to vector<1x16xf32>
            tpu.vector_store %arg14[%swap3A_730, %swap3A_731], %swap3A_734 {strides = array<i32>} : memref<80x128xf32, #tpu.memory_space<vmem>>, vector<1x16xf32>,
            %get3A_735 = arith.index_cast %add3A_670 : i32 to index
            %get3A_736 = arith.constant 96 : index
            %get3A_737 = tpu.vector_load %arg14[%get3A_735, %get3A_736] {strides = array<i32>} : memref<80x128xf32, #tpu.memory_space<vmem>>, vector<1x16xf32>,
            %get3A_738 = vector.shape_cast %get3A_737 : vector<1x16xf32> to vector<16xf32>
            %mul3A_739 = arith.mulf %get3A_738, %get3A_674 : vector<16xf32>
            %swap3A_740 = arith.index_cast %add3A_670 : i32 to index
            %swap3A_741 = arith.constant 96 : index
            %swap3A_742 = tpu.vector_load %arg14[%swap3A_740, %swap3A_741] {strides = array<i32>} : memref<80x128xf32, #tpu.memory_space<vmem>>, vector<1x16xf32>,
            %swap3A_743 = vector.shape_cast %swap3A_742 : vector<1x16xf32> to vector<16xf32>
            %swap3A_744 = vector.shape_cast %mul3A_739 : vector<16xf32> to vector<1x16xf32>
            tpu.vector_store %arg14[%swap3A_740, %swap3A_741], %swap3A_744 {strides = array<i32>} : memref<80x128xf32, #tpu.memory_space<vmem>>, vector<1x16xf32>,
            %get3A_745 = arith.index_cast %add3A_670 : i32 to index
            %get3A_746 = arith.constant 112 : index
            %get3A_747 = tpu.vector_load %arg14[%get3A_745, %get3A_746] {strides = array<i32>} : memref<80x128xf32, #tpu.memory_space<vmem>>, vector<1x16xf32>,
            %get3A_748 = vector.shape_cast %get3A_747 : vector<1x16xf32> to vector<16xf32>
            %mul3A_749 = arith.mulf %get3A_748, %get3A_674 : vector<16xf32>
            %swap3A_750 = arith.index_cast %add3A_670 : i32 to index
            %swap3A_751 = arith.constant 112 : index
            %swap3A_752 = tpu.vector_load %arg14[%swap3A_750, %swap3A_751] {strides = array<i32>} : memref<80x128xf32, #tpu.memory_space<vmem>>, vector<1x16xf32>,
            %swap3A_753 = vector.shape_cast %swap3A_752 : vector<1x16xf32> to vector<16xf32>
            %swap3A_754 = vector.shape_cast %mul3A_749 : vector<16xf32> to vector<1x16xf32>
            tpu.vector_store %arg14[%swap3A_750, %swap3A_751], %swap3A_754 {strides = array<i32>} : memref<80x128xf32, #tpu.memory_space<vmem>>, vector<1x16xf32>,
          }
          %scan3A_398 = arith.constant 20 : i32
          %dma_start3A_399 = arith.constant 0 : i32
          %dma_start3A_400 = arith.constant 0 : i32
          %dma_start3A_401 = tpu.memref_slice %arg8[%dma_start3A_399, %dma_start3A_400] : memref<10000x128xf32, #tpu.memory_space<vmem_shared>> -> memref<10000x128xf32, #tpu.memory_space<vmem_shared>>
          tpu.enqueue_indirect_dma source(%arg14 : memref<80x128xf32, #tpu.memory_space<vmem>>) target(%dma_start3A_401 : memref<10000x128xf32, #tpu.memory_space<vmem_shared>>) offsets(%arg23 : memref<80xi32, #tpu.memory_space<vmem>>) semaphore(%arg36 : memref<!tpu.dma_semaphore, #tpu.memory_space<semaphore_mem>>) {add = true}
        } else {
        }
        %le3A = arith.constant 22 : i32
        %le3A_383 = arith.cmpi sle, %scan3A_366, %le3A : i32
        %convert_element_type3A_384 = arith.extui %le3A_383 : i1 to i32
        %cond3A_385 = arith.constant 0 : i32
        %cond3A_386 = arith.cmpi ne, %convert_element_type3A_384, %cond3A_385 : i32
        scf.if %cond3A_386 {
          %add3A_387 = arith.constant 2 : i32
          %add3A_388 = arith.addi %scan3A_366, %add3A_387 : i32
          %rem3A_389 = arith.constant 3 : i32
          %rem3A_390 = arith.remsi %add3A_388, %rem3A_389 : i32
          %eq3A_391 = arith.constant 0 : i32
          %eq3A_392 = arith.cmpi eq, %rem3A_390, %eq3A_391 : i32
          %convert_element_type3A_393 = arith.extui %eq3A_392 : i1 to i32
          %cond3A_394 = arith.constant 0 : i32
          %cond3A_395 = arith.cmpi ne, %convert_element_type3A_393, %cond3A_394 : i32
          scf.if %cond3A_395 {
            %ge3A = arith.constant 1 : i32
            %ge3A_406 = arith.cmpi sge, %scan3A_366, %ge3A : i32
            %convert_element_type3A_407 = arith.extui %ge3A_406 : i1 to i32
            %cond3A_408 = arith.constant 0 : i32
            %cond3A_409 = arith.cmpi ne, %convert_element_type3A_407, %cond3A_408 : i32
            scf.if %cond3A_409 {
              %dma_wait3A_560 = arith.constant 0 : i32
              %dma_wait3A_561 = arith.constant 0 : i32
              %dma_wait3A_562 = tpu.memref_slice %arg8[%dma_wait3A_560, %dma_wait3A_561] : memref<10000x128xf32, #tpu.memory_space<vmem_shared>> -> memref<10000x128xf32, #tpu.memory_space<vmem_shared>>
              tpu.wait_indirect_dma semaphore(%arg34 : memref<!tpu.dma_semaphore, #tpu.memory_space<semaphore_mem>>) src(%arg12 : memref<80x128xf32, #tpu.memory_space<vmem>>) dst(%dma_wait3A_562 : memref<10000x128xf32, #tpu.memory_space<vmem_shared>>)
            } else {
            }
            %add3A_410 = arith.constant 2 : i32
            %add3A_411 = arith.addi %scan3A_366, %add3A_410 : i32
            %mul3A_412 = arith.constant 80 : i32
            %mul3A_413 = arith.muli %add3A_411, %mul3A_412 : i32
            %add3A_414 = arith.constant 0 : i32
            %add3A_415 = arith.addi %mul3A_413, %add3A_414 : i32
            %get3A_416 = arith.index_cast %add3A_415 : i32 to index
            %get3A_417 = tpu.vector_load %arg9[%get3A_416] {strides = array<i32>} : memref<2000xi32, #tpu.memory_space<vmem>>, vector<16xi32>,
            %get3A_418 = vector.shape_cast %get3A_417 : vector<16xi32> to vector<16xi32>
            %get3A_419 = arith.index_cast %add3A_415 : i32 to index
            %get3A_420 = tpu.vector_load %arg10[%get3A_419] {strides = array<i32>} : memref<2000xi32, #tpu.memory_space<vmem>>, vector<16xi32>,
            %get3A_421 = vector.shape_cast %get3A_420 : vector<16xi32> to vector<16xi32>
            %get3A_422 = arith.index_cast %add3A_415 : i32 to index
            %get3A_423 = tpu.vector_load %arg11[%get3A_422] {strides = array<i32>} : memref<2000xi32, #tpu.memory_space<vmem>>, vector<16xi32>,
            %get3A_424 = vector.shape_cast %get3A_423 : vector<16xi32> to vector<16xi32>
            %mul3A_425 = arith.constant 10000 : i32
            %mul3A_426 = vector.broadcast %mul3A_425 : i32 to vector<16xi32>
            %mul3A_427 = arith.muli %get3A_424, %mul3A_426 : vector<16xi32>
            %add3A_428 = arith.addi %mul3A_427, %get3A_418 : vector<16xi32>
            %swap3A_429 = arith.constant 0 : index
            %swap3A_430 = tpu.vector_load %arg18[%swap3A_429] {strides = array<i32>} : memref<80xi32, #tpu.memory_space<vmem>>, vector<16xi32>,
            %swap3A_431 = vector.shape_cast %swap3A_430 : vector<16xi32> to vector<16xi32>
            %swap3A_432 = vector.shape_cast %add3A_428 : vector<16xi32> to vector<16xi32>
            tpu.vector_store %arg18[%swap3A_429], %swap3A_432 {strides = array<i32>} : memref<80xi32, #tpu.memory_space<vmem>>, vector<16xi32>,
            %swap3A_433 = arith.constant 0 : index
            %swap3A_434 = tpu.vector_load %arg21[%swap3A_433] {strides = array<i32>} : memref<80xi32, #tpu.memory_space<vmem>>, vector<16xi32>,
            %swap3A_435 = vector.shape_cast %swap3A_434 : vector<16xi32> to vector<16xi32>
            %swap3A_436 = vector.shape_cast %get3A_421 : vector<16xi32> to vector<16xi32>
            tpu.vector_store %arg21[%swap3A_433], %swap3A_436 {strides = array<i32>} : memref<80xi32, #tpu.memory_space<vmem>>, vector<16xi32>,
            %add3A_437 = arith.addi %mul3A_427, %get3A_421 : vector<16xi32>
            %swap3A_438 = arith.constant 0 : index
            %swap3A_439 = tpu.vector_load %arg24[%swap3A_438] {strides = array<i32>} : memref<80xi32, #tpu.memory_space<vmem>>, vector<16xi32>,
            %swap3A_440 = vector.shape_cast %swap3A_439 : vector<16xi32> to vector<16xi32>
            %swap3A_441 = vector.shape_cast %add3A_437 : vector<16xi32> to vector<16xi32>
            tpu.vector_store %arg24[%swap3A_438], %swap3A_441 {strides = array<i32>} : memref<80xi32, #tpu.memory_space<vmem>>, vector<16xi32>,
            %add3A_442 = arith.constant 16 : i32
            %add3A_443 = arith.addi %mul3A_413, %add3A_442 : i32
            %get3A_444 = arith.index_cast %add3A_443 : i32 to index
            %get3A_445 = tpu.vector_load %arg9[%get3A_444] {strides = array<i32>} : memref<2000xi32, #tpu.memory_space<vmem>>, vector<16xi32>,
            %get3A_446 = vector.shape_cast %get3A_445 : vector<16xi32> to vector<16xi32>
            %get3A_447 = arith.index_cast %add3A_443 : i32 to index
            %get3A_448 = tpu.vector_load %arg10[%get3A_447] {strides = array<i32>} : memref<2000xi32, #tpu.memory_space<vmem>>, vector<16xi32>,
            %get3A_449 = vector.shape_cast %get3A_448 : vector<16xi32> to vector<16xi32>
            %get3A_450 = arith.index_cast %add3A_443 : i32 to index
            %get3A_451 = tpu.vector_load %arg11[%get3A_450] {strides = array<i32>} : memref<2000xi32, #tpu.memory_space<vmem>>, vector<16xi32>,
            %get3A_452 = vector.shape_cast %get3A_451 : vector<16xi32> to vector<16xi32>
            %mul3A_453 = arith.constant 10000 : i32
            %mul3A_454 = vector.broadcast %mul3A_453 : i32 to vector<16xi32>
            %mul3A_455 = arith.muli %get3A_452, %mul3A_454 : vector<16xi32>
            %add3A_456 = arith.addi %mul3A_455, %get3A_446 : vector<16xi32>
            %swap3A_457 = arith.constant 16 : index
            %swap3A_458 = tpu.vector_load %arg18[%swap3A_457] {strides = array<i32>} : memref<80xi32, #tpu.memory_space<vmem>>, vector<16xi32>,
            %swap3A_459 = vector.shape_cast %swap3A_458 : vector<16xi32> to vector<16xi32>
            %swap3A_460 = vector.shape_cast %add3A_456 : vector<16xi32> to vector<16xi32>
            tpu.vector_store %arg18[%swap3A_457], %swap3A_460 {strides = array<i32>} : memref<80xi32, #tpu.memory_space<vmem>>, vector<16xi32>,
            %swap3A_461 = arith.constant 16 : index
            %swap3A_462 = tpu.vector_load %arg21[%swap3A_461] {strides = array<i32>} : memref<80xi32, #tpu.memory_space<vmem>>, vector<16xi32>,
            %swap3A_463 = vector.shape_cast %swap3A_462 : vector<16xi32> to vector<16xi32>
            %swap3A_464 = vector.shape_cast %get3A_449 : vector<16xi32> to vector<16xi32>
            tpu.vector_store %arg21[%swap3A_461], %swap3A_464 {strides = array<i32>} : memref<80xi32, #tpu.memory_space<vmem>>, vector<16xi32>,
            %add3A_465 = arith.addi %mul3A_455, %get3A_449 : vector<16xi32>
            %swap3A_466 = arith.constant 16 : index
            %swap3A_467 = tpu.vector_load %arg24[%swap3A_466] {strides = array<i32>} : memref<80xi32, #tpu.memory_space<vmem>>, vector<16xi32>,
            %swap3A_468 = vector.shape_cast %swap3A_467 : vector<16xi32> to vector<16xi32>
            %swap3A_469 = vector.shape_cast %add3A_465 : vector<16xi32> to vector<16xi32>
            tpu.vector_store %arg24[%swap3A_466], %swap3A_469 {strides = array<i32>} : memref<80xi32, #tpu.memory_space<vmem>>, vector<16xi32>,
            %add3A_470 = arith.constant 32 : i32
            %add3A_471 = arith.addi %mul3A_413, %add3A_470 : i32
            %get3A_472 = arith.index_cast %add3A_471 : i32 to index
            %get3A_473 = tpu.vector_load %arg9[%get3A_472] {strides = array<i32>} : memref<2000xi32, #tpu.memory_space<vmem>>, vector<16xi32>,
            %get3A_474 = vector.shape_cast %get3A_473 : vector<16xi32> to vector<16xi32>
            %get3A_475 = arith.index_cast %add3A_471 : i32 to index
            %get3A_476 = tpu.vector_load %arg10[%get3A_475] {strides = array<i32>} : memref<2000xi32, #tpu.memory_space<vmem>>, vector<16xi32>,
            %get3A_477 = vector.shape_cast %get3A_476 : vector<16xi32> to vector<16xi32>
            %get3A_478 = arith.index_cast %add3A_471 : i32 to index
            %get3A_479 = tpu.vector_load %arg11[%get3A_478] {strides = array<i32>} : memref<2000xi32, #tpu.memory_space<vmem>>, vector<16xi32>,
            %get3A_480 = vector.shape_cast %get3A_479 : vector<16xi32> to vector<16xi32>
            %mul3A_481 = arith.constant 10000 : i32
            %mul3A_482 = vector.broadcast %mul3A_481 : i32 to vector<16xi32>
            %mul3A_483 = arith.muli %get3A_480, %mul3A_482 : vector<16xi32>
            %add3A_484 = arith.addi %mul3A_483, %get3A_474 : vector<16xi32>
            %swap3A_485 = arith.constant 32 : index
            %swap3A_486 = tpu.vector_load %arg18[%swap3A_485] {strides = array<i32>} : memref<80xi32, #tpu.memory_space<vmem>>, vector<16xi32>,
            %swap3A_487 = vector.shape_cast %swap3A_486 : vector<16xi32> to vector<16xi32>
            %swap3A_488 = vector.shape_cast %add3A_484 : vector<16xi32> to vector<16xi32>
            tpu.vector_store %arg18[%swap3A_485], %swap3A_488 {strides = array<i32>} : memref<80xi32, #tpu.memory_space<vmem>>, vector<16xi32>,
            %swap3A_489 = arith.constant 32 : index
            %swap3A_490 = tpu.vector_load %arg21[%swap3A_489] {strides = array<i32>} : memref<80xi32, #tpu.memory_space<vmem>>, vector<16xi32>,
            %swap3A_491 = vector.shape_cast %swap3A_490 : vector<16xi32> to vector<16xi32>
            %swap3A_492 = vector.shape_cast %get3A_477 : vector<16xi32> to vector<16xi32>
            tpu.vector_store %arg21[%swap3A_489], %swap3A_492 {strides = array<i32>} : memref<80xi32, #tpu.memory_space<vmem>>, vector<16xi32>,
            %add3A_493 = arith.addi %mul3A_483, %get3A_477 : vector<16xi32>
            %swap3A_494 = arith.constant 32 : index
            %swap3A_495 = tpu.vector_load %arg24[%swap3A_494] {strides = array<i32>} : memref<80xi32, #tpu.memory_space<vmem>>, vector<16xi32>,
            %swap3A_496 = vector.shape_cast %swap3A_495 : vector<16xi32> to vector<16xi32>
            %swap3A_497 = vector.shape_cast %add3A_493 : vector<16xi32> to vector<16xi32>
            tpu.vector_store %arg24[%swap3A_494], %swap3A_497 {strides = array<i32>} : memref<80xi32, #tpu.memory_space<vmem>>, vector<16xi32>,
            %add3A_498 = arith.constant 48 : i32
            %add3A_499 = arith.addi %mul3A_413, %add3A_498 : i32
            %get3A_500 = arith.index_cast %add3A_499 : i32 to index
            %get3A_501 = tpu.vector_load %arg9[%get3A_500] {strides = array<i32>} : memref<2000xi32, #tpu.memory_space<vmem>>, vector<16xi32>,
            %get3A_502 = vector.shape_cast %get3A_501 : vector<16xi32> to vector<16xi32>
            %get3A_503 = arith.index_cast %add3A_499 : i32 to index
            %get3A_504 = tpu.vector_load %arg10[%get3A_503] {strides = array<i32>} : memref<2000xi32, #tpu.memory_space<vmem>>, vector<16xi32>,
            %get3A_505 = vector.shape_cast %get3A_504 : vector<16xi32> to vector<16xi32>
            %get3A_506 = arith.index_cast %add3A_499 : i32 to index
            %get3A_507 = tpu.vector_load %arg11[%get3A_506] {strides = array<i32>} : memref<2000xi32, #tpu.memory_space<vmem>>, vector<16xi32>,
            %get3A_508 = vector.shape_cast %get3A_507 : vector<16xi32> to vector<16xi32>
            %mul3A_509 = arith.constant 10000 : i32
            %mul3A_510 = vector.broadcast %mul3A_509 : i32 to vector<16xi32>
            %mul3A_511 = arith.muli %get3A_508, %mul3A_510 : vector<16xi32>
            %add3A_512 = arith.addi %mul3A_511, %get3A_502 : vector<16xi32>
            %swap3A_513 = arith.constant 48 : index
            %swap3A_514 = tpu.vector_load %arg18[%swap3A_513] {strides = array<i32>} : memref<80xi32, #tpu.memory_space<vmem>>, vector<16xi32>,
            %swap3A_515 = vector.shape_cast %swap3A_514 : vector<16xi32> to vector<16xi32>
            %swap3A_516 = vector.shape_cast %add3A_512 : vector<16xi32> to vector<16xi32>
            tpu.vector_store %arg18[%swap3A_513], %swap3A_516 {strides = array<i32>} : memref<80xi32, #tpu.memory_space<vmem>>, vector<16xi32>,
            %swap3A_517 = arith.constant 48 : index
            %swap3A_518 = tpu.vector_load %arg21[%swap3A_517] {strides = array<i32>} : memref<80xi32, #tpu.memory_space<vmem>>, vector<16xi32>,
            %swap3A_519 = vector.shape_cast %swap3A_518 : vector<16xi32> to vector<16xi32>
            %swap3A_520 = vector.shape_cast %get3A_505 : vector<16xi32> to vector<16xi32>
            tpu.vector_store %arg21[%swap3A_517], %swap3A_520 {strides = array<i32>} : memref<80xi32, #tpu.memory_space<vmem>>, vector<16xi32>,
            %add3A_521 = arith.addi %mul3A_511, %get3A_505 : vector<16xi32>
            %swap3A_522 = arith.constant 48 : index
            %swap3A_523 = tpu.vector_load %arg24[%swap3A_522] {strides = array<i32>} : memref<80xi32, #tpu.memory_space<vmem>>, vector<16xi32>,
            %swap3A_524 = vector.shape_cast %swap3A_523 : vector<16xi32> to vector<16xi32>
            %swap3A_525 = vector.shape_cast %add3A_521 : vector<16xi32> to vector<16xi32>
            tpu.vector_store %arg24[%swap3A_522], %swap3A_525 {strides = array<i32>} : memref<80xi32, #tpu.memory_space<vmem>>, vector<16xi32>,
            %add3A_526 = arith.constant 64 : i32
            %add3A_527 = arith.addi %mul3A_413, %add3A_526 : i32
            %get3A_528 = arith.index_cast %add3A_527 : i32 to index
            %get3A_529 = tpu.vector_load %arg9[%get3A_528] {strides = array<i32>} : memref<2000xi32, #tpu.memory_space<vmem>>, vector<16xi32>,
            %get3A_530 = vector.shape_cast %get3A_529 : vector<16xi32> to vector<16xi32>
            %get3A_531 = arith.index_cast %add3A_527 : i32 to index
            %get3A_532 = tpu.vector_load %arg10[%get3A_531] {strides = array<i32>} : memref<2000xi32, #tpu.memory_space<vmem>>, vector<16xi32>,
            %get3A_533 = vector.shape_cast %get3A_532 : vector<16xi32> to vector<16xi32>
            %get3A_534 = arith.index_cast %add3A_527 : i32 to index
            %get3A_535 = tpu.vector_load %arg11[%get3A_534] {strides = array<i32>} : memref<2000xi32, #tpu.memory_space<vmem>>, vector<16xi32>,
            %get3A_536 = vector.shape_cast %get3A_535 : vector<16xi32> to vector<16xi32>
            %mul3A_537 = arith.constant 10000 : i32
            %mul3A_538 = vector.broadcast %mul3A_537 : i32 to vector<16xi32>
            %mul3A_539 = arith.muli %get3A_536, %mul3A_538 : vector<16xi32>
            %add3A_540 = arith.addi %mul3A_539, %get3A_530 : vector<16xi32>
            %swap3A_541 = arith.constant 64 : index
            %swap3A_542 = tpu.vector_load %arg18[%swap3A_541] {strides = array<i32>} : memref<80xi32, #tpu.memory_space<vmem>>, vector<16xi32>,
            %swap3A_543 = vector.shape_cast %swap3A_542 : vector<16xi32> to vector<16xi32>
            %swap3A_544 = vector.shape_cast %add3A_540 : vector<16xi32> to vector<16xi32>
            tpu.vector_store %arg18[%swap3A_541], %swap3A_544 {strides = array<i32>} : memref<80xi32, #tpu.memory_space<vmem>>, vector<16xi32>,
            %swap3A_545 = arith.constant 64 : index
            %swap3A_546 = tpu.vector_load %arg21[%swap3A_545] {strides = array<i32>} : memref<80xi32, #tpu.memory_space<vmem>>, vector<16xi32>,
            %swap3A_547 = vector.shape_cast %swap3A_546 : vector<16xi32> to vector<16xi32>
            %swap3A_548 = vector.shape_cast %get3A_533 : vector<16xi32> to vector<16xi32>
            tpu.vector_store %arg21[%swap3A_545], %swap3A_548 {strides = array<i32>} : memref<80xi32, #tpu.memory_space<vmem>>, vector<16xi32>,
            %add3A_549 = arith.addi %mul3A_539, %get3A_533 : vector<16xi32>
            %swap3A_550 = arith.constant 64 : index
            %swap3A_551 = tpu.vector_load %arg24[%swap3A_550] {strides = array<i32>} : memref<80xi32, #tpu.memory_space<vmem>>, vector<16xi32>,
            %swap3A_552 = vector.shape_cast %swap3A_551 : vector<16xi32> to vector<16xi32>
            %swap3A_553 = vector.shape_cast %add3A_549 : vector<16xi32> to vector<16xi32>
            tpu.vector_store %arg24[%swap3A_550], %swap3A_553 {strides = array<i32>} : memref<80xi32, #tpu.memory_space<vmem>>, vector<16xi32>,
            %dma_start3A_554 = arith.constant 0 : i32
            %dma_start3A_555 = arith.constant 0 : i32
            %dma_start3A_556 = tpu.memref_slice %arg2[%dma_start3A_554, %dma_start3A_555] : memref<40000x128xf32, #tpu.memory_space<hbm>> -> memref<40000x128xf32, #tpu.memory_space<hbm>>
            tpu.enqueue_indirect_dma source(%dma_start3A_556 : memref<40000x128xf32, #tpu.memory_space<hbm>>) target(%arg12 : memref<80x128xf32, #tpu.memory_space<vmem>>) offsets(%arg18 : memref<80xi32, #tpu.memory_space<vmem>>) semaphore(%arg28 : memref<!tpu.dma_semaphore, #tpu.memory_space<semaphore_mem>>)
            %dma_start3A_557 = arith.constant 0 : i32
            %dma_start3A_558 = arith.constant 0 : i32
            %dma_start3A_559 = tpu.memref_slice %arg6[%dma_start3A_557, %dma_start3A_558] : memref<40960x16xf32, #tpu.memory_space<hbm>> -> memref<40960x16xf32, #tpu.memory_space<hbm>>
            tpu.enqueue_indirect_dma source(%dma_start3A_559 : memref<40960x16xf32, #tpu.memory_space<hbm>>) target(%arg15 : memref<80x16xf32, #tpu.memory_space<vmem>>) offsets(%arg24 : memref<80xi32, #tpu.memory_space<vmem>>) semaphore(%arg31 : memref<!tpu.dma_semaphore, #tpu.memory_space<semaphore_mem>>)
          } else {
          }
          %eq3A_396 = arith.constant 1 : i32
          %eq3A_397 = arith.cmpi eq, %rem3A_390, %eq3A_396 : i32
          %convert_element_type3A_398 = arith.extui %eq3A_397 : i1 to i32
          %cond3A_399 = arith.constant 0 : i32
          %cond3A_400 = arith.cmpi ne, %convert_element_type3A_398, %cond3A_399 : i32
          scf.if %cond3A_400 {
            %ge3A = arith.constant 1 : i32
            %ge3A_406 = arith.cmpi sge, %scan3A_366, %ge3A : i32
            %convert_element_type3A_407 = arith.extui %ge3A_406 : i1 to i32
            %cond3A_408 = arith.constant 0 : i32
            %cond3A_409 = arith.cmpi ne, %convert_element_type3A_407, %cond3A_408 : i32
            scf.if %cond3A_409 {
              %dma_wait3A_560 = arith.constant 0 : i32
              %dma_wait3A_561 = arith.constant 0 : i32
              %dma_wait3A_562 = tpu.memref_slice %arg8[%dma_wait3A_560, %dma_wait3A_561] : memref<10000x128xf32, #tpu.memory_space<vmem_shared>> -> memref<10000x128xf32, #tpu.memory_space<vmem_shared>>
              tpu.wait_indirect_dma semaphore(%arg35 : memref<!tpu.dma_semaphore, #tpu.memory_space<semaphore_mem>>) src(%arg13 : memref<80x128xf32, #tpu.memory_space<vmem>>) dst(%dma_wait3A_562 : memref<10000x128xf32, #tpu.memory_space<vmem_shared>>)
            } else {
            }
            %add3A_410 = arith.constant 2 : i32
            %add3A_411 = arith.addi %scan3A_366, %add3A_410 : i32
            %mul3A_412 = arith.constant 80 : i32
            %mul3A_413 = arith.muli %add3A_411, %mul3A_412 : i32
            %add3A_414 = arith.constant 0 : i32
            %add3A_415 = arith.addi %mul3A_413, %add3A_414 : i32
            %get3A_416 = arith.index_cast %add3A_415 : i32 to index
            %get3A_417 = tpu.vector_load %arg9[%get3A_416] {strides = array<i32>} : memref<2000xi32, #tpu.memory_space<vmem>>, vector<16xi32>,
            %get3A_418 = vector.shape_cast %get3A_417 : vector<16xi32> to vector<16xi32>
            %get3A_419 = arith.index_cast %add3A_415 : i32 to index
            %get3A_420 = tpu.vector_load %arg10[%get3A_419] {strides = array<i32>} : memref<2000xi32, #tpu.memory_space<vmem>>, vector<16xi32>,
            %get3A_421 = vector.shape_cast %get3A_420 : vector<16xi32> to vector<16xi32>
            %get3A_422 = arith.index_cast %add3A_415 : i32 to index
            %get3A_423 = tpu.vector_load %arg11[%get3A_422] {strides = array<i32>} : memref<2000xi32, #tpu.memory_space<vmem>>, vector<16xi32>,
            %get3A_424 = vector.shape_cast %get3A_423 : vector<16xi32> to vector<16xi32>
            %mul3A_425 = arith.constant 10000 : i32
            %mul3A_426 = vector.broadcast %mul3A_425 : i32 to vector<16xi32>
            %mul3A_427 = arith.muli %get3A_424, %mul3A_426 : vector<16xi32>
            %add3A_428 = arith.addi %mul3A_427, %get3A_418 : vector<16xi32>
            %swap3A_429 = arith.constant 0 : index
            %swap3A_430 = tpu.vector_load %arg19[%swap3A_429] {strides = array<i32>} : memref<80xi32, #tpu.memory_space<vmem>>, vector<16xi32>,
            %swap3A_431 = vector.shape_cast %swap3A_430 : vector<16xi32> to vector<16xi32>
            %swap3A_432 = vector.shape_cast %add3A_428 : vector<16xi32> to vector<16xi32>
            tpu.vector_store %arg19[%swap3A_429], %swap3A_432 {strides = array<i32>} : memref<80xi32, #tpu.memory_space<vmem>>, vector<16xi32>,
            %swap3A_433 = arith.constant 0 : index
            %swap3A_434 = tpu.vector_load %arg22[%swap3A_433] {strides = array<i32>} : memref<80xi32, #tpu.memory_space<vmem>>, vector<16xi32>,
            %swap3A_435 = vector.shape_cast %swap3A_434 : vector<16xi32> to vector<16xi32>
            %swap3A_436 = vector.shape_cast %get3A_421 : vector<16xi32> to vector<16xi32>
            tpu.vector_store %arg22[%swap3A_433], %swap3A_436 {strides = array<i32>} : memref<80xi32, #tpu.memory_space<vmem>>, vector<16xi32>,
            %add3A_437 = arith.addi %mul3A_427, %get3A_421 : vector<16xi32>
            %swap3A_438 = arith.constant 0 : index
            %swap3A_439 = tpu.vector_load %arg25[%swap3A_438] {strides = array<i32>} : memref<80xi32, #tpu.memory_space<vmem>>, vector<16xi32>,
            %swap3A_440 = vector.shape_cast %swap3A_439 : vector<16xi32> to vector<16xi32>
            %swap3A_441 = vector.shape_cast %add3A_437 : vector<16xi32> to vector<16xi32>
            tpu.vector_store %arg25[%swap3A_438], %swap3A_441 {strides = array<i32>} : memref<80xi32, #tpu.memory_space<vmem>>, vector<16xi32>,
            %add3A_442 = arith.constant 16 : i32
            %add3A_443 = arith.addi %mul3A_413, %add3A_442 : i32
            %get3A_444 = arith.index_cast %add3A_443 : i32 to index
            %get3A_445 = tpu.vector_load %arg9[%get3A_444] {strides = array<i32>} : memref<2000xi32, #tpu.memory_space<vmem>>, vector<16xi32>,
            %get3A_446 = vector.shape_cast %get3A_445 : vector<16xi32> to vector<16xi32>
            %get3A_447 = arith.index_cast %add3A_443 : i32 to index
            %get3A_448 = tpu.vector_load %arg10[%get3A_447] {strides = array<i32>} : memref<2000xi32, #tpu.memory_space<vmem>>, vector<16xi32>,
            %get3A_449 = vector.shape_cast %get3A_448 : vector<16xi32> to vector<16xi32>
            %get3A_450 = arith.index_cast %add3A_443 : i32 to index
            %get3A_451 = tpu.vector_load %arg11[%get3A_450] {strides = array<i32>} : memref<2000xi32, #tpu.memory_space<vmem>>, vector<16xi32>,
            %get3A_452 = vector.shape_cast %get3A_451 : vector<16xi32> to vector<16xi32>
            %mul3A_453 = arith.constant 10000 : i32
            %mul3A_454 = vector.broadcast %mul3A_453 : i32 to vector<16xi32>
            %mul3A_455 = arith.muli %get3A_452, %mul3A_454 : vector<16xi32>
            %add3A_456 = arith.addi %mul3A_455, %get3A_446 : vector<16xi32>
            %swap3A_457 = arith.constant 16 : index
            %swap3A_458 = tpu.vector_load %arg19[%swap3A_457] {strides = array<i32>} : memref<80xi32, #tpu.memory_space<vmem>>, vector<16xi32>,
            %swap3A_459 = vector.shape_cast %swap3A_458 : vector<16xi32> to vector<16xi32>
            %swap3A_460 = vector.shape_cast %add3A_456 : vector<16xi32> to vector<16xi32>
            tpu.vector_store %arg19[%swap3A_457], %swap3A_460 {strides = array<i32>} : memref<80xi32, #tpu.memory_space<vmem>>, vector<16xi32>,
            %swap3A_461 = arith.constant 16 : index
            %swap3A_462 = tpu.vector_load %arg22[%swap3A_461] {strides = array<i32>} : memref<80xi32, #tpu.memory_space<vmem>>, vector<16xi32>,
            %swap3A_463 = vector.shape_cast %swap3A_462 : vector<16xi32> to vector<16xi32>
            %swap3A_464 = vector.shape_cast %get3A_449 : vector<16xi32> to vector<16xi32>
            tpu.vector_store %arg22[%swap3A_461], %swap3A_464 {strides = array<i32>} : memref<80xi32, #tpu.memory_space<vmem>>, vector<16xi32>,
            %add3A_465 = arith.addi %mul3A_455, %get3A_449 : vector<16xi32>
            %swap3A_466 = arith.constant 16 : index
            %swap3A_467 = tpu.vector_load %arg25[%swap3A_466] {strides = array<i32>} : memref<80xi32, #tpu.memory_space<vmem>>, vector<16xi32>,
            %swap3A_468 = vector.shape_cast %swap3A_467 : vector<16xi32> to vector<16xi32>
            %swap3A_469 = vector.shape_cast %add3A_465 : vector<16xi32> to vector<16xi32>
            tpu.vector_store %arg25[%swap3A_466], %swap3A_469 {strides = array<i32>} : memref<80xi32, #tpu.memory_space<vmem>>, vector<16xi32>,
            %add3A_470 = arith.constant 32 : i32
            %add3A_471 = arith.addi %mul3A_413, %add3A_470 : i32
            %get3A_472 = arith.index_cast %add3A_471 : i32 to index
            %get3A_473 = tpu.vector_load %arg9[%get3A_472] {strides = array<i32>} : memref<2000xi32, #tpu.memory_space<vmem>>, vector<16xi32>,
            %get3A_474 = vector.shape_cast %get3A_473 : vector<16xi32> to vector<16xi32>
            %get3A_475 = arith.index_cast %add3A_471 : i32 to index
            %get3A_476 = tpu.vector_load %arg10[%get3A_475] {strides = array<i32>} : memref<2000xi32, #tpu.memory_space<vmem>>, vector<16xi32>,
            %get3A_477 = vector.shape_cast %get3A_476 : vector<16xi32> to vector<16xi32>
            %get3A_478 = arith.index_cast %add3A_471 : i32 to index
            %get3A_479 = tpu.vector_load %arg11[%get3A_478] {strides = array<i32>} : memref<2000xi32, #tpu.memory_space<vmem>>, vector<16xi32>,
            %get3A_480 = vector.shape_cast %get3A_479 : vector<16xi32> to vector<16xi32>
            %mul3A_481 = arith.constant 10000 : i32
            %mul3A_482 = vector.broadcast %mul3A_481 : i32 to vector<16xi32>
            %mul3A_483 = arith.muli %get3A_480, %mul3A_482 : vector<16xi32>
            %add3A_484 = arith.addi %mul3A_483, %get3A_474 : vector<16xi32>
            %swap3A_485 = arith.constant 32 : index
            %swap3A_486 = tpu.vector_load %arg19[%swap3A_485] {strides = array<i32>} : memref<80xi32, #tpu.memory_space<vmem>>, vector<16xi32>,
            %swap3A_487 = vector.shape_cast %swap3A_486 : vector<16xi32> to vector<16xi32>
            %swap3A_488 = vector.shape_cast %add3A_484 : vector<16xi32> to vector<16xi32>
            tpu.vector_store %arg19[%swap3A_485], %swap3A_488 {strides = array<i32>} : memref<80xi32, #tpu.memory_space<vmem>>, vector<16xi32>,
            %swap3A_489 = arith.constant 32 : index
            %swap3A_490 = tpu.vector_load %arg22[%swap3A_489] {strides = array<i32>} : memref<80xi32, #tpu.memory_space<vmem>>, vector<16xi32>,
            %swap3A_491 = vector.shape_cast %swap3A_490 : vector<16xi32> to vector<16xi32>
            %swap3A_492 = vector.shape_cast %get3A_477 : vector<16xi32> to vector<16xi32>
            tpu.vector_store %arg22[%swap3A_489], %swap3A_492 {strides = array<i32>} : memref<80xi32, #tpu.memory_space<vmem>>, vector<16xi32>,
            %add3A_493 = arith.addi %mul3A_483, %get3A_477 : vector<16xi32>
            %swap3A_494 = arith.constant 32 : index
            %swap3A_495 = tpu.vector_load %arg25[%swap3A_494] {strides = array<i32>} : memref<80xi32, #tpu.memory_space<vmem>>, vector<16xi32>,
            %swap3A_496 = vector.shape_cast %swap3A_495 : vector<16xi32> to vector<16xi32>
            %swap3A_497 = vector.shape_cast %add3A_493 : vector<16xi32> to vector<16xi32>
            tpu.vector_store %arg25[%swap3A_494], %swap3A_497 {strides = array<i32>} : memref<80xi32, #tpu.memory_space<vmem>>, vector<16xi32>,
            %add3A_498 = arith.constant 48 : i32
            %add3A_499 = arith.addi %mul3A_413, %add3A_498 : i32
            %get3A_500 = arith.index_cast %add3A_499 : i32 to index
            %get3A_501 = tpu.vector_load %arg9[%get3A_500] {strides = array<i32>} : memref<2000xi32, #tpu.memory_space<vmem>>, vector<16xi32>,
            %get3A_502 = vector.shape_cast %get3A_501 : vector<16xi32> to vector<16xi32>
            %get3A_503 = arith.index_cast %add3A_499 : i32 to index
            %get3A_504 = tpu.vector_load %arg10[%get3A_503] {strides = array<i32>} : memref<2000xi32, #tpu.memory_space<vmem>>, vector<16xi32>,
            %get3A_505 = vector.shape_cast %get3A_504 : vector<16xi32> to vector<16xi32>
            %get3A_506 = arith.index_cast %add3A_499 : i32 to index
            %get3A_507 = tpu.vector_load %arg11[%get3A_506] {strides = array<i32>} : memref<2000xi32, #tpu.memory_space<vmem>>, vector<16xi32>,
            %get3A_508 = vector.shape_cast %get3A_507 : vector<16xi32> to vector<16xi32>
            %mul3A_509 = arith.constant 10000 : i32
            %mul3A_510 = vector.broadcast %mul3A_509 : i32 to vector<16xi32>
            %mul3A_511 = arith.muli %get3A_508, %mul3A_510 : vector<16xi32>
            %add3A_512 = arith.addi %mul3A_511, %get3A_502 : vector<16xi32>
            %swap3A_513 = arith.constant 48 : index
            %swap3A_514 = tpu.vector_load %arg19[%swap3A_513] {strides = array<i32>} : memref<80xi32, #tpu.memory_space<vmem>>, vector<16xi32>,
            %swap3A_515 = vector.shape_cast %swap3A_514 : vector<16xi32> to vector<16xi32>
            %swap3A_516 = vector.shape_cast %add3A_512 : vector<16xi32> to vector<16xi32>
            tpu.vector_store %arg19[%swap3A_513], %swap3A_516 {strides = array<i32>} : memref<80xi32, #tpu.memory_space<vmem>>, vector<16xi32>,
            %swap3A_517 = arith.constant 48 : index
            %swap3A_518 = tpu.vector_load %arg22[%swap3A_517] {strides = array<i32>} : memref<80xi32, #tpu.memory_space<vmem>>, vector<16xi32>,
            %swap3A_519 = vector.shape_cast %swap3A_518 : vector<16xi32> to vector<16xi32>
            %swap3A_520 = vector.shape_cast %get3A_505 : vector<16xi32> to vector<16xi32>
            tpu.vector_store %arg22[%swap3A_517], %swap3A_520 {strides = array<i32>} : memref<80xi32, #tpu.memory_space<vmem>>, vector<16xi32>,
            %add3A_521 = arith.addi %mul3A_511, %get3A_505 : vector<16xi32>
            %swap3A_522 = arith.constant 48 : index
            %swap3A_523 = tpu.vector_load %arg25[%swap3A_522] {strides = array<i32>} : memref<80xi32, #tpu.memory_space<vmem>>, vector<16xi32>,
            %swap3A_524 = vector.shape_cast %swap3A_523 : vector<16xi32> to vector<16xi32>
            %swap3A_525 = vector.shape_cast %add3A_521 : vector<16xi32> to vector<16xi32>
            tpu.vector_store %arg25[%swap3A_522], %swap3A_525 {strides = array<i32>} : memref<80xi32, #tpu.memory_space<vmem>>, vector<16xi32>,
            %add3A_526 = arith.constant 64 : i32
            %add3A_527 = arith.addi %mul3A_413, %add3A_526 : i32
            %get3A_528 = arith.index_cast %add3A_527 : i32 to index
            %get3A_529 = tpu.vector_load %arg9[%get3A_528] {strides = array<i32>} : memref<2000xi32, #tpu.memory_space<vmem>>, vector<16xi32>,
            %get3A_530 = vector.shape_cast %get3A_529 : vector<16xi32> to vector<16xi32>
            %get3A_531 = arith.index_cast %add3A_527 : i32 to index
            %get3A_532 = tpu.vector_load %arg10[%get3A_531] {strides = array<i32>} : memref<2000xi32, #tpu.memory_space<vmem>>, vector<16xi32>,
            %get3A_533 = vector.shape_cast %get3A_532 : vector<16xi32> to vector<16xi32>
            %get3A_534 = arith.index_cast %add3A_527 : i32 to index
            %get3A_535 = tpu.vector_load %arg11[%get3A_534] {strides = array<i32>} : memref<2000xi32, #tpu.memory_space<vmem>>, vector<16xi32>,
            %get3A_536 = vector.shape_cast %get3A_535 : vector<16xi32> to vector<16xi32>
            %mul3A_537 = arith.constant 10000 : i32
            %mul3A_538 = vector.broadcast %mul3A_537 : i32 to vector<16xi32>
            %mul3A_539 = arith.muli %get3A_536, %mul3A_538 : vector<16xi32>
            %add3A_540 = arith.addi %mul3A_539, %get3A_530 : vector<16xi32>
            %swap3A_541 = arith.constant 64 : index
            %swap3A_542 = tpu.vector_load %arg19[%swap3A_541] {strides = array<i32>} : memref<80xi32, #tpu.memory_space<vmem>>, vector<16xi32>,
            %swap3A_543 = vector.shape_cast %swap3A_542 : vector<16xi32> to vector<16xi32>
            %swap3A_544 = vector.shape_cast %add3A_540 : vector<16xi32> to vector<16xi32>
            tpu.vector_store %arg19[%swap3A_541], %swap3A_544 {strides = array<i32>} : memref<80xi32, #tpu.memory_space<vmem>>, vector<16xi32>,
            %swap3A_545 = arith.constant 64 : index
            %swap3A_546 = tpu.vector_load %arg22[%swap3A_545] {strides = array<i32>} : memref<80xi32, #tpu.memory_space<vmem>>, vector<16xi32>,
            %swap3A_547 = vector.shape_cast %swap3A_546 : vector<16xi32> to vector<16xi32>
            %swap3A_548 = vector.shape_cast %get3A_533 : vector<16xi32> to vector<16xi32>
            tpu.vector_store %arg22[%swap3A_545], %swap3A_548 {strides = array<i32>} : memref<80xi32, #tpu.memory_space<vmem>>, vector<16xi32>,
            %add3A_549 = arith.addi %mul3A_539, %get3A_533 : vector<16xi32>
            %swap3A_550 = arith.constant 64 : index
            %swap3A_551 = tpu.vector_load %arg25[%swap3A_550] {strides = array<i32>} : memref<80xi32, #tpu.memory_space<vmem>>, vector<16xi32>,
            %swap3A_552 = vector.shape_cast %swap3A_551 : vector<16xi32> to vector<16xi32>
            %swap3A_553 = vector.shape_cast %add3A_549 : vector<16xi32> to vector<16xi32>
            tpu.vector_store %arg25[%swap3A_550], %swap3A_553 {strides = array<i32>} : memref<80xi32, #tpu.memory_space<vmem>>, vector<16xi32>,
            %dma_start3A_554 = arith.constant 0 : i32
            %dma_start3A_555 = arith.constant 0 : i32
            %dma_start3A_556 = tpu.memref_slice %arg2[%dma_start3A_554, %dma_start3A_555] : memref<40000x128xf32, #tpu.memory_space<hbm>> -> memref<40000x128xf32, #tpu.memory_space<hbm>>
            tpu.enqueue_indirect_dma source(%dma_start3A_556 : memref<40000x128xf32, #tpu.memory_space<hbm>>) target(%arg13 : memref<80x128xf32, #tpu.memory_space<vmem>>) offsets(%arg19 : memref<80xi32, #tpu.memory_space<vmem>>) semaphore(%arg29 : memref<!tpu.dma_semaphore, #tpu.memory_space<semaphore_mem>>)
            %dma_start3A_557 = arith.constant 0 : i32
            %dma_start3A_558 = arith.constant 0 : i32
            %dma_start3A_559 = tpu.memref_slice %arg6[%dma_start3A_557, %dma_start3A_558] : memref<40960x16xf32, #tpu.memory_space<hbm>> -> memref<40960x16xf32, #tpu.memory_space<hbm>>
            tpu.enqueue_indirect_dma source(%dma_start3A_559 : memref<40960x16xf32, #tpu.memory_space<hbm>>) target(%arg16 : memref<80x16xf32, #tpu.memory_space<vmem>>) offsets(%arg25 : memref<80xi32, #tpu.memory_space<vmem>>) semaphore(%arg32 : memref<!tpu.dma_semaphore, #tpu.memory_space<semaphore_mem>>)
          } else {
          }
          %eq3A_401 = arith.constant 2 : i32
          %eq3A_402 = arith.cmpi eq, %rem3A_390, %eq3A_401 : i32
          %convert_element_type3A_403 = arith.extui %eq3A_402 : i1 to i32
          %cond3A_404 = arith.constant 0 : i32
          %cond3A_405 = arith.cmpi ne, %convert_element_type3A_403, %cond3A_404 : i32
          scf.if %cond3A_405 {
            %ge3A = arith.constant 1 : i32
            %ge3A_406 = arith.cmpi sge, %scan3A_366, %ge3A : i32
            %convert_element_type3A_407 = arith.extui %ge3A_406 : i1 to i32
            %cond3A_408 = arith.constant 0 : i32
            %cond3A_409 = arith.cmpi ne, %convert_element_type3A_407, %cond3A_408 : i32
            scf.if %cond3A_409 {
              %dma_wait3A_560 = arith.constant 0 : i32
              %dma_wait3A_561 = arith.constant 0 : i32
              %dma_wait3A_562 = tpu.memref_slice %arg8[%dma_wait3A_560, %dma_wait3A_561] : memref<10000x128xf32, #tpu.memory_space<vmem_shared>> -> memref<10000x128xf32, #tpu.memory_space<vmem_shared>>
              tpu.wait_indirect_dma semaphore(%arg36 : memref<!tpu.dma_semaphore, #tpu.memory_space<semaphore_mem>>) src(%arg14 : memref<80x128xf32, #tpu.memory_space<vmem>>) dst(%dma_wait3A_562 : memref<10000x128xf32, #tpu.memory_space<vmem_shared>>)
            } else {
            }
            %add3A_410 = arith.constant 2 : i32
            %add3A_411 = arith.addi %scan3A_366, %add3A_410 : i32
            %mul3A_412 = arith.constant 80 : i32
            %mul3A_413 = arith.muli %add3A_411, %mul3A_412 : i32
            %add3A_414 = arith.constant 0 : i32
            %add3A_415 = arith.addi %mul3A_413, %add3A_414 : i32
            %get3A_416 = arith.index_cast %add3A_415 : i32 to index
            %get3A_417 = tpu.vector_load %arg9[%get3A_416] {strides = array<i32>} : memref<2000xi32, #tpu.memory_space<vmem>>, vector<16xi32>,
            %get3A_418 = vector.shape_cast %get3A_417 : vector<16xi32> to vector<16xi32>
            %get3A_419 = arith.index_cast %add3A_415 : i32 to index
            %get3A_420 = tpu.vector_load %arg10[%get3A_419] {strides = array<i32>} : memref<2000xi32, #tpu.memory_space<vmem>>, vector<16xi32>,
            %get3A_421 = vector.shape_cast %get3A_420 : vector<16xi32> to vector<16xi32>
            %get3A_422 = arith.index_cast %add3A_415 : i32 to index
            %get3A_423 = tpu.vector_load %arg11[%get3A_422] {strides = array<i32>} : memref<2000xi32, #tpu.memory_space<vmem>>, vector<16xi32>,
            %get3A_424 = vector.shape_cast %get3A_423 : vector<16xi32> to vector<16xi32>
            %mul3A_425 = arith.constant 10000 : i32
            %mul3A_426 = vector.broadcast %mul3A_425 : i32 to vector<16xi32>
            %mul3A_427 = arith.muli %get3A_424, %mul3A_426 : vector<16xi32>
            %add3A_428 = arith.addi %mul3A_427, %get3A_418 : vector<16xi32>
            %swap3A_429 = arith.constant 0 : index
            %swap3A_430 = tpu.vector_load %arg20[%swap3A_429] {strides = array<i32>} : memref<80xi32, #tpu.memory_space<vmem>>, vector<16xi32>,
            %swap3A_431 = vector.shape_cast %swap3A_430 : vector<16xi32> to vector<16xi32>
            %swap3A_432 = vector.shape_cast %add3A_428 : vector<16xi32> to vector<16xi32>
            tpu.vector_store %arg20[%swap3A_429], %swap3A_432 {strides = array<i32>} : memref<80xi32, #tpu.memory_space<vmem>>, vector<16xi32>,
            %swap3A_433 = arith.constant 0 : index
            %swap3A_434 = tpu.vector_load %arg23[%swap3A_433] {strides = array<i32>} : memref<80xi32, #tpu.memory_space<vmem>>, vector<16xi32>,
            %swap3A_435 = vector.shape_cast %swap3A_434 : vector<16xi32> to vector<16xi32>
            %swap3A_436 = vector.shape_cast %get3A_421 : vector<16xi32> to vector<16xi32>
            tpu.vector_store %arg23[%swap3A_433], %swap3A_436 {strides = array<i32>} : memref<80xi32, #tpu.memory_space<vmem>>, vector<16xi32>,
            %add3A_437 = arith.addi %mul3A_427, %get3A_421 : vector<16xi32>
            %swap3A_438 = arith.constant 0 : index
            %swap3A_439 = tpu.vector_load %arg26[%swap3A_438] {strides = array<i32>} : memref<80xi32, #tpu.memory_space<vmem>>, vector<16xi32>,
            %swap3A_440 = vector.shape_cast %swap3A_439 : vector<16xi32> to vector<16xi32>
            %swap3A_441 = vector.shape_cast %add3A_437 : vector<16xi32> to vector<16xi32>
            tpu.vector_store %arg26[%swap3A_438], %swap3A_441 {strides = array<i32>} : memref<80xi32, #tpu.memory_space<vmem>>, vector<16xi32>,
            %add3A_442 = arith.constant 16 : i32
            %add3A_443 = arith.addi %mul3A_413, %add3A_442 : i32
            %get3A_444 = arith.index_cast %add3A_443 : i32 to index
            %get3A_445 = tpu.vector_load %arg9[%get3A_444] {strides = array<i32>} : memref<2000xi32, #tpu.memory_space<vmem>>, vector<16xi32>,
            %get3A_446 = vector.shape_cast %get3A_445 : vector<16xi32> to vector<16xi32>
            %get3A_447 = arith.index_cast %add3A_443 : i32 to index
            %get3A_448 = tpu.vector_load %arg10[%get3A_447] {strides = array<i32>} : memref<2000xi32, #tpu.memory_space<vmem>>, vector<16xi32>,
            %get3A_449 = vector.shape_cast %get3A_448 : vector<16xi32> to vector<16xi32>
            %get3A_450 = arith.index_cast %add3A_443 : i32 to index
            %get3A_451 = tpu.vector_load %arg11[%get3A_450] {strides = array<i32>} : memref<2000xi32, #tpu.memory_space<vmem>>, vector<16xi32>,
            %get3A_452 = vector.shape_cast %get3A_451 : vector<16xi32> to vector<16xi32>
            %mul3A_453 = arith.constant 10000 : i32
            %mul3A_454 = vector.broadcast %mul3A_453 : i32 to vector<16xi32>
            %mul3A_455 = arith.muli %get3A_452, %mul3A_454 : vector<16xi32>
            %add3A_456 = arith.addi %mul3A_455, %get3A_446 : vector<16xi32>
            %swap3A_457 = arith.constant 16 : index
            %swap3A_458 = tpu.vector_load %arg20[%swap3A_457] {strides = array<i32>} : memref<80xi32, #tpu.memory_space<vmem>>, vector<16xi32>,
            %swap3A_459 = vector.shape_cast %swap3A_458 : vector<16xi32> to vector<16xi32>
            %swap3A_460 = vector.shape_cast %add3A_456 : vector<16xi32> to vector<16xi32>
            tpu.vector_store %arg20[%swap3A_457], %swap3A_460 {strides = array<i32>} : memref<80xi32, #tpu.memory_space<vmem>>, vector<16xi32>,
            %swap3A_461 = arith.constant 16 : index
            %swap3A_462 = tpu.vector_load %arg23[%swap3A_461] {strides = array<i32>} : memref<80xi32, #tpu.memory_space<vmem>>, vector<16xi32>,
            %swap3A_463 = vector.shape_cast %swap3A_462 : vector<16xi32> to vector<16xi32>
            %swap3A_464 = vector.shape_cast %get3A_449 : vector<16xi32> to vector<16xi32>
            tpu.vector_store %arg23[%swap3A_461], %swap3A_464 {strides = array<i32>} : memref<80xi32, #tpu.memory_space<vmem>>, vector<16xi32>,
            %add3A_465 = arith.addi %mul3A_455, %get3A_449 : vector<16xi32>
            %swap3A_466 = arith.constant 16 : index
            %swap3A_467 = tpu.vector_load %arg26[%swap3A_466] {strides = array<i32>} : memref<80xi32, #tpu.memory_space<vmem>>, vector<16xi32>,
            %swap3A_468 = vector.shape_cast %swap3A_467 : vector<16xi32> to vector<16xi32>
            %swap3A_469 = vector.shape_cast %add3A_465 : vector<16xi32> to vector<16xi32>
            tpu.vector_store %arg26[%swap3A_466], %swap3A_469 {strides = array<i32>} : memref<80xi32, #tpu.memory_space<vmem>>, vector<16xi32>,
            %add3A_470 = arith.constant 32 : i32
            %add3A_471 = arith.addi %mul3A_413, %add3A_470 : i32
            %get3A_472 = arith.index_cast %add3A_471 : i32 to index
            %get3A_473 = tpu.vector_load %arg9[%get3A_472] {strides = array<i32>} : memref<2000xi32, #tpu.memory_space<vmem>>, vector<16xi32>,
            %get3A_474 = vector.shape_cast %get3A_473 : vector<16xi32> to vector<16xi32>
            %get3A_475 = arith.index_cast %add3A_471 : i32 to index
            %get3A_476 = tpu.vector_load %arg10[%get3A_475] {strides = array<i32>} : memref<2000xi32, #tpu.memory_space<vmem>>, vector<16xi32>,
            %get3A_477 = vector.shape_cast %get3A_476 : vector<16xi32> to vector<16xi32>
            %get3A_478 = arith.index_cast %add3A_471 : i32 to index
            %get3A_479 = tpu.vector_load %arg11[%get3A_478] {strides = array<i32>} : memref<2000xi32, #tpu.memory_space<vmem>>, vector<16xi32>,
            %get3A_480 = vector.shape_cast %get3A_479 : vector<16xi32> to vector<16xi32>
            %mul3A_481 = arith.constant 10000 : i32
            %mul3A_482 = vector.broadcast %mul3A_481 : i32 to vector<16xi32>
            %mul3A_483 = arith.muli %get3A_480, %mul3A_482 : vector<16xi32>
            %add3A_484 = arith.addi %mul3A_483, %get3A_474 : vector<16xi32>
            %swap3A_485 = arith.constant 32 : index
            %swap3A_486 = tpu.vector_load %arg20[%swap3A_485] {strides = array<i32>} : memref<80xi32, #tpu.memory_space<vmem>>, vector<16xi32>,
            %swap3A_487 = vector.shape_cast %swap3A_486 : vector<16xi32> to vector<16xi32>
            %swap3A_488 = vector.shape_cast %add3A_484 : vector<16xi32> to vector<16xi32>
            tpu.vector_store %arg20[%swap3A_485], %swap3A_488 {strides = array<i32>} : memref<80xi32, #tpu.memory_space<vmem>>, vector<16xi32>,
            %swap3A_489 = arith.constant 32 : index
            %swap3A_490 = tpu.vector_load %arg23[%swap3A_489] {strides = array<i32>} : memref<80xi32, #tpu.memory_space<vmem>>, vector<16xi32>,
            %swap3A_491 = vector.shape_cast %swap3A_490 : vector<16xi32> to vector<16xi32>
            %swap3A_492 = vector.shape_cast %get3A_477 : vector<16xi32> to vector<16xi32>
            tpu.vector_store %arg23[%swap3A_489], %swap3A_492 {strides = array<i32>} : memref<80xi32, #tpu.memory_space<vmem>>, vector<16xi32>,
            %add3A_493 = arith.addi %mul3A_483, %get3A_477 : vector<16xi32>
            %swap3A_494 = arith.constant 32 : index
            %swap3A_495 = tpu.vector_load %arg26[%swap3A_494] {strides = array<i32>} : memref<80xi32, #tpu.memory_space<vmem>>, vector<16xi32>,
            %swap3A_496 = vector.shape_cast %swap3A_495 : vector<16xi32> to vector<16xi32>
            %swap3A_497 = vector.shape_cast %add3A_493 : vector<16xi32> to vector<16xi32>
            tpu.vector_store %arg26[%swap3A_494], %swap3A_497 {strides = array<i32>} : memref<80xi32, #tpu.memory_space<vmem>>, vector<16xi32>,
            %add3A_498 = arith.constant 48 : i32
            %add3A_499 = arith.addi %mul3A_413, %add3A_498 : i32
            %get3A_500 = arith.index_cast %add3A_499 : i32 to index
            %get3A_501 = tpu.vector_load %arg9[%get3A_500] {strides = array<i32>} : memref<2000xi32, #tpu.memory_space<vmem>>, vector<16xi32>,
            %get3A_502 = vector.shape_cast %get3A_501 : vector<16xi32> to vector<16xi32>
            %get3A_503 = arith.index_cast %add3A_499 : i32 to index
            %get3A_504 = tpu.vector_load %arg10[%get3A_503] {strides = array<i32>} : memref<2000xi32, #tpu.memory_space<vmem>>, vector<16xi32>,
            %get3A_505 = vector.shape_cast %get3A_504 : vector<16xi32> to vector<16xi32>
            %get3A_506 = arith.index_cast %add3A_499 : i32 to index
            %get3A_507 = tpu.vector_load %arg11[%get3A_506] {strides = array<i32>} : memref<2000xi32, #tpu.memory_space<vmem>>, vector<16xi32>,
            %get3A_508 = vector.shape_cast %get3A_507 : vector<16xi32> to vector<16xi32>
            %mul3A_509 = arith.constant 10000 : i32
            %mul3A_510 = vector.broadcast %mul3A_509 : i32 to vector<16xi32>
            %mul3A_511 = arith.muli %get3A_508, %mul3A_510 : vector<16xi32>
            %add3A_512 = arith.addi %mul3A_511, %get3A_502 : vector<16xi32>
            %swap3A_513 = arith.constant 48 : index
            %swap3A_514 = tpu.vector_load %arg20[%swap3A_513] {strides = array<i32>} : memref<80xi32, #tpu.memory_space<vmem>>, vector<16xi32>,
            %swap3A_515 = vector.shape_cast %swap3A_514 : vector<16xi32> to vector<16xi32>
            %swap3A_516 = vector.shape_cast %add3A_512 : vector<16xi32> to vector<16xi32>
            tpu.vector_store %arg20[%swap3A_513], %swap3A_516 {strides = array<i32>} : memref<80xi32, #tpu.memory_space<vmem>>, vector<16xi32>,
            %swap3A_517 = arith.constant 48 : index
            %swap3A_518 = tpu.vector_load %arg23[%swap3A_517] {strides = array<i32>} : memref<80xi32, #tpu.memory_space<vmem>>, vector<16xi32>,
            %swap3A_519 = vector.shape_cast %swap3A_518 : vector<16xi32> to vector<16xi32>
            %swap3A_520 = vector.shape_cast %get3A_505 : vector<16xi32> to vector<16xi32>
            tpu.vector_store %arg23[%swap3A_517], %swap3A_520 {strides = array<i32>} : memref<80xi32, #tpu.memory_space<vmem>>, vector<16xi32>,
            %add3A_521 = arith.addi %mul3A_511, %get3A_505 : vector<16xi32>
            %swap3A_522 = arith.constant 48 : index
            %swap3A_523 = tpu.vector_load %arg26[%swap3A_522] {strides = array<i32>} : memref<80xi32, #tpu.memory_space<vmem>>, vector<16xi32>,
            %swap3A_524 = vector.shape_cast %swap3A_523 : vector<16xi32> to vector<16xi32>
            %swap3A_525 = vector.shape_cast %add3A_521 : vector<16xi32> to vector<16xi32>
            tpu.vector_store %arg26[%swap3A_522], %swap3A_525 {strides = array<i32>} : memref<80xi32, #tpu.memory_space<vmem>>, vector<16xi32>,
            %add3A_526 = arith.constant 64 : i32
            %add3A_527 = arith.addi %mul3A_413, %add3A_526 : i32
            %get3A_528 = arith.index_cast %add3A_527 : i32 to index
            %get3A_529 = tpu.vector_load %arg9[%get3A_528] {strides = array<i32>} : memref<2000xi32, #tpu.memory_space<vmem>>, vector<16xi32>,
            %get3A_530 = vector.shape_cast %get3A_529 : vector<16xi32> to vector<16xi32>
            %get3A_531 = arith.index_cast %add3A_527 : i32 to index
            %get3A_532 = tpu.vector_load %arg10[%get3A_531] {strides = array<i32>} : memref<2000xi32, #tpu.memory_space<vmem>>, vector<16xi32>,
            %get3A_533 = vector.shape_cast %get3A_532 : vector<16xi32> to vector<16xi32>
            %get3A_534 = arith.index_cast %add3A_527 : i32 to index
            %get3A_535 = tpu.vector_load %arg11[%get3A_534] {strides = array<i32>} : memref<2000xi32, #tpu.memory_space<vmem>>, vector<16xi32>,
            %get3A_536 = vector.shape_cast %get3A_535 : vector<16xi32> to vector<16xi32>
            %mul3A_537 = arith.constant 10000 : i32
            %mul3A_538 = vector.broadcast %mul3A_537 : i32 to vector<16xi32>
            %mul3A_539 = arith.muli %get3A_536, %mul3A_538 : vector<16xi32>
            %add3A_540 = arith.addi %mul3A_539, %get3A_530 : vector<16xi32>
            %swap3A_541 = arith.constant 64 : index
            %swap3A_542 = tpu.vector_load %arg20[%swap3A_541] {strides = array<i32>} : memref<80xi32, #tpu.memory_space<vmem>>, vector<16xi32>,
            %swap3A_543 = vector.shape_cast %swap3A_542 : vector<16xi32> to vector<16xi32>
            %swap3A_544 = vector.shape_cast %add3A_540 : vector<16xi32> to vector<16xi32>
            tpu.vector_store %arg20[%swap3A_541], %swap3A_544 {strides = array<i32>} : memref<80xi32, #tpu.memory_space<vmem>>, vector<16xi32>,
            %swap3A_545 = arith.constant 64 : index
            %swap3A_546 = tpu.vector_load %arg23[%swap3A_545] {strides = array<i32>} : memref<80xi32, #tpu.memory_space<vmem>>, vector<16xi32>,
            %swap3A_547 = vector.shape_cast %swap3A_546 : vector<16xi32> to vector<16xi32>
            %swap3A_548 = vector.shape_cast %get3A_533 : vector<16xi32> to vector<16xi32>
            tpu.vector_store %arg23[%swap3A_545], %swap3A_548 {strides = array<i32>} : memref<80xi32, #tpu.memory_space<vmem>>, vector<16xi32>,
            %add3A_549 = arith.addi %mul3A_539, %get3A_533 : vector<16xi32>
            %swap3A_550 = arith.constant 64 : index
            %swap3A_551 = tpu.vector_load %arg26[%swap3A_550] {strides = array<i32>} : memref<80xi32, #tpu.memory_space<vmem>>, vector<16xi32>,
            %swap3A_552 = vector.shape_cast %swap3A_551 : vector<16xi32> to vector<16xi32>
            %swap3A_553 = vector.shape_cast %add3A_549 : vector<16xi32> to vector<16xi32>
            tpu.vector_store %arg26[%swap3A_550], %swap3A_553 {strides = array<i32>} : memref<80xi32, #tpu.memory_space<vmem>>, vector<16xi32>,
            %dma_start3A_554 = arith.constant 0 : i32
            %dma_start3A_555 = arith.constant 0 : i32
            %dma_start3A_556 = tpu.memref_slice %arg2[%dma_start3A_554, %dma_start3A_555] : memref<40000x128xf32, #tpu.memory_space<hbm>> -> memref<40000x128xf32, #tpu.memory_space<hbm>>
            tpu.enqueue_indirect_dma source(%dma_start3A_556 : memref<40000x128xf32, #tpu.memory_space<hbm>>) target(%arg14 : memref<80x128xf32, #tpu.memory_space<vmem>>) offsets(%arg20 : memref<80xi32, #tpu.memory_space<vmem>>) semaphore(%arg30 : memref<!tpu.dma_semaphore, #tpu.memory_space<semaphore_mem>>)
            %dma_start3A_557 = arith.constant 0 : i32
            %dma_start3A_558 = arith.constant 0 : i32
            %dma_start3A_559 = tpu.memref_slice %arg6[%dma_start3A_557, %dma_start3A_558] : memref<40960x16xf32, #tpu.memory_space<hbm>> -> memref<40960x16xf32, #tpu.memory_space<hbm>>
            tpu.enqueue_indirect_dma source(%dma_start3A_559 : memref<40960x16xf32, #tpu.memory_space<hbm>>) target(%arg17 : memref<80x16xf32, #tpu.memory_space<vmem>>) offsets(%arg26 : memref<80xi32, #tpu.memory_space<vmem>>) semaphore(%arg33 : memref<!tpu.dma_semaphore, #tpu.memory_space<semaphore_mem>>)
          } else {
          }
        } else {
        }
      }
      %scan3A_357 = arith.constant 25 : i32
      %dma_wait3A = arith.constant 0 : i32
      %dma_wait3A_358 = arith.constant 0 : i32
      %dma_wait3A_359 = tpu.memref_slice %arg8[%dma_wait3A, %dma_wait3A_358] : memref<10000x128xf32, #tpu.memory_space<vmem_shared>> -> memref<10000x128xf32, #tpu.memory_space<vmem_shared>>
      tpu.wait_indirect_dma semaphore(%arg34 : memref<!tpu.dma_semaphore, #tpu.memory_space<semaphore_mem>>) src(%arg12 : memref<80x128xf32, #tpu.memory_space<vmem>>) dst(%dma_wait3A_359 : memref<10000x128xf32, #tpu.memory_space<vmem_shared>>)
      %dma_wait3A_360 = arith.constant 0 : i32
      %dma_wait3A_361 = arith.constant 0 : i32
      %dma_wait3A_362 = tpu.memref_slice %arg8[%dma_wait3A_360, %dma_wait3A_361] : memref<10000x128xf32, #tpu.memory_space<vmem_shared>> -> memref<10000x128xf32, #tpu.memory_space<vmem_shared>>
      tpu.wait_indirect_dma semaphore(%arg35 : memref<!tpu.dma_semaphore, #tpu.memory_space<semaphore_mem>>) src(%arg13 : memref<80x128xf32, #tpu.memory_space<vmem>>) dst(%dma_wait3A_362 : memref<10000x128xf32, #tpu.memory_space<vmem_shared>>)
      %dma_wait3A_363 = arith.constant 0 : i32
      %dma_wait3A_364 = arith.constant 0 : i32
      %dma_wait3A_365 = tpu.memref_slice %arg8[%dma_wait3A_363, %dma_wait3A_364] : memref<10000x128xf32, #tpu.memory_space<vmem_shared>> -> memref<10000x128xf32, #tpu.memory_space<vmem_shared>>
      tpu.wait_indirect_dma semaphore(%arg36 : memref<!tpu.dma_semaphore, #tpu.memory_space<semaphore_mem>>) src(%arg14 : memref<80x128xf32, #tpu.memory_space<vmem>>) dst(%dma_wait3A_365 : memref<10000x128xf32, #tpu.memory_space<vmem_shared>>)
    }
    %scan3A_66 = arith.constant 5 : i32
    %barrier3A_67 = arith.constant 0 : index
    tpu.barrier barrier_id(%barrier3A_67)
    %mul3A_68 = arith.constant 624 : i32
    %mul3A_69 = arith.muli %arg1, %mul3A_68 : i32
    %mul3A_70 = arith.constant 624 : i32
    %mul3A_71 = arith.muli %arg1, %mul3A_70 : i32
    "tpu.region"() ({
      %run_scoped3A = tpu.sem_alloc : memref<!tpu.dma_semaphore, #tpu.memory_space<semaphore_mem>>
      %dma_start3A = arith.constant 0 : i32
      %dma_start3A_77 = tpu.memref_slice %arg7[%arg0, %mul3A_71, %dma_start3A] : memref<2x10000x128xf32, #tpu.memory_space<hbm>> -> memref<1x624x128xf32, #tpu.memory_space<hbm>>
      %dma_start3A_78 = tpu.memref_squeeze %dma_start3A_77 : memref<1x624x128xf32, #tpu.memory_space<hbm>> -> memref<624x128xf32, #tpu.memory_space<hbm>>
      %dma_start3A_79 = arith.constant 0 : i32
      %dma_start3A_80 = tpu.memref_slice %arg8[%mul3A_69, %dma_start3A_79] : memref<10000x128xf32, #tpu.memory_space<vmem_shared>> -> memref<624x128xf32, #tpu.memory_space<vmem_shared>>
      tpu.enqueue_dma source(%dma_start3A_80 : memref<624x128xf32, #tpu.memory_space<vmem_shared>>) target(%dma_start3A_78 : memref<624x128xf32, #tpu.memory_space<hbm>>) target_semaphore(%run_scoped3A : memref<!tpu.dma_semaphore, #tpu.memory_space<semaphore_mem>>)
      %dma_wait3A = arith.constant 0 : i32
      %dma_wait3A_81 = tpu.memref_slice %arg7[%arg0, %mul3A_71, %dma_wait3A] : memref<2x10000x128xf32, #tpu.memory_space<hbm>> -> memref<1x624x128xf32, #tpu.memory_space<hbm>>
      %dma_wait3A_82 = tpu.memref_squeeze %dma_wait3A_81 : memref<1x624x128xf32, #tpu.memory_space<hbm>> -> memref<624x128xf32, #tpu.memory_space<hbm>>
      %dma_wait3A_83 = arith.constant 0 : i32
      %dma_wait3A_84 = tpu.memref_slice %arg8[%mul3A_69, %dma_wait3A_83] : memref<10000x128xf32, #tpu.memory_space<vmem_shared>> -> memref<624x128xf32, #tpu.memory_space<vmem_shared>>
      tpu.wait_dma2 semaphore(%run_scoped3A : memref<!tpu.dma_semaphore, #tpu.memory_space<semaphore_mem>>) src(%dma_wait3A_84 : memref<624x128xf32, #tpu.memory_space<vmem_shared>>) dst(%dma_wait3A_82 : memref<624x128xf32, #tpu.memory_space<hbm>>)
      tpu.yield
    }) : () -> ()
    %eq3A_72 = arith.constant 15 : i32
    %eq3A_73 = arith.cmpi eq, %arg1, %eq3A_72 : i32
    %convert_element_type3A_74 = arith.extui %eq3A_73 : i1 to i32
    %cond3A_75 = arith.constant 0 : i32
    %cond3A_76 = arith.cmpi ne, %convert_element_type3A_74, %cond3A_75 : i32
    scf.if %cond3A_76 {
      "tpu.region"() ({
        %run_scoped3A = tpu.sem_alloc : memref<!tpu.dma_semaphore, #tpu.memory_space<semaphore_mem>>
        %dma_start3A = arith.constant 9984 : i32
        %dma_start3A_77 = arith.constant 0 : i32
        %dma_start3A_78 = tpu.memref_slice %arg7[%arg0, %dma_start3A, %dma_start3A_77] : memref<2x10000x128xf32, #tpu.memory_space<hbm>> -> memref<1x16x128xf32, #tpu.memory_space<hbm>>
        %dma_start3A_79 = tpu.memref_squeeze %dma_start3A_78 : memref<1x16x128xf32, #tpu.memory_space<hbm>> -> memref<16x128xf32, #tpu.memory_space<hbm>>
        %dma_start3A_80 = arith.constant 9984 : i32
        %dma_start3A_81 = arith.constant 0 : i32
        %dma_start3A_82 = tpu.memref_slice %arg8[%dma_start3A_80, %dma_start3A_81] : memref<10000x128xf32, #tpu.memory_space<vmem_shared>> -> memref<16x128xf32, #tpu.memory_space<vmem_shared>>
        tpu.enqueue_dma source(%dma_start3A_82 : memref<16x128xf32, #tpu.memory_space<vmem_shared>>) target(%dma_start3A_79 : memref<16x128xf32, #tpu.memory_space<hbm>>) target_semaphore(%run_scoped3A : memref<!tpu.dma_semaphore, #tpu.memory_space<semaphore_mem>>)
        %dma_wait3A = arith.constant 9984 : i32
        %dma_wait3A_83 = arith.constant 0 : i32
        %dma_wait3A_84 = tpu.memref_slice %arg7[%arg0, %dma_wait3A, %dma_wait3A_83] : memref<2x10000x128xf32, #tpu.memory_space<hbm>> -> memref<1x16x128xf32, #tpu.memory_space<hbm>>
        %dma_wait3A_85 = tpu.memref_squeeze %dma_wait3A_84 : memref<1x16x128xf32, #tpu.memory_space<hbm>> -> memref<16x128xf32, #tpu.memory_space<hbm>>
        %dma_wait3A_86 = arith.constant 9984 : i32
        %dma_wait3A_87 = arith.constant 0 : i32
        %dma_wait3A_88 = tpu.memref_slice %arg8[%dma_wait3A_86, %dma_wait3A_87] : memref<10000x128xf32, #tpu.memory_space<vmem_shared>> -> memref<16x128xf32, #tpu.memory_space<vmem_shared>>
        tpu.wait_dma2 semaphore(%run_scoped3A : memref<!tpu.dma_semaphore, #tpu.memory_space<semaphore_mem>>) src(%dma_wait3A_88 : memref<16x128xf32, #tpu.memory_space<vmem_shared>>) dst(%dma_wait3A_85 : memref<16x128xf32, #tpu.memory_space<hbm>>)
        tpu.yield
      }) : () -> ()
    } else {
    }
    return
  }
}

#map = affine_map<(d0, d1) -> (0)>
#map1 = affine_map<(d0, d1) -> (0, 0)>
module attributes {stable_mosaic.version = 14 : i64} {
  func.func @count(%arg0: i32, %arg1: i32, %arg2: memref<320000xi32, #tpu.memory_space<hbm>>, %arg3: memref<320000xi32, #tpu.memory_space<hbm>>, %arg4: memref<40960x16xf32, #tpu.memory_space<hbm>>, %arg5: memref<40960x16xf32, #tpu.memory_space<vmem_shared>>, %arg6: memref<2000xi32, #tpu.memory_space<vmem>>, %arg7: memref<2000xi32, #tpu.memory_space<vmem>>, %arg8: memref<8x80xi32, #tpu.memory_space<vmem>>, %arg9: memref<80x16xf32, #tpu.memory_space<vmem>>, %arg10: memref<1280x16xf32, #tpu.memory_space<vmem>>, %arg11: memref<!tpu.dma_semaphore, #tpu.memory_space<semaphore_mem>>) attributes {dimension_semantics = [#tpu.dimension_semantics<core_parallel>, #tpu.dimension_semantics<subcore_parallel>], iteration_bounds = array<i64: 2, 16>, scalar_prefetch = 0 : i64, scratch_operands = 7 : i64, tpu.core_type = #tpu.core_type<sc_vector_subcore>, window_params = [{transform_indices = #map}, {transform_indices = #map}, {transform_indices = #map1}]} {
    %broadcast_in_dim3A = arith.constant 0.000000e+00 : f32
    %broadcast_in_dim3A_0 = vector.broadcast %broadcast_in_dim3A : f32 to vector<16xf32>
    %broadcast_in_dim3A_1 = arith.constant 1.000000e+00 : f32
    %broadcast_in_dim3A_2 = vector.broadcast %broadcast_in_dim3A_1 : f32 to vector<16xf32>
    %scan3A = arith.constant 0 : i32
    %scan3A_3 = arith.constant 0 : i32
    %scan3A_4 = arith.constant 1280 : i32
    %scan3A_5 = arith.addi %scan3A_3, %scan3A_4 : i32
    %scan3A_6 = arith.constant 1 : i32
    scf.for %scan3A_93 = %scan3A_3 to %scan3A_5 step %scan3A_6  : i32 {
      %swap3A = arith.index_cast %scan3A_93 : i32 to index
      %swap3A_94 = arith.constant 0 : index
      %swap3A_95 = tpu.vector_load %arg10[%swap3A, %swap3A_94] {strides = array<i32>} : memref<1280x16xf32, #tpu.memory_space<vmem>>, vector<1x16xf32>,
      %swap3A_96 = vector.shape_cast %swap3A_95 : vector<1x16xf32> to vector<16xf32>
      %swap3A_97 = vector.shape_cast %broadcast_in_dim3A_0 : vector<16xf32> to vector<1x16xf32>
      tpu.vector_store %arg10[%swap3A, %swap3A_94], %swap3A_97 {strides = array<i32>} : memref<1280x16xf32, #tpu.memory_space<vmem>>, vector<1x16xf32>,
    }
    %scan3A_7 = arith.constant 1280 : i32
    %scan3A_8 = arith.constant 0 : i32
    %scan3A_9 = arith.constant 0 : i32
    %scan3A_10 = arith.constant 80 : i32
    %scan3A_11 = arith.addi %scan3A_9, %scan3A_10 : i32
    %scan3A_12 = arith.constant 1 : i32
    scf.for %scan3A_93 = %scan3A_9 to %scan3A_11 step %scan3A_12  : i32 {
      %swap3A = arith.index_cast %scan3A_93 : i32 to index
      %swap3A_94 = arith.constant 0 : index
      %swap3A_95 = tpu.vector_load %arg9[%swap3A, %swap3A_94] {strides = array<i32>} : memref<80x16xf32, #tpu.memory_space<vmem>>, vector<1x16xf32>,
      %swap3A_96 = vector.shape_cast %swap3A_95 : vector<1x16xf32> to vector<16xf32>
      %swap3A_97 = vector.shape_cast %broadcast_in_dim3A_2 : vector<16xf32> to vector<1x16xf32>
      tpu.vector_store %arg9[%swap3A, %swap3A_94], %swap3A_97 {strides = array<i32>} : memref<80x16xf32, #tpu.memory_space<vmem>>, vector<1x16xf32>,
    }
    %scan3A_13 = arith.constant 80 : i32
    %mul3A = arith.constant 2560 : i32
    %mul3A_14 = arith.muli %arg1, %mul3A : i32
    %add3A = arith.constant 0 : i32
    %add3A_15 = arith.addi %mul3A_14, %add3A : i32
    "tpu.region"() ({
      %run_scoped3A = tpu.sem_alloc : memref<!tpu.dma_semaphore, #tpu.memory_space<semaphore_mem>>
      %dma_start3A = arith.constant 0 : i32
      %dma_start3A_93 = tpu.memref_slice %arg5[%add3A_15, %dma_start3A] : memref<40960x16xf32, #tpu.memory_space<vmem_shared>> -> memref<1280x16xf32, #tpu.memory_space<vmem_shared>>
      %dma_start3A_94 = arith.constant 0 : i32
      %dma_start3A_95 = tpu.memref_slice %arg5[%add3A_15, %dma_start3A_94] : memref<40960x16xf32, #tpu.memory_space<vmem_shared>> -> memref<1280x16xf32, #tpu.memory_space<vmem_shared>>
      tpu.enqueue_dma source(%arg10 : memref<1280x16xf32, #tpu.memory_space<vmem>>) target(%dma_start3A_95 : memref<1280x16xf32, #tpu.memory_space<vmem_shared>>) target_semaphore(%run_scoped3A : memref<!tpu.dma_semaphore, #tpu.memory_space<semaphore_mem>>)
      %dma_wait3A_96 = arith.constant 0 : i32
      %dma_wait3A_97 = tpu.memref_slice %arg5[%add3A_15, %dma_wait3A_96] : memref<40960x16xf32, #tpu.memory_space<vmem_shared>> -> memref<1280x16xf32, #tpu.memory_space<vmem_shared>>
      %dma_wait3A_98 = arith.constant 0 : i32
      %dma_wait3A_99 = tpu.memref_slice %arg5[%add3A_15, %dma_wait3A_98] : memref<40960x16xf32, #tpu.memory_space<vmem_shared>> -> memref<1280x16xf32, #tpu.memory_space<vmem_shared>>
      tpu.wait_dma2 semaphore(%run_scoped3A : memref<!tpu.dma_semaphore, #tpu.memory_space<semaphore_mem>>) src(%arg10 : memref<1280x16xf32, #tpu.memory_space<vmem>>) dst(%dma_wait3A_99 : memref<1280x16xf32, #tpu.memory_space<vmem_shared>>)
      tpu.yield
    }) : () -> ()
    %mul3A_16 = arith.constant 2560 : i32
    %mul3A_17 = arith.muli %arg1, %mul3A_16 : i32
    %add3A_18 = arith.constant 1280 : i32
    %add3A_19 = arith.addi %mul3A_17, %add3A_18 : i32
    "tpu.region"() ({
      %run_scoped3A = tpu.sem_alloc : memref<!tpu.dma_semaphore, #tpu.memory_space<semaphore_mem>>
      %dma_start3A = arith.constant 0 : i32
      %dma_start3A_93 = tpu.memref_slice %arg5[%add3A_19, %dma_start3A] : memref<40960x16xf32, #tpu.memory_space<vmem_shared>> -> memref<1280x16xf32, #tpu.memory_space<vmem_shared>>
      %dma_start3A_94 = arith.constant 0 : i32
      %dma_start3A_95 = tpu.memref_slice %arg5[%add3A_19, %dma_start3A_94] : memref<40960x16xf32, #tpu.memory_space<vmem_shared>> -> memref<1280x16xf32, #tpu.memory_space<vmem_shared>>
      tpu.enqueue_dma source(%arg10 : memref<1280x16xf32, #tpu.memory_space<vmem>>) target(%dma_start3A_95 : memref<1280x16xf32, #tpu.memory_space<vmem_shared>>) target_semaphore(%run_scoped3A : memref<!tpu.dma_semaphore, #tpu.memory_space<semaphore_mem>>)
      %dma_wait3A_96 = arith.constant 0 : i32
      %dma_wait3A_97 = tpu.memref_slice %arg5[%add3A_19, %dma_wait3A_96] : memref<40960x16xf32, #tpu.memory_space<vmem_shared>> -> memref<1280x16xf32, #tpu.memory_space<vmem_shared>>
      %dma_wait3A_98 = arith.constant 0 : i32
      %dma_wait3A_99 = tpu.memref_slice %arg5[%add3A_19, %dma_wait3A_98] : memref<40960x16xf32, #tpu.memory_space<vmem_shared>> -> memref<1280x16xf32, #tpu.memory_space<vmem_shared>>
      tpu.wait_dma2 semaphore(%run_scoped3A : memref<!tpu.dma_semaphore, #tpu.memory_space<semaphore_mem>>) src(%arg10 : memref<1280x16xf32, #tpu.memory_space<vmem>>) dst(%dma_wait3A_99 : memref<1280x16xf32, #tpu.memory_space<vmem_shared>>)
      tpu.yield
    }) : () -> ()
    %barrier3A = arith.constant 0 : index
    tpu.barrier barrier_id(%barrier3A)
    %scan3A_20 = arith.constant 0 : i32
    %scan3A_21 = arith.constant 0 : i32
    %scan3A_22 = arith.constant 10 : i32
    %scan3A_23 = arith.addi %scan3A_21, %scan3A_22 : i32
    %scan3A_24 = arith.constant 1 : i32
    scf.for %scan3A_93 = %scan3A_21 to %scan3A_23 step %scan3A_24  : i32 {
      %mul3A_94 = arith.constant 20000 : i32
      %mul3A_95 = arith.muli %arg1, %mul3A_94 : i32
      %mul3A_96 = arith.constant 2000 : i32
      %mul3A_97 = arith.muli %scan3A_93, %mul3A_96 : i32
      %add3A_98 = arith.addi %mul3A_95, %mul3A_97 : i32
      "tpu.region"() ({
        %run_scoped3A = tpu.sem_alloc : memref<!tpu.dma_semaphore, #tpu.memory_space<semaphore_mem>>
        %dma_start3A = tpu.memref_slice %arg2[%add3A_98] : memref<320000xi32, #tpu.memory_space<hbm>> -> memref<2000xi32, #tpu.memory_space<hbm>>
        %dma_start3A_105 = tpu.memref_slice %arg2[%add3A_98] : memref<320000xi32, #tpu.memory_space<hbm>> -> memref<2000xi32, #tpu.memory_space<hbm>>
        tpu.enqueue_dma source(%dma_start3A_105 : memref<2000xi32, #tpu.memory_space<hbm>>) target(%arg6 : memref<2000xi32, #tpu.memory_space<vmem>>) target_semaphore(%run_scoped3A : memref<!tpu.dma_semaphore, #tpu.memory_space<semaphore_mem>>)
        %dma_wait3A_106 = tpu.memref_slice %arg2[%add3A_98] : memref<320000xi32, #tpu.memory_space<hbm>> -> memref<2000xi32, #tpu.memory_space<hbm>>
        %dma_wait3A_107 = tpu.memref_slice %arg2[%add3A_98] : memref<320000xi32, #tpu.memory_space<hbm>> -> memref<2000xi32, #tpu.memory_space<hbm>>
        tpu.wait_dma2 semaphore(%run_scoped3A : memref<!tpu.dma_semaphore, #tpu.memory_space<semaphore_mem>>) src(%dma_wait3A_107 : memref<2000xi32, #tpu.memory_space<hbm>>) dst(%arg6 : memref<2000xi32, #tpu.memory_space<vmem>>)
        tpu.yield
      }) : () -> ()
      "tpu.region"() ({
        %run_scoped3A = tpu.sem_alloc : memref<!tpu.dma_semaphore, #tpu.memory_space<semaphore_mem>>
        %dma_start3A = tpu.memref_slice %arg3[%add3A_98] : memref<320000xi32, #tpu.memory_space<hbm>> -> memref<2000xi32, #tpu.memory_space<hbm>>
        %dma_start3A_105 = tpu.memref_slice %arg3[%add3A_98] : memref<320000xi32, #tpu.memory_space<hbm>> -> memref<2000xi32, #tpu.memory_space<hbm>>
        tpu.enqueue_dma source(%dma_start3A_105 : memref<2000xi32, #tpu.memory_space<hbm>>) target(%arg7 : memref<2000xi32, #tpu.memory_space<vmem>>) target_semaphore(%run_scoped3A : memref<!tpu.dma_semaphore, #tpu.memory_space<semaphore_mem>>)
        %dma_wait3A_106 = tpu.memref_slice %arg3[%add3A_98] : memref<320000xi32, #tpu.memory_space<hbm>> -> memref<2000xi32, #tpu.memory_space<hbm>>
        %dma_wait3A_107 = tpu.memref_slice %arg3[%add3A_98] : memref<320000xi32, #tpu.memory_space<hbm>> -> memref<2000xi32, #tpu.memory_space<hbm>>
        tpu.wait_dma2 semaphore(%run_scoped3A : memref<!tpu.dma_semaphore, #tpu.memory_space<semaphore_mem>>) src(%dma_wait3A_107 : memref<2000xi32, #tpu.memory_space<hbm>>) dst(%arg7 : memref<2000xi32, #tpu.memory_space<vmem>>)
        tpu.yield
      }) : () -> ()
      %scan3A_99 = arith.constant 0 : i32
      %scan3A_100 = arith.constant 0 : i32
      %scan3A_101 = arith.constant 25 : i32
      %scan3A_102 = arith.addi %scan3A_100, %scan3A_101 : i32
      %scan3A_103 = arith.constant 1 : i32
      scf.for %scan3A_105 = %scan3A_100 to %scan3A_102 step %scan3A_103  : i32 {
        %mul3A_106 = arith.constant 25 : i32
        %mul3A_107 = arith.muli %scan3A_93, %mul3A_106 : i32
        %add3A_108 = arith.addi %mul3A_107, %scan3A_105 : i32
        %rem3A = arith.constant 8 : i32
        %rem3A_109 = arith.remsi %add3A_108, %rem3A : i32
        %ge3A = arith.constant 8 : i32
        %ge3A_110 = arith.cmpi sge, %add3A_108, %ge3A : i32
        %convert_element_type3A = arith.extui %ge3A_110 : i1 to i32
        %cond3A = arith.constant 0 : i32
        %cond3A_111 = arith.cmpi ne, %convert_element_type3A, %cond3A : i32
        scf.if %cond3A_111 {
          %dma_wait3A_202 = arith.constant 0 : i32
          %dma_wait3A_203 = arith.constant 0 : i32
          %dma_wait3A_204 = tpu.memref_slice %arg8[%dma_wait3A_202, %dma_wait3A_203] : memref<8x80xi32, #tpu.memory_space<vmem>> -> memref<1x80xi32, #tpu.memory_space<vmem>>
          %dma_wait3A_205 = tpu.memref_squeeze %dma_wait3A_204 : memref<1x80xi32, #tpu.memory_space<vmem>> -> memref<80xi32, #tpu.memory_space<vmem>>
          %dma_wait3A_206 = arith.constant 0 : i32
          %dma_wait3A_207 = arith.constant 0 : i32
          %dma_wait3A_208 = tpu.memref_slice %arg5[%dma_wait3A_206, %dma_wait3A_207] : memref<40960x16xf32, #tpu.memory_space<vmem_shared>> -> memref<40960x16xf32, #tpu.memory_space<vmem_shared>>
          tpu.wait_indirect_dma semaphore(%arg11 : memref<!tpu.dma_semaphore, #tpu.memory_space<semaphore_mem>>) src(%arg9 : memref<80x16xf32, #tpu.memory_space<vmem>>) dst(%dma_wait3A_208 : memref<40960x16xf32, #tpu.memory_space<vmem_shared>>)
        } else {
        }
        %mul3A_112 = arith.constant 80 : i32
        %mul3A_113 = arith.muli %scan3A_105, %mul3A_112 : i32
        %add3A_114 = arith.constant 0 : i32
        %add3A_115 = arith.addi %mul3A_113, %add3A_114 : i32
        %get3A = arith.index_cast %add3A_115 : i32 to index
        %get3A_116 = tpu.vector_load %arg6[%get3A] {strides = array<i32>} : memref<2000xi32, #tpu.memory_space<vmem>>, vector<16xi32>,
        %get3A_117 = vector.shape_cast %get3A_116 : vector<16xi32> to vector<16xi32>
        %get3A_118 = arith.index_cast %add3A_115 : i32 to index
        %get3A_119 = tpu.vector_load %arg7[%get3A_118] {strides = array<i32>} : memref<2000xi32, #tpu.memory_space<vmem>>, vector<16xi32>,
        %get3A_120 = vector.shape_cast %get3A_119 : vector<16xi32> to vector<16xi32>
        %mul3A_121 = arith.constant 10000 : i32
        %mul3A_122 = vector.broadcast %mul3A_121 : i32 to vector<16xi32>
        %mul3A_123 = arith.muli %get3A_120, %mul3A_122 : vector<16xi32>
        %add3A_124 = arith.addi %mul3A_123, %get3A_117 : vector<16xi32>
        %swap3A = arith.index_cast %rem3A_109 : i32 to index
        %swap3A_125 = arith.constant 0 : index
        %swap3A_126 = tpu.vector_load %arg8[%swap3A, %swap3A_125] {strides = array<i32>} : memref<8x80xi32, #tpu.memory_space<vmem>>, vector<1x16xi32>,
        %swap3A_127 = vector.shape_cast %swap3A_126 : vector<1x16xi32> to vector<16xi32>
        %swap3A_128 = vector.shape_cast %add3A_124 : vector<16xi32> to vector<1x16xi32>
        tpu.vector_store %arg8[%swap3A, %swap3A_125], %swap3A_128 {strides = array<i32>} : memref<8x80xi32, #tpu.memory_space<vmem>>, vector<1x16xi32>,
        %add3A_129 = arith.constant 16 : i32
        %add3A_130 = arith.addi %mul3A_113, %add3A_129 : i32
        %get3A_131 = arith.index_cast %add3A_130 : i32 to index
        %get3A_132 = tpu.vector_load %arg6[%get3A_131] {strides = array<i32>} : memref<2000xi32, #tpu.memory_space<vmem>>, vector<16xi32>,
        %get3A_133 = vector.shape_cast %get3A_132 : vector<16xi32> to vector<16xi32>
        %get3A_134 = arith.index_cast %add3A_130 : i32 to index
        %get3A_135 = tpu.vector_load %arg7[%get3A_134] {strides = array<i32>} : memref<2000xi32, #tpu.memory_space<vmem>>, vector<16xi32>,
        %get3A_136 = vector.shape_cast %get3A_135 : vector<16xi32> to vector<16xi32>
        %mul3A_137 = arith.constant 10000 : i32
        %mul3A_138 = vector.broadcast %mul3A_137 : i32 to vector<16xi32>
        %mul3A_139 = arith.muli %get3A_136, %mul3A_138 : vector<16xi32>
        %add3A_140 = arith.addi %mul3A_139, %get3A_133 : vector<16xi32>
        %swap3A_141 = arith.index_cast %rem3A_109 : i32 to index
        %swap3A_142 = arith.constant 16 : index
        %swap3A_143 = tpu.vector_load %arg8[%swap3A_141, %swap3A_142] {strides = array<i32>} : memref<8x80xi32, #tpu.memory_space<vmem>>, vector<1x16xi32>,
        %swap3A_144 = vector.shape_cast %swap3A_143 : vector<1x16xi32> to vector<16xi32>
        %swap3A_145 = vector.shape_cast %add3A_140 : vector<16xi32> to vector<1x16xi32>
        tpu.vector_store %arg8[%swap3A_141, %swap3A_142], %swap3A_145 {strides = array<i32>} : memref<8x80xi32, #tpu.memory_space<vmem>>, vector<1x16xi32>,
        %add3A_146 = arith.constant 32 : i32
        %add3A_147 = arith.addi %mul3A_113, %add3A_146 : i32
        %get3A_148 = arith.index_cast %add3A_147 : i32 to index
        %get3A_149 = tpu.vector_load %arg6[%get3A_148] {strides = array<i32>} : memref<2000xi32, #tpu.memory_space<vmem>>, vector<16xi32>,
        %get3A_150 = vector.shape_cast %get3A_149 : vector<16xi32> to vector<16xi32>
        %get3A_151 = arith.index_cast %add3A_147 : i32 to index
        %get3A_152 = tpu.vector_load %arg7[%get3A_151] {strides = array<i32>} : memref<2000xi32, #tpu.memory_space<vmem>>, vector<16xi32>,
        %get3A_153 = vector.shape_cast %get3A_152 : vector<16xi32> to vector<16xi32>
        %mul3A_154 = arith.constant 10000 : i32
        %mul3A_155 = vector.broadcast %mul3A_154 : i32 to vector<16xi32>
        %mul3A_156 = arith.muli %get3A_153, %mul3A_155 : vector<16xi32>
        %add3A_157 = arith.addi %mul3A_156, %get3A_150 : vector<16xi32>
        %swap3A_158 = arith.index_cast %rem3A_109 : i32 to index
        %swap3A_159 = arith.constant 32 : index
        %swap3A_160 = tpu.vector_load %arg8[%swap3A_158, %swap3A_159] {strides = array<i32>} : memref<8x80xi32, #tpu.memory_space<vmem>>, vector<1x16xi32>,
        %swap3A_161 = vector.shape_cast %swap3A_160 : vector<1x16xi32> to vector<16xi32>
        %swap3A_162 = vector.shape_cast %add3A_157 : vector<16xi32> to vector<1x16xi32>
        tpu.vector_store %arg8[%swap3A_158, %swap3A_159], %swap3A_162 {strides = array<i32>} : memref<8x80xi32, #tpu.memory_space<vmem>>, vector<1x16xi32>,
        %add3A_163 = arith.constant 48 : i32
        %add3A_164 = arith.addi %mul3A_113, %add3A_163 : i32
        %get3A_165 = arith.index_cast %add3A_164 : i32 to index
        %get3A_166 = tpu.vector_load %arg6[%get3A_165] {strides = array<i32>} : memref<2000xi32, #tpu.memory_space<vmem>>, vector<16xi32>,
        %get3A_167 = vector.shape_cast %get3A_166 : vector<16xi32> to vector<16xi32>
        %get3A_168 = arith.index_cast %add3A_164 : i32 to index
        %get3A_169 = tpu.vector_load %arg7[%get3A_168] {strides = array<i32>} : memref<2000xi32, #tpu.memory_space<vmem>>, vector<16xi32>,
        %get3A_170 = vector.shape_cast %get3A_169 : vector<16xi32> to vector<16xi32>
        %mul3A_171 = arith.constant 10000 : i32
        %mul3A_172 = vector.broadcast %mul3A_171 : i32 to vector<16xi32>
        %mul3A_173 = arith.muli %get3A_170, %mul3A_172 : vector<16xi32>
        %add3A_174 = arith.addi %mul3A_173, %get3A_167 : vector<16xi32>
        %swap3A_175 = arith.index_cast %rem3A_109 : i32 to index
        %swap3A_176 = arith.constant 48 : index
        %swap3A_177 = tpu.vector_load %arg8[%swap3A_175, %swap3A_176] {strides = array<i32>} : memref<8x80xi32, #tpu.memory_space<vmem>>, vector<1x16xi32>,
        %swap3A_178 = vector.shape_cast %swap3A_177 : vector<1x16xi32> to vector<16xi32>
        %swap3A_179 = vector.shape_cast %add3A_174 : vector<16xi32> to vector<1x16xi32>
        tpu.vector_store %arg8[%swap3A_175, %swap3A_176], %swap3A_179 {strides = array<i32>} : memref<8x80xi32, #tpu.memory_space<vmem>>, vector<1x16xi32>,
        %add3A_180 = arith.constant 64 : i32
        %add3A_181 = arith.addi %mul3A_113, %add3A_180 : i32
        %get3A_182 = arith.index_cast %add3A_181 : i32 to index
        %get3A_183 = tpu.vector_load %arg6[%get3A_182] {strides = array<i32>} : memref<2000xi32, #tpu.memory_space<vmem>>, vector<16xi32>,
        %get3A_184 = vector.shape_cast %get3A_183 : vector<16xi32> to vector<16xi32>
        %get3A_185 = arith.index_cast %add3A_181 : i32 to index
        %get3A_186 = tpu.vector_load %arg7[%get3A_185] {strides = array<i32>} : memref<2000xi32, #tpu.memory_space<vmem>>, vector<16xi32>,
        %get3A_187 = vector.shape_cast %get3A_186 : vector<16xi32> to vector<16xi32>
        %mul3A_188 = arith.constant 10000 : i32
        %mul3A_189 = vector.broadcast %mul3A_188 : i32 to vector<16xi32>
        %mul3A_190 = arith.muli %get3A_187, %mul3A_189 : vector<16xi32>
        %add3A_191 = arith.addi %mul3A_190, %get3A_184 : vector<16xi32>
        %swap3A_192 = arith.index_cast %rem3A_109 : i32 to index
        %swap3A_193 = arith.constant 64 : index
        %swap3A_194 = tpu.vector_load %arg8[%swap3A_192, %swap3A_193] {strides = array<i32>} : memref<8x80xi32, #tpu.memory_space<vmem>>, vector<1x16xi32>,
        %swap3A_195 = vector.shape_cast %swap3A_194 : vector<1x16xi32> to vector<16xi32>
        %swap3A_196 = vector.shape_cast %add3A_191 : vector<16xi32> to vector<1x16xi32>
        tpu.vector_store %arg8[%swap3A_192, %swap3A_193], %swap3A_196 {strides = array<i32>} : memref<8x80xi32, #tpu.memory_space<vmem>>, vector<1x16xi32>,
        %dma_start3A = arith.constant 0 : i32
        %dma_start3A_197 = tpu.memref_slice %arg8[%rem3A_109, %dma_start3A] : memref<8x80xi32, #tpu.memory_space<vmem>> -> memref<1x80xi32, #tpu.memory_space<vmem>>
        %dma_start3A_198 = tpu.memref_squeeze %dma_start3A_197 : memref<1x80xi32, #tpu.memory_space<vmem>> -> memref<80xi32, #tpu.memory_space<vmem>>
        %dma_start3A_199 = arith.constant 0 : i32
        %dma_start3A_200 = arith.constant 0 : i32
        %dma_start3A_201 = tpu.memref_slice %arg5[%dma_start3A_199, %dma_start3A_200] : memref<40960x16xf32, #tpu.memory_space<vmem_shared>> -> memref<40960x16xf32, #tpu.memory_space<vmem_shared>>
        tpu.enqueue_indirect_dma source(%arg9 : memref<80x16xf32, #tpu.memory_space<vmem>>) target(%dma_start3A_201 : memref<40960x16xf32, #tpu.memory_space<vmem_shared>>) offsets(%dma_start3A_198 : memref<80xi32, #tpu.memory_space<vmem>>) semaphore(%arg11 : memref<!tpu.dma_semaphore, #tpu.memory_space<semaphore_mem>>) {add = true}
      }
      %scan3A_104 = arith.constant 25 : i32
    }
    %scan3A_25 = arith.constant 10 : i32
    %dma_wait3A = arith.constant 0 : i32
    %dma_wait3A_26 = arith.constant 0 : i32
    %dma_wait3A_27 = tpu.memref_slice %arg8[%dma_wait3A, %dma_wait3A_26] : memref<8x80xi32, #tpu.memory_space<vmem>> -> memref<1x80xi32, #tpu.memory_space<vmem>>
    %dma_wait3A_28 = tpu.memref_squeeze %dma_wait3A_27 : memref<1x80xi32, #tpu.memory_space<vmem>> -> memref<80xi32, #tpu.memory_space<vmem>>
    %dma_wait3A_29 = arith.constant 0 : i32
    %dma_wait3A_30 = arith.constant 0 : i32
    %dma_wait3A_31 = tpu.memref_slice %arg5[%dma_wait3A_29, %dma_wait3A_30] : memref<40960x16xf32, #tpu.memory_space<vmem_shared>> -> memref<40960x16xf32, #tpu.memory_space<vmem_shared>>
    tpu.wait_indirect_dma semaphore(%arg11 : memref<!tpu.dma_semaphore, #tpu.memory_space<semaphore_mem>>) src(%arg9 : memref<80x16xf32, #tpu.memory_space<vmem>>) dst(%dma_wait3A_31 : memref<40960x16xf32, #tpu.memory_space<vmem_shared>>)
    %dma_wait3A_32 = arith.constant 0 : i32
    %dma_wait3A_33 = arith.constant 0 : i32
    %dma_wait3A_34 = tpu.memref_slice %arg8[%dma_wait3A_32, %dma_wait3A_33] : memref<8x80xi32, #tpu.memory_space<vmem>> -> memref<1x80xi32, #tpu.memory_space<vmem>>
    %dma_wait3A_35 = tpu.memref_squeeze %dma_wait3A_34 : memref<1x80xi32, #tpu.memory_space<vmem>> -> memref<80xi32, #tpu.memory_space<vmem>>
    %dma_wait3A_36 = arith.constant 0 : i32
    %dma_wait3A_37 = arith.constant 0 : i32
    %dma_wait3A_38 = tpu.memref_slice %arg5[%dma_wait3A_36, %dma_wait3A_37] : memref<40960x16xf32, #tpu.memory_space<vmem_shared>> -> memref<40960x16xf32, #tpu.memory_space<vmem_shared>>
    tpu.wait_indirect_dma semaphore(%arg11 : memref<!tpu.dma_semaphore, #tpu.memory_space<semaphore_mem>>) src(%arg9 : memref<80x16xf32, #tpu.memory_space<vmem>>) dst(%dma_wait3A_38 : memref<40960x16xf32, #tpu.memory_space<vmem_shared>>)
    %dma_wait3A_39 = arith.constant 0 : i32
    %dma_wait3A_40 = arith.constant 0 : i32
    %dma_wait3A_41 = tpu.memref_slice %arg8[%dma_wait3A_39, %dma_wait3A_40] : memref<8x80xi32, #tpu.memory_space<vmem>> -> memref<1x80xi32, #tpu.memory_space<vmem>>
    %dma_wait3A_42 = tpu.memref_squeeze %dma_wait3A_41 : memref<1x80xi32, #tpu.memory_space<vmem>> -> memref<80xi32, #tpu.memory_space<vmem>>
    %dma_wait3A_43 = arith.constant 0 : i32
    %dma_wait3A_44 = arith.constant 0 : i32
    %dma_wait3A_45 = tpu.memref_slice %arg5[%dma_wait3A_43, %dma_wait3A_44] : memref<40960x16xf32, #tpu.memory_space<vmem_shared>> -> memref<40960x16xf32, #tpu.memory_space<vmem_shared>>
    tpu.wait_indirect_dma semaphore(%arg11 : memref<!tpu.dma_semaphore, #tpu.memory_space<semaphore_mem>>) src(%arg9 : memref<80x16xf32, #tpu.memory_space<vmem>>) dst(%dma_wait3A_45 : memref<40960x16xf32, #tpu.memory_space<vmem_shared>>)
    %dma_wait3A_46 = arith.constant 0 : i32
    %dma_wait3A_47 = arith.constant 0 : i32
    %dma_wait3A_48 = tpu.memref_slice %arg8[%dma_wait3A_46, %dma_wait3A_47] : memref<8x80xi32, #tpu.memory_space<vmem>> -> memref<1x80xi32, #tpu.memory_space<vmem>>
    %dma_wait3A_49 = tpu.memref_squeeze %dma_wait3A_48 : memref<1x80xi32, #tpu.memory_space<vmem>> -> memref<80xi32, #tpu.memory_space<vmem>>
    %dma_wait3A_50 = arith.constant 0 : i32
    %dma_wait3A_51 = arith.constant 0 : i32
    %dma_wait3A_52 = tpu.memref_slice %arg5[%dma_wait3A_50, %dma_wait3A_51] : memref<40960x16xf32, #tpu.memory_space<vmem_shared>> -> memref<40960x16xf32, #tpu.memory_space<vmem_shared>>
    tpu.wait_indirect_dma semaphore(%arg11 : memref<!tpu.dma_semaphore, #tpu.memory_space<semaphore_mem>>) src(%arg9 : memref<80x16xf32, #tpu.memory_space<vmem>>) dst(%dma_wait3A_52 : memref<40960x16xf32, #tpu.memory_space<vmem_shared>>)
    %dma_wait3A_53 = arith.constant 0 : i32
    %dma_wait3A_54 = arith.constant 0 : i32
    %dma_wait3A_55 = tpu.memref_slice %arg8[%dma_wait3A_53, %dma_wait3A_54] : memref<8x80xi32, #tpu.memory_space<vmem>> -> memref<1x80xi32, #tpu.memory_space<vmem>>
    %dma_wait3A_56 = tpu.memref_squeeze %dma_wait3A_55 : memref<1x80xi32, #tpu.memory_space<vmem>> -> memref<80xi32, #tpu.memory_space<vmem>>
    %dma_wait3A_57 = arith.constant 0 : i32
    %dma_wait3A_58 = arith.constant 0 : i32
    %dma_wait3A_59 = tpu.memref_slice %arg5[%dma_wait3A_57, %dma_wait3A_58] : memref<40960x16xf32, #tpu.memory_space<vmem_shared>> -> memref<40960x16xf32, #tpu.memory_space<vmem_shared>>
    tpu.wait_indirect_dma semaphore(%arg11 : memref<!tpu.dma_semaphore, #tpu.memory_space<semaphore_mem>>) src(%arg9 : memref<80x16xf32, #tpu.memory_space<vmem>>) dst(%dma_wait3A_59 : memref<40960x16xf32, #tpu.memory_space<vmem_shared>>)
    %dma_wait3A_60 = arith.constant 0 : i32
    %dma_wait3A_61 = arith.constant 0 : i32
    %dma_wait3A_62 = tpu.memref_slice %arg8[%dma_wait3A_60, %dma_wait3A_61] : memref<8x80xi32, #tpu.memory_space<vmem>> -> memref<1x80xi32, #tpu.memory_space<vmem>>
    %dma_wait3A_63 = tpu.memref_squeeze %dma_wait3A_62 : memref<1x80xi32, #tpu.memory_space<vmem>> -> memref<80xi32, #tpu.memory_space<vmem>>
    %dma_wait3A_64 = arith.constant 0 : i32
    %dma_wait3A_65 = arith.constant 0 : i32
    %dma_wait3A_66 = tpu.memref_slice %arg5[%dma_wait3A_64, %dma_wait3A_65] : memref<40960x16xf32, #tpu.memory_space<vmem_shared>> -> memref<40960x16xf32, #tpu.memory_space<vmem_shared>>
    tpu.wait_indirect_dma semaphore(%arg11 : memref<!tpu.dma_semaphore, #tpu.memory_space<semaphore_mem>>) src(%arg9 : memref<80x16xf32, #tpu.memory_space<vmem>>) dst(%dma_wait3A_66 : memref<40960x16xf32, #tpu.memory_space<vmem_shared>>)
    %dma_wait3A_67 = arith.constant 0 : i32
    %dma_wait3A_68 = arith.constant 0 : i32
    %dma_wait3A_69 = tpu.memref_slice %arg8[%dma_wait3A_67, %dma_wait3A_68] : memref<8x80xi32, #tpu.memory_space<vmem>> -> memref<1x80xi32, #tpu.memory_space<vmem>>
    %dma_wait3A_70 = tpu.memref_squeeze %dma_wait3A_69 : memref<1x80xi32, #tpu.memory_space<vmem>> -> memref<80xi32, #tpu.memory_space<vmem>>
    %dma_wait3A_71 = arith.constant 0 : i32
    %dma_wait3A_72 = arith.constant 0 : i32
    %dma_wait3A_73 = tpu.memref_slice %arg5[%dma_wait3A_71, %dma_wait3A_72] : memref<40960x16xf32, #tpu.memory_space<vmem_shared>> -> memref<40960x16xf32, #tpu.memory_space<vmem_shared>>
    tpu.wait_indirect_dma semaphore(%arg11 : memref<!tpu.dma_semaphore, #tpu.memory_space<semaphore_mem>>) src(%arg9 : memref<80x16xf32, #tpu.memory_space<vmem>>) dst(%dma_wait3A_73 : memref<40960x16xf32, #tpu.memory_space<vmem_shared>>)
    %dma_wait3A_74 = arith.constant 0 : i32
    %dma_wait3A_75 = arith.constant 0 : i32
    %dma_wait3A_76 = tpu.memref_slice %arg8[%dma_wait3A_74, %dma_wait3A_75] : memref<8x80xi32, #tpu.memory_space<vmem>> -> memref<1x80xi32, #tpu.memory_space<vmem>>
    %dma_wait3A_77 = tpu.memref_squeeze %dma_wait3A_76 : memref<1x80xi32, #tpu.memory_space<vmem>> -> memref<80xi32, #tpu.memory_space<vmem>>
    %dma_wait3A_78 = arith.constant 0 : i32
    %dma_wait3A_79 = arith.constant 0 : i32
    %dma_wait3A_80 = tpu.memref_slice %arg5[%dma_wait3A_78, %dma_wait3A_79] : memref<40960x16xf32, #tpu.memory_space<vmem_shared>> -> memref<40960x16xf32, #tpu.memory_space<vmem_shared>>
    tpu.wait_indirect_dma semaphore(%arg11 : memref<!tpu.dma_semaphore, #tpu.memory_space<semaphore_mem>>) src(%arg9 : memref<80x16xf32, #tpu.memory_space<vmem>>) dst(%dma_wait3A_80 : memref<40960x16xf32, #tpu.memory_space<vmem_shared>>)
    %barrier3A_81 = arith.constant 0 : index
    tpu.barrier barrier_id(%barrier3A_81)
    %mul3A_82 = arith.constant 20480 : i32
    %mul3A_83 = arith.muli %arg0, %mul3A_82 : i32
    %mul3A_84 = arith.constant 1280 : i32
    %mul3A_85 = arith.muli %arg1, %mul3A_84 : i32
    %add3A_86 = arith.addi %mul3A_83, %mul3A_85 : i32
    "tpu.region"() ({
      %run_scoped3A = tpu.sem_alloc : memref<!tpu.dma_semaphore, #tpu.memory_space<semaphore_mem>>
      %dma_start3A = arith.constant 0 : i32
      %dma_start3A_93 = tpu.memref_slice %arg5[%add3A_86, %dma_start3A] : memref<40960x16xf32, #tpu.memory_space<vmem_shared>> -> memref<1280x16xf32, #tpu.memory_space<vmem_shared>>
      %dma_start3A_94 = arith.constant 0 : i32
      %dma_start3A_95 = tpu.memref_slice %arg5[%add3A_86, %dma_start3A_94] : memref<40960x16xf32, #tpu.memory_space<vmem_shared>> -> memref<1280x16xf32, #tpu.memory_space<vmem_shared>>
      tpu.enqueue_dma source(%dma_start3A_95 : memref<1280x16xf32, #tpu.memory_space<vmem_shared>>) target(%arg10 : memref<1280x16xf32, #tpu.memory_space<vmem>>) target_semaphore(%run_scoped3A : memref<!tpu.dma_semaphore, #tpu.memory_space<semaphore_mem>>)
      %dma_wait3A_96 = arith.constant 0 : i32
      %dma_wait3A_97 = tpu.memref_slice %arg5[%add3A_86, %dma_wait3A_96] : memref<40960x16xf32, #tpu.memory_space<vmem_shared>> -> memref<1280x16xf32, #tpu.memory_space<vmem_shared>>
      %dma_wait3A_98 = arith.constant 0 : i32
      %dma_wait3A_99 = tpu.memref_slice %arg5[%add3A_86, %dma_wait3A_98] : memref<40960x16xf32, #tpu.memory_space<vmem_shared>> -> memref<1280x16xf32, #tpu.memory_space<vmem_shared>>
      tpu.wait_dma2 semaphore(%run_scoped3A : memref<!tpu.dma_semaphore, #tpu.memory_space<semaphore_mem>>) src(%dma_wait3A_99 : memref<1280x16xf32, #tpu.memory_space<vmem_shared>>) dst(%arg10 : memref<1280x16xf32, #tpu.memory_space<vmem>>)
      tpu.yield
    }) : () -> ()
    %scan3A_87 = arith.constant 0 : i32
    %scan3A_88 = arith.constant 0 : i32
    %scan3A_89 = arith.constant 1280 : i32
    %scan3A_90 = arith.addi %scan3A_88, %scan3A_89 : i32
    %scan3A_91 = arith.constant 1 : i32
    scf.for %scan3A_93 = %scan3A_88 to %scan3A_90 step %scan3A_91  : i32 {
      %get3A = arith.index_cast %scan3A_93 : i32 to index
      %get3A_94 = arith.constant 0 : index
      %get3A_95 = tpu.vector_load %arg10[%get3A, %get3A_94] {strides = array<i32>} : memref<1280x16xf32, #tpu.memory_space<vmem>>, vector<1x16xf32>,
      %get3A_96 = vector.shape_cast %get3A_95 : vector<1x16xf32> to vector<16xf32>
      %max3A = arith.constant 1.000000e+00 : f32
      %max3A_97 = vector.broadcast %max3A : f32 to vector<16xf32>
      %max3A_98 = arith.maximumf %get3A_96, %max3A_97 : vector<16xf32>
      %div3A = arith.constant 1.000000e+00 : f32
      %div3A_99 = vector.broadcast %div3A : f32 to vector<16xf32>
      %div3A_100 = arith.divf %div3A_99, %max3A_98 : vector<16xf32>
      %swap3A = arith.index_cast %scan3A_93 : i32 to index
      %swap3A_101 = arith.constant 0 : index
      %swap3A_102 = tpu.vector_load %arg10[%swap3A, %swap3A_101] {strides = array<i32>} : memref<1280x16xf32, #tpu.memory_space<vmem>>, vector<1x16xf32>,
      %swap3A_103 = vector.shape_cast %swap3A_102 : vector<1x16xf32> to vector<16xf32>
      %swap3A_104 = vector.shape_cast %div3A_100 : vector<16xf32> to vector<1x16xf32>
      tpu.vector_store %arg10[%swap3A, %swap3A_101], %swap3A_104 {strides = array<i32>} : memref<1280x16xf32, #tpu.memory_space<vmem>>, vector<1x16xf32>,
    }
    %scan3A_92 = arith.constant 1280 : i32
    "tpu.region"() ({
      %run_scoped3A = tpu.sem_alloc : memref<!tpu.dma_semaphore, #tpu.memory_space<semaphore_mem>>
      %dma_start3A = arith.constant 0 : i32
      %dma_start3A_93 = tpu.memref_slice %arg4[%add3A_86, %dma_start3A] : memref<40960x16xf32, #tpu.memory_space<hbm>> -> memref<1280x16xf32, #tpu.memory_space<hbm>>
      %dma_start3A_94 = arith.constant 0 : i32
      %dma_start3A_95 = tpu.memref_slice %arg4[%add3A_86, %dma_start3A_94] : memref<40960x16xf32, #tpu.memory_space<hbm>> -> memref<1280x16xf32, #tpu.memory_space<hbm>>
      tpu.enqueue_dma source(%arg10 : memref<1280x16xf32, #tpu.memory_space<vmem>>) target(%dma_start3A_95 : memref<1280x16xf32, #tpu.memory_space<hbm>>) target_semaphore(%run_scoped3A : memref<!tpu.dma_semaphore, #tpu.memory_space<semaphore_mem>>)
      %dma_wait3A_96 = arith.constant 0 : i32
      %dma_wait3A_97 = tpu.memref_slice %arg4[%add3A_86, %dma_wait3A_96] : memref<40960x16xf32, #tpu.memory_space<hbm>> -> memref<1280x16xf32, #tpu.memory_space<hbm>>
      %dma_wait3A_98 = arith.constant 0 : i32
      %dma_wait3A_99 = tpu.memref_slice %arg4[%add3A_86, %dma_wait3A_98] : memref<40960x16xf32, #tpu.memory_space<hbm>> -> memref<1280x16xf32, #tpu.memory_space<hbm>>
      tpu.wait_dma2 semaphore(%run_scoped3A : memref<!tpu.dma_semaphore, #tpu.memory_space<semaphore_mem>>) src(%arg10 : memref<1280x16xf32, #tpu.memory_space<vmem>>) dst(%dma_wait3A_99 : memref<1280x16xf32, #tpu.memory_space<hbm>>)
      tpu.yield
    }) : () -> ()
    return
  }
}

module attributes {stable_mosaic.version = 14 : i64} {
  func.func @body(%arg0: i32, %arg1: memref<1000x128xf32, #tpu.memory_space<vmem>>, %arg2: memref<4x128x128xf32, #tpu.memory_space<vmem>>, %arg3: memref<4x1000x128xf32, #tpu.memory_space<vmem>>) attributes {dimension_semantics = [#tpu.dimension_semantics<arbitrary>], iteration_bounds = array<i64: 10>, scalar_prefetch = 0 : i64, scratch_operands = 0 : i64, tpu.core_type = #tpu.core_type<tc>, window_params = [{transform_indices = @transform_0, window_bounds = array<i64: 1000, 128>}, {pipeline_mode = #tpu.pipeline_mode<synchronous>, transform_indices = @transform_1, window_bounds = array<i64: 4, 128, 128>}, {transform_indices = @transform_2, window_bounds = array<i64: 4, 1000, 128>}]} {
    %get3A = arith.constant 0 : index
    %get3A_0 = arith.constant 0 : index
    %get3A_1 = vector.load %arg1[%get3A, %get3A_0] : memref<1000x128xf32, #tpu.memory_space<vmem>>, vector<1000x128xf32>
    %get3A_2 = arith.constant 0 : index
    %get3A_3 = arith.constant 0 : index
    %get3A_4 = arith.constant 0 : index
    %get3A_5 = vector.load %arg2[%get3A_2, %get3A_3, %get3A_4] : memref<4x128x128xf32, #tpu.memory_space<vmem>>, vector<1x128x128xf32>
    %get3A_6 = vector.shape_cast %get3A_5 : vector<1x128x128xf32> to vector<128x128xf32>
    %dot_general3A = arith.constant dense<0.000000e+00> : vector<1000x128xf32>
    %dot_general3A_7 = tpu.matmul %get3A_1, %get3A_6, %dot_general3A {dimension_numbers = #tpu.dot_dimension_numbers<[1], [0], [0], [1], [0, 0, 1, 1], [], []>, transpose_lhs_hint = false} : vector<1000x128xf32>, vector<128x128xf32>, vector<1000x128xf32> -> vector<1000x128xf32>
    %swap3A = arith.constant 0 : index
    %swap3A_8 = arith.constant 0 : index
    %swap3A_9 = arith.constant 0 : index
    %swap3A_10 = vector.load %arg3[%swap3A, %swap3A_8, %swap3A_9] : memref<4x1000x128xf32, #tpu.memory_space<vmem>>, vector<1x1000x128xf32>
    %swap3A_11 = vector.shape_cast %swap3A_10 : vector<1x1000x128xf32> to vector<1000x128xf32>
    %swap3A_12 = vector.shape_cast %dot_general3A_7 : vector<1000x128xf32> to vector<1x1000x128xf32>
    tpu.vector_store %arg3[%swap3A, %swap3A_8, %swap3A_9], %swap3A_12 {strides = array<i32>} : memref<4x1000x128xf32, #tpu.memory_space<vmem>>, vector<1x1000x128xf32>,
    %get3A_13 = arith.constant 0 : index
    %get3A_14 = arith.constant 0 : index
    %get3A_15 = vector.load %arg1[%get3A_13, %get3A_14] : memref<1000x128xf32, #tpu.memory_space<vmem>>, vector<1000x128xf32>
    %get3A_16 = arith.constant 1 : index
    %get3A_17 = arith.constant 0 : index
    %get3A_18 = arith.constant 0 : index
    %get3A_19 = vector.load %arg2[%get3A_16, %get3A_17, %get3A_18] : memref<4x128x128xf32, #tpu.memory_space<vmem>>, vector<1x128x128xf32>
    %get3A_20 = vector.shape_cast %get3A_19 : vector<1x128x128xf32> to vector<128x128xf32>
    %dot_general3A_21 = arith.constant dense<0.000000e+00> : vector<1000x128xf32>
    %dot_general3A_22 = tpu.matmul %get3A_15, %get3A_20, %dot_general3A_21 {dimension_numbers = #tpu.dot_dimension_numbers<[1], [0], [0], [1], [0, 0, 1, 1], [], []>, transpose_lhs_hint = false} : vector<1000x128xf32>, vector<128x128xf32>, vector<1000x128xf32> -> vector<1000x128xf32>
    %swap3A_23 = arith.constant 1 : index
    %swap3A_24 = arith.constant 0 : index
    %swap3A_25 = arith.constant 0 : index
    %swap3A_26 = vector.load %arg3[%swap3A_23, %swap3A_24, %swap3A_25] : memref<4x1000x128xf32, #tpu.memory_space<vmem>>, vector<1x1000x128xf32>
    %swap3A_27 = vector.shape_cast %swap3A_26 : vector<1x1000x128xf32> to vector<1000x128xf32>
    %swap3A_28 = vector.shape_cast %dot_general3A_22 : vector<1000x128xf32> to vector<1x1000x128xf32>
    tpu.vector_store %arg3[%swap3A_23, %swap3A_24, %swap3A_25], %swap3A_28 {strides = array<i32>} : memref<4x1000x128xf32, #tpu.memory_space<vmem>>, vector<1x1000x128xf32>,
    %get3A_29 = arith.constant 0 : index
    %get3A_30 = arith.constant 0 : index
    %get3A_31 = vector.load %arg1[%get3A_29, %get3A_30] : memref<1000x128xf32, #tpu.memory_space<vmem>>, vector<1000x128xf32>
    %get3A_32 = arith.constant 2 : index
    %get3A_33 = arith.constant 0 : index
    %get3A_34 = arith.constant 0 : index
    %get3A_35 = vector.load %arg2[%get3A_32, %get3A_33, %get3A_34] : memref<4x128x128xf32, #tpu.memory_space<vmem>>, vector<1x128x128xf32>
    %get3A_36 = vector.shape_cast %get3A_35 : vector<1x128x128xf32> to vector<128x128xf32>
    %dot_general3A_37 = arith.constant dense<0.000000e+00> : vector<1000x128xf32>
    %dot_general3A_38 = tpu.matmul %get3A_31, %get3A_36, %dot_general3A_37 {dimension_numbers = #tpu.dot_dimension_numbers<[1], [0], [0], [1], [0, 0, 1, 1], [], []>, transpose_lhs_hint = false} : vector<1000x128xf32>, vector<128x128xf32>, vector<1000x128xf32> -> vector<1000x128xf32>
    %swap3A_39 = arith.constant 2 : index
    %swap3A_40 = arith.constant 0 : index
    %swap3A_41 = arith.constant 0 : index
    %swap3A_42 = vector.load %arg3[%swap3A_39, %swap3A_40, %swap3A_41] : memref<4x1000x128xf32, #tpu.memory_space<vmem>>, vector<1x1000x128xf32>
    %swap3A_43 = vector.shape_cast %swap3A_42 : vector<1x1000x128xf32> to vector<1000x128xf32>
    %swap3A_44 = vector.shape_cast %dot_general3A_38 : vector<1000x128xf32> to vector<1x1000x128xf32>
    tpu.vector_store %arg3[%swap3A_39, %swap3A_40, %swap3A_41], %swap3A_44 {strides = array<i32>} : memref<4x1000x128xf32, #tpu.memory_space<vmem>>, vector<1x1000x128xf32>,
    %get3A_45 = arith.constant 0 : index
    %get3A_46 = arith.constant 0 : index
    %get3A_47 = vector.load %arg1[%get3A_45, %get3A_46] : memref<1000x128xf32, #tpu.memory_space<vmem>>, vector<1000x128xf32>
    %get3A_48 = arith.constant 3 : index
    %get3A_49 = arith.constant 0 : index
    %get3A_50 = arith.constant 0 : index
    %get3A_51 = vector.load %arg2[%get3A_48, %get3A_49, %get3A_50] : memref<4x128x128xf32, #tpu.memory_space<vmem>>, vector<1x128x128xf32>
    %get3A_52 = vector.shape_cast %get3A_51 : vector<1x128x128xf32> to vector<128x128xf32>
    %dot_general3A_53 = arith.constant dense<0.000000e+00> : vector<1000x128xf32>
    %dot_general3A_54 = tpu.matmul %get3A_47, %get3A_52, %dot_general3A_53 {dimension_numbers = #tpu.dot_dimension_numbers<[1], [0], [0], [1], [0, 0, 1, 1], [], []>, transpose_lhs_hint = false} : vector<1000x128xf32>, vector<128x128xf32>, vector<1000x128xf32> -> vector<1000x128xf32>
    %swap3A_55 = arith.constant 3 : index
    %swap3A_56 = arith.constant 0 : index
    %swap3A_57 = arith.constant 0 : index
    %swap3A_58 = vector.load %arg3[%swap3A_55, %swap3A_56, %swap3A_57] : memref<4x1000x128xf32, #tpu.memory_space<vmem>>, vector<1x1000x128xf32>
    %swap3A_59 = vector.shape_cast %swap3A_58 : vector<1x1000x128xf32> to vector<1000x128xf32>
    %swap3A_60 = vector.shape_cast %dot_general3A_54 : vector<1000x128xf32> to vector<1x1000x128xf32>
    tpu.vector_store %arg3[%swap3A_55, %swap3A_56, %swap3A_57], %swap3A_60 {strides = array<i32>} : memref<4x1000x128xf32, #tpu.memory_space<vmem>>, vector<1x1000x128xf32>,
    return
  }
  func.func @transform_0(%arg0: i32) -> (i32, i32) {
    %c0_i32 = arith.constant 0 : i32
    %c0_i32_0 = arith.constant 0 : i32
    return %arg0, %c0_i32 : i32, i32
  }
  func.func @transform_1(%arg0: i32) -> (i32, i32, i32) {
    %c0_i32 = arith.constant 0 : i32
    %c0_i32_0 = arith.constant 0 : i32
    %c0_i32_1 = arith.constant 0 : i32
    %c0_i32_2 = arith.constant 0 : i32
    return %c0_i32, %c0_i32_0, %c0_i32_1 : i32, i32, i32
  }
  func.func @transform_2(%arg0: i32) -> (i32, i32, i32) {
    %c0_i32 = arith.constant 0 : i32
    %c0_i32_0 = arith.constant 0 : i32
    %c0_i32_1 = arith.constant 0 : i32
    return %c0_i32, %arg0, %c0_i32_0 : i32, i32, i32
  }
}

module attributes {stable_mosaic.version = 14 : i64} {
  func.func @body(%arg0: i32, %arg1: memref<2x1000x128xf32, #tpu.memory_space<vmem>>, %arg2: memref<1x128xf32, #tpu.memory_space<vmem>>, %arg3: memref<1000x128xf32, #tpu.memory_space<vmem>>) attributes {dimension_semantics = [#tpu.dimension_semantics<arbitrary>], iteration_bounds = array<i64: 10>, scalar_prefetch = 0 : i64, scratch_operands = 0 : i64, tpu.core_type = #tpu.core_type<tc>, window_params = [{transform_indices = @transform_0, window_bounds = array<i64: 2, 1000, 128>}, {pipeline_mode = #tpu.pipeline_mode<synchronous>, transform_indices = @transform_1, window_bounds = array<i64: 1, 128>}, {transform_indices = @transform_2, window_bounds = array<i64: 1000, 128>}]} {
    %get3A = arith.constant 0 : index
    %get3A_0 = arith.constant 0 : index
    %get3A_1 = arith.constant 0 : index
    %get3A_2 = vector.load %arg1[%get3A, %get3A_0, %get3A_1] : memref<2x1000x128xf32, #tpu.memory_space<vmem>>, vector<1x1000x128xf32>
    %get3A_3 = vector.shape_cast %get3A_2 : vector<1x1000x128xf32> to vector<1000x128xf32>
    %get3A_4 = arith.constant 1 : index
    %get3A_5 = arith.constant 0 : index
    %get3A_6 = arith.constant 0 : index
    %get3A_7 = vector.load %arg1[%get3A_4, %get3A_5, %get3A_6] : memref<2x1000x128xf32, #tpu.memory_space<vmem>>, vector<1x1000x128xf32>
    %get3A_8 = vector.shape_cast %get3A_7 : vector<1x1000x128xf32> to vector<1000x128xf32>
    %add3A = arith.addf %get3A_3, %get3A_8 : vector<1000x128xf32>
    %get3A_9 = arith.constant 0 : index
    %get3A_10 = arith.constant 0 : index
    %get3A_11 = vector.load %arg2[%get3A_9, %get3A_10] : memref<1x128xf32, #tpu.memory_space<vmem>>, vector<1x128xf32>
    %add3A_12 = vector.broadcast %get3A_11 : vector<1x128xf32> to vector<1000x128xf32>
    %add3A_13 = arith.addf %add3A, %add3A_12 : vector<1000x128xf32>
    %swap3A = arith.constant 0 : index
    %swap3A_14 = arith.constant 0 : index
    %swap3A_15 = vector.load %arg3[%swap3A, %swap3A_14] : memref<1000x128xf32, #tpu.memory_space<vmem>>, vector<1000x128xf32>
    tpu.vector_store %arg3[%swap3A, %swap3A_14], %add3A_13 {strides = array<i32>} : memref<1000x128xf32, #tpu.memory_space<vmem>>, vector<1000x128xf32>,
    return
  }
  func.func @transform_0(%arg0: i32) -> (i32, i32, i32) {
    %c0_i32 = arith.constant 0 : i32
    %c0_i32_0 = arith.constant 0 : i32
    %c0_i32_1 = arith.constant 0 : i32
    return %c0_i32, %arg0, %c0_i32_0 : i32, i32, i32
  }
  func.func @transform_1(%arg0: i32) -> (i32, i32) {
    %c0_i32 = arith.constant 0 : i32
    %c0_i32_0 = arith.constant 0 : i32
    %c0_i32_1 = arith.constant 0 : i32
    return %c0_i32, %c0_i32_0 : i32, i32
  }
  func.func @transform_2(%arg0: i32) -> (i32, i32) {
    %c0_i32 = arith.constant 0 : i32
    %c0_i32_0 = arith.constant 0 : i32
    return %arg0, %c0_i32 : i32, i32
  }
}

</mosaic_0001>

<sc_bundles>
// kernel: kernel.6.cloned.1.call-start
scs
__scs_entry_jumppad:
0x0: {  	(pc) =	sbr.rel $0x88, $3  }
0x1: {  	(tag) =	ssettag $0x0;
	lr =	simm.s32 $0x1  }
0x2: {  	[smem:$0x3F9C] =	sst lr;
	_ =	strace $0xD0000000  }
0x3: {  	_ = 	snop  }
0x4: {  	_ = 	snop  }
0x5: {  	_ = 	snop  }
0x6: {  	_ = 	snop  }
0x7: {  	_ = 	snop  }
__scs_overlays_trampoline_lowered:
0x8: {  	[smem:$0x3FAB] =	sst s0  }
0x9: {  	[smem:$0x3FAC] =	sst s1  }
0xa: {  	[smem:$0x3FAD] =	sst s2  }
0xb: {  	[smem:$0x3FAE] =	sst s3  }
0xc: {  	[smem:$0x3FAF] =	sst s4  }
0xd: {  	[smem:$0x3FB0] =	sst s5  }
0xe: {  	[smem:$0x3FB1] =	sst s6  }
0xf: {  	[smem:$0x3FB2] =	sst s7  }
0x10: {  	[smem:$0x3FB3] =	sst s8  }
0x11: {  	[smem:$0x3FB4] =	sst s9;
	s0 =	simm.s32 @!p0 $0x0  }
0x12: {  	s1 =	sld [smem:$0x3F9A];
	s0 =	simm.s32 @p0 $0x1  }
0x13: {  	[smem:$0x3FB5] =	sst s0;
	s0 =	simm.s32 @!p1 $0x0  }
0x14: {  	s2 =	sld [smem:$0x3F99];
	s0 =	simm.s32 @p1 $0x1  }
0x15: {  	[smem:$0x3FB6] =	sst s0;
	s0 =	simm.s32 @!p2 $0x0  }
0x16: {  	s3 =	sld [smem:$0x3FDB];
	s0 =	simm.s32 @p2 $0x1  }
0x17: {  	s4 =	simm.s32 $0x1BF5;
	[smem:$0x3FB8] =	sst s0  }
0x18: {  	s0 =	sld [smem:$0x3F9B];
	_ =	swait.ge [sflag:s4], $0x0  }
0x19: {  	s7 =	sld [smem:$0x3F9C]  }
0x1a: {  	s8 =	sadd.s32 $0xFFFFE003, lr  }
0x1b: {  	s9 =	sadd.s32 $0xFFFFFEF7, lr;
	s5 =	simm.s32 $0xFFFFFFFF;
	p2 =	slt.u32 s8, $0xFFFFF086  }
0x1c: {  	p1 =	slt.u32 s9, $0xF7A;
	s5 =	simm.s32 @!p2 $0x0  }
0x1d: {  	s5 =	simm.s32 @p1 $0x1;
	p0 =	seq.s32 s7, s2  }
0x1e: {  	s7 =	smul.u32 @!p0 $0xF7A, s2;
	p2 =	seq.s32 @!p0 s5, $0x0  }
0x1f: {  	s9 =	smul.u32 $0xF7A, s1;
	s8 =	simm.s32 @!p0 $0x1BF5;
	p2 =	por !p2, p0  }
0x20: {  	[sflag:s8] =	ssyncset.s32 @!p0 $0xFFFFF086;
	s6 =	sadd.s32 @!p0 s3, s7;
	s7 =	simm.s32 @!p0 $0x108  }
0x21: {  	s3 =	sadd.s32 s3, s9;
	s6 =	sadd.s32 @!p0 $0x88, s6;
	s7 =	simm.s32 @p2 $0x1082  }
0x22: {  	[simem:s7], [sflag:s8] =	dma.local @!p0 [hbm:s6], $0xF7A  }
0x23: {  	s9 =	sor.u32 $0xD0000000, s2;
	s6 =	simm.s32 $0x108;
	_ =	swait.ge @!p0 [sflag:s8], $0x0  }
0x24: {  	s3 =	sadd.s32 $0x88, s3;
	s6 =	simm.s32 @!p1 $0x1082;
	[sflag:s4] =	ssyncset.s32 $0xFFFFF086  }
0x25: {  	[simem:s6], [sflag:s4] =	dma.local [hbm:s3], $0xF7A  }
0x26: {  	[smem:$0x3F9C] =	sst s1;
	(tag) =	ssettag s2;
	_ =	strace s9  }
0x27: {  	s1 =	sld [smem:$0x3FAC]  }
0x28: {  	s2 =	sld [smem:$0x3FAD]  }
0x29: {  	s4 =	sld [smem:$0x3FAF]  }
0x2a: {  	p0 =	seq.s32 s5, $0x0;
	s5 =	sld [smem:$0x3FB0]  }
0x2b: {  	s6 =	sld [smem:$0x3FB1]  }
0x2c: {  	s7 =	sld [smem:$0x3FB2]  }
0x2d: {  	s3 =	simm.s32 $0x108;
	s8 =	sld [smem:$0x3FB3]  }
0x2e: {  	s3 =	simm.s32 @!p0 $0x1082;
	s9 =	sld [smem:$0x3FB4]  }
0x2f: {  	lr =	sadd.s32 s0, s3;
	s0 =	sld [smem:$0x3FAB]  }
0x30: {  	s3 =	sld [smem:$0x3FAE]  }
0x31: {  	[smem:$0x3FB7] =	sst s10  }
0x32: {  	s10 =	sld [smem:$0x3FB5];
	_ =	sdelay $0x3  }
0x33: {  	p0 =	seq.s32 s10, $0x1;
	s10 =	sld [smem:$0x3FB7];
	_ =	sdelay $0x3  }
0x34: {  	[smem:$0x3FB7] =	sst s10  }
0x35: {  	s10 =	sld [smem:$0x3FB6];
	_ =	sdelay $0x3  }
0x36: {  	p1 =	seq.s32 s10, $0x1;
	s10 =	sld [smem:$0x3FB7];
	_ =	sdelay $0x3  }
0x37: {  	[smem:$0x3FB7] =	sst s10  }
0x38: {  	s10 =	sld [smem:$0x3FB8]  }
0x39: {  	_ = 	snop;
	(pc) =	sbr.ind lr, $3  }
0x3a: {  	_ = 	snop  }
0x3b: {  	_ = 	snop  }
0x3c: {  	p2 =	seq.s32 s10, $0x1;
	s10 =	sld [smem:$0x3FB7]  }
0x3d: {  	_ =	shalt  }
0x3e: {  	_ =	shalt  }
0x3f: {  	_ =	shalt  }
0x40: {  	_ =	shalt  }
0x41: {  	_ =	shalt  }
0x42: {  	_ =	shalt  }
0x43: {  	_ =	shalt  }
0x44: {  	_ =	shalt  }
0x45: {  	_ =	shalt  }
0x46: {  	_ =	shalt  }
0x47: {  	_ =	shalt  }
0x48: {  	_ =	shalt  }
0x49: {  	_ =	shalt  }
0x4a: {  	_ =	shalt  }
0x4b: {  	_ =	shalt  }
0x4c: {  	_ =	shalt  }
0x4d: {  	_ =	shalt  }
0x4e: {  	_ =	shalt  }
0x4f: {  	_ =	shalt  }
0x50: {  	_ =	shalt  }
0x51: {  	_ =	shalt  }
0x52: {  	_ =	shalt  }
0x53: {  	_ =	shalt  }
0x54: {  	_ =	shalt  }
0x55: {  	_ =	shalt  }
0x56: {  	_ =	shalt  }
0x57: {  	_ =	shalt  }
0x58: {  	_ =	shalt  }
0x59: {  	_ =	shalt  }
0x5a: {  	_ =	shalt  }
0x5b: {  	_ =	shalt  }
0x5c: {  	_ =	shalt  }
0x5d: {  	_ =	shalt  }
0x5e: {  	_ =	shalt  }
0x5f: {  	_ =	shalt  }
0x60: {  	_ =	shalt  }
0x61: {  	_ =	shalt  }
0x62: {  	_ =	shalt  }
0x63: {  	_ =	shalt  }
0x64: {  	_ =	shalt  }
0x65: {  	_ =	shalt  }
0x66: {  	_ =	shalt  }
0x67: {  	_ =	shalt  }
0x68: {  	_ =	shalt  }
0x69: {  	_ =	shalt  }
0x6a: {  	_ =	shalt  }
0x6b: {  	_ =	shalt  }
0x6c: {  	_ =	shalt  }
0x6d: {  	_ =	shalt  }
0x6e: {  	_ =	shalt  }
0x6f: {  	_ =	shalt  }
0x70: {  	_ =	shalt  }
0x71: {  	_ =	shalt  }
0x72: {  	_ =	shalt  }
0x73: {  	_ =	shalt  }
0x74: {  	_ =	shalt  }
0x75: {  	_ =	shalt  }
0x76: {  	_ =	shalt  }
0x77: {  	_ =	shalt  }
0x78: {  	_ =	shalt  }
0x79: {  	_ =	shalt  }
0x7a: {  	_ =	shalt  }
0x7b: {  	_ =	shalt  }
0x7c: {  	_ =	shalt  }
0x7d: {  	_ =	shalt  }
0x7e: {  	_ =	shalt  }
0x7f: {  	_ =	shalt  }
0x80: {  	_ =	shalt  }
0x81: {  	_ =	shalt  }
0x82: {  	_ =	shalt  }
0x83: {  	_ =	shalt  }
0x84: {  	_ =	shalt  }
0x85: {  	_ =	shalt  }
0x86: {  	_ =	shalt  }
0x87: {  	_ =	shalt  }
.Lfunc_end0:
.L_simem_size_0:
called_computation_lowered:
.L_overlay_start_0:
0x88: {  	s2 =	sld [smem:$0x3FD9]  }
0x89: {  	s3 =	sld [smem:$0x3FFE];
	_ =	sdelay $0x1  }
0x8a: {  	s1 =	srdreg.scid  }
0x8b: {  	s0 =	sand.u32 $0x1, s1  }
0x8c: {  	s17 =	sshll.u32 s0, $0xA;
	s2 =	sadd.s32 s3, s2  }
0x8d: {  	s2 =	sadd.s32 s2, s17  }
0x8e: {  	[smem:$0x3FC3] =	sst s2  }
0x8f: {  	_ = 	snop  }
0x90: {  	s2 =	sld [smem:$0x3FC7]  }
0x91: {  	s18 =	sld [smem:$0x3FD0];
	(tm) =	ssettm $0x1  }
0x92: {  	s4 =	sld [smem:$0x3FFB];
	_ =	sdelay $0x3  }
0x93: {  	_ =	strace s4  }
0x94: {  	s4 =	sld [smem:$0x3FFC];
	_ =	sdelay $0x3  }
0x95: {  	_ =	strace s4  }
0x96: {  	s4 =	sld [smem:$0x3FFD];
	_ =	sdelay $0x3  }
0x97: {  	_ =	strace s4  }
0x98: {  	_ =	strace $0x8FFFFFFF  }
0x99: {  	s19 =	sld [smem:$0x3FDB];
	_ =	sdelay $0x1  }
0x9a: {  	s5 =	simm.s32 $_scs_section_size  }
0x9b: {  	s6 =	simm.s32 $_size__tile_overlayer_lowered;
	s7 =	simm.s32 $_tile_overlayer_lowered  }
0x9c: {  	s22 =	simm.s32 $0x1BFF;
	s21 =	sshll.u32 s7, $0x1;
	s4 =	sadd.s32 s5, s19  }
0x9d: {  	s8 =	simm.s32 $0x0;
	s20 =	sshll.u32 s6, $0x1;
	s6 =	sadd.s32 s21, s4  }
0x9e: {  	[timem:s8], [sflag:s22] =	dma.local [hbm:s6], s20  }
0x9f: {  	_ =	swait.ge [sflag:s22], s20  }
0xa0: {  	s5 =	ssub.s32 $0x0, s20;
	[sflag:s22] =	ssyncset.done $0x0  }
0xa1: {  	[sflag:s22] =	ssyncadd.s32 s5;
	_ =	sdelay $0x1  }
0xa2: {  	s23 =	simm.s32 $0x1B8B  }
0xa3: {  	_ =	swait.ge [sflag:s23], $0x1  }
0xa4: {  	[sflag:s23] =	ssyncset.done $0x0  }
0xa5: {  	s25 =	simm.s32 $0x1B8E;
	s24 =	sld [smem:$0x3FFE];
	[sflag:s23] =	ssyncadd.s32 $0xFFFFFFFF  }
0xa6: {  	s26 =	simm.s32 $execute0_lowered;
	[smem:$0x3FD2] =	sst s25  }
0xa7: {  	s6 =	sshll.u32 s26, $0x1;
	_ =	strace $0x80000046;
	[dreg:$0x1] =	wrdreg $0xFFFFFFFF  }
0xa8: {  	s28 =	simm.s32 $_size_execute0_lowered;
	s4 =	sadd.s32 s4, s6;
	[dreg:$0x0] =	wrdreg $0x0  }
0xa9: {  	s6 =	sshll.u32 s28, $0x1;
	[dreg:$0x2] =	wrdreg s4  }
0xaa: {  	[dreg:$0x3] =	wrdreg s6  }
0xab: {  	[dreg:$0x4] =	wrdreg $0xC0  }
0xac: {  	_ =	task [dreg:s8], $0x5FFFF  }
0xad: {  	[dreg:$0x1] =	wrdreg $0xFFFFFFFF  }
0xae: {  	[dreg:$0x0] =	wrdreg $0x60  }
0xaf: {  	[dreg:$0x2] =	wrdreg s24  }
0xb0: {  	[dreg:$0x3] =	wrdreg s2  }
0xb1: {  	[dreg:$0x4] =	wrdreg s18  }
0xb2: {  	[dreg:$0x5] =	wrdreg $0x0  }
0xb3: {  	[dreg:$0x6] =	wrdreg $0x9  }
0xb4: {  	_ =	task.clear_ibuf [dreg:s8], $0x7FFFF;
	_ =	strace $0x90000046  }
0xb5: {  	s29 =	simm.s32 $0x9;
	_ =	strace $0x80000048  }
0xb6: {  	_ =	swait.ge [sflag:s29], $0x1  }
0xb7: {  	[sflag:s29] =	ssyncadd.s32 $0xFFFFFFFF  }
0xb8: {  	_ =	strace $0x90000048  }
0xb9: {  	_ =	sfence  }
0xba: {  	s30 =	sld [smem:$0x0];
	_ =	sdelay $0x2  }
0xbb: {  	s31 =	sshll.u32 s1, $0xD;
	s1 =	sshrl.u32 s1, $0x2  }
0xbc: {  	s3 =	sand.u32 $0x4000, s31;
	s1 =	sadd.s32 s1, s30  }
0xbd: {  	s0 =	sor.u32 s3, s0;
	s1 =	sshll.u32 s1, $0x11  }
0xbe: {  	s0 =	sor.u32 s1, s0  }
0xbf: {  	s0 =	sadd.s32 $0x8F2B, s0  }
0xc0: {  	[sflag:s0] =	ssyncadd.remote.s32 $0x1  }
0xc1: {  	_ =	sfence.sel $0xFFFF  }
0xc2: {  	[dreg:$0x0] =	wrdreg $0xFFFFFFFF;
	(pc) =	sbr.abs _section_cstart, $3  }
0xc3: {  	[dreg:$0x1] =	wrdreg $0xFFFFFFFF  }
0xc4: {  	_ =	task.clear_ibuf [dreg:s8], $0x2FFFF;
	_ =	strace $0x9FFFFFFF  }
0xc5: {  	(tm) =	ssettm $0x7FFFFFFF  }
tec
execute0_lowered:
.L_overlay_start_1:
0x0: {  	(tag) =	ssettag $0x1  }
0x1: {  	s5 =	rddreg [dreg:$0x0]  }
0x2: {  	s1 =	rddreg [dreg:$0x1]  }
0x3: {  	s10 =	rddreg [dreg:$0x2]  }
0x4: {  	s3 =	rddreg [dreg:$0x3]  }
0x5: {  	s0 =	rddreg [dreg:$0x4];
	s6 =	srdreg.scid  }
0x6: {  	s2 =	stileid.u32;
	s4 =	simm.s32 $0x0;
	s13 =	simm.s32 $0x2  }
0x7: {  	s14 =	simm.s32 $0xA000;
	s15 =	simm.s32 $0xA7D0;
	s16 =	simm.s32 $0x50  }
0x8: {  	s17 =	simm.s32 $0xB220;
	s18 =	simm.s32 $0x1;
	s7 =	smul.u32 $0x28000, s2  }
0x9: {  	s19 =	simm.s32 $0x0;
	s6 =	sand.u32 $0x1, s6;
	s9 =	smul.u32 $0x500, s2  }
0xa: {  	[smem:$0x7FF] =	sst s4;
	s8 =	smul.u32 $0x5000, s6;
	s6 =	ssub.s32 $0x2, s6  }
0xb: {  	s5 =	sadd.s32 $0xE00, s5;
	s11 =	sshrl.u32 s6, $0x1;
	s7 =	sshrl.u32 s7, $0x2  }
0xc: {  	s11 =	ssub.s32 s6, s11;
	s6 =	sadd.s32 s7, s3;
	s8 =	sadd.s32 s9, s8  }
0xd: {  	_ =	strace $0x80000047;
	s7 =	sadd.s32 $0x5000, s6;
	s9 =	sshll.u32 s8, $0x4  }
0xe: {  	s12 =	sshll.u32 s8, $0x1;
	s8 =	smul.u32 $0x4E20, s2;
	s11 =	smax.u32 s11, $0x1  }
0xf: {  	v0 =	vimm.f32 $0.0e+00;
	v1 =	vimm.f32 $1.000000000e+00;
	s9 =	sadd.s32 s9, s3;
	s10 =	sadd.s32 s10, s12;
	s12 =	simm.s32 $0xB720  }
.LBB2_1:
0x10: {  	s20 =	simm.s32 $0x0  }
.LBB2_2:
0x11: {  	p0 =	sne.s32 s20, $0x13FC0  }
.Ltmp0:
0x12: {  	_ = 	snop;
	(pc) =	sbr.rel @p0 .LBB2_2-.Ltmp0, $3  }
0x13: {  	_ =	sdelay $0x1  }
0x14: {  	s21 =	sshra.s32 s20, $0x2  }
0x15: {  	s20 =	sadd.s32 $0x40, s20;
	[tilespmem:s21+$0xB720] =	vst v0  }
0x16: {  	s20 =	simm.s32 $0x40;
	s21 =	simm.s32 $0x0  }
.LBB2_4:
0x17: {  	p0 =	sne.s32 s20, $0x13C0;
	[tilespmem:s21+$0xB220] =	vst v1;
	s21 =	smov.u32 s20;
	s20 =	sadd.s32 $0x40, s20  }
.Ltmp1:
0x18: {  	(pc) =	sbr.rel @p0 .LBB2_4-.Ltmp1, $2  }
0x19: {  	_ =	sdelay $0x2  }
0x1a: {  	s21 =	sshra.s32 s21, $0x2  }
0x1b: {  	[tilespmem:s21+$0xB220] =	vst v1  }
0x1c: {  	[spmem:s6] =	stream.linear.scatter [tilespmem:s12], [sflag:$0x2], $0x5000, $0x38;
	[tilespmem:$0x10720] =	vst v63  }
0x1d: {  	_ =	swait.ge [sflag:s13], $0x5000  }
0x1e: {  	[sflag:s13] =	ssyncset.done $0x0  }
0x1f: {  	[sflag:s13] =	ssyncadd.s32 $0xFFFFB000  }
0x20: {  	[spmem:s7] =	stream.linear.scatter [tilespmem:s12], [sflag:$0x2], $0x5000, $0x38;
	[tilespmem:$0x10720] =	vst v63  }
0x21: {  	_ =	swait.ge [sflag:s13], $0x5000  }
0x22: {  	[sflag:s13] =	ssyncset.done $0x0  }
0x23: {  	s20 =	simm.s32 $0x0;
	[sflag:s13] =	ssyncadd.s32 $0xFFFFB000  }
0x24: {  	s21 =	simm.s32 $0x0;
	s22 =	simm.s32 $0x0;
	[bflag:$0x0] =	sbarrier.arrive $0xFFFF  }
.LBB2_6:
0x25: {  	s23 =	smul.u32 $0x7D0, s22;
	_ =	sdelay $0x1  }
0x26: {  	s23 =	sadd.s32 s8, s23  }
0x27: {  	s23 =	sshrl.u32 s23, $0x3  }
0x28: {  	s24 =	sadd.s32 s5, s23  }
0x29: {  	[tilespmem:s14], [sflag:$0x2] =	stream.linear.gather [hbm4b:s24+s20], $0x7D0, $0x38;
	[tilespmem:$0x10720] =	vst v63  }
0x2a: {  	_ =	swait.ge [sflag:s13], $0x7D0  }
0x2b: {  	[sflag:s13] =	ssyncset.done $0x0  }
0x2c: {  	s23 =	sadd.s32 s1, s23;
	[sflag:s13] =	ssyncadd.s32 $0xFFFFF830  }
0x2d: {  	[tilespmem:s15], [sflag:$0x2] =	stream.linear.gather [hbm4b:s23+s20], $0x7D0, $0x38;
	[tilespmem:$0x10720] =	vst v63  }
0x2e: {  	_ =	swait.ge [sflag:s13], $0x7D0  }
0x2f: {  	p0 =	slt.u32 s21, $0x8;
	[sflag:s13] =	ssyncset.done $0x0  }
0x30: {  	s23 =	simm.s32 @!p0 $0x1;
	[sflag:s13] =	ssyncadd.s32 $0xFFFFF830  }
0x31: {  	_ =	swait.ge @!p0 [sflag:s23], $0x500  }
0x32: {  	[sflag:s23] =	ssyncset.done @!p0 $0x0  }
0x33: {  	s30 =	simm.s32 $0x0;
	[sflag:s23] =	ssyncadd.s32 @!p0 $0xFFFFFB00  }
0x34: {  	v2 =	vld [tilespmem:s30+$0xA7D0];
	_ =	sdelay $0x1  }
0x35: {  	v3 =	vld [tilespmem:s30+$0xA000];
	_ =	sdelay $0x1  }
0x36: {  	s31 =	sand.u32 $0x7, s21  }
0x37: {  	s24 =	smul.u32 $0x140, s31;
	v2 =	vmul.u32 $0x2710, v2;
	_ =	sdelay $0x1  }
0x38: {  	s26 =	sshrl.u32 s24, $0x2;
	v2 =	vadd.s32 v3, v2  }
0x39: {  	[tilespmem:s26+$0xAFA0] =	vst v2  }
0x3a: {  	v2 =	vld [tilespmem:s30+$0xA7E0];
	_ =	sdelay $0x1  }
0x3b: {  	v3 =	vld [tilespmem:s30+$0xA010];
	_ =	sdelay $0x2  }
0x3c: {  	v2 =	vmul.u32 $0x2710, v2;
	_ =	sdelay $0x1  }
0x3d: {  	v2 =	vadd.s32 v3, v2  }
0x3e: {  	[tilespmem:s26+$0xAFB0] =	vst v2  }
0x3f: {  	v2 =	vld [tilespmem:s30+$0xA7F0];
	_ =	sdelay $0x1  }
0x40: {  	v3 =	vld [tilespmem:s30+$0xA020];
	_ =	sdelay $0x2  }
0x41: {  	v2 =	vmul.u32 $0x2710, v2;
	_ =	sdelay $0x1  }
0x42: {  	v2 =	vadd.s32 v3, v2  }
0x43: {  	[tilespmem:s26+$0xAFC0] =	vst v2  }
0x44: {  	v2 =	vld [tilespmem:s30+$0xA800];
	_ =	sdelay $0x1  }
0x45: {  	v3 =	vld [tilespmem:s30+$0xA030];
	_ =	sdelay $0x2  }
0x46: {  	v2 =	vmul.u32 $0x2710, v2;
	_ =	sdelay $0x1  }
0x47: {  	v2 =	vadd.s32 v3, v2  }
0x48: {  	[tilespmem:s26+$0xAFD0] =	vst v2  }
0x49: {  	v2 =	vld [tilespmem:s30+$0xA810];
	_ =	sdelay $0x1  }
0x4a: {  	v3 =	vld [tilespmem:s30+$0xA040];
	_ =	sdelay $0x2  }
0x4b: {  	v2 =	vmul.u32 $0x2710, v2  }
0x4c: {  	s25 =	simm.s32 $0x280;
	s23 =	sadd.s32 $0x1, s21  }
0x4d: {  	s24 =	simm.s32 $0x140;
	s28 =	sadd.s32 $0xAFA0, s26;
	p1 =	slt.u32 s23, $0x8;
	v2 =	vadd.s32 v3, v2  }
.LBB2_7:
0x4e: {  	s29 =	simm.s32 @!p1 $0x1;
	[tilespmem:s26+$0xAFE0] =	vst v2;
	s26 =	smov.u32 s25;
	s25 =	sadd.s32 $0x140, s25  }
0x4f: {  	[spmem:s3] =	stream.indirect.scatter.add.f32 [tilespmem:s17], [sflag:$0x1], $0x10, s28, s16, $0xb8;
	[tilespmem:$0x10720] =	vst v63  }
0x50: {  	p0 =	sne.s32 s25, $0x1F40;
	_ =	swait.ge @!p1 [sflag:s29], $0x500  }
0x51: {  	[sflag:s29] =	ssyncset.done @!p1 $0x0  }
0x52: {  	s28 =	sshra.s32 s24, $0x2;
	s24 =	smov.u32 s26;
	[sflag:s29] =	ssyncadd.s32 @!p1 $0xFFFFFB00  }
0x53: {  	v2 =	vld [tilespmem:s28+$0xA7D0];
	_ =	sdelay $0x1  }
0x54: {  	v3 =	vld [tilespmem:s28+$0xA000];
	_ =	sdelay $0x1  }
0x55: {  	s26 =	sand.u32 $0x7, s23  }
0x56: {  	s26 =	smul.u32 $0x140, s26;
	v2 =	vmul.u32 $0x2710, v2;
	_ =	sdelay $0x1  }
0x57: {  	s26 =	sshrl.u32 s26, $0x2;
	v2 =	vadd.s32 v3, v2  }
0x58: {  	[tilespmem:s26+$0xAFA0] =	vst v2  }
0x59: {  	v2 =	vld [tilespmem:s28+$0xA7E0];
	_ =	sdelay $0x1  }
0x5a: {  	v3 =	vld [tilespmem:s28+$0xA010];
	_ =	sdelay $0x2  }
0x5b: {  	v2 =	vmul.u32 $0x2710, v2;
	_ =	sdelay $0x1  }
0x5c: {  	v2 =	vadd.s32 v3, v2  }
0x5d: {  	[tilespmem:s26+$0xAFB0] =	vst v2  }
0x5e: {  	v2 =	vld [tilespmem:s28+$0xA7F0];
	_ =	sdelay $0x1  }
0x5f: {  	v3 =	vld [tilespmem:s28+$0xA020];
	_ =	sdelay $0x2  }
0x60: {  	v2 =	vmul.u32 $0x2710, v2;
	_ =	sdelay $0x1  }
0x61: {  	v2 =	vadd.s32 v3, v2  }
0x62: {  	[tilespmem:s26+$0xAFC0] =	vst v2  }
0x63: {  	v2 =	vld [tilespmem:s28+$0xA800]  }
0x64: {  	v3 =	vld [tilespmem:s28+$0xA030];
	_ =	sdelay $0x3  }
0x65: {  	v2 =	vmul.u32 $0x2710, v2;
	_ =	sdelay $0x1  }
0x66: {  	v2 =	vadd.s32 v3, v2  }
0x67: {  	[tilespmem:s26+$0xAFD0] =	vst v2  }
0x68: {  	v2 =	vld [tilespmem:s28+$0xA810]  }
0x69: {  	v3 =	vld [tilespmem:s28+$0xA040];
	_ =	sdelay $0x1  }
.Ltmp2:
0x6a: {  	(pc) =	sbr.rel @p0 .LBB2_7-.Ltmp2, $4  }
0x6b: {  	_ = 	snop  }
0x6c: {  	v2 =	vmul.u32 $0x2710, v2  }
0x6d: {  	s23 =	sadd.s32 $0x1, s23  }
0x6e: {  	p1 =	slt.u32 s23, $0x8;
	s28 =	sadd.s32 $0xAFA0, s26;
	v2 =	vadd.s32 v3, v2  }
0x6f: {  	s25 =	simm.s32 @!p1 $0x1;
	[tilespmem:s26+$0xAFE0] =	vst v2  }
0x70: {  	[spmem:s3] =	stream.indirect.scatter.add.f32 [tilespmem:s17], [sflag:$0x1], $0x10, s28, s16, $0xb8;
	[tilespmem:$0x10720] =	vst v63  }
0x71: {  	_ =	swait.ge @!p1 [sflag:s25], $0x500  }
0x72: {  	[sflag:s25] =	ssyncset.done @!p1 $0x0  }
0x73: {  	s24 =	sshra.s32 s24, $0x2;
	[sflag:s25] =	ssyncadd.s32 @!p1 $0xFFFFFB00  }
0x74: {  	v2 =	vld [tilespmem:s24+$0xA7D0];
	_ =	sdelay $0x1  }
0x75: {  	v3 =	vld [tilespmem:s24+$0xA000];
	_ =	sdelay $0x1  }
0x76: {  	s23 =	sand.u32 $0x7, s23  }
0x77: {  	s23 =	smul.u32 $0x140, s23;
	v2 =	vmul.u32 $0x2710, v2;
	_ =	sdelay $0x1  }
0x78: {  	s23 =	sshrl.u32 s23, $0x2;
	v2 =	vadd.s32 v3, v2  }
0x79: {  	[tilespmem:s23+$0xAFA0] =	vst v2  }
0x7a: {  	v2 =	vld [tilespmem:s24+$0xA7E0];
	_ =	sdelay $0x1  }
0x7b: {  	v3 =	vld [tilespmem:s24+$0xA010];
	_ =	sdelay $0x2  }
0x7c: {  	v2 =	vmul.u32 $0x2710, v2;
	_ =	sdelay $0x1  }
0x7d: {  	v2 =	vadd.s32 v3, v2  }
0x7e: {  	[tilespmem:s23+$0xAFB0] =	vst v2  }
0x7f: {  	v2 =	vld [tilespmem:s24+$0xA7F0];
	_ =	sdelay $0x1  }
0x80: {  	v3 =	vld [tilespmem:s24+$0xA020];
	_ =	sdelay $0x2  }
0x81: {  	v2 =	vmul.u32 $0x2710, v2;
	_ =	sdelay $0x1  }
0x82: {  	v2 =	vadd.s32 v3, v2  }
0x83: {  	[tilespmem:s23+$0xAFC0] =	vst v2  }
0x84: {  	v2 =	vld [tilespmem:s24+$0xA800];
	_ =	sdelay $0x1  }
0x85: {  	v3 =	vld [tilespmem:s24+$0xA030];
	_ =	sdelay $0x2  }
0x86: {  	v2 =	vmul.u32 $0x2710, v2;
	_ =	sdelay $0x1  }
0x87: {  	v2 =	vadd.s32 v3, v2  }
0x88: {  	[tilespmem:s23+$0xAFD0] =	vst v2  }
0x89: {  	v2 =	vld [tilespmem:s24+$0xA810];
	_ =	sdelay $0x1  }
0x8a: {  	v3 =	vld [tilespmem:s24+$0xA040]  }
0x8b: {  	s22 =	sadd.s32 $0x1, s22  }
0x8c: {  	p0 =	sne.s32 s22, $0xA  }
.Ltmp3:
0x8d: {  	v2 =	vmul.u32 $0x2710, v2;
	(pc) =	sbr.rel @p0 .LBB2_6-.Ltmp3, $4  }
0x8e: {  	_ = 	snop  }
0x8f: {  	v2 =	vadd.s32 v3, v2  }
0x90: {  	s21 =	sadd.s32 $0x19, s21;
	s31 =	sadd.s32 $0xAFA0, s23;
	[tilespmem:s23+$0xAFE0] =	vst v2  }
0x91: {  	[spmem:s3] =	stream.indirect.scatter.add.f32 [tilespmem:s17], [sflag:$0x1], $0x10, s31, s16, $0xb8;
	[tilespmem:$0x10720] =	vst v63  }
0x92: {  	_ =	swait.ge [sflag:s18], $0x500  }
0x93: {  	[sflag:s18] =	ssyncset.done $0x0  }
0x94: {  	[sflag:s18] =	ssyncadd.s32 $0xFFFFFB00  }
0x95: {  	_ =	swait.ge [sflag:s18], $0x500  }
0x96: {  	[sflag:s18] =	ssyncset.done $0x0  }
0x97: {  	[sflag:s18] =	ssyncadd.s32 $0xFFFFFB00  }
0x98: {  	_ =	swait.ge [sflag:s18], $0x500  }
0x99: {  	[sflag:s18] =	ssyncset.done $0x0  }
0x9a: {  	[sflag:s18] =	ssyncadd.s32 $0xFFFFFB00  }
0x9b: {  	_ =	swait.ge [sflag:s18], $0x500  }
0x9c: {  	[sflag:s18] =	ssyncset.done $0x0  }
0x9d: {  	[sflag:s18] =	ssyncadd.s32 $0xFFFFFB00  }
0x9e: {  	_ =	swait.ge [sflag:s18], $0x500  }
0x9f: {  	[sflag:s18] =	ssyncset.done $0x0  }
0xa0: {  	[sflag:s18] =	ssyncadd.s32 $0xFFFFFB00  }
0xa1: {  	_ =	swait.ge [sflag:s18], $0x500  }
0xa2: {  	[sflag:s18] =	ssyncset.done $0x0  }
0xa3: {  	[sflag:s18] =	ssyncadd.s32 $0xFFFFFB00  }
0xa4: {  	_ =	swait.ge [sflag:s18], $0x500  }
0xa5: {  	[sflag:s18] =	ssyncset.done $0x0  }
0xa6: {  	[sflag:s18] =	ssyncadd.s32 $0xFFFFFB00  }
0xa7: {  	_ =	swait.ge [sflag:s18], $0x500  }
0xa8: {  	[sflag:s18] =	ssyncset.done $0x0  }
0xa9: {  	[sflag:s18] =	ssyncadd.s32 $0xFFFFFB00  }
0xaa: {  	[bflag:$0x0] =	sbarrier.arrive $0xFFFF  }
0xab: {  	[tilespmem:s12], [sflag:$0x2] =	stream.linear.gather [spmem:s9], $0x5000, $0x38;
	[tilespmem:$0x10720] =	vst v63  }
0xac: {  	_ =	swait.ge [sflag:s13], $0x5000  }
0xad: {  	[sflag:s13] =	ssyncset.done $0x0  }
0xae: {  	s20 =	simm.s32 $0x0;
	s21 =	simm.s32 $0x40;
	[sflag:s13] =	ssyncadd.s32 $0xFFFFB000  }
.LBB2_10:
0xaf: {  	p0 =	sne.s32 s21, $0x13FC0;
	v2 =	vld [tilespmem:s20+$0xB720];
	_ =	sdelay $0x4  }
0xb0: {  	v2 =	vmax.f32 v2, $1.000000000e+00  }
0xb1: {  	(erf) = vrcp.f32 v2;
	_ =	sdelay $0x5  }
.Ltmp4:
0xb2: {  	(pc) =	sbr.rel @p0 .LBB2_10-.Ltmp4, $3  }
0xb3: {  	_ =	sdelay $0x1  }
0xb4: {  	v2 =	vpop (erf)  }
0xb5: {  	[tilespmem:s20+$0xB720] =	vst v2;
	s20 =	sshra.s32 s21, $0x2;
	s21 =	sadd.s32 $0x40, s21  }
0xb6: {  	v2 =	vld [tilespmem:s20+$0xB720];
	_ =	sdelay $0x4  }
0xb7: {  	v2 =	vmax.f32 v2, $1.000000000e+00  }
0xb8: {  	(erf) = vrcp.f32 v2;
	_ =	sdelay $0x7  }
0xb9: {  	s19 =	sadd.s32 $0x1, s19  }
0xba: {  	p0 =	sne.s32 s19, s11;
	v2 =	vpop (erf)  }
.Ltmp5:
0xbb: {  	[tilespmem:s20+$0xB720] =	vst v2;
	(pc) =	sbr.rel @p0 .LBB2_1-.Ltmp5, $4  }
0xbc: {  	[hbm4b:s10+s4] =	stream.linear.scatter [tilespmem:s12], [sflag:$0x2], $0x5000, $0x38;
	[tilespmem:$0x10720] =	vst v63  }
0xbd: {  	_ =	swait.ge [sflag:s13], $0x5000  }
0xbe: {  	[sflag:s13] =	ssyncset.done $0x0  }
0xbf: {  	[sflag:s13] =	ssyncadd.s32 $0xFFFFB000  }
0xc0: {  	_ =	sfence.sel $0x180000  }
0xc1: {  	[bflag:$0x0] =	sbarrier.arrive $0xFFFF  }
0xc2: {  	p0 =	sne.s32 s2, $0x0;
	_ =	strace $0x90000047  }
0xc3: {  	s0 =	sadd.s32 @!p0 $0x100000, s0;
	[bflag:$0x2] =	sbarrier.arrive $0xFFFF  }
0xc4: {  	[sflag:s0] =	ssyncadd.tile.s32 @!p0 $0x1;
	_ =	shalt  }
.Lfunc_end2:
_tile_overlayer_lowered:
.L_overlay_start_2:
0xc5: {  	(tag) =	ssettag $0x2  }
0xc6: {  	s0 =	rddreg [dreg:$0x0];
	s2 =	stileid.u32  }
0xc7: {  	s1 =	rddreg [dreg:$0x1];
	p0 =	sne.s32 s2, $0x0  }
0xc8: {  	s3 =	rddreg [dreg:$0x2];
	[bflag:$0x3] =	sbarrier.arrive $0xFFFF;
	s2 =	simm.s32 @!p0 $0x1C02  }
0xc9: {  	[timem:s3], [sflag:s2] =	dma.local @!p0 [hbm:s0], s1  }
0xca: {  	s0 =	simm.s32 @!p0 $0x2  }
0xcb: {  	_ =	swait.ge @!p0 [sflag:s0], s1  }
0xcc: {  	s1 =	ssub.s32 @!p0 $0x0, s1;
	[sflag:s0] =	ssyncset.done @!p0 $0x0  }
0xcd: {  	[sflag:s0] =	ssyncadd.s32 @!p0 s1  }
0xce: {  	[bflag:$0x3] =	sbarrier.arrive $0xFFFF  }
0xcf: {  	_ =	shalt  }

// kernel: kernel.9.cloned.1.call-start
scs
__scs_entry_jumppad:
0x0: {  	(pc) =	sbr.rel $0x88, $3  }
0x1: {  	(tag) =	ssettag $0x0;
	lr =	simm.s32 $0x1  }
0x2: {  	[smem:$0x3F9C] =	sst lr;
	_ =	strace $0xD0000000  }
0x3: {  	_ = 	snop  }
0x4: {  	_ = 	snop  }
0x5: {  	_ = 	snop  }
0x6: {  	_ = 	snop  }
0x7: {  	_ = 	snop  }
__scs_overlays_trampoline_lowered:
0x8: {  	[smem:$0x3FAB] =	sst s0  }
0x9: {  	[smem:$0x3FAC] =	sst s1  }
0xa: {  	[smem:$0x3FAD] =	sst s2  }
0xb: {  	[smem:$0x3FAE] =	sst s3  }
0xc: {  	[smem:$0x3FAF] =	sst s4  }
0xd: {  	[smem:$0x3FB0] =	sst s5  }
0xe: {  	[smem:$0x3FB1] =	sst s6  }
0xf: {  	[smem:$0x3FB2] =	sst s7  }
0x10: {  	[smem:$0x3FB3] =	sst s8  }
0x11: {  	[smem:$0x3FB4] =	sst s9;
	s0 =	simm.s32 @!p0 $0x0  }
0x12: {  	s1 =	sld [smem:$0x3F9A];
	s0 =	simm.s32 @p0 $0x1  }
0x13: {  	[smem:$0x3FB5] =	sst s0;
	s0 =	simm.s32 @!p1 $0x0  }
0x14: {  	s2 =	sld [smem:$0x3F99];
	s0 =	simm.s32 @p1 $0x1  }
0x15: {  	[smem:$0x3FB6] =	sst s0;
	s0 =	simm.s32 @!p2 $0x0  }
0x16: {  	s3 =	sld [smem:$0x3FDB];
	s0 =	simm.s32 @p2 $0x1  }
0x17: {  	s4 =	simm.s32 $0x1BF5;
	[smem:$0x3FB8] =	sst s0  }
0x18: {  	s0 =	sld [smem:$0x3F9B];
	_ =	swait.ge [sflag:s4], $0x0  }
0x19: {  	s7 =	sld [smem:$0x3F9C]  }
0x1a: {  	s8 =	sadd.s32 $0xFFFFE003, lr  }
0x1b: {  	s9 =	sadd.s32 $0xFFFFFEF7, lr;
	s5 =	simm.s32 $0xFFFFFFFF;
	p2 =	slt.u32 s8, $0xFFFFF086  }
0x1c: {  	p1 =	slt.u32 s9, $0xF7A;
	s5 =	simm.s32 @!p2 $0x0  }
0x1d: {  	s5 =	simm.s32 @p1 $0x1;
	p0 =	seq.s32 s7, s2  }
0x1e: {  	s7 =	smul.u32 @!p0 $0xF7A, s2;
	p2 =	seq.s32 @!p0 s5, $0x0  }
0x1f: {  	s9 =	smul.u32 $0xF7A, s1;
	s8 =	simm.s32 @!p0 $0x1BF5;
	p2 =	por !p2, p0  }
0x20: {  	[sflag:s8] =	ssyncset.s32 @!p0 $0xFFFFF086;
	s6 =	sadd.s32 @!p0 s3, s7;
	s7 =	simm.s32 @!p0 $0x108  }
0x21: {  	s3 =	sadd.s32 s3, s9;
	s6 =	sadd.s32 @!p0 $0x88, s6;
	s7 =	simm.s32 @p2 $0x1082  }
0x22: {  	[simem:s7], [sflag:s8] =	dma.local @!p0 [hbm:s6], $0xF7A  }
0x23: {  	s9 =	sor.u32 $0xD0000000, s2;
	s6 =	simm.s32 $0x108;
	_ =	swait.ge @!p0 [sflag:s8], $0x0  }
0x24: {  	s3 =	sadd.s32 $0x88, s3;
	s6 =	simm.s32 @!p1 $0x1082;
	[sflag:s4] =	ssyncset.s32 $0xFFFFF086  }
0x25: {  	[simem:s6], [sflag:s4] =	dma.local [hbm:s3], $0xF7A  }
0x26: {  	[smem:$0x3F9C] =	sst s1;
	(tag) =	ssettag s2;
	_ =	strace s9  }
0x27: {  	s1 =	sld [smem:$0x3FAC]  }
0x28: {  	s2 =	sld [smem:$0x3FAD]  }
0x29: {  	s4 =	sld [smem:$0x3FAF]  }
0x2a: {  	p0 =	seq.s32 s5, $0x0;
	s5 =	sld [smem:$0x3FB0]  }
0x2b: {  	s6 =	sld [smem:$0x3FB1]  }
0x2c: {  	s7 =	sld [smem:$0x3FB2]  }
0x2d: {  	s3 =	simm.s32 $0x108;
	s8 =	sld [smem:$0x3FB3]  }
0x2e: {  	s3 =	simm.s32 @!p0 $0x1082;
	s9 =	sld [smem:$0x3FB4]  }
0x2f: {  	lr =	sadd.s32 s0, s3;
	s0 =	sld [smem:$0x3FAB]  }
0x30: {  	s3 =	sld [smem:$0x3FAE]  }
0x31: {  	[smem:$0x3FB7] =	sst s10  }
0x32: {  	s10 =	sld [smem:$0x3FB5];
	_ =	sdelay $0x3  }
0x33: {  	p0 =	seq.s32 s10, $0x1;
	s10 =	sld [smem:$0x3FB7];
	_ =	sdelay $0x3  }
0x34: {  	[smem:$0x3FB7] =	sst s10  }
0x35: {  	s10 =	sld [smem:$0x3FB6];
	_ =	sdelay $0x3  }
0x36: {  	p1 =	seq.s32 s10, $0x1;
	s10 =	sld [smem:$0x3FB7];
	_ =	sdelay $0x3  }
0x37: {  	[smem:$0x3FB7] =	sst s10  }
0x38: {  	s10 =	sld [smem:$0x3FB8]  }
0x39: {  	_ = 	snop;
	(pc) =	sbr.ind lr, $3  }
0x3a: {  	_ = 	snop  }
0x3b: {  	_ = 	snop  }
0x3c: {  	p2 =	seq.s32 s10, $0x1;
	s10 =	sld [smem:$0x3FB7]  }
0x3d: {  	_ =	shalt  }
0x3e: {  	_ =	shalt  }
0x3f: {  	_ =	shalt  }
0x40: {  	_ =	shalt  }
0x41: {  	_ =	shalt  }
0x42: {  	_ =	shalt  }
0x43: {  	_ =	shalt  }
0x44: {  	_ =	shalt  }
0x45: {  	_ =	shalt  }
0x46: {  	_ =	shalt  }
0x47: {  	_ =	shalt  }
0x48: {  	_ =	shalt  }
0x49: {  	_ =	shalt  }
0x4a: {  	_ =	shalt  }
0x4b: {  	_ =	shalt  }
0x4c: {  	_ =	shalt  }
0x4d: {  	_ =	shalt  }
0x4e: {  	_ =	shalt  }
0x4f: {  	_ =	shalt  }
0x50: {  	_ =	shalt  }
0x51: {  	_ =	shalt  }
0x52: {  	_ =	shalt  }
0x53: {  	_ =	shalt  }
0x54: {  	_ =	shalt  }
0x55: {  	_ =	shalt  }
0x56: {  	_ =	shalt  }
0x57: {  	_ =	shalt  }
0x58: {  	_ =	shalt  }
0x59: {  	_ =	shalt  }
0x5a: {  	_ =	shalt  }
0x5b: {  	_ =	shalt  }
0x5c: {  	_ =	shalt  }
0x5d: {  	_ =	shalt  }
0x5e: {  	_ =	shalt  }
0x5f: {  	_ =	shalt  }
0x60: {  	_ =	shalt  }
0x61: {  	_ =	shalt  }
0x62: {  	_ =	shalt  }
0x63: {  	_ =	shalt  }
0x64: {  	_ =	shalt  }
0x65: {  	_ =	shalt  }
0x66: {  	_ =	shalt  }
0x67: {  	_ =	shalt  }
0x68: {  	_ =	shalt  }
0x69: {  	_ =	shalt  }
0x6a: {  	_ =	shalt  }
0x6b: {  	_ =	shalt  }
0x6c: {  	_ =	shalt  }
0x6d: {  	_ =	shalt  }
0x6e: {  	_ =	shalt  }
0x6f: {  	_ =	shalt  }
0x70: {  	_ =	shalt  }
0x71: {  	_ =	shalt  }
0x72: {  	_ =	shalt  }
0x73: {  	_ =	shalt  }
0x74: {  	_ =	shalt  }
0x75: {  	_ =	shalt  }
0x76: {  	_ =	shalt  }
0x77: {  	_ =	shalt  }
0x78: {  	_ =	shalt  }
0x79: {  	_ =	shalt  }
0x7a: {  	_ =	shalt  }
0x7b: {  	_ =	shalt  }
0x7c: {  	_ =	shalt  }
0x7d: {  	_ =	shalt  }
0x7e: {  	_ =	shalt  }
0x7f: {  	_ =	shalt  }
0x80: {  	_ =	shalt  }
0x81: {  	_ =	shalt  }
0x82: {  	_ =	shalt  }
0x83: {  	_ =	shalt  }
0x84: {  	_ =	shalt  }
0x85: {  	_ =	shalt  }
0x86: {  	_ =	shalt  }
0x87: {  	_ =	shalt  }
.Lfunc_end0:
.L_simem_size_0:
called_computation.1_lowered:
.L_overlay_start_0:
0x88: {  	s2 =	sld [smem:$0x3FD9]  }
0x89: {  	s3 =	sld [smem:$0x3FFE];
	_ =	sdelay $0x1  }
0x8a: {  	s1 =	srdreg.scid  }
0x8b: {  	s0 =	sand.u32 $0x1, s1  }
0x8c: {  	s17 =	sshll.u32 s0, $0xA;
	s2 =	sadd.s32 s3, s2  }
0x8d: {  	s2 =	sadd.s32 s2, s17  }
0x8e: {  	[smem:$0x3FC3] =	sst s2  }
0x8f: {  	_ = 	snop  }
0x90: {  	s2 =	sld [smem:$0x3FC7]  }
0x91: {  	s18 =	sld [smem:$0x3FD0];
	(tm) =	ssettm $0x1  }
0x92: {  	s4 =	sld [smem:$0x3FFB];
	_ =	sdelay $0x3  }
0x93: {  	_ =	strace s4  }
0x94: {  	s4 =	sld [smem:$0x3FFC];
	_ =	sdelay $0x3  }
0x95: {  	_ =	strace s4  }
0x96: {  	s4 =	sld [smem:$0x3FFD];
	_ =	sdelay $0x3  }
0x97: {  	_ =	strace s4  }
0x98: {  	_ =	strace $0x8FFFFFFF  }
0x99: {  	s19 =	sld [smem:$0x3FDB];
	_ =	sdelay $0x1  }
0x9a: {  	s5 =	simm.s32 $_scs_section_size  }
0x9b: {  	s6 =	simm.s32 $_size__tile_overlayer_lowered;
	s7 =	simm.s32 $_tile_overlayer_lowered  }
0x9c: {  	s22 =	simm.s32 $0x1BFF;
	s21 =	sshll.u32 s7, $0x1;
	s4 =	sadd.s32 s5, s19  }
0x9d: {  	s8 =	simm.s32 $0x0;
	s20 =	sshll.u32 s6, $0x1;
	s6 =	sadd.s32 s21, s4  }
0x9e: {  	[timem:s8], [sflag:s22] =	dma.local [hbm:s6], s20  }
0x9f: {  	_ =	swait.ge [sflag:s22], s20  }
0xa0: {  	s5 =	ssub.s32 $0x0, s20;
	[sflag:s22] =	ssyncset.done $0x0  }
0xa1: {  	[sflag:s22] =	ssyncadd.s32 s5;
	_ =	sdelay $0x1  }
0xa2: {  	s23 =	simm.s32 $0x1B8B  }
0xa3: {  	_ =	swait.ge [sflag:s23], $0x1  }
0xa4: {  	[sflag:s23] =	ssyncset.done $0x0  }
0xa5: {  	s25 =	simm.s32 $0x1B8E;
	s24 =	sld [smem:$0x3FFE];
	[sflag:s23] =	ssyncadd.s32 $0xFFFFFFFF  }
0xa6: {  	s26 =	simm.s32 $execute0_lowered;
	[smem:$0x3FD2] =	sst s25  }
0xa7: {  	s6 =	sshll.u32 s26, $0x1;
	_ =	strace $0x80000049;
	[dreg:$0x1] =	wrdreg $0xFFFFFFFF  }
0xa8: {  	s28 =	simm.s32 $_size_execute0_lowered;
	s4 =	sadd.s32 s4, s6;
	[dreg:$0x0] =	wrdreg $0x0  }
0xa9: {  	s6 =	sshll.u32 s28, $0x1;
	[dreg:$0x2] =	wrdreg s4  }
0xaa: {  	[dreg:$0x3] =	wrdreg s6  }
0xab: {  	[dreg:$0x4] =	wrdreg $0xC0  }
0xac: {  	_ =	task [dreg:s8], $0x5FFFF  }
0xad: {  	[dreg:$0x1] =	wrdreg $0xFFFFFFFF  }
0xae: {  	[dreg:$0x0] =	wrdreg $0x60  }
0xaf: {  	[dreg:$0x2] =	wrdreg s24  }
0xb0: {  	[dreg:$0x3] =	wrdreg s2  }
0xb1: {  	[dreg:$0x4] =	wrdreg s18  }
0xb2: {  	[dreg:$0x5] =	wrdreg $0x0  }
0xb3: {  	[dreg:$0x6] =	wrdreg $0x9  }
0xb4: {  	_ =	task.clear_ibuf [dreg:s8], $0x7FFFF;
	_ =	strace $0x90000049  }
0xb5: {  	s29 =	simm.s32 $0x9;
	_ =	strace $0x8000004B  }
0xb6: {  	_ =	swait.ge [sflag:s29], $0x1  }
0xb7: {  	[sflag:s29] =	ssyncadd.s32 $0xFFFFFFFF  }
0xb8: {  	_ =	strace $0x9000004B  }
0xb9: {  	_ =	sfence  }
0xba: {  	s30 =	sld [smem:$0x0];
	_ =	sdelay $0x2  }
0xbb: {  	s31 =	sshll.u32 s1, $0xD;
	s1 =	sshrl.u32 s1, $0x2  }
0xbc: {  	s3 =	sand.u32 $0x4000, s31;
	s1 =	sadd.s32 s1, s30  }
0xbd: {  	s0 =	sor.u32 s3, s0;
	s1 =	sshll.u32 s1, $0x11  }
0xbe: {  	s0 =	sor.u32 s1, s0  }
0xbf: {  	s0 =	sadd.s32 $0x8F2B, s0  }
0xc0: {  	[sflag:s0] =	ssyncadd.remote.s32 $0x1  }
0xc1: {  	_ =	sfence.sel $0xFFFF  }
0xc2: {  	[dreg:$0x0] =	wrdreg $0xFFFFFFFF;
	(pc) =	sbr.abs _section_cstart, $3  }
0xc3: {  	[dreg:$0x1] =	wrdreg $0xFFFFFFFF  }
0xc4: {  	_ =	task.clear_ibuf [dreg:s8], $0x2FFFF;
	_ =	strace $0x9FFFFFFF  }
0xc5: {  	(tm) =	ssettm $0x7FFFFFFF  }
tec
execute0_lowered:
.L_overlay_start_1:
0x0: {  	(tag) =	ssettag $0x1  }
0x1: {  	s0 =	rddreg [dreg:$0x0]  }
0x2: {  	s2 =	rddreg [dreg:$0x2]  }
0x3: {  	s3 =	rddreg [dreg:$0x3];
	s1 =	simm.s32 $0x0;
	s8 =	srdreg.scid  }
0x4: {  	s9 =	stileid.u32;
	s29 =	simm.s32 $0xA;
	s28 =	simm.s32 $0x2  }
0x5: {  	s30 =	simm.s32 $0x1D830;
	s31 =	simm.s32 $0x1;
	[smem:$0x7FF] =	sst s1  }
0x6: {  	s6 =	sadd.s32 $0x14A00, s0;
	s4 =	sadd.s32 $0xAC00, s0;
	s1 =	sand.u32 $0x1, s8  }
0x7: {  	s10 =	sadd.s32 $0xE00, s0;
	s5 =	smul.u32 $0x4E000, s9;
	s0 =	sadd.s32 $0xB0E00, s0  }
0x8: {  	s8 =	smul.u32 $0x13800, s9;
	s12 =	sshll.u32 s9, $0x1;
	p0 =	sne.s32 s9, $0xF  }
0x9: {  	_ =	strace $0x8000004A;
	[dreg:$0x5] =	wrdreg s4;
	s5 =	sshrl.u32 s5, $0x2  }
0xa: {  	[dreg:$0x6] =	wrdreg s10;
	s23 =	sadd.s32 s8, s3;
	s5 =	sadd.s32 s5, s3  }
0xb: {  	s11 =	ssub.s32 $0x2, s1;
	[dreg:$0x7] =	wrdreg s23;
	s10 =	sadd.s32 $0x1800, s5  }
0xc: {  	s7 =	sshrl.u32 s11, $0x1;
	s13 =	sadd.s32 $0x3000, s5;
	[dreg:$0x8] =	wrdreg s10  }
0xd: {  	s4 =	ssub.s32 s11, s7;
	s14 =	sadd.s32 $0x4800, s5;
	[dreg:$0x9] =	wrdreg s13  }
0xe: {  	s7 =	sor.u32 s1, s12;
	s15 =	sadd.s32 $0x6000, s5;
	[dreg:$0xa] =	wrdreg s14  }
0xf: {  	s1 =	smul.u32 $0x138800, s1;
	s16 =	sadd.s32 $0x7800, s5;
	[dreg:$0xb] =	wrdreg s15  }
0x10: {  	s11 =	simm.s32 $0x1D8D0;
	s17 =	sadd.s32 $0x9000, s5;
	[dreg:$0xc] =	wrdreg s16  }
0x11: {  	s12 =	simm.s32 $0x1C7F0;
	s18 =	sadd.s32 $0xA800, s5;
	[dreg:$0xd] =	wrdreg s17  }
0x12: {  	s19 =	sadd.s32 $0xC000, s5;
	s20 =	sadd.s32 $0xD800, s5;
	[dreg:$0xe] =	wrdreg s18  }
0x13: {  	s21 =	sadd.s32 $0xF000, s5;
	s22 =	sadd.s32 $0x10800, s5;
	[dreg:$0xf] =	wrdreg s19  }
0x14: {  	s24 =	sadd.s32 $0x12000, s5;
	s25 =	smul.u32 $0x2710, s7;
	[dreg:$0x10] =	wrdreg s20  }
0x15: {  	s26 =	smax.u32 s4, $0x1;
	s5 =	simm.s32 $0x50;
	[dreg:$0x11] =	wrdreg s21  }
0x16: {  	s4 =	simm.s32 $0x1D6F0;
	s7 =	simm.s32 $0x1D7E0;
	[dreg:$0x13] =	wrdreg s22  }
0x17: {  	s8 =	sadd.s32 s8, s1;
	s1 =	sshrl.u32 s1, $0x3;
	[dreg:$0x14] =	wrdreg s24  }
0x18: {  	[dreg:$0x17] =	wrdreg s26;
	s10 =	simm.s32 $0x14FF0;
	s13 =	simm.s32 $0x1D740  }
0x19: {  	s14 =	simm.s32 $0x177F0;
	s15 =	simm.s32 $0x1D920;
	s16 =	simm.s32 $0x1CCF0  }
0x1a: {  	s17 =	simm.s32 $0x3;
	s18 =	simm.s32 $0x6;
	s19 =	simm.s32 $0x1D880  }
.Ltmp0:
0x1b: {  	s20 =	simm.s32 $0x19FF0;
	s24 =	simm.s32 $0x1D1F0;
	(pc) =	sbr.rel .LBB2_1-.Ltmp0, $4  }
0x1c: {  	s8 =	sshrl.u32 s8, $0x3;
	[dreg:$0x15] =	wrdreg s25;
	s25 =	sadd.s32 $0x138000, s3  }
0x1d: {  	s8 =	sadd.s32 s0, s8;
	s0 =	sadd.s32 s0, s1;
	[dreg:$0x18] =	wrdreg s25  }
0x1e: {  	s21 =	simm.s32 $0x0;
	[dreg:$0x12] =	wrdreg s8;
	s0 =	sadd.s32 $0x27000, s0  }
0x1f: {  	v0 =	vimm.f32 $0.0e+00;
	s1 =	simm.s32 $0x5;
	[dreg:$0x16] =	wrdreg s0;
	s0 =	simm.s32 $0x4  }
.LBB2_24:
0x20: {  	s8 =	stileid.u32;
	[bflag:$0x0] =	sbarrier.arrive $0xFFFF  }
0x21: {  	s8 =	sshll.u32 s8, $0x6;
	s23 =	rddreg [dreg:$0x7]  }
0x22: {  	s21 =	rddreg [dreg:$0x12];
	s8 =	sor.u32 $0x1C0A, s8;
	s9 =	sshrl.u32 s23, $0x3  }
0x23: {  	[hbm:s21], [sflag:s8] =	dma.local [spmem:s9], $0x2700  }
0x24: {  	_ =	swait.ge [sflag:s29], $0x2700  }
0x25: {  	[sflag:s29] =	ssyncset.done $0x0;
	s25 =	rddreg [dreg:$0x18]  }
0x26: {  	s21 =	rddreg [dreg:$0x16];
	[sflag:s29] =	ssyncadd.s32 $0xFFFFD900;
	s9 =	sshrl.u32 @!p0 s25, $0x3  }
0x27: {  	[hbm:s21], [sflag:s8] =	dma.local @!p0 [spmem:s9], $0x100  }
0x28: {  	s8 =	simm.s32 @!p0 $0xA  }
0x29: {  	_ =	swait.ge @!p0 [sflag:s8], $0x100  }
0x2a: {  	s22 =	rddreg [dreg:$0x19]  }
0x2b: {  	s26 =	rddreg [dreg:$0x17];
	s21 =	sadd.s32 $0x1, s22  }
0x2c: {  	p1 =	sne.s32 s21, s26  }
.Ltmp1:
0x2d: {  	_ = 	snop;
	(pc) =	sbr.rel @!p1 .LBB2_25-.Ltmp1, $3  }
0x2e: {  	_ =	sdelay $0x1  }
0x2f: {  	[sflag:s8] =	ssyncset.done @!p0 $0x0  }
0x30: {  	[sflag:s8] =	ssyncadd.s32 @!p0 $0xFFFFFF00  }
.LBB2_1:
0x31: {  	s9 =	simm.s32 $0x0  }
0x32: {  	s8 =	sand.u32 $0x7E00, s9  }
0x33: {  	[dreg:$0x19] =	wrdreg s21;
	s9 =	sand.u32 $0x70, s9;
	s26 =	sshrl.u32 s8, $0x2  }
0x34: {  	s8 =	simm.s32 $0x40;
	s21 =	sor.u32 s9, s26;
	s9 =	simm.s32 $0x0  }
.LBB2_2:
0x35: {  	p1 =	sne.s32 s8, $0x5FC0  }
0x36: {  	[tilespmem:s21+$0x1D9C0] =	vst v0;
	s9 =	sadd.s32 $0x10, s9;
	s21 =	smov.u32 s8;
	s8 =	sadd.s32 $0x40, s8  }
.Ltmp2:
0x37: {  	(pc) =	sbr.rel @p1 .LBB2_2-.Ltmp2, $4  }
0x38: {  	_ = 	snop  }
0x39: {  	s21 =	sand.u32 $0x7E00, s21  }
0x3a: {  	s22 =	sand.u32 $0x70, s9;
	s21 =	sshrl.u32 s21, $0x2  }
0x3b: {  	s21 =	sor.u32 s22, s21  }
0x3c: {  	[tilespmem:s21+$0x1D9C0] =	vst v0;
	s9 =	simm.s32 $0x1D9C0  }
0x3d: {  	[spmem:s23] =	stream.linear.scatter [tilespmem:s9], [sflag:$0xA], $0x1800, $0x38;
	[tilespmem:$0x1F1C0] =	vst v63  }
0x3e: {  	_ =	swait.ge [sflag:s29], $0x1800  }
0x3f: {  	[sflag:s29] =	ssyncset.done $0x0  }
0x40: {  	s8 =	rddreg [dreg:$0x8];
	[sflag:s29] =	ssyncadd.s32 $0xFFFFE800  }
0x41: {  	[spmem:s8] =	stream.linear.scatter [tilespmem:s9], [sflag:$0xA], $0x1800, $0x38;
	[tilespmem:$0x1F1C0] =	vst v63  }
0x42: {  	_ =	swait.ge [sflag:s29], $0x1800  }
0x43: {  	[sflag:s29] =	ssyncset.done $0x0  }
0x44: {  	s22 =	rddreg [dreg:$0x9];
	[sflag:s29] =	ssyncadd.s32 $0xFFFFE800  }
0x45: {  	[spmem:s22] =	stream.linear.scatter [tilespmem:s9], [sflag:$0xA], $0x1800, $0x38;
	[tilespmem:$0x1F1C0] =	vst v63  }
0x46: {  	_ =	swait.ge [sflag:s29], $0x1800  }
0x47: {  	[sflag:s29] =	ssyncset.done $0x0  }
0x48: {  	s23 =	rddreg [dreg:$0xa];
	[sflag:s29] =	ssyncadd.s32 $0xFFFFE800  }
0x49: {  	[spmem:s23] =	stream.linear.scatter [tilespmem:s9], [sflag:$0xA], $0x1800, $0x38;
	[tilespmem:$0x1F1C0] =	vst v63  }
0x4a: {  	_ =	swait.ge [sflag:s29], $0x1800  }
0x4b: {  	[sflag:s29] =	ssyncset.done $0x0  }
0x4c: {  	s26 =	rddreg [dreg:$0xb];
	[sflag:s29] =	ssyncadd.s32 $0xFFFFE800  }
0x4d: {  	[spmem:s26] =	stream.linear.scatter [tilespmem:s9], [sflag:$0xA], $0x1800, $0x38;
	[tilespmem:$0x1F1C0] =	vst v63  }
0x4e: {  	_ =	swait.ge [sflag:s29], $0x1800  }
0x4f: {  	[sflag:s29] =	ssyncset.done $0x0  }
0x50: {  	s21 =	rddreg [dreg:$0xc];
	[sflag:s29] =	ssyncadd.s32 $0xFFFFE800  }
0x51: {  	[spmem:s21] =	stream.linear.scatter [tilespmem:s9], [sflag:$0xA], $0x1800, $0x38;
	[tilespmem:$0x1F1C0] =	vst v63  }
0x52: {  	_ =	swait.ge [sflag:s29], $0x1800  }
0x53: {  	[sflag:s29] =	ssyncset.done $0x0  }
0x54: {  	s22 =	rddreg [dreg:$0xd];
	[sflag:s29] =	ssyncadd.s32 $0xFFFFE800  }
0x55: {  	[spmem:s22] =	stream.linear.scatter [tilespmem:s9], [sflag:$0xA], $0x1800, $0x38;
	[tilespmem:$0x1F1C0] =	vst v63  }
0x56: {  	_ =	swait.ge [sflag:s29], $0x1800  }
0x57: {  	[sflag:s29] =	ssyncset.done $0x0  }
0x58: {  	s23 =	rddreg [dreg:$0xe];
	[sflag:s29] =	ssyncadd.s32 $0xFFFFE800  }
0x59: {  	[spmem:s23] =	stream.linear.scatter [tilespmem:s9], [sflag:$0xA], $0x1800, $0x38;
	[tilespmem:$0x1F1C0] =	vst v63  }
0x5a: {  	_ =	swait.ge [sflag:s29], $0x1800  }
0x5b: {  	[sflag:s29] =	ssyncset.done $0x0  }
0x5c: {  	s26 =	rddreg [dreg:$0xf];
	[sflag:s29] =	ssyncadd.s32 $0xFFFFE800  }
0x5d: {  	[spmem:s26] =	stream.linear.scatter [tilespmem:s9], [sflag:$0xA], $0x1800, $0x38;
	[tilespmem:$0x1F1C0] =	vst v63  }
0x5e: {  	_ =	swait.ge [sflag:s29], $0x1800  }
0x5f: {  	[sflag:s29] =	ssyncset.done $0x0  }
0x60: {  	s21 =	rddreg [dreg:$0x10];
	[sflag:s29] =	ssyncadd.s32 $0xFFFFE800  }
0x61: {  	[spmem:s21] =	stream.linear.scatter [tilespmem:s9], [sflag:$0xA], $0x1800, $0x38;
	[tilespmem:$0x1F1C0] =	vst v63  }
0x62: {  	_ =	swait.ge [sflag:s29], $0x1800  }
0x63: {  	[sflag:s29] =	ssyncset.done $0x0  }
0x64: {  	s22 =	rddreg [dreg:$0x11];
	[sflag:s29] =	ssyncadd.s32 $0xFFFFE800  }
0x65: {  	[spmem:s22] =	stream.linear.scatter [tilespmem:s9], [sflag:$0xA], $0x1800, $0x38;
	[tilespmem:$0x1F1C0] =	vst v63  }
0x66: {  	_ =	swait.ge [sflag:s29], $0x1800  }
0x67: {  	[sflag:s29] =	ssyncset.done $0x0  }
0x68: {  	s23 =	rddreg [dreg:$0x13];
	[sflag:s29] =	ssyncadd.s32 $0xFFFFE800  }
0x69: {  	[spmem:s23] =	stream.linear.scatter [tilespmem:s9], [sflag:$0xA], $0x1800, $0x38;
	[tilespmem:$0x1F1C0] =	vst v63  }
0x6a: {  	_ =	swait.ge [sflag:s29], $0x1800  }
0x6b: {  	[sflag:s29] =	ssyncset.done $0x0  }
0x6c: {  	s26 =	rddreg [dreg:$0x14];
	[sflag:s29] =	ssyncadd.s32 $0xFFFFE800  }
0x6d: {  	[spmem:s26] =	stream.linear.scatter [tilespmem:s9], [sflag:$0xA], $0x1800, $0x38;
	[tilespmem:$0x1F1C0] =	vst v63  }
0x6e: {  	_ =	swait.ge [sflag:s29], $0x1800  }
0x6f: {  	[sflag:s29] =	ssyncset.done $0x0  }
0x70: {  	s8 =	simm.s32 @!p0 $0x1D9C0;
	[sflag:s29] =	ssyncadd.s32 $0xFFFFE800  }
0x71: {  	[spmem:s25] =	stream.linear.scatter @!p0 [tilespmem:s8], [sflag:$0xA], $0x800, $0x38;
	[tilespmem:$0x1F1C0] =	vst v63  }
0x72: {  	s8 =	simm.s32 @!p0 $0xA  }
.Ltmp3:
0x73: {  	_ =	swait.ge @!p0 [sflag:s8], $0x800;
	(pc) =	sbr.rel .LBB2_4-.Ltmp3, $4  }
0x74: {  	[sflag:s8] =	ssyncset.done @!p0 $0x0  }
0x75: {  	[sflag:s8] =	ssyncadd.s32 @!p0 $0xFFFFF800  }
0x76: {  	[bflag:$0x0] =	sbarrier.arrive $0xFFFF  }
0x77: {  	s23 =	simm.s32 $0x0  }
.LBB2_23:
0x78: {  	s8 =	simm.s32 $0x7  }
0x79: {  	_ =	swait.ge [sflag:s8], $0x2800  }
0x7a: {  	[sflag:s8] =	ssyncset.done $0x0  }
0x7b: {  	s25 =	simm.s32 $0x8;
	s23 =	sadd.s32 $0x1, s23;
	[sflag:s8] =	ssyncadd.s32 $0xFFFFD800  }
0x7c: {  	p1 =	sne.s32 s23, $0x5;
	_ =	swait.ge [sflag:s25], $0x2800  }
.Ltmp4:
0x7d: {  	[sflag:s25] =	ssyncset.done $0x0;
	(pc) =	sbr.rel @!p1 .LBB2_24-.Ltmp4, $4  }
0x7e: {  	s26 =	simm.s32 $0x9;
	[sflag:s25] =	ssyncadd.s32 $0xFFFFD800  }
0x7f: {  	_ =	swait.ge [sflag:s26], $0x2800  }
0x80: {  	[sflag:s26] =	ssyncset.done $0x0  }
0x81: {  	[sflag:s26] =	ssyncadd.s32 $0xFFFFD800  }
.LBB2_4:
0x82: {  	s8 =	smul.u32 $0x7D0, s23  }
0x83: {  	s9 =	rddreg [dreg:$0x15]  }
0x84: {  	s8 =	sadd.s32 s9, s8  }
0x85: {  	s22 =	rddreg [dreg:$0x5];
	s8 =	sshrl.u32 s8, $0x3  }
0x86: {  	s21 =	simm.s32 $0x13880;
	s9 =	sadd.s32 s22, s8;
	s22 =	simm.s32 $0x0  }
0x87: {  	[tilespmem:s21], [sflag:$0xA] =	stream.linear.gather [hbm4b:s9+s22], $0x7D0, $0x38;
	[tilespmem:$0x1F1C0] =	vst v63  }
0x88: {  	_ =	swait.ge [sflag:s29], $0x7D0  }
0x89: {  	[sflag:s29] =	ssyncset.done $0x0;
	s25 =	rddreg [dreg:$0x6]  }
0x8a: {  	s26 =	simm.s32 $0x14050;
	[sflag:s29] =	ssyncadd.s32 $0xFFFFF830;
	s9 =	sadd.s32 s25, s8  }
0x8b: {  	[tilespmem:s26], [sflag:$0xA] =	stream.linear.gather [hbm4b:s9+s22], $0x7D0, $0x38;
	[tilespmem:$0x1F1C0] =	vst v63  }
0x8c: {  	_ =	swait.ge [sflag:s29], $0x7D0  }
0x8d: {  	[sflag:s29] =	ssyncset.done $0x0  }
0x8e: {  	[sflag:s29] =	ssyncadd.s32 $0xFFFFF830  }
0x8f: {  	s25 =	rddreg [dreg:$0x1]  }
0x90: {  	s26 =	simm.s32 $0x14820;
	s8 =	sadd.s32 s25, s8  }
0x91: {  	[tilespmem:s26], [sflag:$0xA] =	stream.linear.gather [hbm4b:s8+s22], $0x7D0, $0x38;
	[tilespmem:$0x1F1C0] =	vst v63  }
0x92: {  	_ =	swait.ge [sflag:s29], $0x7D0  }
0x93: {  	[sflag:s29] =	ssyncset.done $0x0  }
0x94: {  	[sflag:s29] =	ssyncadd.s32 $0xFFFFF830  }
0x95: {  	v1 =	vld [tilespmem:$0x14820]  }
0x96: {  	v2 =	vld [tilespmem:$0x13880]  }
0x97: {  	v4 =	vld [tilespmem:$0x14050]  }
0x98: {  	v3 =	vld [tilespmem:$0x14830]  }
0x99: {  	v7 =	vld [tilespmem:$0x14060]  }
0x9a: {  	v5 =	vld [tilespmem:$0x13890];
	v1 =	vmul.u32 $0x2710, v1  }
0x9b: {  	v6 =	vld [tilespmem:$0x14840]  }
0x9c: {  	v49 =	vld [tilespmem:$0x14070];
	[tilespmem:$0x1D7E0] =	vst v4;
	v2 =	vadd.s32 v2, v1  }
0x9d: {  	[tilespmem:$0x1D6F0] =	vst v2;
	v2 =	vmul.u32 $0x2710, v3;
	v3 =	vld [tilespmem:$0x138A0]  }
0x9e: {  	v48 =	vld [tilespmem:$0x14850];
	[tilespmem:$0x1D7F0] =	vst v7;
	v1 =	vadd.s32 v4, v1  }
0x9f: {  	v53 =	vld [tilespmem:$0x14090];
	[tilespmem:$0x1D8D0] =	vst v1;
	v1 =	vadd.s32 v5, v2  }
0xa0: {  	v50 =	vld [tilespmem:$0x138B0];
	[tilespmem:$0x1D700] =	vst v1;
	v1 =	vmul.u32 $0x2710, v6  }
0xa1: {  	v51 =	vld [tilespmem:$0x14860];
	[tilespmem:$0x1D800] =	vst v49;
	v2 =	vadd.s32 v7, v2  }
0xa2: {  	[tilespmem:$0x1D8E0] =	vst v2;
	v2 =	vadd.s32 v3, v1;
	v3 =	vld [tilespmem:$0x14080]  }
0xa3: {  	v52 =	vld [tilespmem:$0x138C0];
	[tilespmem:$0x1D710] =	vst v2;
	v2 =	vmul.u32 $0x2710, v48  }
0xa4: {  	[tilespmem:$0x1D820] =	vst v53;
	v1 =	vadd.s32 v49, v1  }
0xa5: {  	[tilespmem:$0x1D8F0] =	vst v1;
	v1 =	vadd.s32 v50, v2  }
0xa6: {  	[tilespmem:$0x1D720] =	vst v1;
	v1 =	vmul.u32 $0x2710, v51  }
0xa7: {  	[tilespmem:$0x1D810] =	vst v3;
	v2 =	vadd.s32 v3, v2  }
0xa8: {  	[tilespmem:$0x1D900] =	vst v2;
	v2 =	vadd.s32 v52, v1  }
0xa9: {  	v1 =	vadd.s32 v53, v1;
	[tilespmem:$0x1D730] =	vst v2  }
0xaa: {  	[tilespmem:$0x1D910] =	vst v1  }
0xab: {  	[tilespmem:s10], [sflag:$0x1] =	stream.indirect.gather [hbm4b:s6+s5], $0x80, s4, s5, $0xb8;
	[tilespmem:$0x1F1C0] =	vst v63  }
0xac: {  	_ = 	snop  }
0xad: {  	[tilespmem:s12], [sflag:$0x4] =	stream.indirect.gather [hbm4b:s2+s5], $0x10, s11, s5, $0xb8;
	[tilespmem:$0x1F1C0] =	vst v63  }
0xae: {  	v1 =	vld [tilespmem:$0x14870]  }
0xaf: {  	v2 =	vld [tilespmem:$0x138D0]  }
0xb0: {  	v54 =	vld [tilespmem:$0x140A0]  }
0xb1: {  	v3 =	vld [tilespmem:$0x14880]  }
0xb2: {  	v57 =	vld [tilespmem:$0x140B0]  }
0xb3: {  	v55 =	vld [tilespmem:$0x138E0];
	v1 =	vmul.u32 $0x2710, v1  }
0xb4: {  	v56 =	vld [tilespmem:$0x14890]  }
0xb5: {  	v59 =	vld [tilespmem:$0x140C0];
	[tilespmem:$0x1D830] =	vst v54;
	v2 =	vadd.s32 v2, v1  }
0xb6: {  	[tilespmem:$0x1D740] =	vst v2;
	v2 =	vmul.u32 $0x2710, v3;
	v3 =	vld [tilespmem:$0x138F0]  }
0xb7: {  	v58 =	vld [tilespmem:$0x148A0];
	[tilespmem:$0x1D840] =	vst v57;
	v1 =	vadd.s32 v54, v1  }
0xb8: {  	v63 =	vld [tilespmem:$0x140E0];
	[tilespmem:$0x1D920] =	vst v1;
	v1 =	vadd.s32 v55, v2  }
0xb9: {  	v60 =	vld [tilespmem:$0x13900];
	[tilespmem:$0x1D750] =	vst v1;
	v1 =	vmul.u32 $0x2710, v56  }
0xba: {  	v61 =	vld [tilespmem:$0x148B0];
	[tilespmem:$0x1D850] =	vst v59;
	v2 =	vadd.s32 v57, v2  }
0xbb: {  	[tilespmem:$0x1D930] =	vst v2;
	v2 =	vadd.s32 v3, v1;
	v3 =	vld [tilespmem:$0x140D0]  }
0xbc: {  	v62 =	vld [tilespmem:$0x13910];
	[tilespmem:$0x1D760] =	vst v2;
	v2 =	vmul.u32 $0x2710, v58  }
0xbd: {  	[tilespmem:$0x1D870] =	vst v63;
	v1 =	vadd.s32 v59, v1  }
0xbe: {  	[tilespmem:$0x1D940] =	vst v1;
	v1 =	vadd.s32 v60, v2  }
0xbf: {  	[tilespmem:$0x1D770] =	vst v1;
	v1 =	vmul.u32 $0x2710, v61  }
0xc0: {  	[tilespmem:$0x1D860] =	vst v3;
	v2 =	vadd.s32 v3, v2  }
0xc1: {  	[tilespmem:$0x1D950] =	vst v2;
	v2 =	vadd.s32 v62, v1  }
.Ltmp5:
0xc2: {  	v1 =	vadd.s32 v63, v1;
	[tilespmem:$0x1D780] =	vst v2;
	(pc) =	sbr.rel .LBB2_5-.Ltmp5, $4  }
0xc3: {  	[tilespmem:$0x1D960] =	vst v1  }
0xc4: {  	[tilespmem:s14], [sflag:$0x2] =	stream.indirect.gather [hbm4b:s6+s5], $0x80, s13, s5, $0xb8;
	[tilespmem:$0x1F1C0] =	vst v63  }
0xc5: {  	s25 =	simm.s32 $0x0  }
0xc6: {  	[tilespmem:s16], [sflag:$0x5] =	stream.indirect.gather [hbm4b:s2+s5], $0x10, s15, s5, $0xb8;
	[tilespmem:$0x1F1C0] =	vst v63  }
.LBB2_21:
0xc7: {  	s9 =	simm.s32 @!p1 $0x9  }
0xc8: {  	_ =	swait.ge @!p1 [sflag:s9], $0x2800  }
0xc9: {  	s8 =	smul.u32 $0x50, s8;
	[sflag:s9] =	ssyncset.done @!p1 $0x0  }
0xca: {  	[sflag:s9] =	ssyncadd.s32 @!p1 $0xFFFFD800  }
0xcb: {  	v1 =	vld [tilespmem:s8+$0x14820]  }
0xcc: {  	v2 =	vld [tilespmem:s8+$0x13880]  }
0xcd: {  	v3 =	vld [tilespmem:s8+$0x14050];
	_ =	sdelay $0x2  }
0xce: {  	v1 =	vmul.u32 $0x2710, v1;
	_ =	sdelay $0x1  }
0xcf: {  	[tilespmem:$0x1D880] =	vst v3;
	v2 =	vadd.s32 v2, v1  }
0xd0: {  	v1 =	vadd.s32 v3, v1;
	[tilespmem:$0x1D790] =	vst v2  }
0xd1: {  	[tilespmem:$0x1D970] =	vst v1  }
0xd2: {  	v1 =	vld [tilespmem:s8+$0x14830]  }
0xd3: {  	v2 =	vld [tilespmem:s8+$0x13890]  }
0xd4: {  	v3 =	vld [tilespmem:s8+$0x14060];
	_ =	sdelay $0x2  }
0xd5: {  	v1 =	vmul.u32 $0x2710, v1;
	_ =	sdelay $0x1  }
0xd6: {  	[tilespmem:$0x1D890] =	vst v3;
	v2 =	vadd.s32 v2, v1  }
0xd7: {  	v1 =	vadd.s32 v3, v1;
	[tilespmem:$0x1D7A0] =	vst v2  }
0xd8: {  	[tilespmem:$0x1D980] =	vst v1  }
0xd9: {  	v1 =	vld [tilespmem:s8+$0x14840]  }
0xda: {  	v2 =	vld [tilespmem:s8+$0x138A0]  }
0xdb: {  	v3 =	vld [tilespmem:s8+$0x14070];
	_ =	sdelay $0x2  }
0xdc: {  	v1 =	vmul.u32 $0x2710, v1;
	_ =	sdelay $0x1  }
0xdd: {  	[tilespmem:$0x1D8A0] =	vst v3;
	v2 =	vadd.s32 v2, v1  }
0xde: {  	v1 =	vadd.s32 v3, v1;
	[tilespmem:$0x1D7B0] =	vst v2  }
0xdf: {  	[tilespmem:$0x1D990] =	vst v1  }
0xe0: {  	v1 =	vld [tilespmem:s8+$0x14850]  }
0xe1: {  	v2 =	vld [tilespmem:s8+$0x138B0]  }
0xe2: {  	v3 =	vld [tilespmem:s8+$0x14080];
	_ =	sdelay $0x2  }
0xe3: {  	v1 =	vmul.u32 $0x2710, v1;
	_ =	sdelay $0x1  }
0xe4: {  	[tilespmem:$0x1D8B0] =	vst v3;
	v2 =	vadd.s32 v2, v1  }
0xe5: {  	v1 =	vadd.s32 v3, v1;
	[tilespmem:$0x1D7C0] =	vst v2  }
0xe6: {  	[tilespmem:$0x1D9A0] =	vst v1  }
0xe7: {  	v1 =	vld [tilespmem:s8+$0x14860]  }
0xe8: {  	v2 =	vld [tilespmem:s8+$0x138C0]  }
0xe9: {  	v3 =	vld [tilespmem:s8+$0x14090];
	_ =	sdelay $0x2  }
0xea: {  	v1 =	vmul.u32 $0x2710, v1;
	_ =	sdelay $0x1  }
0xeb: {  	[tilespmem:$0x1D8C0] =	vst v3;
	v2 =	vadd.s32 v2, v1  }
0xec: {  	v1 =	vadd.s32 v3, v1;
	[tilespmem:$0x1D7D0] =	vst v2  }
0xed: {  	s22 =	simm.s32 $0x1D790;
	[tilespmem:$0x1D9B0] =	vst v1  }
0xee: {  	[tilespmem:s20], [sflag:$0x3] =	stream.indirect.gather [hbm4b:s6+s5], $0x80, s22, s5, $0xb8;
	[tilespmem:$0x1F1C0] =	vst v63  }
0xef: {  	s26 =	simm.s32 $0x1D970  }
0xf0: {  	[tilespmem:s24], [sflag:$0x6] =	stream.indirect.gather [hbm4b:s2+s5], $0x10, s26, s5, $0xb8;
	[tilespmem:$0x1F1C0] =	vst v63  }
.LBB2_22:
0xf1: {  	s25 =	sadd.s32 $0x1, s25  }
0xf2: {  	p1 =	sne.s32 s25, $0x19  }
.Ltmp6:
0xf3: {  	_ = 	snop;
	(pc) =	sbr.rel @!p1 .LBB2_23-.Ltmp6, $1  }
0xf4: {  	_ =	sdelay $0x3  }
.LBB2_5:
0xf5: {  	s8 =	smul.u32 $0xAB, s25;
	_ =	sdelay $0x1  }
0xf6: {  	s8 =	sshrl.u32 s8, $0x9  }
0xf7: {  	s8 =	sand.u32 $0x7F, s8  }
0xf8: {  	s8 =	smul.u32 $0x3, s8;
	_ =	sdelay $0x1  }
0xf9: {  	s8 =	ssub.s32 s25, s8  }
0xfa: {  	s8 =	sand.u32 $0xFF, s8  }
0xfb: {  	p1 =	seq.s32 s8, $0x2  }
.Ltmp7:
0xfc: {  	_ = 	snop;
	(pc) =	sbr.rel @p1 .LBB2_13-.Ltmp7, $1  }
0xfd: {  	_ =	sdelay $0x3  }
0xfe: {  	p1 =	seq.s32 s8, $0x1  }
.Ltmp8:
0xff: {  	_ = 	snop;
	(pc) =	sbr.rel @!p1 .LBB2_7-.Ltmp8, $1  }
0x100: {  	_ =	sdelay $0x3  }
0x101: {  	_ =	swait.ge [sflag:s28], $0x2800  }
0x102: {  	[sflag:s28] =	ssyncset.done $0x0  }
0x103: {  	[sflag:s28] =	ssyncadd.s32 $0xFFFFD800  }
0x104: {  	_ =	swait.ge [sflag:s1], $0x500  }
0x105: {  	[sflag:s1] =	ssyncset.done $0x0  }
0x106: {  	s9 =	simm.s32 $0x178F0;
	[sflag:s1] =	ssyncadd.s32 $0xFFFFFB00  }
0x107: {  	s26 =	simm.s32 $0x30;
	v2 =	vld [tilespmem:s9+$0xFFFFFF70]  }
0x108: {  	v3 =	vld [tilespmem:s26+$0x1CCC0]  }
0x109: {  	v4 =	vld [tilespmem:s9+$0xFFFFFF00]  }
0x10a: {  	v5 =	vld [tilespmem:s9+$0xFFFFFF20]  }
0x10b: {  	v1 =	vld [tilespmem:s9+$0xFFFFFF50]  }
0x10c: {  	v6 =	vld [tilespmem:s9+$0xFFFFFF30]  }
0x10d: {  	v8 =	vld [tilespmem:s9+$0xFFFFFF10];
	v2 =	vmul.f32 v2, v3  }
0x10e: {  	v9 =	vld [tilespmem:s9+$0xFFFFFF40];
	v4 =	vmul.f32 v4, v3  }
0x10f: {  	v7 =	vld [tilespmem:s9+$0xFFFFFF60];
	v5 =	vmul.f32 v5, v3;
	[tilespmem:s9+$0xFFFFFF70] =	vst v2  }
0x110: {  	v1 =	vmul.f32 v1, v3;
	[tilespmem:s9+$0xFFFFFF00] =	vst v4  }
0x111: {  	v2 =	vmul.f32 v6, v3;
	[tilespmem:s9+$0xFFFFFF20] =	vst v5  }
0x112: {  	v4 =	vmul.f32 v8, v3;
	[tilespmem:s9+$0xFFFFFF50] =	vst v1  }
0x113: {  	v1 =	vmul.f32 v9, v3;
	[tilespmem:s9+$0xFFFFFF30] =	vst v2  }
0x114: {  	v2 =	vmul.f32 v7, v3;
	[tilespmem:s9+$0xFFFFFF10] =	vst v4  }
0x115: {  	[tilespmem:s9+$0xFFFFFF40] =	vst v1  }
0x116: {  	[tilespmem:s9+$0xFFFFFF60] =	vst v2;
	v2 =	vld [tilespmem:s9+$0xFFFFFFD0]  }
0x117: {  	v4 =	vld [tilespmem:s26+$0x1CCD0]  }
0x118: {  	v1 =	vld [tilespmem:s9+$0xFFFFFFE0]  }
0x119: {  	v5 =	vld [tilespmem:s9+$0xFFFFFF90]  }
0x11a: {  	v3 =	vld [tilespmem:s9+$0xFFFFFFF0]  }
0x11b: {  	v6 =	vld [tilespmem:s9+$0xFFFFFF80]  }
0x11c: {  	v7 =	vld [tilespmem:s9+$0xFFFFFFC0];
	v2 =	vmul.f32 v2, v4  }
0x11d: {  	v63 =	vld [tilespmem:s9+$0xFFFFFFA0];
	v1 =	vmul.f32 v1, v4  }
0x11e: {  	v8 =	vld [tilespmem:s9+$0xFFFFFFB0];
	v5 =	vmul.f32 v5, v4;
	[tilespmem:s9+$0xFFFFFFD0] =	vst v2  }
0x11f: {  	v3 =	vmul.f32 v3, v4;
	[tilespmem:s9+$0xFFFFFFE0] =	vst v1  }
0x120: {  	v2 =	vmul.f32 v6, v4;
	[tilespmem:s9+$0xFFFFFF90] =	vst v5  }
0x121: {  	v6 =	vmul.f32 v7, v4;
	v1 =	vld [tilespmem:s9+$0x20];
	[tilespmem:s9+$0xFFFFFFF0] =	vst v3  }
0x122: {  	v7 =	vmul.f32 v63, v4;
	v5 =	vld [tilespmem:s9+$0x0];
	[tilespmem:s9+$0xFFFFFF80] =	vst v2  }
0x123: {  	v4 =	vmul.f32 v8, v4;
	v3 =	vld [tilespmem:s9+$0x50];
	[tilespmem:s9+$0xFFFFFFC0] =	vst v6  }
0x124: {  	v2 =	vld [tilespmem:s9+$0x30];
	[tilespmem:s9+$0xFFFFFFA0] =	vst v7  }
0x125: {  	v6 =	vld [tilespmem:s9+$0x10];
	[tilespmem:s9+$0xFFFFFFB0] =	vst v4  }
0x126: {  	s8 =	simm.s32 $0x1C0;
	s21 =	simm.s32 $0x178F0;
	v4 =	vld [tilespmem:s26+$0x1CCE0]  }
.LBB2_11:
0x127: {  	p1 =	sne.s32 s8, $0x13C0  }
0x128: {  	v7 =	vld [tilespmem:s9+$0x60];
	s21 =	sadd.s32 $0x200, s21;
	s22 =	smov.u32 s8;
	s8 =	sadd.s32 $0x100, s8  }
0x129: {  	v8 =	vld [tilespmem:s9+$0x40]  }
0x12a: {  	v9 =	vld [tilespmem:s9+$0x70];
	_ =	sdelay $0x1  }
0x12b: {  	v5 =	vmul.f32 v5, v4;
	v6 =	vmul.f32 v6, v4  }
0x12c: {  	v1 =	vmul.f32 v1, v4;
	v2 =	vmul.f32 v2, v4  }
0x12d: {  	v7 =	vmul.f32 v7, v4;
	[tilespmem:s9+$0x0] =	vst v5;
	v5 =	vmul.f32 v8, v4  }
0x12e: {  	v3 =	vmul.f32 v3, v4;
	[tilespmem:s9+$0x20] =	vst v1;
	v4 =	vmul.f32 v9, v4;
	v8 =	vld [tilespmem:s9+$0xA0]  }
0x12f: {  	v1 =	vld [tilespmem:s21+$0x20];
	[tilespmem:s9+$0x10] =	vst v6  }
0x130: {  	[tilespmem:s9+$0x30] =	vst v2;
	v6 =	vld [tilespmem:s9+$0x80]  }
0x131: {  	v2 =	vld [tilespmem:s21+$0x30];
	[tilespmem:s9+$0x60] =	vst v7  }
0x132: {  	[tilespmem:s9+$0x40] =	vst v5;
	v5 =	vld [tilespmem:s9+$0xE0]  }
0x133: {  	[tilespmem:s9+$0x50] =	vst v3;
	v3 =	vld [tilespmem:s9+$0xD0]  }
0x134: {  	[tilespmem:s9+$0x70] =	vst v4;
	v4 =	vld [tilespmem:s9+$0x90]  }
0x135: {  	v7 =	vld [tilespmem:s26+$0x1CCF0]  }
0x136: {  	v9 =	vld [tilespmem:s9+$0xB0]  }
0x137: {  	v10 =	vld [tilespmem:s9+$0xC0]  }
0x138: {  	v11 =	vld [tilespmem:s9+$0xF0];
	_ =	sdelay $0x1  }
0x139: {  	v6 =	vmul.f32 v6, v7;
	v4 =	vmul.f32 v4, v7  }
0x13a: {  	v8 =	vmul.f32 v8, v7;
	v9 =	vmul.f32 v9, v7  }
0x13b: {  	v3 =	vmul.f32 v3, v7;
	[tilespmem:s9+$0x80] =	vst v6;
	v6 =	vmul.f32 v10, v7  }
0x13c: {  	v5 =	vmul.f32 v5, v7;
	[tilespmem:s9+$0xA0] =	vst v8;
	v7 =	vmul.f32 v11, v7  }
0x13d: {  	[tilespmem:s9+$0x90] =	vst v4  }
0x13e: {  	v4 =	vld [tilespmem:s21+$0xFFFFFF50];
	[tilespmem:s9+$0xD0] =	vst v3  }
0x13f: {  	v3 =	vld [tilespmem:s21+$0xFFFFFF30];
	[tilespmem:s9+$0xE0] =	vst v5  }
0x140: {  	v5 =	vld [tilespmem:s21+$0xFFFFFF60];
	[tilespmem:s9+$0xC0] =	vst v6  }
0x141: {  	v6 =	vld [tilespmem:s21+$0xFFFFFF70];
	[tilespmem:s9+$0xF0] =	vst v7  }
0x142: {  	s26 =	sshra.s32 s22, $0x2;
	v7 =	vld [tilespmem:s21+$0xFFFFFF00];
	[tilespmem:s9+$0xB0] =	vst v9;
	s9 =	smov.u32 s21  }
0x143: {  	v8 =	vld [tilespmem:s26+$0x1CCC0]  }
0x144: {  	v9 =	vld [tilespmem:s21+$0xFFFFFF20]  }
0x145: {  	v10 =	vld [tilespmem:s21+$0xFFFFFF10]  }
0x146: {  	v11 =	vld [tilespmem:s21+$0xFFFFFF40];
	_ =	sdelay $0x1  }
0x147: {  	v7 =	vmul.f32 v7, v8;
	v6 =	vmul.f32 v6, v8  }
0x148: {  	v5 =	vmul.f32 v5, v8;
	v9 =	vmul.f32 v9, v8  }
0x149: {  	v3 =	vmul.f32 v3, v8;
	v10 =	vmul.f32 v10, v8;
	[tilespmem:s21+$0xFFFFFF70] =	vst v6  }
0x14a: {  	v4 =	vmul.f32 v4, v8;
	[tilespmem:s21+$0xFFFFFF00] =	vst v7;
	v6 =	vmul.f32 v11, v8  }
0x14b: {  	[tilespmem:s21+$0xFFFFFF20] =	vst v9  }
0x14c: {  	[tilespmem:s21+$0xFFFFFF30] =	vst v3;
	v3 =	vld [tilespmem:s21+$0xFFFFFFF0]  }
0x14d: {  	[tilespmem:s21+$0xFFFFFF50] =	vst v4;
	v4 =	vld [tilespmem:s21+$0xFFFFFFC0]  }
0x14e: {  	[tilespmem:s21+$0xFFFFFF10] =	vst v10;
	v7 =	vld [tilespmem:s21+$0xFFFFFFE0]  }
0x14f: {  	[tilespmem:s21+$0xFFFFFF60] =	vst v5;
	v5 =	vld [tilespmem:s21+$0xFFFFFFD0]  }
0x150: {  	[tilespmem:s21+$0xFFFFFF40] =	vst v6;
	v6 =	vld [tilespmem:s21+$0xFFFFFF90]  }
0x151: {  	v8 =	vld [tilespmem:s26+$0x1CCD0]  }
0x152: {  	v9 =	vld [tilespmem:s21+$0xFFFFFF80]  }
0x153: {  	v10 =	vld [tilespmem:s21+$0xFFFFFFB0]  }
0x154: {  	v11 =	vld [tilespmem:s21+$0xFFFFFFA0];
	_ =	sdelay $0x1  }
0x155: {  	v6 =	vmul.f32 v6, v8;
	v5 =	vmul.f32 v5, v8  }
0x156: {  	v7 =	vmul.f32 v7, v8;
	v9 =	vmul.f32 v9, v8  }
0x157: {  	v4 =	vmul.f32 v4, v8;
	v10 =	vmul.f32 v10, v8;
	[tilespmem:s21+$0xFFFFFFD0] =	vst v5  }
0x158: {  	v3 =	vmul.f32 v3, v8;
	v5 =	vmul.f32 v11, v8;
	[tilespmem:s21+$0xFFFFFFE0] =	vst v7  }
0x159: {  	[tilespmem:s21+$0xFFFFFF90] =	vst v6  }
0x15a: {  	[tilespmem:s21+$0xFFFFFF80] =	vst v9  }
.Ltmp9:
0x15b: {  	[tilespmem:s21+$0xFFFFFFC0] =	vst v4;
	(pc) =	sbr.rel @p1 .LBB2_11-.Ltmp9, $4  }
0x15c: {  	[tilespmem:s21+$0xFFFFFFA0] =	vst v5;
	v5 =	vld [tilespmem:s21+$0x0]  }
0x15d: {  	[tilespmem:s21+$0xFFFFFFF0] =	vst v3;
	v6 =	vld [tilespmem:s21+$0x10]  }
0x15e: {  	[tilespmem:s21+$0xFFFFFFB0] =	vst v10;
	v3 =	vld [tilespmem:s21+$0x50]  }
0x15f: {  	v4 =	vld [tilespmem:s26+$0x1CCE0]  }
0x160: {  	_ =	sdelay $0x3  }
0x161: {  	v7 =	vld [tilespmem:s9+$0x60];
	v5 =	vmul.f32 v5, v4  }
0x162: {  	v8 =	vld [tilespmem:s9+$0x40];
	v1 =	vmul.f32 v1, v4  }
0x163: {  	v9 =	vld [tilespmem:s9+$0x70];
	v6 =	vmul.f32 v6, v4;
	[tilespmem:s9+$0x0] =	vst v5  }
0x164: {  	v2 =	vmul.f32 v2, v4;
	[tilespmem:s9+$0x20] =	vst v1  }
0x165: {  	v3 =	vmul.f32 v3, v4;
	[tilespmem:s9+$0x10] =	vst v6  }
0x166: {  	v1 =	vmul.f32 v7, v4;
	[tilespmem:s9+$0x30] =	vst v2  }
0x167: {  	v56 =	vmul.f32 v8, v4;
	[tilespmem:s9+$0x50] =	vst v3  }
0x168: {  	[tilespmem:s9+$0x60] =	vst v1;
	v1 =	vmul.f32 v9, v4  }
0x169: {  	[tilespmem:s9+$0x40] =	vst v56  }
0x16a: {  	v2 =	vld [tilespmem:s9+$0x80];
	[tilespmem:s9+$0x70] =	vst v1  }
0x16b: {  	v1 =	vld [tilespmem:s26+$0x1CCF0]  }
0x16c: {  	v57 =	vld [tilespmem:s9+$0xA0]  }
0x16d: {  	v58 =	vld [tilespmem:s9+$0x90]  }
0x16e: {  	v3 =	vld [tilespmem:s9+$0xE0]  }
0x16f: {  	v59 =	vld [tilespmem:s9+$0xD0]  }
0x170: {  	v61 =	vld [tilespmem:s9+$0xC0];
	v2 =	vmul.f32 v2, v1  }
0x171: {  	v62 =	vld [tilespmem:s9+$0xF0];
	v4 =	vmul.f32 v57, v1  }
0x172: {  	v60 =	vld [tilespmem:s9+$0xB0];
	v5 =	vmul.f32 v58, v1;
	[tilespmem:s9+$0x80] =	vst v2  }
0x173: {  	v3 =	vmul.f32 v3, v1;
	[tilespmem:s9+$0xA0] =	vst v4  }
0x174: {  	v2 =	vmul.f32 v59, v1;
	[tilespmem:s9+$0x90] =	vst v5  }
0x175: {  	v63 =	vmul.f32 v61, v1;
	[tilespmem:s9+$0xE0] =	vst v3  }
.Ltmp10:
0x176: {  	[tilespmem:s9+$0xD0] =	vst v2;
	v2 =	vmul.f32 v62, v1;
	(pc) =	sbr.rel .LBB2_16-.Ltmp10, $4  }
0x177: {  	[tilespmem:s9+$0xC0] =	vst v63;
	v1 =	vmul.f32 v60, v1  }
0x178: {  	[tilespmem:s9+$0xF0] =	vst v2  }
0x179: {  	[tilespmem:s9+$0xB0] =	vst v1  }
0x17a: {  	[spmem:s3] =	stream.indirect.scatter.add.f32 [tilespmem:s14], [sflag:$0x8], $0x80, s30, s5, $0xb8;
	[tilespmem:$0x1F1C0] =	vst v63  }
.LBB2_13:
0x17b: {  	_ =	swait.ge [sflag:s17], $0x2800  }
0x17c: {  	[sflag:s17] =	ssyncset.done $0x0  }
0x17d: {  	[sflag:s17] =	ssyncadd.s32 $0xFFFFD800  }
0x17e: {  	_ =	swait.ge [sflag:s18], $0x500  }
0x17f: {  	[sflag:s18] =	ssyncset.done $0x0  }
0x180: {  	s9 =	simm.s32 $0x1A0F0;
	[sflag:s18] =	ssyncadd.s32 $0xFFFFFB00  }
0x181: {  	s26 =	simm.s32 $0x30;
	v2 =	vld [tilespmem:s9+$0xFFFFFF70]  }
0x182: {  	v3 =	vld [tilespmem:s26+$0x1D1C0]  }
0x183: {  	v4 =	vld [tilespmem:s9+$0xFFFFFF00]  }
0x184: {  	v5 =	vld [tilespmem:s9+$0xFFFFFF20]  }
0x185: {  	v1 =	vld [tilespmem:s9+$0xFFFFFF50]  }
0x186: {  	v6 =	vld [tilespmem:s9+$0xFFFFFF30]  }
0x187: {  	v8 =	vld [tilespmem:s9+$0xFFFFFF10];
	v2 =	vmul.f32 v2, v3  }
0x188: {  	v9 =	vld [tilespmem:s9+$0xFFFFFF40];
	v4 =	vmul.f32 v4, v3  }
0x189: {  	v7 =	vld [tilespmem:s9+$0xFFFFFF60];
	v5 =	vmul.f32 v5, v3;
	[tilespmem:s9+$0xFFFFFF70] =	vst v2  }
0x18a: {  	v1 =	vmul.f32 v1, v3;
	[tilespmem:s9+$0xFFFFFF00] =	vst v4  }
0x18b: {  	v2 =	vmul.f32 v6, v3;
	[tilespmem:s9+$0xFFFFFF20] =	vst v5  }
0x18c: {  	v4 =	vmul.f32 v8, v3;
	[tilespmem:s9+$0xFFFFFF50] =	vst v1  }
0x18d: {  	v1 =	vmul.f32 v9, v3;
	[tilespmem:s9+$0xFFFFFF30] =	vst v2  }
0x18e: {  	v2 =	vmul.f32 v7, v3;
	[tilespmem:s9+$0xFFFFFF10] =	vst v4  }
0x18f: {  	[tilespmem:s9+$0xFFFFFF40] =	vst v1  }
0x190: {  	[tilespmem:s9+$0xFFFFFF60] =	vst v2;
	v2 =	vld [tilespmem:s9+$0xFFFFFFD0]  }
0x191: {  	v4 =	vld [tilespmem:s26+$0x1D1D0]  }
0x192: {  	v1 =	vld [tilespmem:s9+$0xFFFFFFE0]  }
0x193: {  	v5 =	vld [tilespmem:s9+$0xFFFFFF90]  }
0x194: {  	v3 =	vld [tilespmem:s9+$0xFFFFFFF0]  }
0x195: {  	v6 =	vld [tilespmem:s9+$0xFFFFFF80]  }
0x196: {  	v7 =	vld [tilespmem:s9+$0xFFFFFFC0];
	v2 =	vmul.f32 v2, v4  }
0x197: {  	v63 =	vld [tilespmem:s9+$0xFFFFFFA0];
	v1 =	vmul.f32 v1, v4  }
0x198: {  	v8 =	vld [tilespmem:s9+$0xFFFFFFB0];
	v5 =	vmul.f32 v5, v4;
	[tilespmem:s9+$0xFFFFFFD0] =	vst v2  }
0x199: {  	v3 =	vmul.f32 v3, v4;
	[tilespmem:s9+$0xFFFFFFE0] =	vst v1  }
0x19a: {  	v2 =	vmul.f32 v6, v4;
	[tilespmem:s9+$0xFFFFFF90] =	vst v5  }
0x19b: {  	v6 =	vmul.f32 v7, v4;
	v1 =	vld [tilespmem:s9+$0x20];
	[tilespmem:s9+$0xFFFFFFF0] =	vst v3  }
0x19c: {  	v7 =	vmul.f32 v63, v4;
	v5 =	vld [tilespmem:s9+$0x0];
	[tilespmem:s9+$0xFFFFFF80] =	vst v2  }
0x19d: {  	v4 =	vmul.f32 v8, v4;
	v3 =	vld [tilespmem:s9+$0x50];
	[tilespmem:s9+$0xFFFFFFC0] =	vst v6  }
0x19e: {  	v2 =	vld [tilespmem:s9+$0x30];
	[tilespmem:s9+$0xFFFFFFA0] =	vst v7  }
0x19f: {  	v6 =	vld [tilespmem:s9+$0x10];
	[tilespmem:s9+$0xFFFFFFB0] =	vst v4  }
0x1a0: {  	s8 =	simm.s32 $0x1C0;
	s21 =	simm.s32 $0x1A0F0;
	v4 =	vld [tilespmem:s26+$0x1D1E0]  }
.LBB2_14:
0x1a1: {  	p1 =	sne.s32 s8, $0x13C0  }
0x1a2: {  	v7 =	vld [tilespmem:s9+$0x60];
	s21 =	sadd.s32 $0x200, s21;
	s22 =	smov.u32 s8;
	s8 =	sadd.s32 $0x100, s8  }
0x1a3: {  	v8 =	vld [tilespmem:s9+$0x40]  }
0x1a4: {  	v9 =	vld [tilespmem:s9+$0x70];
	_ =	sdelay $0x1  }
0x1a5: {  	v5 =	vmul.f32 v5, v4;
	v6 =	vmul.f32 v6, v4  }
0x1a6: {  	v1 =	vmul.f32 v1, v4;
	v2 =	vmul.f32 v2, v4  }
0x1a7: {  	v7 =	vmul.f32 v7, v4;
	[tilespmem:s9+$0x0] =	vst v5;
	v5 =	vmul.f32 v8, v4  }
0x1a8: {  	v3 =	vmul.f32 v3, v4;
	[tilespmem:s9+$0x20] =	vst v1;
	v4 =	vmul.f32 v9, v4;
	v8 =	vld [tilespmem:s9+$0xA0]  }
0x1a9: {  	v1 =	vld [tilespmem:s21+$0x20];
	[tilespmem:s9+$0x10] =	vst v6  }
0x1aa: {  	[tilespmem:s9+$0x30] =	vst v2;
	v6 =	vld [tilespmem:s9+$0x80]  }
0x1ab: {  	v2 =	vld [tilespmem:s21+$0x30];
	[tilespmem:s9+$0x60] =	vst v7  }
0x1ac: {  	[tilespmem:s9+$0x40] =	vst v5;
	v5 =	vld [tilespmem:s9+$0xE0]  }
0x1ad: {  	[tilespmem:s9+$0x50] =	vst v3;
	v3 =	vld [tilespmem:s9+$0xD0]  }
0x1ae: {  	[tilespmem:s9+$0x70] =	vst v4;
	v4 =	vld [tilespmem:s9+$0x90]  }
0x1af: {  	v7 =	vld [tilespmem:s26+$0x1D1F0]  }
0x1b0: {  	v9 =	vld [tilespmem:s9+$0xB0]  }
0x1b1: {  	v10 =	vld [tilespmem:s9+$0xC0]  }
0x1b2: {  	v11 =	vld [tilespmem:s9+$0xF0];
	_ =	sdelay $0x1  }
0x1b3: {  	v6 =	vmul.f32 v6, v7;
	v4 =	vmul.f32 v4, v7  }
0x1b4: {  	v8 =	vmul.f32 v8, v7;
	v9 =	vmul.f32 v9, v7  }
0x1b5: {  	v3 =	vmul.f32 v3, v7;
	[tilespmem:s9+$0x80] =	vst v6;
	v6 =	vmul.f32 v10, v7  }
0x1b6: {  	v5 =	vmul.f32 v5, v7;
	[tilespmem:s9+$0xA0] =	vst v8;
	v7 =	vmul.f32 v11, v7  }
0x1b7: {  	[tilespmem:s9+$0x90] =	vst v4  }
0x1b8: {  	v4 =	vld [tilespmem:s21+$0xFFFFFF50];
	[tilespmem:s9+$0xD0] =	vst v3  }
0x1b9: {  	v3 =	vld [tilespmem:s21+$0xFFFFFF30];
	[tilespmem:s9+$0xE0] =	vst v5  }
0x1ba: {  	v5 =	vld [tilespmem:s21+$0xFFFFFF60];
	[tilespmem:s9+$0xC0] =	vst v6  }
0x1bb: {  	v6 =	vld [tilespmem:s21+$0xFFFFFF70];
	[tilespmem:s9+$0xF0] =	vst v7  }
0x1bc: {  	s26 =	sshra.s32 s22, $0x2;
	v7 =	vld [tilespmem:s21+$0xFFFFFF00];
	[tilespmem:s9+$0xB0] =	vst v9;
	s9 =	smov.u32 s21  }
0x1bd: {  	v8 =	vld [tilespmem:s26+$0x1D1C0]  }
0x1be: {  	v9 =	vld [tilespmem:s21+$0xFFFFFF20]  }
0x1bf: {  	v10 =	vld [tilespmem:s21+$0xFFFFFF10]  }
0x1c0: {  	v11 =	vld [tilespmem:s21+$0xFFFFFF40];
	_ =	sdelay $0x1  }
0x1c1: {  	v7 =	vmul.f32 v7, v8;
	v6 =	vmul.f32 v6, v8  }
0x1c2: {  	v5 =	vmul.f32 v5, v8;
	v9 =	vmul.f32 v9, v8  }
0x1c3: {  	v3 =	vmul.f32 v3, v8;
	v10 =	vmul.f32 v10, v8;
	[tilespmem:s21+$0xFFFFFF70] =	vst v6  }
0x1c4: {  	v4 =	vmul.f32 v4, v8;
	[tilespmem:s21+$0xFFFFFF00] =	vst v7;
	v6 =	vmul.f32 v11, v8  }
0x1c5: {  	[tilespmem:s21+$0xFFFFFF20] =	vst v9  }
0x1c6: {  	[tilespmem:s21+$0xFFFFFF30] =	vst v3;
	v3 =	vld [tilespmem:s21+$0xFFFFFFF0]  }
0x1c7: {  	[tilespmem:s21+$0xFFFFFF50] =	vst v4;
	v4 =	vld [tilespmem:s21+$0xFFFFFFC0]  }
0x1c8: {  	[tilespmem:s21+$0xFFFFFF10] =	vst v10;
	v7 =	vld [tilespmem:s21+$0xFFFFFFE0]  }
0x1c9: {  	[tilespmem:s21+$0xFFFFFF60] =	vst v5;
	v5 =	vld [tilespmem:s21+$0xFFFFFFD0]  }
0x1ca: {  	[tilespmem:s21+$0xFFFFFF40] =	vst v6;
	v6 =	vld [tilespmem:s21+$0xFFFFFF90]  }
0x1cb: {  	v8 =	vld [tilespmem:s26+$0x1D1D0]  }
0x1cc: {  	v9 =	vld [tilespmem:s21+$0xFFFFFF80]  }
0x1cd: {  	v10 =	vld [tilespmem:s21+$0xFFFFFFB0]  }
0x1ce: {  	v11 =	vld [tilespmem:s21+$0xFFFFFFA0];
	_ =	sdelay $0x1  }
0x1cf: {  	v6 =	vmul.f32 v6, v8;
	v5 =	vmul.f32 v5, v8  }
0x1d0: {  	v7 =	vmul.f32 v7, v8;
	v9 =	vmul.f32 v9, v8  }
0x1d1: {  	v4 =	vmul.f32 v4, v8;
	v10 =	vmul.f32 v10, v8;
	[tilespmem:s21+$0xFFFFFFD0] =	vst v5  }
0x1d2: {  	v3 =	vmul.f32 v3, v8;
	v5 =	vmul.f32 v11, v8;
	[tilespmem:s21+$0xFFFFFFE0] =	vst v7  }
0x1d3: {  	[tilespmem:s21+$0xFFFFFF90] =	vst v6  }
0x1d4: {  	[tilespmem:s21+$0xFFFFFF80] =	vst v9  }
.Ltmp11:
0x1d5: {  	[tilespmem:s21+$0xFFFFFFC0] =	vst v4;
	(pc) =	sbr.rel @p1 .LBB2_14-.Ltmp11, $4  }
0x1d6: {  	[tilespmem:s21+$0xFFFFFFA0] =	vst v5;
	v5 =	vld [tilespmem:s21+$0x0]  }
0x1d7: {  	[tilespmem:s21+$0xFFFFFFF0] =	vst v3;
	v6 =	vld [tilespmem:s21+$0x10]  }
0x1d8: {  	[tilespmem:s21+$0xFFFFFFB0] =	vst v10;
	v3 =	vld [tilespmem:s21+$0x50]  }
0x1d9: {  	v4 =	vld [tilespmem:s26+$0x1D1E0]  }
0x1da: {  	_ =	sdelay $0x3  }
0x1db: {  	v7 =	vld [tilespmem:s9+$0x60];
	v5 =	vmul.f32 v5, v4  }
0x1dc: {  	v8 =	vld [tilespmem:s9+$0x40];
	v1 =	vmul.f32 v1, v4  }
0x1dd: {  	v9 =	vld [tilespmem:s9+$0x70];
	v6 =	vmul.f32 v6, v4;
	[tilespmem:s9+$0x0] =	vst v5  }
0x1de: {  	v2 =	vmul.f32 v2, v4;
	[tilespmem:s9+$0x20] =	vst v1  }
0x1df: {  	v3 =	vmul.f32 v3, v4;
	[tilespmem:s9+$0x10] =	vst v6  }
0x1e0: {  	v1 =	vmul.f32 v7, v4;
	[tilespmem:s9+$0x30] =	vst v2  }
0x1e1: {  	v56 =	vmul.f32 v8, v4;
	[tilespmem:s9+$0x50] =	vst v3  }
0x1e2: {  	[tilespmem:s9+$0x60] =	vst v1;
	v1 =	vmul.f32 v9, v4  }
0x1e3: {  	[tilespmem:s9+$0x40] =	vst v56  }
0x1e4: {  	v2 =	vld [tilespmem:s9+$0x80];
	[tilespmem:s9+$0x70] =	vst v1  }
0x1e5: {  	v1 =	vld [tilespmem:s26+$0x1D1F0]  }
0x1e6: {  	v57 =	vld [tilespmem:s9+$0xA0]  }
0x1e7: {  	v58 =	vld [tilespmem:s9+$0x90]  }
0x1e8: {  	v3 =	vld [tilespmem:s9+$0xE0]  }
0x1e9: {  	v59 =	vld [tilespmem:s9+$0xD0]  }
0x1ea: {  	v61 =	vld [tilespmem:s9+$0xC0];
	v2 =	vmul.f32 v2, v1  }
0x1eb: {  	v62 =	vld [tilespmem:s9+$0xF0];
	v4 =	vmul.f32 v57, v1  }
0x1ec: {  	v60 =	vld [tilespmem:s9+$0xB0];
	v5 =	vmul.f32 v58, v1;
	[tilespmem:s9+$0x80] =	vst v2  }
0x1ed: {  	v3 =	vmul.f32 v3, v1;
	[tilespmem:s9+$0xA0] =	vst v4  }
0x1ee: {  	v2 =	vmul.f32 v59, v1;
	[tilespmem:s9+$0x90] =	vst v5  }
0x1ef: {  	v63 =	vmul.f32 v61, v1;
	[tilespmem:s9+$0xE0] =	vst v3  }
.Ltmp12:
0x1f0: {  	[tilespmem:s9+$0xD0] =	vst v2;
	v2 =	vmul.f32 v62, v1;
	(pc) =	sbr.rel .LBB2_16-.Ltmp12, $4  }
0x1f1: {  	[tilespmem:s9+$0xC0] =	vst v63;
	v1 =	vmul.f32 v60, v1  }
0x1f2: {  	[tilespmem:s9+$0xF0] =	vst v2  }
0x1f3: {  	[tilespmem:s9+$0xB0] =	vst v1  }
0x1f4: {  	[spmem:s3] =	stream.indirect.scatter.add.f32 [tilespmem:s20], [sflag:$0x9], $0x80, s19, s5, $0xb8;
	[tilespmem:$0x1F1C0] =	vst v63  }
.LBB2_7:
0x1f5: {  	_ =	swait.ge [sflag:s31], $0x2800  }
0x1f6: {  	[sflag:s31] =	ssyncset.done $0x0  }
0x1f7: {  	[sflag:s31] =	ssyncadd.s32 $0xFFFFD800  }
0x1f8: {  	_ =	swait.ge [sflag:s0], $0x500  }
0x1f9: {  	[sflag:s0] =	ssyncset.done $0x0  }
0x1fa: {  	s9 =	simm.s32 $0x150F0;
	[sflag:s0] =	ssyncadd.s32 $0xFFFFFB00  }
0x1fb: {  	s26 =	simm.s32 $0x30;
	v2 =	vld [tilespmem:s9+$0xFFFFFF70]  }
0x1fc: {  	v3 =	vld [tilespmem:s26+$0x1C7C0]  }
0x1fd: {  	v4 =	vld [tilespmem:s9+$0xFFFFFF00]  }
0x1fe: {  	v5 =	vld [tilespmem:s9+$0xFFFFFF20]  }
0x1ff: {  	v1 =	vld [tilespmem:s9+$0xFFFFFF50]  }
0x200: {  	v6 =	vld [tilespmem:s9+$0xFFFFFF30]  }
0x201: {  	v8 =	vld [tilespmem:s9+$0xFFFFFF10];
	v2 =	vmul.f32 v2, v3  }
0x202: {  	v9 =	vld [tilespmem:s9+$0xFFFFFF40];
	v4 =	vmul.f32 v4, v3  }
0x203: {  	v7 =	vld [tilespmem:s9+$0xFFFFFF60];
	v5 =	vmul.f32 v5, v3;
	[tilespmem:s9+$0xFFFFFF70] =	vst v2  }
0x204: {  	v1 =	vmul.f32 v1, v3;
	[tilespmem:s9+$0xFFFFFF00] =	vst v4  }
0x205: {  	v2 =	vmul.f32 v6, v3;
	[tilespmem:s9+$0xFFFFFF20] =	vst v5  }
0x206: {  	v4 =	vmul.f32 v8, v3;
	[tilespmem:s9+$0xFFFFFF50] =	vst v1  }
0x207: {  	v1 =	vmul.f32 v9, v3;
	[tilespmem:s9+$0xFFFFFF30] =	vst v2  }
0x208: {  	v2 =	vmul.f32 v7, v3;
	[tilespmem:s9+$0xFFFFFF10] =	vst v4  }
0x209: {  	[tilespmem:s9+$0xFFFFFF40] =	vst v1  }
0x20a: {  	[tilespmem:s9+$0xFFFFFF60] =	vst v2;
	v2 =	vld [tilespmem:s9+$0xFFFFFFD0]  }
0x20b: {  	v4 =	vld [tilespmem:s26+$0x1C7D0]  }
0x20c: {  	v1 =	vld [tilespmem:s9+$0xFFFFFFE0]  }
0x20d: {  	v5 =	vld [tilespmem:s9+$0xFFFFFF90]  }
0x20e: {  	v3 =	vld [tilespmem:s9+$0xFFFFFFF0]  }
0x20f: {  	v6 =	vld [tilespmem:s9+$0xFFFFFF80]  }
0x210: {  	v7 =	vld [tilespmem:s9+$0xFFFFFFC0];
	v2 =	vmul.f32 v2, v4  }
0x211: {  	v63 =	vld [tilespmem:s9+$0xFFFFFFA0];
	v1 =	vmul.f32 v1, v4  }
0x212: {  	v8 =	vld [tilespmem:s9+$0xFFFFFFB0];
	v5 =	vmul.f32 v5, v4;
	[tilespmem:s9+$0xFFFFFFD0] =	vst v2  }
0x213: {  	v3 =	vmul.f32 v3, v4;
	[tilespmem:s9+$0xFFFFFFE0] =	vst v1  }
0x214: {  	v2 =	vmul.f32 v6, v4;
	[tilespmem:s9+$0xFFFFFF90] =	vst v5  }
0x215: {  	v6 =	vmul.f32 v7, v4;
	v1 =	vld [tilespmem:s9+$0x20];
	[tilespmem:s9+$0xFFFFFFF0] =	vst v3  }
0x216: {  	v7 =	vmul.f32 v63, v4;
	v5 =	vld [tilespmem:s9+$0x0];
	[tilespmem:s9+$0xFFFFFF80] =	vst v2  }
0x217: {  	v4 =	vmul.f32 v8, v4;
	v3 =	vld [tilespmem:s9+$0x50];
	[tilespmem:s9+$0xFFFFFFC0] =	vst v6  }
0x218: {  	v2 =	vld [tilespmem:s9+$0x30];
	[tilespmem:s9+$0xFFFFFFA0] =	vst v7  }
0x219: {  	v6 =	vld [tilespmem:s9+$0x10];
	[tilespmem:s9+$0xFFFFFFB0] =	vst v4  }
0x21a: {  	s8 =	simm.s32 $0x1C0;
	s21 =	simm.s32 $0x150F0;
	v4 =	vld [tilespmem:s26+$0x1C7E0]  }
.LBB2_8:
0x21b: {  	p1 =	sne.s32 s8, $0x13C0  }
0x21c: {  	v7 =	vld [tilespmem:s9+$0x60];
	s21 =	sadd.s32 $0x200, s21;
	s22 =	smov.u32 s8;
	s8 =	sadd.s32 $0x100, s8  }
0x21d: {  	v8 =	vld [tilespmem:s9+$0x40]  }
0x21e: {  	v9 =	vld [tilespmem:s9+$0x70];
	_ =	sdelay $0x1  }
0x21f: {  	v5 =	vmul.f32 v5, v4;
	v6 =	vmul.f32 v6, v4  }
0x220: {  	v1 =	vmul.f32 v1, v4;
	v2 =	vmul.f32 v2, v4  }
0x221: {  	v7 =	vmul.f32 v7, v4;
	[tilespmem:s9+$0x0] =	vst v5;
	v5 =	vmul.f32 v8, v4  }
0x222: {  	v3 =	vmul.f32 v3, v4;
	[tilespmem:s9+$0x20] =	vst v1;
	v4 =	vmul.f32 v9, v4;
	v8 =	vld [tilespmem:s9+$0xA0]  }
0x223: {  	v1 =	vld [tilespmem:s21+$0x20];
	[tilespmem:s9+$0x10] =	vst v6  }
0x224: {  	[tilespmem:s9+$0x30] =	vst v2;
	v6 =	vld [tilespmem:s9+$0x80]  }
0x225: {  	v2 =	vld [tilespmem:s21+$0x30];
	[tilespmem:s9+$0x60] =	vst v7  }
0x226: {  	[tilespmem:s9+$0x40] =	vst v5;
	v5 =	vld [tilespmem:s9+$0xE0]  }
0x227: {  	[tilespmem:s9+$0x50] =	vst v3;
	v3 =	vld [tilespmem:s9+$0xD0]  }
0x228: {  	[tilespmem:s9+$0x70] =	vst v4;
	v4 =	vld [tilespmem:s9+$0x90]  }
0x229: {  	v7 =	vld [tilespmem:s26+$0x1C7F0]  }
0x22a: {  	v9 =	vld [tilespmem:s9+$0xB0]  }
0x22b: {  	v10 =	vld [tilespmem:s9+$0xC0]  }
0x22c: {  	v11 =	vld [tilespmem:s9+$0xF0];
	_ =	sdelay $0x1  }
0x22d: {  	v6 =	vmul.f32 v6, v7;
	v4 =	vmul.f32 v4, v7  }
0x22e: {  	v8 =	vmul.f32 v8, v7;
	v9 =	vmul.f32 v9, v7  }
0x22f: {  	v3 =	vmul.f32 v3, v7;
	[tilespmem:s9+$0x80] =	vst v6;
	v6 =	vmul.f32 v10, v7  }
0x230: {  	v5 =	vmul.f32 v5, v7;
	[tilespmem:s9+$0xA0] =	vst v8;
	v7 =	vmul.f32 v11, v7  }
0x231: {  	[tilespmem:s9+$0x90] =	vst v4  }
0x232: {  	v4 =	vld [tilespmem:s21+$0xFFFFFF50];
	[tilespmem:s9+$0xD0] =	vst v3  }
0x233: {  	v3 =	vld [tilespmem:s21+$0xFFFFFF30];
	[tilespmem:s9+$0xE0] =	vst v5  }
0x234: {  	v5 =	vld [tilespmem:s21+$0xFFFFFF60];
	[tilespmem:s9+$0xC0] =	vst v6  }
0x235: {  	v6 =	vld [tilespmem:s21+$0xFFFFFF70];
	[tilespmem:s9+$0xF0] =	vst v7  }
0x236: {  	s26 =	sshra.s32 s22, $0x2;
	v7 =	vld [tilespmem:s21+$0xFFFFFF00];
	[tilespmem:s9+$0xB0] =	vst v9;
	s9 =	smov.u32 s21  }
0x237: {  	v8 =	vld [tilespmem:s26+$0x1C7C0]  }
0x238: {  	v9 =	vld [tilespmem:s21+$0xFFFFFF20]  }
0x239: {  	v10 =	vld [tilespmem:s21+$0xFFFFFF10]  }
0x23a: {  	v11 =	vld [tilespmem:s21+$0xFFFFFF40];
	_ =	sdelay $0x1  }
0x23b: {  	v7 =	vmul.f32 v7, v8;
	v6 =	vmul.f32 v6, v8  }
0x23c: {  	v5 =	vmul.f32 v5, v8;
	v9 =	vmul.f32 v9, v8  }
0x23d: {  	v3 =	vmul.f32 v3, v8;
	v10 =	vmul.f32 v10, v8;
	[tilespmem:s21+$0xFFFFFF70] =	vst v6  }
0x23e: {  	v4 =	vmul.f32 v4, v8;
	[tilespmem:s21+$0xFFFFFF00] =	vst v7;
	v6 =	vmul.f32 v11, v8  }
0x23f: {  	[tilespmem:s21+$0xFFFFFF20] =	vst v9  }
0x240: {  	[tilespmem:s21+$0xFFFFFF30] =	vst v3;
	v3 =	vld [tilespmem:s21+$0xFFFFFFF0]  }
0x241: {  	[tilespmem:s21+$0xFFFFFF50] =	vst v4;
	v4 =	vld [tilespmem:s21+$0xFFFFFFC0]  }
0x242: {  	[tilespmem:s21+$0xFFFFFF10] =	vst v10;
	v7 =	vld [tilespmem:s21+$0xFFFFFFE0]  }
0x243: {  	[tilespmem:s21+$0xFFFFFF60] =	vst v5;
	v5 =	vld [tilespmem:s21+$0xFFFFFFD0]  }
0x244: {  	[tilespmem:s21+$0xFFFFFF40] =	vst v6;
	v6 =	vld [tilespmem:s21+$0xFFFFFF90]  }
0x245: {  	v8 =	vld [tilespmem:s26+$0x1C7D0]  }
0x246: {  	v9 =	vld [tilespmem:s21+$0xFFFFFF80]  }
0x247: {  	v10 =	vld [tilespmem:s21+$0xFFFFFFB0]  }
0x248: {  	v11 =	vld [tilespmem:s21+$0xFFFFFFA0];
	_ =	sdelay $0x1  }
0x249: {  	v6 =	vmul.f32 v6, v8;
	v5 =	vmul.f32 v5, v8  }
0x24a: {  	v7 =	vmul.f32 v7, v8;
	v9 =	vmul.f32 v9, v8  }
0x24b: {  	v4 =	vmul.f32 v4, v8;
	v10 =	vmul.f32 v10, v8;
	[tilespmem:s21+$0xFFFFFFD0] =	vst v5  }
0x24c: {  	v3 =	vmul.f32 v3, v8;
	v5 =	vmul.f32 v11, v8;
	[tilespmem:s21+$0xFFFFFFE0] =	vst v7  }
0x24d: {  	[tilespmem:s21+$0xFFFFFF90] =	vst v6  }
0x24e: {  	[tilespmem:s21+$0xFFFFFF80] =	vst v9  }
.Ltmp13:
0x24f: {  	[tilespmem:s21+$0xFFFFFFC0] =	vst v4;
	(pc) =	sbr.rel @p1 .LBB2_8-.Ltmp13, $4  }
0x250: {  	[tilespmem:s21+$0xFFFFFFA0] =	vst v5;
	v5 =	vld [tilespmem:s21+$0x0]  }
0x251: {  	[tilespmem:s21+$0xFFFFFFF0] =	vst v3;
	v6 =	vld [tilespmem:s21+$0x10]  }
0x252: {  	[tilespmem:s21+$0xFFFFFFB0] =	vst v10;
	v3 =	vld [tilespmem:s21+$0x50]  }
0x253: {  	v4 =	vld [tilespmem:s26+$0x1C7E0]  }
0x254: {  	_ =	sdelay $0x3  }
0x255: {  	v7 =	vld [tilespmem:s9+$0x60];
	v5 =	vmul.f32 v5, v4  }
0x256: {  	v8 =	vld [tilespmem:s9+$0x40];
	v1 =	vmul.f32 v1, v4  }
0x257: {  	v9 =	vld [tilespmem:s9+$0x70];
	v6 =	vmul.f32 v6, v4;
	[tilespmem:s9+$0x0] =	vst v5  }
0x258: {  	v2 =	vmul.f32 v2, v4;
	[tilespmem:s9+$0x20] =	vst v1  }
0x259: {  	v3 =	vmul.f32 v3, v4;
	[tilespmem:s9+$0x10] =	vst v6  }
0x25a: {  	v1 =	vmul.f32 v7, v4;
	[tilespmem:s9+$0x30] =	vst v2  }
0x25b: {  	v56 =	vmul.f32 v8, v4;
	[tilespmem:s9+$0x50] =	vst v3  }
0x25c: {  	[tilespmem:s9+$0x60] =	vst v1;
	v1 =	vmul.f32 v9, v4  }
0x25d: {  	[tilespmem:s9+$0x40] =	vst v56  }
0x25e: {  	v2 =	vld [tilespmem:s9+$0x80];
	[tilespmem:s9+$0x70] =	vst v1  }
0x25f: {  	v1 =	vld [tilespmem:s26+$0x1C7F0]  }
0x260: {  	v57 =	vld [tilespmem:s9+$0xA0]  }
0x261: {  	v58 =	vld [tilespmem:s9+$0x90]  }
0x262: {  	v3 =	vld [tilespmem:s9+$0xE0]  }
0x263: {  	v59 =	vld [tilespmem:s9+$0xD0]  }
0x264: {  	v61 =	vld [tilespmem:s9+$0xC0];
	v2 =	vmul.f32 v2, v1  }
0x265: {  	v62 =	vld [tilespmem:s9+$0xF0];
	v4 =	vmul.f32 v57, v1  }
0x266: {  	v60 =	vld [tilespmem:s9+$0xB0];
	v5 =	vmul.f32 v58, v1;
	[tilespmem:s9+$0x80] =	vst v2  }
0x267: {  	v3 =	vmul.f32 v3, v1;
	[tilespmem:s9+$0xA0] =	vst v4  }
0x268: {  	v2 =	vmul.f32 v59, v1;
	[tilespmem:s9+$0x90] =	vst v5  }
0x269: {  	v63 =	vmul.f32 v61, v1;
	[tilespmem:s9+$0xE0] =	vst v3  }
0x26a: {  	[tilespmem:s9+$0xD0] =	vst v2;
	v2 =	vmul.f32 v62, v1  }
0x26b: {  	[tilespmem:s9+$0xC0] =	vst v63;
	v1 =	vmul.f32 v60, v1  }
0x26c: {  	[tilespmem:s9+$0xF0] =	vst v2  }
0x26d: {  	[tilespmem:s9+$0xB0] =	vst v1  }
0x26e: {  	[spmem:s3] =	stream.indirect.scatter.add.f32 [tilespmem:s10], [sflag:$0x7], $0x80, s7, s5, $0xb8;
	[tilespmem:$0x1F1C0] =	vst v63  }
.LBB2_16:
0x26f: {  	p1 =	sgt.u32 s25, $0x16  }
.Ltmp14:
0x270: {  	_ = 	snop;
	(pc) =	sbr.rel @p1 .LBB2_22-.Ltmp14, $1  }
0x271: {  	_ =	sdelay $0x3  }
0x272: {  	s8 =	sadd.s32 $0x2, s25  }
0x273: {  	s9 =	smul.u32 $0xAB, s8;
	_ =	sdelay $0x1  }
0x274: {  	s9 =	sshrl.u32 s9, $0x9  }
0x275: {  	s9 =	sand.u32 $0x7F, s9  }
0x276: {  	s9 =	smul.u32 $0x3, s9;
	_ =	sdelay $0x1  }
0x277: {  	s9 =	ssub.s32 s8, s9  }
0x278: {  	s9 =	sand.u32 $0xFF, s9  }
0x279: {  	p2 =	seq.s32 s9, $0x2  }
.Ltmp15:
0x27a: {  	_ = 	snop;
	(pc) =	sbr.rel @p2 .LBB2_21-.Ltmp15, $2  }
0x27b: {  	_ =	sdelay $0x2  }
0x27c: {  	p1 =	seq.s32 s25, $0x0  }
0x27d: {  	p2 =	seq.s32 s9, $0x1  }
.Ltmp16:
0x27e: {  	_ = 	snop;
	(pc) =	sbr.rel @!p2 .LBB2_19-.Ltmp16, $1  }
0x27f: {  	_ =	sdelay $0x3  }
0x280: {  	s9 =	simm.s32 @!p1 $0x8  }
0x281: {  	_ =	swait.ge @!p1 [sflag:s9], $0x2800  }
0x282: {  	s8 =	smul.u32 $0x50, s8;
	[sflag:s9] =	ssyncset.done @!p1 $0x0  }
0x283: {  	[sflag:s9] =	ssyncadd.s32 @!p1 $0xFFFFD800  }
0x284: {  	v1 =	vld [tilespmem:s8+$0x14820]  }
0x285: {  	v2 =	vld [tilespmem:s8+$0x13880]  }
0x286: {  	v3 =	vld [tilespmem:s8+$0x14050];
	_ =	sdelay $0x2  }
0x287: {  	v1 =	vmul.u32 $0x2710, v1;
	_ =	sdelay $0x1  }
0x288: {  	[tilespmem:$0x1D830] =	vst v3;
	v2 =	vadd.s32 v2, v1  }
0x289: {  	v1 =	vadd.s32 v3, v1;
	[tilespmem:$0x1D740] =	vst v2  }
0x28a: {  	[tilespmem:$0x1D920] =	vst v1  }
0x28b: {  	v1 =	vld [tilespmem:s8+$0x14830]  }
0x28c: {  	v2 =	vld [tilespmem:s8+$0x13890]  }
0x28d: {  	v3 =	vld [tilespmem:s8+$0x14060];
	_ =	sdelay $0x2  }
0x28e: {  	v1 =	vmul.u32 $0x2710, v1;
	_ =	sdelay $0x1  }
0x28f: {  	[tilespmem:$0x1D840] =	vst v3;
	v2 =	vadd.s32 v2, v1  }
0x290: {  	v1 =	vadd.s32 v3, v1;
	[tilespmem:$0x1D750] =	vst v2  }
0x291: {  	[tilespmem:$0x1D930] =	vst v1  }
0x292: {  	v1 =	vld [tilespmem:s8+$0x14840]  }
0x293: {  	v2 =	vld [tilespmem:s8+$0x138A0]  }
0x294: {  	v3 =	vld [tilespmem:s8+$0x14070];
	_ =	sdelay $0x2  }
0x295: {  	v1 =	vmul.u32 $0x2710, v1;
	_ =	sdelay $0x1  }
0x296: {  	[tilespmem:$0x1D850] =	vst v3;
	v2 =	vadd.s32 v2, v1  }
0x297: {  	v1 =	vadd.s32 v3, v1;
	[tilespmem:$0x1D760] =	vst v2  }
0x298: {  	[tilespmem:$0x1D940] =	vst v1  }
0x299: {  	v1 =	vld [tilespmem:s8+$0x14850]  }
0x29a: {  	v2 =	vld [tilespmem:s8+$0x138B0]  }
0x29b: {  	v3 =	vld [tilespmem:s8+$0x14080];
	_ =	sdelay $0x2  }
0x29c: {  	v1 =	vmul.u32 $0x2710, v1;
	_ =	sdelay $0x1  }
0x29d: {  	[tilespmem:$0x1D860] =	vst v3;
	v2 =	vadd.s32 v2, v1  }
0x29e: {  	v1 =	vadd.s32 v3, v1;
	[tilespmem:$0x1D770] =	vst v2  }
0x29f: {  	[tilespmem:$0x1D950] =	vst v1  }
0x2a0: {  	v1 =	vld [tilespmem:s8+$0x14860]  }
0x2a1: {  	v2 =	vld [tilespmem:s8+$0x138C0]  }
0x2a2: {  	v3 =	vld [tilespmem:s8+$0x14090];
	_ =	sdelay $0x2  }
0x2a3: {  	v1 =	vmul.u32 $0x2710, v1;
	_ =	sdelay $0x1  }
0x2a4: {  	[tilespmem:$0x1D870] =	vst v3;
	v2 =	vadd.s32 v2, v1  }
.Ltmp17:
0x2a5: {  	v1 =	vadd.s32 v3, v1;
	[tilespmem:$0x1D780] =	vst v2;
	(pc) =	sbr.rel .LBB2_22-.Ltmp17, $4  }
0x2a6: {  	[tilespmem:$0x1D960] =	vst v1  }
0x2a7: {  	[tilespmem:s14], [sflag:$0x2] =	stream.indirect.gather [hbm4b:s6+s5], $0x80, s13, s5, $0xb8;
	[tilespmem:$0x1F1C0] =	vst v63  }
0x2a8: {  	_ = 	snop  }
0x2a9: {  	[tilespmem:s16], [sflag:$0x5] =	stream.indirect.gather [hbm4b:s2+s5], $0x10, s15, s5, $0xb8;
	[tilespmem:$0x1F1C0] =	vst v63  }
.LBB2_19:
0x2aa: {  	s9 =	simm.s32 @!p1 $0x7  }
0x2ab: {  	_ =	swait.ge @!p1 [sflag:s9], $0x2800  }
0x2ac: {  	s8 =	smul.u32 $0x50, s8;
	[sflag:s9] =	ssyncset.done @!p1 $0x0  }
0x2ad: {  	[sflag:s9] =	ssyncadd.s32 @!p1 $0xFFFFD800  }
0x2ae: {  	v1 =	vld [tilespmem:s8+$0x14820]  }
0x2af: {  	v2 =	vld [tilespmem:s8+$0x13880]  }
0x2b0: {  	v3 =	vld [tilespmem:s8+$0x14050];
	_ =	sdelay $0x2  }
0x2b1: {  	v1 =	vmul.u32 $0x2710, v1;
	_ =	sdelay $0x1  }
0x2b2: {  	[tilespmem:$0x1D7E0] =	vst v3;
	v2 =	vadd.s32 v2, v1  }
0x2b3: {  	v1 =	vadd.s32 v3, v1;
	[tilespmem:$0x1D6F0] =	vst v2  }
0x2b4: {  	[tilespmem:$0x1D8D0] =	vst v1  }
0x2b5: {  	v1 =	vld [tilespmem:s8+$0x14830]  }
0x2b6: {  	v2 =	vld [tilespmem:s8+$0x13890]  }
0x2b7: {  	v3 =	vld [tilespmem:s8+$0x14060];
	_ =	sdelay $0x2  }
0x2b8: {  	v1 =	vmul.u32 $0x2710, v1;
	_ =	sdelay $0x1  }
0x2b9: {  	[tilespmem:$0x1D7F0] =	vst v3;
	v2 =	vadd.s32 v2, v1  }
0x2ba: {  	v1 =	vadd.s32 v3, v1;
	[tilespmem:$0x1D700] =	vst v2  }
0x2bb: {  	[tilespmem:$0x1D8E0] =	vst v1  }
0x2bc: {  	v1 =	vld [tilespmem:s8+$0x14840]  }
0x2bd: {  	v2 =	vld [tilespmem:s8+$0x138A0]  }
0x2be: {  	v3 =	vld [tilespmem:s8+$0x14070];
	_ =	sdelay $0x2  }
0x2bf: {  	v1 =	vmul.u32 $0x2710, v1;
	_ =	sdelay $0x1  }
0x2c0: {  	[tilespmem:$0x1D800] =	vst v3;
	v2 =	vadd.s32 v2, v1  }
0x2c1: {  	v1 =	vadd.s32 v3, v1;
	[tilespmem:$0x1D710] =	vst v2  }
0x2c2: {  	[tilespmem:$0x1D8F0] =	vst v1  }
0x2c3: {  	v1 =	vld [tilespmem:s8+$0x14850]  }
0x2c4: {  	v2 =	vld [tilespmem:s8+$0x138B0]  }
0x2c5: {  	v3 =	vld [tilespmem:s8+$0x14080];
	_ =	sdelay $0x2  }
0x2c6: {  	v1 =	vmul.u32 $0x2710, v1;
	_ =	sdelay $0x1  }
0x2c7: {  	[tilespmem:$0x1D810] =	vst v3;
	v2 =	vadd.s32 v2, v1  }
0x2c8: {  	v1 =	vadd.s32 v3, v1;
	[tilespmem:$0x1D720] =	vst v2  }
0x2c9: {  	[tilespmem:$0x1D900] =	vst v1  }
0x2ca: {  	v1 =	vld [tilespmem:s8+$0x14860]  }
0x2cb: {  	v2 =	vld [tilespmem:s8+$0x138C0]  }
0x2cc: {  	v3 =	vld [tilespmem:s8+$0x14090];
	_ =	sdelay $0x2  }
0x2cd: {  	v1 =	vmul.u32 $0x2710, v1;
	_ =	sdelay $0x1  }
0x2ce: {  	[tilespmem:$0x1D820] =	vst v3;
	v2 =	vadd.s32 v2, v1  }
.Ltmp18:
0x2cf: {  	v1 =	vadd.s32 v3, v1;
	[tilespmem:$0x1D730] =	vst v2;
	(pc) =	sbr.rel .LBB2_22-.Ltmp18, $4  }
0x2d0: {  	[tilespmem:$0x1D910] =	vst v1  }
0x2d1: {  	[tilespmem:s10], [sflag:$0x1] =	stream.indirect.gather [hbm4b:s6+s5], $0x80, s4, s5, $0xb8;
	[tilespmem:$0x1F1C0] =	vst v63  }
0x2d2: {  	_ = 	snop  }
0x2d3: {  	[tilespmem:s12], [sflag:$0x4] =	stream.indirect.gather [hbm4b:s2+s5], $0x10, s11, s5, $0xb8;
	[tilespmem:$0x1F1C0] =	vst v63  }
.LBB2_25:
0x2d4: {  	_ =	sfence.sel $0x180000  }
0x2d5: {  	[bflag:$0x0] =	sbarrier.arrive $0xFFFF  }
0x2d6: {  	_ =	strace $0x9000004A  }
0x2d7: {  	s0 =	stileid.u32;
	[bflag:$0x2] =	sbarrier.arrive $0xFFFF  }
0x2d8: {  	p0 =	sne.s32 s0, $0x0;
	s0 =	rddreg [dreg:$0x4]  }
0x2d9: {  	s0 =	sadd.s32 @!p0 $0x100000, s0  }
0x2da: {  	[sflag:s0] =	ssyncadd.tile.s32 @!p0 $0x1;
	_ =	shalt  }
.Lfunc_end2:
_tile_overlayer_lowered:
.L_overlay_start_2:
0x2db: {  	(tag) =	ssettag $0x2  }
0x2dc: {  	s0 =	rddreg [dreg:$0x0];
	s2 =	stileid.u32  }
0x2dd: {  	s1 =	rddreg [dreg:$0x1];
	p0 =	sne.s32 s2, $0x0  }
0x2de: {  	s3 =	rddreg [dreg:$0x2];
	[bflag:$0x3] =	sbarrier.arrive $0xFFFF;
	s2 =	simm.s32 @!p0 $0x1C0A  }
0x2df: {  	[timem:s3], [sflag:s2] =	dma.local @!p0 [hbm:s0], s1  }
0x2e0: {  	s0 =	simm.s32 @!p0 $0xA  }
0x2e1: {  	_ =	swait.ge @!p0 [sflag:s0], s1  }
0x2e2: {  	s1 =	ssub.s32 @!p0 $0x0, s1;
	[sflag:s0] =	ssyncset.done @!p0 $0x0  }
0x2e3: {  	[sflag:s0] =	ssyncadd.s32 @!p0 s1  }
0x2e4: {  	[bflag:$0x3] =	sbarrier.arrive $0xFFFF  }
0x2e5: {  	_ =	shalt  }

</sc_bundles>
